<compile_context>
chip_gen: v7x
topology: tpu7x:2x2x1
jax: 0.10.2.dev20260603
libtpu: 0.0.44.dev20260713+nightly
codegen_flags: <defaults>
</compile_context>

<pallas_src>
import jax
import jax.numpy as jnp
from jax import lax
from jax.experimental import pallas as pl
from jax.experimental.pallas import tpu as pltpu
from jax.experimental.pallas import tpu_sc as plsc

N = 10000
E = 160000
D = 256
DQ = 64
NQ = 4
NC = 2
NS = 16
CHUNK = 128
CPT = 79
EPT = CPT * CHUNK
ACC_ROWS = 10240


def _sc_body(xp4, xa4, s_c, d_c, s_w, d_w, s_wb, d_wb, zeros_h, zeros16_h,
             ones_h,
             agg_c, cnt_c, agg_w, cnt_w, agg_wb, cnt_wb,
             src_v, dst_v, gbuf, ones_v, zer_v, cbuf, acc_sh, cnt_sh, sem):
    cid = lax.axis_index("c")
    sid = lax.axis_index("s")
    pltpu.sync_copy(zeros_h, zer_v)
    pltpu.sync_copy(ones_h, ones_v)

    for table, s4, d3, agg_o, cnt_o, cnt_p, cnt_c in (
        (xp4, s_c, d_c, agg_c, cnt_c, 0, 0),
        (xa4, s_w, d_w, agg_w, cnt_w, 0, 1),
        (xp4, s_wb, d_wb, agg_wb, cnt_wb, 1, 1),
    ):
        pltpu.sync_copy(d3.at[sid], dst_v)
        for p in range(2):
            q = 2 * p + cid
            do_cnt = p == cnt_p
            for k in range(5):
                pltpu.sync_copy(zer_v, acc_sh.at[pl.ds(sid * 640 + k * 128, 128)])
            if do_cnt:
                @pl.when(cid == cnt_c)
                def _():
                    pltpu.sync_copy(zeros16_h, cbuf)
                    for k in range(5):
                        pltpu.sync_copy(cbuf, cnt_sh.at[pl.ds(sid * 640 + k * 128, 128)])
            plsc.subcore_barrier()

            pltpu.sync_copy(s4.at[q, sid], src_v)

            if do_cnt:
                def chunk_body(j, carry):
                    pltpu.async_copy(table.at[src_v.at[j]], gbuf, sem).wait()
                    pltpu.sync_copy(gbuf, acc_sh.at[dst_v.at[j]], add=True)

                    @pl.when(cid == cnt_c)
                    def _():
                        pltpu.sync_copy(ones_v, cnt_sh.at[dst_v.at[j]], add=True)

                    return carry
            else:
                def chunk_body(j, carry):
                    pltpu.async_copy(table.at[src_v.at[j]], gbuf, sem).wait()
                    pltpu.sync_copy(gbuf, acc_sh.at[dst_v.at[j]], add=True)
                    return carry

            lax.fori_loop(0, CPT, chunk_body, 0)
            plsc.subcore_barrier()

            for k in range(5):
                r0 = sid * 640 + k * 128
                pltpu.sync_copy(acc_sh.at[pl.ds(r0, 128)], gbuf)
                pltpu.sync_copy(gbuf, agg_o.at[q, pl.ds(r0, 128)])

            if do_cnt:
                @pl.when(cid == cnt_c)
                def _():
                    for k in range(5):
                        r0 = sid * 640 + k * 128
                        pltpu.sync_copy(cnt_sh.at[pl.ds(r0, 128)], cbuf)
                        pltpu.sync_copy(cbuf, cnt_o.at[pl.ds(r0, 128)])

            plsc.subcore_barrier()


@jax.jit
def _sc_segment_sums(xp4, xa4, s_c, d_c, s_w, d_w, s_wb, d_wb):
    mesh = plsc.VectorSubcoreMesh(core_axis_name="c", subcore_axis_name="s")
    f32 = jnp.float32
    out_type = (
        jax.ShapeDtypeStruct((NQ, ACC_ROWS, DQ), f32),
        jax.ShapeDtypeStruct((ACC_ROWS, 16), f32),
        jax.ShapeDtypeStruct((NQ, ACC_ROWS, DQ), f32),
        jax.ShapeDtypeStruct((ACC_ROWS, 16), f32),
        jax.ShapeDtypeStruct((NQ, ACC_ROWS, DQ), f32),
        jax.ShapeDtypeStruct((ACC_ROWS, 16), f32),
    )
    scratch = [
        pltpu.VMEM((CPT, CHUNK), jnp.int32),
        pltpu.VMEM((CPT, CHUNK), jnp.int32),
        pltpu.VMEM((CHUNK, DQ), f32),
        pltpu.VMEM((CHUNK, 16), f32),
        pltpu.VMEM((CHUNK, DQ), f32),
        pltpu.VMEM((CHUNK, 16), f32),
        pltpu.VMEM_SHARED((ACC_ROWS, DQ), f32),
        pltpu.VMEM_SHARED((ACC_ROWS, 16), f32),
        pltpu.SemaphoreType.DMA,
    ]
    zeros_h = jnp.zeros((CHUNK, DQ), f32)
    zeros16_h = jnp.zeros((CHUNK, 16), f32)
    ones_h = jnp.ones((CHUNK, 16), f32)
    return pl.kernel(_sc_body, out_type=out_type, mesh=mesh,
                     scratch_types=scratch,
                     compiler_params=pltpu.CompilerParams(
                         use_tc_tiling_on_sc=False))(
        xp4, xa4, s_c, d_c, s_w, d_w, s_wb, d_wb, zeros_h, zeros16_h, ones_h)


def _prep_edges(edge_index):
    e = edge_index.astype(jnp.int32)
    src = e[0].reshape(NS, E // NS)
    dst = e[1].reshape(NS, E // NS)
    pad = EPT - E // NS
    src = jnp.pad(src, ((0, 0), (0, pad))).reshape(NS, CPT, CHUNK)
    dst = jnp.pad(dst, ((0, 0), (0, pad)), constant_values=N).reshape(NS, CPT, CHUNK)
    src4 = jnp.stack([4 * src + q for q in range(NQ)])
    return src4, dst


R = 1024


def _tc_main_body(xp, xa, aggc, cntc, aggw, cntw, aggwb, cntwb,
                  Wrc, Wnc, bc, Wrw, Wnw, bw, Wrwb, Wnwb, bwb, Wkp, bkp, qp,
                  oc_ref, ow_ref, owb_ref, s_ref):
    i = pl.program_id(0)

    def conv(xd, agg, cnt, Wr, Wn, b):
        c = jnp.maximum(cnt[:, 0:1], 1.0)
        acc = xd @ Wr[...]
        for q in range(NQ):
            acc += (agg[q] / c) @ Wn[q * DQ:(q + 1) * DQ, :]
        return acc + b[...]

    xpb = xp[...]
    oc = conv(xpb, aggc[...], cntc[...], Wrc, Wnc, bc)
    ow = conv(xpb, aggw[...], cntw[...], Wrw, Wnw, bw)
    owb = conv(xa[...], aggwb[...], cntwb[...], Wrwb, Wnwb, bwb)
    oc_ref[...] = oc
    ow_ref[...] = ow
    owb_ref[...] = owb

    mask = (i * R + lax.broadcasted_iota(jnp.int32, (R, 1), 0)) < N

    def score(o):
        k = o @ Wkp[...] + bkp[...]
        k = jnp.where(k >= 0, k, 0.01 * k)
        return jnp.sum(jnp.where(mask, k * qp[...], 0.0))

    p = jnp.stack([score(oc), score(ow)])
    part = p[:, None] * jnp.ones((1, 128), jnp.float32)

    @pl.when(i == 0)
    def _():
        s_ref[...] = jnp.zeros_like(s_ref)

    s_ref[...] += part


def _tc_combine_body(oc, ow, s_ref, out_ref):
    s = s_ref[...] / N
    s0 = s[0, 0]
    s1 = s[1, 0]
    m = jnp.maximum(s0, s1)
    e0 = jnp.exp(s0 - m)
    e1 = jnp.exp(s1 - m)
    inv = 1.0 / (e0 + e1)
    out_ref[...] = (e0 * inv) * oc[...] + (e1 * inv) * ow[...]


def kernel(x_paper, x_author, edge_index_cites, edge_index_writes,
           edge_index_written_by, Wr_cites, Wn_cites, b_cites, Wr_writes,
           Wn_writes, b_writes, Wr_wb, Wn_wb, b_wb, Wk_paper, bk_paper,
           q_paper, Wk_author, bk_author, q_author):
    xp4 = x_paper.reshape(NQ * N, DQ)
    xa4 = x_author.reshape(NQ * N, DQ)
    s_c, d_c = _prep_edges(edge_index_cites)
    s_w, d_w = _prep_edges(edge_index_writes)
    s_wb, d_wb = _prep_edges(edge_index_written_by)

    agg_c, cnt_c, agg_w, cnt_w, agg_wb, cnt_wb = _sc_segment_sums(
        xp4, xa4, s_c, d_c, s_w, d_w, s_wb, d_wb)

    f32 = jnp.float32
    grid = ((N + R - 1) // R,)
    row = lambda i: (i, 0)
    row3 = lambda i: (0, i, 0)
    full = lambda i: (0, 0)
    cspec = pl.BlockSpec((R, 16), row)
    in_specs = [
        pl.BlockSpec((R, D), row),
        pl.BlockSpec((R, D), row),
        pl.BlockSpec((NQ, R, DQ), row3), cspec,
        pl.BlockSpec((NQ, R, DQ), row3), cspec,
        pl.BlockSpec((NQ, R, DQ), row3), cspec,
    ] + [pl.BlockSpec((D, D), full), pl.BlockSpec((D, D), full),
         pl.BlockSpec((1, D), full)] * 3 + [
        pl.BlockSpec((D, D), full),
        pl.BlockSpec((1, D), full),
        pl.BlockSpec((1, D), full),
    ]
    out_specs = [
        pl.BlockSpec((R, D), row), pl.BlockSpec((R, D), row),
        pl.BlockSpec((R, D), row), pl.BlockSpec((2, 128), full),
    ]
    oc, ow, out_author, s = pl.pallas_call(
        _tc_main_body, grid=grid, in_specs=in_specs, out_specs=out_specs,
        out_shape=[jax.ShapeDtypeStruct((N, D), f32)] * 3
        + [jax.ShapeDtypeStruct((2, 128), f32)],
    )(x_paper, x_author, agg_c, cnt_c, agg_w, cnt_w, agg_wb, cnt_wb,
      Wr_cites, Wn_cites, b_cites.reshape(1, D),
      Wr_writes, Wn_writes, b_writes.reshape(1, D),
      Wr_wb, Wn_wb, b_wb.reshape(1, D),
      Wk_paper, bk_paper.reshape(1, D), q_paper)

    out_paper = pl.pallas_call(
        _tc_combine_body, grid=grid,
        in_specs=[pl.BlockSpec((R, D), row), pl.BlockSpec((R, D), row),
                  pl.BlockSpec((2, 128), full)],
        out_specs=pl.BlockSpec((R, D), row),
        out_shape=jax.ShapeDtypeStruct((N, D), f32),
    )(oc, ow, s)

    return (out_paper, out_author)

# --- scband reference (transcript-rebuilt; emitter-appended) ---
"""Pipeline reference for scband-mddhetero-conv-54271206752505 (READ-ONLY COPY).

The authoritative reference and input builder live on the scoring server;
editing this copy changes nothing except your own understanding.
"""

import jax, jax.numpy as jnp
import numpy as np

N_PAPER = 10000
N_AUTHOR = 10000
E = 160000
D = 256


def _sage_conv(x_src, x_dst, edge_index, W_root, W_nbr, b):
    src = edge_index[0]
    dst = edge_index[1]
    msgs = x_src[src]
    agg = jax.ops.segment_sum(msgs, dst, num_segments=x_dst.shape[0])
    cnt = jax.ops.segment_sum(jnp.ones((edge_index.shape[1],), dtype=x_src.dtype), dst, num_segments=x_dst.shape[0])
    mean = agg / jnp.clip(cnt, 1.0)[:, None]
    return x_dst @ W_root + mean @ W_nbr + b


def _group(xs, q, Wk, bk):
    out = jnp.stack(xs)  # [T, N, d]
    k = jax.nn.leaky_relu(out @ Wk + bk, negative_slope=0.01)
    attn_score = jnp.sum(q * jnp.mean(k, axis=1), axis=-1)  # [T]
    attn = jax.nn.softmax(attn_score, axis=0)
    return jnp.sum(attn[:, None, None] * out, axis=0)


def setup_inputs(seed: int = 0) -> dict:
    key = jax.random.key(seed)
    ks = jax.random.split(key, 24)
    s = 1.0 / np.sqrt(D)
    inp = {
        'x_paper': jax.random.normal(ks[0], (N_PAPER, D), dtype=jnp.float32),
        'x_author': jax.random.normal(ks[1], (N_AUTHOR, D), dtype=jnp.float32),
        'edge_index_cites': jax.random.randint(ks[2], (2, E), 0, N_PAPER, dtype=jnp.int32).astype(jnp.int64),
        'edge_index_writes': jax.random.randint(ks[3], (2, E), 0, N_PAPER, dtype=jnp.int32).astype(jnp.int64),
        'edge_index_written_by': jax.random.randint(ks[4], (2, E), 0, N_AUTHOR, dtype=jnp.int32).astype(jnp.int64),
        'Wr_cites': jax.random.normal(ks[5], (D, D), dtype=jnp.float32) * s,
        'Wn_cites': jax.random.normal(ks[6], (D, D), dtype=jnp.float32) * s,
        'b_cites': jnp.zeros((D,), dtype=jnp.float32),
        'Wr_writes': jax.random.normal(ks[7], (D, D), dtype=jnp.float32) * s,
        'Wn_writes': jax.random.normal(ks[8], (D, D), dtype=jnp.float32) * s,
        'b_writes': jnp.zeros((D,), dtype=jnp.float32),
        'Wr_wb': jax.random.normal(ks[9], (D, D), dtype=jnp.float32) * s,
        'Wn_wb': jax.random.normal(ks[10], (D, D), dtype=jnp.float32) * s,
        'b_wb': jnp.zeros((D,), dtype=jnp.float32),
        'Wk_paper': jax.random.normal(ks[11], (D, D), dtype=jnp.float32) * s,
        'bk_paper': jnp.zeros((D,), dtype=jnp.float32),
        'q_paper': jax.random.normal(ks[12], (1, D), dtype=jnp.float32) * s,
        'Wk_author': jax.random.normal(ks[13], (D, D), dtype=jnp.float32) * s,
        'bk_author': jnp.zeros((D,), dtype=jnp.float32),
        'q_author': jax.random.normal(ks[14], (1, D), dtype=jnp.float32) * s,
    }
    return inp


def reference(x_paper, x_author, edge_index_cites, edge_index_writes, edge_index_written_by,
              Wr_cites, Wn_cites, b_cites, Wr_writes, Wn_writes, b_writes,
              Wr_wb, Wn_wb, b_wb, Wk_paper, bk_paper, q_paper, Wk_author, bk_author, q_author):
    # per-edge-type bipartite convs
    out_cites = _sage_conv(x_paper, x_paper, edge_index_cites, Wr_cites, Wn_cites, b_cites)
    out_writes = _sage_conv(x_author, x_paper, edge_index_writes, Wr_writes, Wn_writes, b_writes)
    out_wb = _sage_conv(x_paper, x_author, edge_index_written_by, Wr_wb, Wn_wb, b_wb)
    # semantic attention grouping per destination node type
    out_paper = _group([out_cites, out_writes], q_paper, Wk_paper, bk_paper)
    out_author = _group([out_wb], q_author, Wk_author, bk_author)
    return (out_paper, out_author)

if __name__ == "__main__":
    import jax
    _d = setup_inputs()
    print(jax.jit(kernel)(*tuple(_d.values())))

</pallas_src>

<mosaic_0001>
#map = affine_map<(d0, d1) -> (0, 0)>
#map1 = affine_map<(d0, d1) -> (0, 0, 0, 0)>
#map2 = affine_map<(d0, d1) -> (0, 0, 0)>
module attributes {stable_mosaic.version = 14 : i64} {
  func.func @_sc_body(%arg0: i32, %arg1: i32, %arg2: memref<40000x64xf32, #tpu.memory_space<hbm>>, %arg3: memref<40000x64xf32, #tpu.memory_space<hbm>>, %arg4: memref<4x16x79x128xi32, #tpu.memory_space<hbm>>, %arg5: memref<16x79x128xi32, #tpu.memory_space<hbm>>, %arg6: memref<4x16x79x128xi32, #tpu.memory_space<hbm>>, %arg7: memref<16x79x128xi32, #tpu.memory_space<hbm>>, %arg8: memref<4x16x79x128xi32, #tpu.memory_space<hbm>>, %arg9: memref<16x79x128xi32, #tpu.memory_space<hbm>>, %arg10: memref<128x64xf32, #tpu.memory_space<hbm>>, %arg11: memref<128x16xf32, #tpu.memory_space<hbm>>, %arg12: memref<128x16xf32, #tpu.memory_space<hbm>>, %arg13: memref<4x10240x64xf32, #tpu.memory_space<hbm>>, %arg14: memref<10240x16xf32, #tpu.memory_space<hbm>>, %arg15: memref<4x10240x64xf32, #tpu.memory_space<hbm>>, %arg16: memref<10240x16xf32, #tpu.memory_space<hbm>>, %arg17: memref<4x10240x64xf32, #tpu.memory_space<hbm>>, %arg18: memref<10240x16xf32, #tpu.memory_space<hbm>>, %arg19: memref<79x128xi32, #tpu.memory_space<vmem>>, %arg20: memref<79x128xi32, #tpu.memory_space<vmem>>, %arg21: memref<128x64xf32, #tpu.memory_space<vmem>>, %arg22: memref<128x16xf32, #tpu.memory_space<vmem>>, %arg23: memref<128x64xf32, #tpu.memory_space<vmem>>, %arg24: memref<128x16xf32, #tpu.memory_space<vmem>>, %arg25: memref<10240x64xf32, #tpu.memory_space<vmem_shared>>, %arg26: memref<10240x16xf32, #tpu.memory_space<vmem_shared>>, %arg27: memref<!tpu.dma_semaphore, #tpu.memory_space<semaphore_mem>>) attributes {dimension_semantics = [#tpu.dimension_semantics<core_parallel>, #tpu.dimension_semantics<subcore_parallel>], iteration_bounds = array<i64: 2, 16>, scalar_prefetch = 0 : i64, scratch_operands = 9 : i64, tpu.core_type = #tpu.core_type<sc_vector_subcore>, window_params = [{transform_indices = #map}, {transform_indices = #map}, {transform_indices = #map1}, {transform_indices = #map2}, {transform_indices = #map1}, {transform_indices = #map2}, {transform_indices = #map1}, {transform_indices = #map2}, {transform_indices = #map}, {transform_indices = #map}, {transform_indices = #map}, {transform_indices = #map2}, {transform_indices = #map}, {transform_indices = #map2}, {transform_indices = #map}, {transform_indices = #map2}, {transform_indices = #map}]} {
    "tpu.region"() ({
      %run_scoped3A = tpu.sem_alloc : memref<!tpu.dma_semaphore, #tpu.memory_space<semaphore_mem>>
      tpu.enqueue_dma source(%arg10 : memref<128x64xf32, #tpu.memory_space<hbm>>) target(%arg23 : memref<128x64xf32, #tpu.memory_space<vmem>>) target_semaphore(%run_scoped3A : memref<!tpu.dma_semaphore, #tpu.memory_space<semaphore_mem>>)
      tpu.wait_dma2 semaphore(%run_scoped3A : memref<!tpu.dma_semaphore, #tpu.memory_space<semaphore_mem>>) src(%arg10 : memref<128x64xf32, #tpu.memory_space<hbm>>) dst(%arg23 : memref<128x64xf32, #tpu.memory_space<vmem>>)
      tpu.yield
    }) : () -> ()
    "tpu.region"() ({
      %run_scoped3A = tpu.sem_alloc : memref<!tpu.dma_semaphore, #tpu.memory_space<semaphore_mem>>
      tpu.enqueue_dma source(%arg12 : memref<128x16xf32, #tpu.memory_space<hbm>>) target(%arg22 : memref<128x16xf32, #tpu.memory_space<vmem>>) target_semaphore(%run_scoped3A : memref<!tpu.dma_semaphore, #tpu.memory_space<semaphore_mem>>)
      tpu.wait_dma2 semaphore(%run_scoped3A : memref<!tpu.dma_semaphore, #tpu.memory_space<semaphore_mem>>) src(%arg12 : memref<128x16xf32, #tpu.memory_space<hbm>>) dst(%arg22 : memref<128x16xf32, #tpu.memory_space<vmem>>)
      tpu.yield
    }) : () -> ()
    "tpu.region"() ({
      %run_scoped3A = tpu.sem_alloc : memref<!tpu.dma_semaphore, #tpu.memory_space<semaphore_mem>>
      %dma_start3A = arith.constant 0 : i32
      %dma_start3A_329 = arith.constant 0 : i32
      %dma_start3A_330 = tpu.memref_slice %arg5[%arg1, %dma_start3A, %dma_start3A_329] : memref<16x79x128xi32, #tpu.memory_space<hbm>> -> memref<1x79x128xi32, #tpu.memory_space<hbm>>
      %dma_start3A_331 = tpu.memref_squeeze %dma_start3A_330 : memref<1x79x128xi32, #tpu.memory_space<hbm>> -> memref<79x128xi32, #tpu.memory_space<hbm>>
      %dma_start3A_332 = arith.constant 0 : i32
      %dma_start3A_333 = arith.constant 0 : i32
      %dma_start3A_334 = tpu.memref_slice %arg5[%arg1, %dma_start3A_332, %dma_start3A_333] : memref<16x79x128xi32, #tpu.memory_space<hbm>> -> memref<1x79x128xi32, #tpu.memory_space<hbm>>
      %dma_start3A_335 = tpu.memref_squeeze %dma_start3A_334 : memref<1x79x128xi32, #tpu.memory_space<hbm>> -> memref<79x128xi32, #tpu.memory_space<hbm>>
      tpu.enqueue_dma source(%dma_start3A_335 : memref<79x128xi32, #tpu.memory_space<hbm>>) target(%arg20 : memref<79x128xi32, #tpu.memory_space<vmem>>) target_semaphore(%run_scoped3A : memref<!tpu.dma_semaphore, #tpu.memory_space<semaphore_mem>>)
      %dma_wait3A = arith.constant 0 : i32
      %dma_wait3A_336 = arith.constant 0 : i32
      %dma_wait3A_337 = tpu.memref_slice %arg5[%arg1, %dma_wait3A, %dma_wait3A_336] : memref<16x79x128xi32, #tpu.memory_space<hbm>> -> memref<1x79x128xi32, #tpu.memory_space<hbm>>
      %dma_wait3A_338 = tpu.memref_squeeze %dma_wait3A_337 : memref<1x79x128xi32, #tpu.memory_space<hbm>> -> memref<79x128xi32, #tpu.memory_space<hbm>>
      %dma_wait3A_339 = arith.constant 0 : i32
      %dma_wait3A_340 = arith.constant 0 : i32
      %dma_wait3A_341 = tpu.memref_slice %arg5[%arg1, %dma_wait3A_339, %dma_wait3A_340] : memref<16x79x128xi32, #tpu.memory_space<hbm>> -> memref<1x79x128xi32, #tpu.memory_space<hbm>>
      %dma_wait3A_342 = tpu.memref_squeeze %dma_wait3A_341 : memref<1x79x128xi32, #tpu.memory_space<hbm>> -> memref<79x128xi32, #tpu.memory_space<hbm>>
      tpu.wait_dma2 semaphore(%run_scoped3A : memref<!tpu.dma_semaphore, #tpu.memory_space<semaphore_mem>>) src(%dma_wait3A_342 : memref<79x128xi32, #tpu.memory_space<hbm>>) dst(%arg20 : memref<79x128xi32, #tpu.memory_space<vmem>>)
      tpu.yield
    }) : () -> ()
    %add3A = arith.constant 0 : i32
    %add3A_0 = arith.addi %add3A, %arg0 : i32
    %mul3A = arith.constant 640 : i32
    %mul3A_1 = arith.muli %arg1, %mul3A : i32
    %add3A_2 = arith.constant 0 : i32
    %add3A_3 = arith.addi %mul3A_1, %add3A_2 : i32
    "tpu.region"() ({
      %run_scoped3A = tpu.sem_alloc : memref<!tpu.dma_semaphore, #tpu.memory_space<semaphore_mem>>
      %dma_start3A = arith.constant 0 : i32
      %dma_start3A_329 = tpu.memref_slice %arg25[%add3A_3, %dma_start3A] : memref<10240x64xf32, #tpu.memory_space<vmem_shared>> -> memref<128x64xf32, #tpu.memory_space<vmem_shared>>
      %dma_start3A_330 = arith.constant 0 : i32
      %dma_start3A_331 = tpu.memref_slice %arg25[%add3A_3, %dma_start3A_330] : memref<10240x64xf32, #tpu.memory_space<vmem_shared>> -> memref<128x64xf32, #tpu.memory_space<vmem_shared>>
      tpu.enqueue_dma source(%arg23 : memref<128x64xf32, #tpu.memory_space<vmem>>) target(%dma_start3A_331 : memref<128x64xf32, #tpu.memory_space<vmem_shared>>) target_semaphore(%run_scoped3A : memref<!tpu.dma_semaphore, #tpu.memory_space<semaphore_mem>>)
      %dma_wait3A = arith.constant 0 : i32
      %dma_wait3A_332 = tpu.memref_slice %arg25[%add3A_3, %dma_wait3A] : memref<10240x64xf32, #tpu.memory_space<vmem_shared>> -> memref<128x64xf32, #tpu.memory_space<vmem_shared>>
      %dma_wait3A_333 = arith.constant 0 : i32
      %dma_wait3A_334 = tpu.memref_slice %arg25[%add3A_3, %dma_wait3A_333] : memref<10240x64xf32, #tpu.memory_space<vmem_shared>> -> memref<128x64xf32, #tpu.memory_space<vmem_shared>>
      tpu.wait_dma2 semaphore(%run_scoped3A : memref<!tpu.dma_semaphore, #tpu.memory_space<semaphore_mem>>) src(%arg23 : memref<128x64xf32, #tpu.memory_space<vmem>>) dst(%dma_wait3A_334 : memref<128x64xf32, #tpu.memory_space<vmem_shared>>)
      tpu.yield
    }) : () -> ()
    %mul3A_4 = arith.constant 640 : i32
    %mul3A_5 = arith.muli %arg1, %mul3A_4 : i32
    %add3A_6 = arith.constant 128 : i32
    %add3A_7 = arith.addi %mul3A_5, %add3A_6 : i32
    "tpu.region"() ({
      %run_scoped3A = tpu.sem_alloc : memref<!tpu.dma_semaphore, #tpu.memory_space<semaphore_mem>>
      %dma_start3A = arith.constant 0 : i32
      %dma_start3A_329 = tpu.memref_slice %arg25[%add3A_7, %dma_start3A] : memref<10240x64xf32, #tpu.memory_space<vmem_shared>> -> memref<128x64xf32, #tpu.memory_space<vmem_shared>>
      %dma_start3A_330 = arith.constant 0 : i32
      %dma_start3A_331 = tpu.memref_slice %arg25[%add3A_7, %dma_start3A_330] : memref<10240x64xf32, #tpu.memory_space<vmem_shared>> -> memref<128x64xf32, #tpu.memory_space<vmem_shared>>
      tpu.enqueue_dma source(%arg23 : memref<128x64xf32, #tpu.memory_space<vmem>>) target(%dma_start3A_331 : memref<128x64xf32, #tpu.memory_space<vmem_shared>>) target_semaphore(%run_scoped3A : memref<!tpu.dma_semaphore, #tpu.memory_space<semaphore_mem>>)
      %dma_wait3A = arith.constant 0 : i32
      %dma_wait3A_332 = tpu.memref_slice %arg25[%add3A_7, %dma_wait3A] : memref<10240x64xf32, #tpu.memory_space<vmem_shared>> -> memref<128x64xf32, #tpu.memory_space<vmem_shared>>
      %dma_wait3A_333 = arith.constant 0 : i32
      %dma_wait3A_334 = tpu.memref_slice %arg25[%add3A_7, %dma_wait3A_333] : memref<10240x64xf32, #tpu.memory_space<vmem_shared>> -> memref<128x64xf32, #tpu.memory_space<vmem_shared>>
      tpu.wait_dma2 semaphore(%run_scoped3A : memref<!tpu.dma_semaphore, #tpu.memory_space<semaphore_mem>>) src(%arg23 : memref<128x64xf32, #tpu.memory_space<vmem>>) dst(%dma_wait3A_334 : memref<128x64xf32, #tpu.memory_space<vmem_shared>>)
      tpu.yield
    }) : () -> ()
    %mul3A_8 = arith.constant 640 : i32
    %mul3A_9 = arith.muli %arg1, %mul3A_8 : i32
    %add3A_10 = arith.constant 256 : i32
    %add3A_11 = arith.addi %mul3A_9, %add3A_10 : i32
    "tpu.region"() ({
      %run_scoped3A = tpu.sem_alloc : memref<!tpu.dma_semaphore, #tpu.memory_space<semaphore_mem>>
      %dma_start3A = arith.constant 0 : i32
      %dma_start3A_329 = tpu.memref_slice %arg25[%add3A_11, %dma_start3A] : memref<10240x64xf32, #tpu.memory_space<vmem_shared>> -> memref<128x64xf32, #tpu.memory_space<vmem_shared>>
      %dma_start3A_330 = arith.constant 0 : i32
      %dma_start3A_331 = tpu.memref_slice %arg25[%add3A_11, %dma_start3A_330] : memref<10240x64xf32, #tpu.memory_space<vmem_shared>> -> memref<128x64xf32, #tpu.memory_space<vmem_shared>>
      tpu.enqueue_dma source(%arg23 : memref<128x64xf32, #tpu.memory_space<vmem>>) target(%dma_start3A_331 : memref<128x64xf32, #tpu.memory_space<vmem_shared>>) target_semaphore(%run_scoped3A : memref<!tpu.dma_semaphore, #tpu.memory_space<semaphore_mem>>)
      %dma_wait3A = arith.constant 0 : i32
      %dma_wait3A_332 = tpu.memref_slice %arg25[%add3A_11, %dma_wait3A] : memref<10240x64xf32, #tpu.memory_space<vmem_shared>> -> memref<128x64xf32, #tpu.memory_space<vmem_shared>>
      %dma_wait3A_333 = arith.constant 0 : i32
      %dma_wait3A_334 = tpu.memref_slice %arg25[%add3A_11, %dma_wait3A_333] : memref<10240x64xf32, #tpu.memory_space<vmem_shared>> -> memref<128x64xf32, #tpu.memory_space<vmem_shared>>
      tpu.wait_dma2 semaphore(%run_scoped3A : memref<!tpu.dma_semaphore, #tpu.memory_space<semaphore_mem>>) src(%arg23 : memref<128x64xf32, #tpu.memory_space<vmem>>) dst(%dma_wait3A_334 : memref<128x64xf32, #tpu.memory_space<vmem_shared>>)
      tpu.yield
    }) : () -> ()
    %mul3A_12 = arith.constant 640 : i32
    %mul3A_13 = arith.muli %arg1, %mul3A_12 : i32
    %add3A_14 = arith.constant 384 : i32
    %add3A_15 = arith.addi %mul3A_13, %add3A_14 : i32
    "tpu.region"() ({
      %run_scoped3A = tpu.sem_alloc : memref<!tpu.dma_semaphore, #tpu.memory_space<semaphore_mem>>
      %dma_start3A = arith.constant 0 : i32
      %dma_start3A_329 = tpu.memref_slice %arg25[%add3A_15, %dma_start3A] : memref<10240x64xf32, #tpu.memory_space<vmem_shared>> -> memref<128x64xf32, #tpu.memory_space<vmem_shared>>
      %dma_start3A_330 = arith.constant 0 : i32
      %dma_start3A_331 = tpu.memref_slice %arg25[%add3A_15, %dma_start3A_330] : memref<10240x64xf32, #tpu.memory_space<vmem_shared>> -> memref<128x64xf32, #tpu.memory_space<vmem_shared>>
      tpu.enqueue_dma source(%arg23 : memref<128x64xf32, #tpu.memory_space<vmem>>) target(%dma_start3A_331 : memref<128x64xf32, #tpu.memory_space<vmem_shared>>) target_semaphore(%run_scoped3A : memref<!tpu.dma_semaphore, #tpu.memory_space<semaphore_mem>>)
      %dma_wait3A = arith.constant 0 : i32
      %dma_wait3A_332 = tpu.memref_slice %arg25[%add3A_15, %dma_wait3A] : memref<10240x64xf32, #tpu.memory_space<vmem_shared>> -> memref<128x64xf32, #tpu.memory_space<vmem_shared>>
      %dma_wait3A_333 = arith.constant 0 : i32
      %dma_wait3A_334 = tpu.memref_slice %arg25[%add3A_15, %dma_wait3A_333] : memref<10240x64xf32, #tpu.memory_space<vmem_shared>> -> memref<128x64xf32, #tpu.memory_space<vmem_shared>>
      tpu.wait_dma2 semaphore(%run_scoped3A : memref<!tpu.dma_semaphore, #tpu.memory_space<semaphore_mem>>) src(%arg23 : memref<128x64xf32, #tpu.memory_space<vmem>>) dst(%dma_wait3A_334 : memref<128x64xf32, #tpu.memory_space<vmem_shared>>)
      tpu.yield
    }) : () -> ()
    %mul3A_16 = arith.constant 640 : i32
    %mul3A_17 = arith.muli %arg1, %mul3A_16 : i32
    %add3A_18 = arith.constant 512 : i32
    %add3A_19 = arith.addi %mul3A_17, %add3A_18 : i32
    "tpu.region"() ({
      %run_scoped3A = tpu.sem_alloc : memref<!tpu.dma_semaphore, #tpu.memory_space<semaphore_mem>>
      %dma_start3A = arith.constant 0 : i32
      %dma_start3A_329 = tpu.memref_slice %arg25[%add3A_19, %dma_start3A] : memref<10240x64xf32, #tpu.memory_space<vmem_shared>> -> memref<128x64xf32, #tpu.memory_space<vmem_shared>>
      %dma_start3A_330 = arith.constant 0 : i32
      %dma_start3A_331 = tpu.memref_slice %arg25[%add3A_19, %dma_start3A_330] : memref<10240x64xf32, #tpu.memory_space<vmem_shared>> -> memref<128x64xf32, #tpu.memory_space<vmem_shared>>
      tpu.enqueue_dma source(%arg23 : memref<128x64xf32, #tpu.memory_space<vmem>>) target(%dma_start3A_331 : memref<128x64xf32, #tpu.memory_space<vmem_shared>>) target_semaphore(%run_scoped3A : memref<!tpu.dma_semaphore, #tpu.memory_space<semaphore_mem>>)
      %dma_wait3A = arith.constant 0 : i32
      %dma_wait3A_332 = tpu.memref_slice %arg25[%add3A_19, %dma_wait3A] : memref<10240x64xf32, #tpu.memory_space<vmem_shared>> -> memref<128x64xf32, #tpu.memory_space<vmem_shared>>
      %dma_wait3A_333 = arith.constant 0 : i32
      %dma_wait3A_334 = tpu.memref_slice %arg25[%add3A_19, %dma_wait3A_333] : memref<10240x64xf32, #tpu.memory_space<vmem_shared>> -> memref<128x64xf32, #tpu.memory_space<vmem_shared>>
      tpu.wait_dma2 semaphore(%run_scoped3A : memref<!tpu.dma_semaphore, #tpu.memory_space<semaphore_mem>>) src(%arg23 : memref<128x64xf32, #tpu.memory_space<vmem>>) dst(%dma_wait3A_334 : memref<128x64xf32, #tpu.memory_space<vmem_shared>>)
      tpu.yield
    }) : () -> ()
    %eq3A = arith.constant 0 : i32
    %eq3A_20 = arith.cmpi eq, %arg0, %eq3A : i32
    %convert_element_type3A = arith.extui %eq3A_20 : i1 to i32
    %cond3A = arith.constant 0 : i32
    %cond3A_21 = arith.cmpi ne, %convert_element_type3A, %cond3A : i32
    scf.if %cond3A_21 {
      "tpu.region"() ({
        %run_scoped3A = tpu.sem_alloc : memref<!tpu.dma_semaphore, #tpu.memory_space<semaphore_mem>>
        tpu.enqueue_dma source(%arg11 : memref<128x16xf32, #tpu.memory_space<hbm>>) target(%arg24 : memref<128x16xf32, #tpu.memory_space<vmem>>) target_semaphore(%run_scoped3A : memref<!tpu.dma_semaphore, #tpu.memory_space<semaphore_mem>>)
        tpu.wait_dma2 semaphore(%run_scoped3A : memref<!tpu.dma_semaphore, #tpu.memory_space<semaphore_mem>>) src(%arg11 : memref<128x16xf32, #tpu.memory_space<hbm>>) dst(%arg24 : memref<128x16xf32, #tpu.memory_space<vmem>>)
        tpu.yield
      }) : () -> ()
      %mul3A_329 = arith.constant 640 : i32
      %mul3A_330 = arith.muli %arg1, %mul3A_329 : i32
      %add3A_331 = arith.constant 0 : i32
      %add3A_332 = arith.addi %mul3A_330, %add3A_331 : i32
      "tpu.region"() ({
        %run_scoped3A = tpu.sem_alloc : memref<!tpu.dma_semaphore, #tpu.memory_space<semaphore_mem>>
        %dma_start3A = arith.constant 0 : i32
        %dma_start3A_349 = tpu.memref_slice %arg26[%add3A_332, %dma_start3A] : memref<10240x16xf32, #tpu.memory_space<vmem_shared>> -> memref<128x16xf32, #tpu.memory_space<vmem_shared>>
        %dma_start3A_350 = arith.constant 0 : i32
        %dma_start3A_351 = tpu.memref_slice %arg26[%add3A_332, %dma_start3A_350] : memref<10240x16xf32, #tpu.memory_space<vmem_shared>> -> memref<128x16xf32, #tpu.memory_space<vmem_shared>>
        tpu.enqueue_dma source(%arg24 : memref<128x16xf32, #tpu.memory_space<vmem>>) target(%dma_start3A_351 : memref<128x16xf32, #tpu.memory_space<vmem_shared>>) target_semaphore(%run_scoped3A : memref<!tpu.dma_semaphore, #tpu.memory_space<semaphore_mem>>)
        %dma_wait3A = arith.constant 0 : i32
        %dma_wait3A_352 = tpu.memref_slice %arg26[%add3A_332, %dma_wait3A] : memref<10240x16xf32, #tpu.memory_space<vmem_shared>> -> memref<128x16xf32, #tpu.memory_space<vmem_shared>>
        %dma_wait3A_353 = arith.constant 0 : i32
        %dma_wait3A_354 = tpu.memref_slice %arg26[%add3A_332, %dma_wait3A_353] : memref<10240x16xf32, #tpu.memory_space<vmem_shared>> -> memref<128x16xf32, #tpu.memory_space<vmem_shared>>
        tpu.wait_dma2 semaphore(%run_scoped3A : memref<!tpu.dma_semaphore, #tpu.memory_space<semaphore_mem>>) src(%arg24 : memref<128x16xf32, #tpu.memory_space<vmem>>) dst(%dma_wait3A_354 : memref<128x16xf32, #tpu.memory_space<vmem_shared>>)
        tpu.yield
      }) : () -> ()
      %mul3A_333 = arith.constant 640 : i32
      %mul3A_334 = arith.muli %arg1, %mul3A_333 : i32
      %add3A_335 = arith.constant 128 : i32
      %add3A_336 = arith.addi %mul3A_334, %add3A_335 : i32
      "tpu.region"() ({
        %run_scoped3A = tpu.sem_alloc : memref<!tpu.dma_semaphore, #tpu.memory_space<semaphore_mem>>
        %dma_start3A = arith.constant 0 : i32
        %dma_start3A_349 = tpu.memref_slice %arg26[%add3A_336, %dma_start3A] : memref<10240x16xf32, #tpu.memory_space<vmem_shared>> -> memref<128x16xf32, #tpu.memory_space<vmem_shared>>
        %dma_start3A_350 = arith.constant 0 : i32
        %dma_start3A_351 = tpu.memref_slice %arg26[%add3A_336, %dma_start3A_350] : memref<10240x16xf32, #tpu.memory_space<vmem_shared>> -> memref<128x16xf32, #tpu.memory_space<vmem_shared>>
        tpu.enqueue_dma source(%arg24 : memref<128x16xf32, #tpu.memory_space<vmem>>) target(%dma_start3A_351 : memref<128x16xf32, #tpu.memory_space<vmem_shared>>) target_semaphore(%run_scoped3A : memref<!tpu.dma_semaphore, #tpu.memory_space<semaphore_mem>>)
        %dma_wait3A = arith.constant 0 : i32
        %dma_wait3A_352 = tpu.memref_slice %arg26[%add3A_336, %dma_wait3A] : memref<10240x16xf32, #tpu.memory_space<vmem_shared>> -> memref<128x16xf32, #tpu.memory_space<vmem_shared>>
        %dma_wait3A_353 = arith.constant 0 : i32
        %dma_wait3A_354 = tpu.memref_slice %arg26[%add3A_336, %dma_wait3A_353] : memref<10240x16xf32, #tpu.memory_space<vmem_shared>> -> memref<128x16xf32, #tpu.memory_space<vmem_shared>>
        tpu.wait_dma2 semaphore(%run_scoped3A : memref<!tpu.dma_semaphore, #tpu.memory_space<semaphore_mem>>) src(%arg24 : memref<128x16xf32, #tpu.memory_space<vmem>>) dst(%dma_wait3A_354 : memref<128x16xf32, #tpu.memory_space<vmem_shared>>)
        tpu.yield
      }) : () -> ()
      %mul3A_337 = arith.constant 640 : i32
      %mul3A_338 = arith.muli %arg1, %mul3A_337 : i32
      %add3A_339 = arith.constant 256 : i32
      %add3A_340 = arith.addi %mul3A_338, %add3A_339 : i32
      "tpu.region"() ({
        %run_scoped3A = tpu.sem_alloc : memref<!tpu.dma_semaphore, #tpu.memory_space<semaphore_mem>>
        %dma_start3A = arith.constant 0 : i32
        %dma_start3A_349 = tpu.memref_slice %arg26[%add3A_340, %dma_start3A] : memref<10240x16xf32, #tpu.memory_space<vmem_shared>> -> memref<128x16xf32, #tpu.memory_space<vmem_shared>>
        %dma_start3A_350 = arith.constant 0 : i32
        %dma_start3A_351 = tpu.memref_slice %arg26[%add3A_340, %dma_start3A_350] : memref<10240x16xf32, #tpu.memory_space<vmem_shared>> -> memref<128x16xf32, #tpu.memory_space<vmem_shared>>
        tpu.enqueue_dma source(%arg24 : memref<128x16xf32, #tpu.memory_space<vmem>>) target(%dma_start3A_351 : memref<128x16xf32, #tpu.memory_space<vmem_shared>>) target_semaphore(%run_scoped3A : memref<!tpu.dma_semaphore, #tpu.memory_space<semaphore_mem>>)
        %dma_wait3A = arith.constant 0 : i32
        %dma_wait3A_352 = tpu.memref_slice %arg26[%add3A_340, %dma_wait3A] : memref<10240x16xf32, #tpu.memory_space<vmem_shared>> -> memref<128x16xf32, #tpu.memory_space<vmem_shared>>
        %dma_wait3A_353 = arith.constant 0 : i32
        %dma_wait3A_354 = tpu.memref_slice %arg26[%add3A_340, %dma_wait3A_353] : memref<10240x16xf32, #tpu.memory_space<vmem_shared>> -> memref<128x16xf32, #tpu.memory_space<vmem_shared>>
        tpu.wait_dma2 semaphore(%run_scoped3A : memref<!tpu.dma_semaphore, #tpu.memory_space<semaphore_mem>>) src(%arg24 : memref<128x16xf32, #tpu.memory_space<vmem>>) dst(%dma_wait3A_354 : memref<128x16xf32, #tpu.memory_space<vmem_shared>>)
        tpu.yield
      }) : () -> ()
      %mul3A_341 = arith.constant 640 : i32
      %mul3A_342 = arith.muli %arg1, %mul3A_341 : i32
      %add3A_343 = arith.constant 384 : i32
      %add3A_344 = arith.addi %mul3A_342, %add3A_343 : i32
      "tpu.region"() ({
        %run_scoped3A = tpu.sem_alloc : memref<!tpu.dma_semaphore, #tpu.memory_space<semaphore_mem>>
        %dma_start3A = arith.constant 0 : i32
        %dma_start3A_349 = tpu.memref_slice %arg26[%add3A_344, %dma_start3A] : memref<10240x16xf32, #tpu.memory_space<vmem_shared>> -> memref<128x16xf32, #tpu.memory_space<vmem_shared>>
        %dma_start3A_350 = arith.constant 0 : i32
        %dma_start3A_351 = tpu.memref_slice %arg26[%add3A_344, %dma_start3A_350] : memref<10240x16xf32, #tpu.memory_space<vmem_shared>> -> memref<128x16xf32, #tpu.memory_space<vmem_shared>>
        tpu.enqueue_dma source(%arg24 : memref<128x16xf32, #tpu.memory_space<vmem>>) target(%dma_start3A_351 : memref<128x16xf32, #tpu.memory_space<vmem_shared>>) target_semaphore(%run_scoped3A : memref<!tpu.dma_semaphore, #tpu.memory_space<semaphore_mem>>)
        %dma_wait3A = arith.constant 0 : i32
        %dma_wait3A_352 = tpu.memref_slice %arg26[%add3A_344, %dma_wait3A] : memref<10240x16xf32, #tpu.memory_space<vmem_shared>> -> memref<128x16xf32, #tpu.memory_space<vmem_shared>>
        %dma_wait3A_353 = arith.constant 0 : i32
        %dma_wait3A_354 = tpu.memref_slice %arg26[%add3A_344, %dma_wait3A_353] : memref<10240x16xf32, #tpu.memory_space<vmem_shared>> -> memref<128x16xf32, #tpu.memory_space<vmem_shared>>
        tpu.wait_dma2 semaphore(%run_scoped3A : memref<!tpu.dma_semaphore, #tpu.memory_space<semaphore_mem>>) src(%arg24 : memref<128x16xf32, #tpu.memory_space<vmem>>) dst(%dma_wait3A_354 : memref<128x16xf32, #tpu.memory_space<vmem_shared>>)
        tpu.yield
      }) : () -> ()
      %mul3A_345 = arith.constant 640 : i32
      %mul3A_346 = arith.muli %arg1, %mul3A_345 : i32
      %add3A_347 = arith.constant 512 : i32
      %add3A_348 = arith.addi %mul3A_346, %add3A_347 : i32
      "tpu.region"() ({
        %run_scoped3A = tpu.sem_alloc : memref<!tpu.dma_semaphore, #tpu.memory_space<semaphore_mem>>
        %dma_start3A = arith.constant 0 : i32
        %dma_start3A_349 = tpu.memref_slice %arg26[%add3A_348, %dma_start3A] : memref<10240x16xf32, #tpu.memory_space<vmem_shared>> -> memref<128x16xf32, #tpu.memory_space<vmem_shared>>
        %dma_start3A_350 = arith.constant 0 : i32
        %dma_start3A_351 = tpu.memref_slice %arg26[%add3A_348, %dma_start3A_350] : memref<10240x16xf32, #tpu.memory_space<vmem_shared>> -> memref<128x16xf32, #tpu.memory_space<vmem_shared>>
        tpu.enqueue_dma source(%arg24 : memref<128x16xf32, #tpu.memory_space<vmem>>) target(%dma_start3A_351 : memref<128x16xf32, #tpu.memory_space<vmem_shared>>) target_semaphore(%run_scoped3A : memref<!tpu.dma_semaphore, #tpu.memory_space<semaphore_mem>>)
        %dma_wait3A = arith.constant 0 : i32
        %dma_wait3A_352 = tpu.memref_slice %arg26[%add3A_348, %dma_wait3A] : memref<10240x16xf32, #tpu.memory_space<vmem_shared>> -> memref<128x16xf32, #tpu.memory_space<vmem_shared>>
        %dma_wait3A_353 = arith.constant 0 : i32
        %dma_wait3A_354 = tpu.memref_slice %arg26[%add3A_348, %dma_wait3A_353] : memref<10240x16xf32, #tpu.memory_space<vmem_shared>> -> memref<128x16xf32, #tpu.memory_space<vmem_shared>>
        tpu.wait_dma2 semaphore(%run_scoped3A : memref<!tpu.dma_semaphore, #tpu.memory_space<semaphore_mem>>) src(%arg24 : memref<128x16xf32, #tpu.memory_space<vmem>>) dst(%dma_wait3A_354 : memref<128x16xf32, #tpu.memory_space<vmem_shared>>)
        tpu.yield
      }) : () -> ()
    } else {
    }
    %barrier3A = arith.constant 0 : index
    tpu.barrier barrier_id(%barrier3A)
    "tpu.region"() ({
      %run_scoped3A = tpu.sem_alloc : memref<!tpu.dma_semaphore, #tpu.memory_space<semaphore_mem>>
      %dma_start3A = arith.constant 0 : i32
      %dma_start3A_329 = arith.constant 0 : i32
      %dma_start3A_330 = tpu.memref_slice %arg4[%add3A_0, %arg1, %dma_start3A, %dma_start3A_329] : memref<4x16x79x128xi32, #tpu.memory_space<hbm>> -> memref<1x1x79x128xi32, #tpu.memory_space<hbm>>
      %dma_start3A_331 = tpu.memref_squeeze %dma_start3A_330 : memref<1x1x79x128xi32, #tpu.memory_space<hbm>> -> memref<79x128xi32, #tpu.memory_space<hbm>>
      %dma_start3A_332 = arith.constant 0 : i32
      %dma_start3A_333 = arith.constant 0 : i32
      %dma_start3A_334 = tpu.memref_slice %arg4[%add3A_0, %arg1, %dma_start3A_332, %dma_start3A_333] : memref<4x16x79x128xi32, #tpu.memory_space<hbm>> -> memref<1x1x79x128xi32, #tpu.memory_space<hbm>>
      %dma_start3A_335 = tpu.memref_squeeze %dma_start3A_334 : memref<1x1x79x128xi32, #tpu.memory_space<hbm>> -> memref<79x128xi32, #tpu.memory_space<hbm>>
      tpu.enqueue_dma source(%dma_start3A_335 : memref<79x128xi32, #tpu.memory_space<hbm>>) target(%arg19 : memref<79x128xi32, #tpu.memory_space<vmem>>) target_semaphore(%run_scoped3A : memref<!tpu.dma_semaphore, #tpu.memory_space<semaphore_mem>>)
      %dma_wait3A = arith.constant 0 : i32
      %dma_wait3A_336 = arith.constant 0 : i32
      %dma_wait3A_337 = tpu.memref_slice %arg4[%add3A_0, %arg1, %dma_wait3A, %dma_wait3A_336] : memref<4x16x79x128xi32, #tpu.memory_space<hbm>> -> memref<1x1x79x128xi32, #tpu.memory_space<hbm>>
      %dma_wait3A_338 = tpu.memref_squeeze %dma_wait3A_337 : memref<1x1x79x128xi32, #tpu.memory_space<hbm>> -> memref<79x128xi32, #tpu.memory_space<hbm>>
      %dma_wait3A_339 = arith.constant 0 : i32
      %dma_wait3A_340 = arith.constant 0 : i32
      %dma_wait3A_341 = tpu.memref_slice %arg4[%add3A_0, %arg1, %dma_wait3A_339, %dma_wait3A_340] : memref<4x16x79x128xi32, #tpu.memory_space<hbm>> -> memref<1x1x79x128xi32, #tpu.memory_space<hbm>>
      %dma_wait3A_342 = tpu.memref_squeeze %dma_wait3A_341 : memref<1x1x79x128xi32, #tpu.memory_space<hbm>> -> memref<79x128xi32, #tpu.memory_space<hbm>>
      tpu.wait_dma2 semaphore(%run_scoped3A : memref<!tpu.dma_semaphore, #tpu.memory_space<semaphore_mem>>) src(%dma_wait3A_342 : memref<79x128xi32, #tpu.memory_space<hbm>>) dst(%arg19 : memref<79x128xi32, #tpu.memory_space<vmem>>)
      tpu.yield
    }) : () -> ()
    %scan3A = arith.constant 0 : i32
    %scan3A_22 = arith.constant 0 : i32
    %scan3A_23 = arith.constant 79 : i32
    %scan3A_24 = arith.addi %scan3A_22, %scan3A_23 : i32
    %scan3A_25 = arith.constant 1 : i32
    scf.for %scan3A_329 = %scan3A_22 to %scan3A_24 step %scan3A_25  : i32 {
      %dma_start3A = arith.constant 0 : i32
      %dma_start3A_330 = tpu.memref_slice %arg19[%scan3A_329, %dma_start3A] : memref<79x128xi32, #tpu.memory_space<vmem>> -> memref<1x128xi32, #tpu.memory_space<vmem>>
      %dma_start3A_331 = tpu.memref_squeeze %dma_start3A_330 : memref<1x128xi32, #tpu.memory_space<vmem>> -> memref<128xi32, #tpu.memory_space<vmem>>
      %dma_start3A_332 = arith.constant 0 : i32
      %dma_start3A_333 = arith.constant 0 : i32
      %dma_start3A_334 = tpu.memref_slice %arg2[%dma_start3A_332, %dma_start3A_333] : memref<40000x64xf32, #tpu.memory_space<hbm>> -> memref<40000x64xf32, #tpu.memory_space<hbm>>
      tpu.enqueue_indirect_dma source(%dma_start3A_334 : memref<40000x64xf32, #tpu.memory_space<hbm>>) target(%arg21 : memref<128x64xf32, #tpu.memory_space<vmem>>) offsets(%dma_start3A_331 : memref<128xi32, #tpu.memory_space<vmem>>) semaphore(%arg27 : memref<!tpu.dma_semaphore, #tpu.memory_space<semaphore_mem>>)
      %dma_wait3A = arith.constant 0 : i32
      %dma_wait3A_335 = tpu.memref_slice %arg19[%scan3A_329, %dma_wait3A] : memref<79x128xi32, #tpu.memory_space<vmem>> -> memref<1x128xi32, #tpu.memory_space<vmem>>
      %dma_wait3A_336 = tpu.memref_squeeze %dma_wait3A_335 : memref<1x128xi32, #tpu.memory_space<vmem>> -> memref<128xi32, #tpu.memory_space<vmem>>
      %dma_wait3A_337 = arith.constant 0 : i32
      %dma_wait3A_338 = arith.constant 0 : i32
      %dma_wait3A_339 = tpu.memref_slice %arg2[%dma_wait3A_337, %dma_wait3A_338] : memref<40000x64xf32, #tpu.memory_space<hbm>> -> memref<40000x64xf32, #tpu.memory_space<hbm>>
      tpu.wait_indirect_dma semaphore(%arg27 : memref<!tpu.dma_semaphore, #tpu.memory_space<semaphore_mem>>) src(%dma_wait3A_339 : memref<40000x64xf32, #tpu.memory_space<hbm>>) dst(%arg21 : memref<128x64xf32, #tpu.memory_space<vmem>>)
      "tpu.region"() ({
        %run_scoped3A = tpu.sem_alloc : memref<!tpu.dma_semaphore, #tpu.memory_space<semaphore_mem>>
        %dma_start3A_345 = arith.constant 0 : i32
        %dma_start3A_346 = tpu.memref_slice %arg20[%scan3A_329, %dma_start3A_345] : memref<79x128xi32, #tpu.memory_space<vmem>> -> memref<1x128xi32, #tpu.memory_space<vmem>>
        %dma_start3A_347 = tpu.memref_squeeze %dma_start3A_346 : memref<1x128xi32, #tpu.memory_space<vmem>> -> memref<128xi32, #tpu.memory_space<vmem>>
        %dma_start3A_348 = arith.constant 0 : i32
        %dma_start3A_349 = arith.constant 0 : i32
        %dma_start3A_350 = tpu.memref_slice %arg25[%dma_start3A_348, %dma_start3A_349] : memref<10240x64xf32, #tpu.memory_space<vmem_shared>> -> memref<10240x64xf32, #tpu.memory_space<vmem_shared>>
        tpu.enqueue_indirect_dma source(%arg21 : memref<128x64xf32, #tpu.memory_space<vmem>>) target(%dma_start3A_350 : memref<10240x64xf32, #tpu.memory_space<vmem_shared>>) offsets(%dma_start3A_347 : memref<128xi32, #tpu.memory_space<vmem>>) semaphore(%run_scoped3A : memref<!tpu.dma_semaphore, #tpu.memory_space<semaphore_mem>>) {add = true}
        %dma_wait3A_351 = arith.constant 0 : i32
        %dma_wait3A_352 = tpu.memref_slice %arg20[%scan3A_329, %dma_wait3A_351] : memref<79x128xi32, #tpu.memory_space<vmem>> -> memref<1x128xi32, #tpu.memory_space<vmem>>
        %dma_wait3A_353 = tpu.memref_squeeze %dma_wait3A_352 : memref<1x128xi32, #tpu.memory_space<vmem>> -> memref<128xi32, #tpu.memory_space<vmem>>
        %dma_wait3A_354 = arith.constant 0 : i32
        %dma_wait3A_355 = arith.constant 0 : i32
        %dma_wait3A_356 = tpu.memref_slice %arg25[%dma_wait3A_354, %dma_wait3A_355] : memref<10240x64xf32, #tpu.memory_space<vmem_shared>> -> memref<10240x64xf32, #tpu.memory_space<vmem_shared>>
        tpu.wait_indirect_dma semaphore(%run_scoped3A : memref<!tpu.dma_semaphore, #tpu.memory_space<semaphore_mem>>) src(%arg21 : memref<128x64xf32, #tpu.memory_space<vmem>>) dst(%dma_wait3A_356 : memref<10240x64xf32, #tpu.memory_space<vmem_shared>>)
        tpu.yield
      }) : () -> ()
      %eq3A_340 = arith.constant 0 : i32
      %eq3A_341 = arith.cmpi eq, %arg0, %eq3A_340 : i32
      %convert_element_type3A_342 = arith.extui %eq3A_341 : i1 to i32
      %cond3A_343 = arith.constant 0 : i32
      %cond3A_344 = arith.cmpi ne, %convert_element_type3A_342, %cond3A_343 : i32
      scf.if %cond3A_344 {
        "tpu.region"() ({
          %run_scoped3A = tpu.sem_alloc : memref<!tpu.dma_semaphore, #tpu.memory_space<semaphore_mem>>
          %dma_start3A_345 = arith.constant 0 : i32
          %dma_start3A_346 = tpu.memref_slice %arg20[%scan3A_329, %dma_start3A_345] : memref<79x128xi32, #tpu.memory_space<vmem>> -> memref<1x128xi32, #tpu.memory_space<vmem>>
          %dma_start3A_347 = tpu.memref_squeeze %dma_start3A_346 : memref<1x128xi32, #tpu.memory_space<vmem>> -> memref<128xi32, #tpu.memory_space<vmem>>
          %dma_start3A_348 = arith.constant 0 : i32
          %dma_start3A_349 = arith.constant 0 : i32
          %dma_start3A_350 = tpu.memref_slice %arg26[%dma_start3A_348, %dma_start3A_349] : memref<10240x16xf32, #tpu.memory_space<vmem_shared>> -> memref<10240x16xf32, #tpu.memory_space<vmem_shared>>
          tpu.enqueue_indirect_dma source(%arg22 : memref<128x16xf32, #tpu.memory_space<vmem>>) target(%dma_start3A_350 : memref<10240x16xf32, #tpu.memory_space<vmem_shared>>) offsets(%dma_start3A_347 : memref<128xi32, #tpu.memory_space<vmem>>) semaphore(%run_scoped3A : memref<!tpu.dma_semaphore, #tpu.memory_space<semaphore_mem>>) {add = true}
          %dma_wait3A_351 = arith.constant 0 : i32
          %dma_wait3A_352 = tpu.memref_slice %arg20[%scan3A_329, %dma_wait3A_351] : memref<79x128xi32, #tpu.memory_space<vmem>> -> memref<1x128xi32, #tpu.memory_space<vmem>>
          %dma_wait3A_353 = tpu.memref_squeeze %dma_wait3A_352 : memref<1x128xi32, #tpu.memory_space<vmem>> -> memref<128xi32, #tpu.memory_space<vmem>>
          %dma_wait3A_354 = arith.constant 0 : i32
          %dma_wait3A_355 = arith.constant 0 : i32
          %dma_wait3A_356 = tpu.memref_slice %arg26[%dma_wait3A_354, %dma_wait3A_355] : memref<10240x16xf32, #tpu.memory_space<vmem_shared>> -> memref<10240x16xf32, #tpu.memory_space<vmem_shared>>
          tpu.wait_indirect_dma semaphore(%run_scoped3A : memref<!tpu.dma_semaphore, #tpu.memory_space<semaphore_mem>>) src(%arg22 : memref<128x16xf32, #tpu.memory_space<vmem>>) dst(%dma_wait3A_356 : memref<10240x16xf32, #tpu.memory_space<vmem_shared>>)
          tpu.yield
        }) : () -> ()
      } else {
      }
    }
    %scan3A_26 = arith.constant 79 : i32
    %barrier3A_27 = arith.constant 0 : index
    tpu.barrier barrier_id(%barrier3A_27)
    %mul3A_28 = arith.constant 640 : i32
    %mul3A_29 = arith.muli %arg1, %mul3A_28 : i32
    %add3A_30 = arith.constant 0 : i32
    %add3A_31 = arith.addi %mul3A_29, %add3A_30 : i32
    "tpu.region"() ({
      %run_scoped3A = tpu.sem_alloc : memref<!tpu.dma_semaphore, #tpu.memory_space<semaphore_mem>>
      %dma_start3A = arith.constant 0 : i32
      %dma_start3A_329 = tpu.memref_slice %arg25[%add3A_31, %dma_start3A] : memref<10240x64xf32, #tpu.memory_space<vmem_shared>> -> memref<128x64xf32, #tpu.memory_space<vmem_shared>>
      %dma_start3A_330 = arith.constant 0 : i32
      %dma_start3A_331 = tpu.memref_slice %arg25[%add3A_31, %dma_start3A_330] : memref<10240x64xf32, #tpu.memory_space<vmem_shared>> -> memref<128x64xf32, #tpu.memory_space<vmem_shared>>
      tpu.enqueue_dma source(%dma_start3A_331 : memref<128x64xf32, #tpu.memory_space<vmem_shared>>) target(%arg21 : memref<128x64xf32, #tpu.memory_space<vmem>>) target_semaphore(%run_scoped3A : memref<!tpu.dma_semaphore, #tpu.memory_space<semaphore_mem>>)
      %dma_wait3A = arith.constant 0 : i32
      %dma_wait3A_332 = tpu.memref_slice %arg25[%add3A_31, %dma_wait3A] : memref<10240x64xf32, #tpu.memory_space<vmem_shared>> -> memref<128x64xf32, #tpu.memory_space<vmem_shared>>
      %dma_wait3A_333 = arith.constant 0 : i32
      %dma_wait3A_334 = tpu.memref_slice %arg25[%add3A_31, %dma_wait3A_333] : memref<10240x64xf32, #tpu.memory_space<vmem_shared>> -> memref<128x64xf32, #tpu.memory_space<vmem_shared>>
      tpu.wait_dma2 semaphore(%run_scoped3A : memref<!tpu.dma_semaphore, #tpu.memory_space<semaphore_mem>>) src(%dma_wait3A_334 : memref<128x64xf32, #tpu.memory_space<vmem_shared>>) dst(%arg21 : memref<128x64xf32, #tpu.memory_space<vmem>>)
      tpu.yield
    }) : () -> ()
    "tpu.region"() ({
      %run_scoped3A = tpu.sem_alloc : memref<!tpu.dma_semaphore, #tpu.memory_space<semaphore_mem>>
      %dma_start3A = arith.constant 0 : i32
      %dma_start3A_329 = tpu.memref_slice %arg13[%add3A_0, %add3A_31, %dma_start3A] : memref<4x10240x64xf32, #tpu.memory_space<hbm>> -> memref<1x128x64xf32, #tpu.memory_space<hbm>>
      %dma_start3A_330 = tpu.memref_squeeze %dma_start3A_329 : memref<1x128x64xf32, #tpu.memory_space<hbm>> -> memref<128x64xf32, #tpu.memory_space<hbm>>
      %dma_start3A_331 = arith.constant 0 : i32
      %dma_start3A_332 = tpu.memref_slice %arg13[%add3A_0, %add3A_31, %dma_start3A_331] : memref<4x10240x64xf32, #tpu.memory_space<hbm>> -> memref<1x128x64xf32, #tpu.memory_space<hbm>>
      %dma_start3A_333 = tpu.memref_squeeze %dma_start3A_332 : memref<1x128x64xf32, #tpu.memory_space<hbm>> -> memref<128x64xf32, #tpu.memory_space<hbm>>
      tpu.enqueue_dma source(%arg21 : memref<128x64xf32, #tpu.memory_space<vmem>>) target(%dma_start3A_333 : memref<128x64xf32, #tpu.memory_space<hbm>>) target_semaphore(%run_scoped3A : memref<!tpu.dma_semaphore, #tpu.memory_space<semaphore_mem>>)
      %dma_wait3A = arith.constant 0 : i32
      %dma_wait3A_334 = tpu.memref_slice %arg13[%add3A_0, %add3A_31, %dma_wait3A] : memref<4x10240x64xf32, #tpu.memory_space<hbm>> -> memref<1x128x64xf32, #tpu.memory_space<hbm>>
      %dma_wait3A_335 = tpu.memref_squeeze %dma_wait3A_334 : memref<1x128x64xf32, #tpu.memory_space<hbm>> -> memref<128x64xf32, #tpu.memory_space<hbm>>
      %dma_wait3A_336 = arith.constant 0 : i32
      %dma_wait3A_337 = tpu.memref_slice %arg13[%add3A_0, %add3A_31, %dma_wait3A_336] : memref<4x10240x64xf32, #tpu.memory_space<hbm>> -> memref<1x128x64xf32, #tpu.memory_space<hbm>>
      %dma_wait3A_338 = tpu.memref_squeeze %dma_wait3A_337 : memref<1x128x64xf32, #tpu.memory_space<hbm>> -> memref<128x64xf32, #tpu.memory_space<hbm>>
      tpu.wait_dma2 semaphore(%run_scoped3A : memref<!tpu.dma_semaphore, #tpu.memory_space<semaphore_mem>>) src(%arg21 : memref<128x64xf32, #tpu.memory_space<vmem>>) dst(%dma_wait3A_338 : memref<128x64xf32, #tpu.memory_space<hbm>>)
      tpu.yield
    }) : () -> ()
    %mul3A_32 = arith.constant 640 : i32
    %mul3A_33 = arith.muli %arg1, %mul3A_32 : i32
    %add3A_34 = arith.constant 128 : i32
    %add3A_35 = arith.addi %mul3A_33, %add3A_34 : i32
    "tpu.region"() ({
      %run_scoped3A = tpu.sem_alloc : memref<!tpu.dma_semaphore, #tpu.memory_space<semaphore_mem>>
      %dma_start3A = arith.constant 0 : i32
      %dma_start3A_329 = tpu.memref_slice %arg25[%add3A_35, %dma_start3A] : memref<10240x64xf32, #tpu.memory_space<vmem_shared>> -> memref<128x64xf32, #tpu.memory_space<vmem_shared>>
      %dma_start3A_330 = arith.constant 0 : i32
      %dma_start3A_331 = tpu.memref_slice %arg25[%add3A_35, %dma_start3A_330] : memref<10240x64xf32, #tpu.memory_space<vmem_shared>> -> memref<128x64xf32, #tpu.memory_space<vmem_shared>>
      tpu.enqueue_dma source(%dma_start3A_331 : memref<128x64xf32, #tpu.memory_space<vmem_shared>>) target(%arg21 : memref<128x64xf32, #tpu.memory_space<vmem>>) target_semaphore(%run_scoped3A : memref<!tpu.dma_semaphore, #tpu.memory_space<semaphore_mem>>)
      %dma_wait3A = arith.constant 0 : i32
      %dma_wait3A_332 = tpu.memref_slice %arg25[%add3A_35, %dma_wait3A] : memref<10240x64xf32, #tpu.memory_space<vmem_shared>> -> memref<128x64xf32, #tpu.memory_space<vmem_shared>>
      %dma_wait3A_333 = arith.constant 0 : i32
      %dma_wait3A_334 = tpu.memref_slice %arg25[%add3A_35, %dma_wait3A_333] : memref<10240x64xf32, #tpu.memory_space<vmem_shared>> -> memref<128x64xf32, #tpu.memory_space<vmem_shared>>
      tpu.wait_dma2 semaphore(%run_scoped3A : memref<!tpu.dma_semaphore, #tpu.memory_space<semaphore_mem>>) src(%dma_wait3A_334 : memref<128x64xf32, #tpu.memory_space<vmem_shared>>) dst(%arg21 : memref<128x64xf32, #tpu.memory_space<vmem>>)
      tpu.yield
    }) : () -> ()
    "tpu.region"() ({
      %run_scoped3A = tpu.sem_alloc : memref<!tpu.dma_semaphore, #tpu.memory_space<semaphore_mem>>
      %dma_start3A = arith.constant 0 : i32
      %dma_start3A_329 = tpu.memref_slice %arg13[%add3A_0, %add3A_35, %dma_start3A] : memref<4x10240x64xf32, #tpu.memory_space<hbm>> -> memref<1x128x64xf32, #tpu.memory_space<hbm>>
      %dma_start3A_330 = tpu.memref_squeeze %dma_start3A_329 : memref<1x128x64xf32, #tpu.memory_space<hbm>> -> memref<128x64xf32, #tpu.memory_space<hbm>>
      %dma_start3A_331 = arith.constant 0 : i32
      %dma_start3A_332 = tpu.memref_slice %arg13[%add3A_0, %add3A_35, %dma_start3A_331] : memref<4x10240x64xf32, #tpu.memory_space<hbm>> -> memref<1x128x64xf32, #tpu.memory_space<hbm>>
      %dma_start3A_333 = tpu.memref_squeeze %dma_start3A_332 : memref<1x128x64xf32, #tpu.memory_space<hbm>> -> memref<128x64xf32, #tpu.memory_space<hbm>>
      tpu.enqueue_dma source(%arg21 : memref<128x64xf32, #tpu.memory_space<vmem>>) target(%dma_start3A_333 : memref<128x64xf32, #tpu.memory_space<hbm>>) target_semaphore(%run_scoped3A : memref<!tpu.dma_semaphore, #tpu.memory_space<semaphore_mem>>)
      %dma_wait3A = arith.constant 0 : i32
      %dma_wait3A_334 = tpu.memref_slice %arg13[%add3A_0, %add3A_35, %dma_wait3A] : memref<4x10240x64xf32, #tpu.memory_space<hbm>> -> memref<1x128x64xf32, #tpu.memory_space<hbm>>
      %dma_wait3A_335 = tpu.memref_squeeze %dma_wait3A_334 : memref<1x128x64xf32, #tpu.memory_space<hbm>> -> memref<128x64xf32, #tpu.memory_space<hbm>>
      %dma_wait3A_336 = arith.constant 0 : i32
      %dma_wait3A_337 = tpu.memref_slice %arg13[%add3A_0, %add3A_35, %dma_wait3A_336] : memref<4x10240x64xf32, #tpu.memory_space<hbm>> -> memref<1x128x64xf32, #tpu.memory_space<hbm>>
      %dma_wait3A_338 = tpu.memref_squeeze %dma_wait3A_337 : memref<1x128x64xf32, #tpu.memory_space<hbm>> -> memref<128x64xf32, #tpu.memory_space<hbm>>
      tpu.wait_dma2 semaphore(%run_scoped3A : memref<!tpu.dma_semaphore, #tpu.memory_space<semaphore_mem>>) src(%arg21 : memref<128x64xf32, #tpu.memory_space<vmem>>) dst(%dma_wait3A_338 : memref<128x64xf32, #tpu.memory_space<hbm>>)
      tpu.yield
    }) : () -> ()
    %mul3A_36 = arith.constant 640 : i32
    %mul3A_37 = arith.muli %arg1, %mul3A_36 : i32
    %add3A_38 = arith.constant 256 : i32
    %add3A_39 = arith.addi %mul3A_37, %add3A_38 : i32
    "tpu.region"() ({
      %run_scoped3A = tpu.sem_alloc : memref<!tpu.dma_semaphore, #tpu.memory_space<semaphore_mem>>
      %dma_start3A = arith.constant 0 : i32
      %dma_start3A_329 = tpu.memref_slice %arg25[%add3A_39, %dma_start3A] : memref<10240x64xf32, #tpu.memory_space<vmem_shared>> -> memref<128x64xf32, #tpu.memory_space<vmem_shared>>
      %dma_start3A_330 = arith.constant 0 : i32
      %dma_start3A_331 = tpu.memref_slice %arg25[%add3A_39, %dma_start3A_330] : memref<10240x64xf32, #tpu.memory_space<vmem_shared>> -> memref<128x64xf32, #tpu.memory_space<vmem_shared>>
      tpu.enqueue_dma source(%dma_start3A_331 : memref<128x64xf32, #tpu.memory_space<vmem_shared>>) target(%arg21 : memref<128x64xf32, #tpu.memory_space<vmem>>) target_semaphore(%run_scoped3A : memref<!tpu.dma_semaphore, #tpu.memory_space<semaphore_mem>>)
      %dma_wait3A = arith.constant 0 : i32
      %dma_wait3A_332 = tpu.memref_slice %arg25[%add3A_39, %dma_wait3A] : memref<10240x64xf32, #tpu.memory_space<vmem_shared>> -> memref<128x64xf32, #tpu.memory_space<vmem_shared>>
      %dma_wait3A_333 = arith.constant 0 : i32
      %dma_wait3A_334 = tpu.memref_slice %arg25[%add3A_39, %dma_wait3A_333] : memref<10240x64xf32, #tpu.memory_space<vmem_shared>> -> memref<128x64xf32, #tpu.memory_space<vmem_shared>>
      tpu.wait_dma2 semaphore(%run_scoped3A : memref<!tpu.dma_semaphore, #tpu.memory_space<semaphore_mem>>) src(%dma_wait3A_334 : memref<128x64xf32, #tpu.memory_space<vmem_shared>>) dst(%arg21 : memref<128x64xf32, #tpu.memory_space<vmem>>)
      tpu.yield
    }) : () -> ()
    "tpu.region"() ({
      %run_scoped3A = tpu.sem_alloc : memref<!tpu.dma_semaphore, #tpu.memory_space<semaphore_mem>>
      %dma_start3A = arith.constant 0 : i32
      %dma_start3A_329 = tpu.memref_slice %arg13[%add3A_0, %add3A_39, %dma_start3A] : memref<4x10240x64xf32, #tpu.memory_space<hbm>> -> memref<1x128x64xf32, #tpu.memory_space<hbm>>
      %dma_start3A_330 = tpu.memref_squeeze %dma_start3A_329 : memref<1x128x64xf32, #tpu.memory_space<hbm>> -> memref<128x64xf32, #tpu.memory_space<hbm>>
      %dma_start3A_331 = arith.constant 0 : i32
      %dma_start3A_332 = tpu.memref_slice %arg13[%add3A_0, %add3A_39, %dma_start3A_331] : memref<4x10240x64xf32, #tpu.memory_space<hbm>> -> memref<1x128x64xf32, #tpu.memory_space<hbm>>
      %dma_start3A_333 = tpu.memref_squeeze %dma_start3A_332 : memref<1x128x64xf32, #tpu.memory_space<hbm>> -> memref<128x64xf32, #tpu.memory_space<hbm>>
      tpu.enqueue_dma source(%arg21 : memref<128x64xf32, #tpu.memory_space<vmem>>) target(%dma_start3A_333 : memref<128x64xf32, #tpu.memory_space<hbm>>) target_semaphore(%run_scoped3A : memref<!tpu.dma_semaphore, #tpu.memory_space<semaphore_mem>>)
      %dma_wait3A = arith.constant 0 : i32
      %dma_wait3A_334 = tpu.memref_slice %arg13[%add3A_0, %add3A_39, %dma_wait3A] : memref<4x10240x64xf32, #tpu.memory_space<hbm>> -> memref<1x128x64xf32, #tpu.memory_space<hbm>>
      %dma_wait3A_335 = tpu.memref_squeeze %dma_wait3A_334 : memref<1x128x64xf32, #tpu.memory_space<hbm>> -> memref<128x64xf32, #tpu.memory_space<hbm>>
      %dma_wait3A_336 = arith.constant 0 : i32
      %dma_wait3A_337 = tpu.memref_slice %arg13[%add3A_0, %add3A_39, %dma_wait3A_336] : memref<4x10240x64xf32, #tpu.memory_space<hbm>> -> memref<1x128x64xf32, #tpu.memory_space<hbm>>
      %dma_wait3A_338 = tpu.memref_squeeze %dma_wait3A_337 : memref<1x128x64xf32, #tpu.memory_space<hbm>> -> memref<128x64xf32, #tpu.memory_space<hbm>>
      tpu.wait_dma2 semaphore(%run_scoped3A : memref<!tpu.dma_semaphore, #tpu.memory_space<semaphore_mem>>) src(%arg21 : memref<128x64xf32, #tpu.memory_space<vmem>>) dst(%dma_wait3A_338 : memref<128x64xf32, #tpu.memory_space<hbm>>)
      tpu.yield
    }) : () -> ()
    %mul3A_40 = arith.constant 640 : i32
    %mul3A_41 = arith.muli %arg1, %mul3A_40 : i32
    %add3A_42 = arith.constant 384 : i32
    %add3A_43 = arith.addi %mul3A_41, %add3A_42 : i32
    "tpu.region"() ({
      %run_scoped3A = tpu.sem_alloc : memref<!tpu.dma_semaphore, #tpu.memory_space<semaphore_mem>>
      %dma_start3A = arith.constant 0 : i32
      %dma_start3A_329 = tpu.memref_slice %arg25[%add3A_43, %dma_start3A] : memref<10240x64xf32, #tpu.memory_space<vmem_shared>> -> memref<128x64xf32, #tpu.memory_space<vmem_shared>>
      %dma_start3A_330 = arith.constant 0 : i32
      %dma_start3A_331 = tpu.memref_slice %arg25[%add3A_43, %dma_start3A_330] : memref<10240x64xf32, #tpu.memory_space<vmem_shared>> -> memref<128x64xf32, #tpu.memory_space<vmem_shared>>
      tpu.enqueue_dma source(%dma_start3A_331 : memref<128x64xf32, #tpu.memory_space<vmem_shared>>) target(%arg21 : memref<128x64xf32, #tpu.memory_space<vmem>>) target_semaphore(%run_scoped3A : memref<!tpu.dma_semaphore, #tpu.memory_space<semaphore_mem>>)
      %dma_wait3A = arith.constant 0 : i32
      %dma_wait3A_332 = tpu.memref_slice %arg25[%add3A_43, %dma_wait3A] : memref<10240x64xf32, #tpu.memory_space<vmem_shared>> -> memref<128x64xf32, #tpu.memory_space<vmem_shared>>
      %dma_wait3A_333 = arith.constant 0 : i32
      %dma_wait3A_334 = tpu.memref_slice %arg25[%add3A_43, %dma_wait3A_333] : memref<10240x64xf32, #tpu.memory_space<vmem_shared>> -> memref<128x64xf32, #tpu.memory_space<vmem_shared>>
      tpu.wait_dma2 semaphore(%run_scoped3A : memref<!tpu.dma_semaphore, #tpu.memory_space<semaphore_mem>>) src(%dma_wait3A_334 : memref<128x64xf32, #tpu.memory_space<vmem_shared>>) dst(%arg21 : memref<128x64xf32, #tpu.memory_space<vmem>>)
      tpu.yield
    }) : () -> ()
    "tpu.region"() ({
      %run_scoped3A = tpu.sem_alloc : memref<!tpu.dma_semaphore, #tpu.memory_space<semaphore_mem>>
      %dma_start3A = arith.constant 0 : i32
      %dma_start3A_329 = tpu.memref_slice %arg13[%add3A_0, %add3A_43, %dma_start3A] : memref<4x10240x64xf32, #tpu.memory_space<hbm>> -> memref<1x128x64xf32, #tpu.memory_space<hbm>>
      %dma_start3A_330 = tpu.memref_squeeze %dma_start3A_329 : memref<1x128x64xf32, #tpu.memory_space<hbm>> -> memref<128x64xf32, #tpu.memory_space<hbm>>
      %dma_start3A_331 = arith.constant 0 : i32
      %dma_start3A_332 = tpu.memref_slice %arg13[%add3A_0, %add3A_43, %dma_start3A_331] : memref<4x10240x64xf32, #tpu.memory_space<hbm>> -> memref<1x128x64xf32, #tpu.memory_space<hbm>>
      %dma_start3A_333 = tpu.memref_squeeze %dma_start3A_332 : memref<1x128x64xf32, #tpu.memory_space<hbm>> -> memref<128x64xf32, #tpu.memory_space<hbm>>
      tpu.enqueue_dma source(%arg21 : memref<128x64xf32, #tpu.memory_space<vmem>>) target(%dma_start3A_333 : memref<128x64xf32, #tpu.memory_space<hbm>>) target_semaphore(%run_scoped3A : memref<!tpu.dma_semaphore, #tpu.memory_space<semaphore_mem>>)
      %dma_wait3A = arith.constant 0 : i32
      %dma_wait3A_334 = tpu.memref_slice %arg13[%add3A_0, %add3A_43, %dma_wait3A] : memref<4x10240x64xf32, #tpu.memory_space<hbm>> -> memref<1x128x64xf32, #tpu.memory_space<hbm>>
      %dma_wait3A_335 = tpu.memref_squeeze %dma_wait3A_334 : memref<1x128x64xf32, #tpu.memory_space<hbm>> -> memref<128x64xf32, #tpu.memory_space<hbm>>
      %dma_wait3A_336 = arith.constant 0 : i32
      %dma_wait3A_337 = tpu.memref_slice %arg13[%add3A_0, %add3A_43, %dma_wait3A_336] : memref<4x10240x64xf32, #tpu.memory_space<hbm>> -> memref<1x128x64xf32, #tpu.memory_space<hbm>>
      %dma_wait3A_338 = tpu.memref_squeeze %dma_wait3A_337 : memref<1x128x64xf32, #tpu.memory_space<hbm>> -> memref<128x64xf32, #tpu.memory_space<hbm>>
      tpu.wait_dma2 semaphore(%run_scoped3A : memref<!tpu.dma_semaphore, #tpu.memory_space<semaphore_mem>>) src(%arg21 : memref<128x64xf32, #tpu.memory_space<vmem>>) dst(%dma_wait3A_338 : memref<128x64xf32, #tpu.memory_space<hbm>>)
      tpu.yield
    }) : () -> ()
    %mul3A_44 = arith.constant 640 : i32
    %mul3A_45 = arith.muli %arg1, %mul3A_44 : i32
    %add3A_46 = arith.constant 512 : i32
    %add3A_47 = arith.addi %mul3A_45, %add3A_46 : i32
    "tpu.region"() ({
      %run_scoped3A = tpu.sem_alloc : memref<!tpu.dma_semaphore, #tpu.memory_space<semaphore_mem>>
      %dma_start3A = arith.constant 0 : i32
      %dma_start3A_329 = tpu.memref_slice %arg25[%add3A_47, %dma_start3A] : memref<10240x64xf32, #tpu.memory_space<vmem_shared>> -> memref<128x64xf32, #tpu.memory_space<vmem_shared>>
      %dma_start3A_330 = arith.constant 0 : i32
      %dma_start3A_331 = tpu.memref_slice %arg25[%add3A_47, %dma_start3A_330] : memref<10240x64xf32, #tpu.memory_space<vmem_shared>> -> memref<128x64xf32, #tpu.memory_space<vmem_shared>>
      tpu.enqueue_dma source(%dma_start3A_331 : memref<128x64xf32, #tpu.memory_space<vmem_shared>>) target(%arg21 : memref<128x64xf32, #tpu.memory_space<vmem>>) target_semaphore(%run_scoped3A : memref<!tpu.dma_semaphore, #tpu.memory_space<semaphore_mem>>)
      %dma_wait3A = arith.constant 0 : i32
      %dma_wait3A_332 = tpu.memref_slice %arg25[%add3A_47, %dma_wait3A] : memref<10240x64xf32, #tpu.memory_space<vmem_shared>> -> memref<128x64xf32, #tpu.memory_space<vmem_shared>>
      %dma_wait3A_333 = arith.constant 0 : i32
      %dma_wait3A_334 = tpu.memref_slice %arg25[%add3A_47, %dma_wait3A_333] : memref<10240x64xf32, #tpu.memory_space<vmem_shared>> -> memref<128x64xf32, #tpu.memory_space<vmem_shared>>
      tpu.wait_dma2 semaphore(%run_scoped3A : memref<!tpu.dma_semaphore, #tpu.memory_space<semaphore_mem>>) src(%dma_wait3A_334 : memref<128x64xf32, #tpu.memory_space<vmem_shared>>) dst(%arg21 : memref<128x64xf32, #tpu.memory_space<vmem>>)
      tpu.yield
    }) : () -> ()
    "tpu.region"() ({
      %run_scoped3A = tpu.sem_alloc : memref<!tpu.dma_semaphore, #tpu.memory_space<semaphore_mem>>
      %dma_start3A = arith.constant 0 : i32
      %dma_start3A_329 = tpu.memref_slice %arg13[%add3A_0, %add3A_47, %dma_start3A] : memref<4x10240x64xf32, #tpu.memory_space<hbm>> -> memref<1x128x64xf32, #tpu.memory_space<hbm>>
      %dma_start3A_330 = tpu.memref_squeeze %dma_start3A_329 : memref<1x128x64xf32, #tpu.memory_space<hbm>> -> memref<128x64xf32, #tpu.memory_space<hbm>>
      %dma_start3A_331 = arith.constant 0 : i32
      %dma_start3A_332 = tpu.memref_slice %arg13[%add3A_0, %add3A_47, %dma_start3A_331] : memref<4x10240x64xf32, #tpu.memory_space<hbm>> -> memref<1x128x64xf32, #tpu.memory_space<hbm>>
      %dma_start3A_333 = tpu.memref_squeeze %dma_start3A_332 : memref<1x128x64xf32, #tpu.memory_space<hbm>> -> memref<128x64xf32, #tpu.memory_space<hbm>>
      tpu.enqueue_dma source(%arg21 : memref<128x64xf32, #tpu.memory_space<vmem>>) target(%dma_start3A_333 : memref<128x64xf32, #tpu.memory_space<hbm>>) target_semaphore(%run_scoped3A : memref<!tpu.dma_semaphore, #tpu.memory_space<semaphore_mem>>)
      %dma_wait3A = arith.constant 0 : i32
      %dma_wait3A_334 = tpu.memref_slice %arg13[%add3A_0, %add3A_47, %dma_wait3A] : memref<4x10240x64xf32, #tpu.memory_space<hbm>> -> memref<1x128x64xf32, #tpu.memory_space<hbm>>
      %dma_wait3A_335 = tpu.memref_squeeze %dma_wait3A_334 : memref<1x128x64xf32, #tpu.memory_space<hbm>> -> memref<128x64xf32, #tpu.memory_space<hbm>>
      %dma_wait3A_336 = arith.constant 0 : i32
      %dma_wait3A_337 = tpu.memref_slice %arg13[%add3A_0, %add3A_47, %dma_wait3A_336] : memref<4x10240x64xf32, #tpu.memory_space<hbm>> -> memref<1x128x64xf32, #tpu.memory_space<hbm>>
      %dma_wait3A_338 = tpu.memref_squeeze %dma_wait3A_337 : memref<1x128x64xf32, #tpu.memory_space<hbm>> -> memref<128x64xf32, #tpu.memory_space<hbm>>
      tpu.wait_dma2 semaphore(%run_scoped3A : memref<!tpu.dma_semaphore, #tpu.memory_space<semaphore_mem>>) src(%arg21 : memref<128x64xf32, #tpu.memory_space<vmem>>) dst(%dma_wait3A_338 : memref<128x64xf32, #tpu.memory_space<hbm>>)
      tpu.yield
    }) : () -> ()
    %eq3A_48 = arith.constant 0 : i32
    %eq3A_49 = arith.cmpi eq, %arg0, %eq3A_48 : i32
    %convert_element_type3A_50 = arith.extui %eq3A_49 : i1 to i32
    %cond3A_51 = arith.constant 0 : i32
    %cond3A_52 = arith.cmpi ne, %convert_element_type3A_50, %cond3A_51 : i32
    scf.if %cond3A_52 {
      %mul3A_329 = arith.constant 640 : i32
      %mul3A_330 = arith.muli %arg1, %mul3A_329 : i32
      %add3A_331 = arith.constant 0 : i32
      %add3A_332 = arith.addi %mul3A_330, %add3A_331 : i32
      "tpu.region"() ({
        %run_scoped3A = tpu.sem_alloc : memref<!tpu.dma_semaphore, #tpu.memory_space<semaphore_mem>>
        %dma_start3A = arith.constant 0 : i32
        %dma_start3A_349 = tpu.memref_slice %arg26[%add3A_332, %dma_start3A] : memref<10240x16xf32, #tpu.memory_space<vmem_shared>> -> memref<128x16xf32, #tpu.memory_space<vmem_shared>>
        %dma_start3A_350 = arith.constant 0 : i32
        %dma_start3A_351 = tpu.memref_slice %arg26[%add3A_332, %dma_start3A_350] : memref<10240x16xf32, #tpu.memory_space<vmem_shared>> -> memref<128x16xf32, #tpu.memory_space<vmem_shared>>
        tpu.enqueue_dma source(%dma_start3A_351 : memref<128x16xf32, #tpu.memory_space<vmem_shared>>) target(%arg24 : memref<128x16xf32, #tpu.memory_space<vmem>>) target_semaphore(%run_scoped3A : memref<!tpu.dma_semaphore, #tpu.memory_space<semaphore_mem>>)
        %dma_wait3A = arith.constant 0 : i32
        %dma_wait3A_352 = tpu.memref_slice %arg26[%add3A_332, %dma_wait3A] : memref<10240x16xf32, #tpu.memory_space<vmem_shared>> -> memref<128x16xf32, #tpu.memory_space<vmem_shared>>
        %dma_wait3A_353 = arith.constant 0 : i32
        %dma_wait3A_354 = tpu.memref_slice %arg26[%add3A_332, %dma_wait3A_353] : memref<10240x16xf32, #tpu.memory_space<vmem_shared>> -> memref<128x16xf32, #tpu.memory_space<vmem_shared>>
        tpu.wait_dma2 semaphore(%run_scoped3A : memref<!tpu.dma_semaphore, #tpu.memory_space<semaphore_mem>>) src(%dma_wait3A_354 : memref<128x16xf32, #tpu.memory_space<vmem_shared>>) dst(%arg24 : memref<128x16xf32, #tpu.memory_space<vmem>>)
        tpu.yield
      }) : () -> ()
      "tpu.region"() ({
        %run_scoped3A = tpu.sem_alloc : memref<!tpu.dma_semaphore, #tpu.memory_space<semaphore_mem>>
        %dma_start3A = arith.constant 0 : i32
        %dma_start3A_349 = tpu.memref_slice %arg14[%add3A_332, %dma_start3A] : memref<10240x16xf32, #tpu.memory_space<hbm>> -> memref<128x16xf32, #tpu.memory_space<hbm>>
        %dma_start3A_350 = arith.constant 0 : i32
        %dma_start3A_351 = tpu.memref_slice %arg14[%add3A_332, %dma_start3A_350] : memref<10240x16xf32, #tpu.memory_space<hbm>> -> memref<128x16xf32, #tpu.memory_space<hbm>>
        tpu.enqueue_dma source(%arg24 : memref<128x16xf32, #tpu.memory_space<vmem>>) target(%dma_start3A_351 : memref<128x16xf32, #tpu.memory_space<hbm>>) target_semaphore(%run_scoped3A : memref<!tpu.dma_semaphore, #tpu.memory_space<semaphore_mem>>)
        %dma_wait3A = arith.constant 0 : i32
        %dma_wait3A_352 = tpu.memref_slice %arg14[%add3A_332, %dma_wait3A] : memref<10240x16xf32, #tpu.memory_space<hbm>> -> memref<128x16xf32, #tpu.memory_space<hbm>>
        %dma_wait3A_353 = arith.constant 0 : i32
        %dma_wait3A_354 = tpu.memref_slice %arg14[%add3A_332, %dma_wait3A_353] : memref<10240x16xf32, #tpu.memory_space<hbm>> -> memref<128x16xf32, #tpu.memory_space<hbm>>
        tpu.wait_dma2 semaphore(%run_scoped3A : memref<!tpu.dma_semaphore, #tpu.memory_space<semaphore_mem>>) src(%arg24 : memref<128x16xf32, #tpu.memory_space<vmem>>) dst(%dma_wait3A_354 : memref<128x16xf32, #tpu.memory_space<hbm>>)
        tpu.yield
      }) : () -> ()
      %mul3A_333 = arith.constant 640 : i32
      %mul3A_334 = arith.muli %arg1, %mul3A_333 : i32
      %add3A_335 = arith.constant 128 : i32
      %add3A_336 = arith.addi %mul3A_334, %add3A_335 : i32
      "tpu.region"() ({
        %run_scoped3A = tpu.sem_alloc : memref<!tpu.dma_semaphore, #tpu.memory_space<semaphore_mem>>
        %dma_start3A = arith.constant 0 : i32
        %dma_start3A_349 = tpu.memref_slice %arg26[%add3A_336, %dma_start3A] : memref<10240x16xf32, #tpu.memory_space<vmem_shared>> -> memref<128x16xf32, #tpu.memory_space<vmem_shared>>
        %dma_start3A_350 = arith.constant 0 : i32
        %dma_start3A_351 = tpu.memref_slice %arg26[%add3A_336, %dma_start3A_350] : memref<10240x16xf32, #tpu.memory_space<vmem_shared>> -> memref<128x16xf32, #tpu.memory_space<vmem_shared>>
        tpu.enqueue_dma source(%dma_start3A_351 : memref<128x16xf32, #tpu.memory_space<vmem_shared>>) target(%arg24 : memref<128x16xf32, #tpu.memory_space<vmem>>) target_semaphore(%run_scoped3A : memref<!tpu.dma_semaphore, #tpu.memory_space<semaphore_mem>>)
        %dma_wait3A = arith.constant 0 : i32
        %dma_wait3A_352 = tpu.memref_slice %arg26[%add3A_336, %dma_wait3A] : memref<10240x16xf32, #tpu.memory_space<vmem_shared>> -> memref<128x16xf32, #tpu.memory_space<vmem_shared>>
        %dma_wait3A_353 = arith.constant 0 : i32
        %dma_wait3A_354 = tpu.memref_slice %arg26[%add3A_336, %dma_wait3A_353] : memref<10240x16xf32, #tpu.memory_space<vmem_shared>> -> memref<128x16xf32, #tpu.memory_space<vmem_shared>>
        tpu.wait_dma2 semaphore(%run_scoped3A : memref<!tpu.dma_semaphore, #tpu.memory_space<semaphore_mem>>) src(%dma_wait3A_354 : memref<128x16xf32, #tpu.memory_space<vmem_shared>>) dst(%arg24 : memref<128x16xf32, #tpu.memory_space<vmem>>)
        tpu.yield
      }) : () -> ()
      "tpu.region"() ({
        %run_scoped3A = tpu.sem_alloc : memref<!tpu.dma_semaphore, #tpu.memory_space<semaphore_mem>>
        %dma_start3A = arith.constant 0 : i32
        %dma_start3A_349 = tpu.memref_slice %arg14[%add3A_336, %dma_start3A] : memref<10240x16xf32, #tpu.memory_space<hbm>> -> memref<128x16xf32, #tpu.memory_space<hbm>>
        %dma_start3A_350 = arith.constant 0 : i32
        %dma_start3A_351 = tpu.memref_slice %arg14[%add3A_336, %dma_start3A_350] : memref<10240x16xf32, #tpu.memory_space<hbm>> -> memref<128x16xf32, #tpu.memory_space<hbm>>
        tpu.enqueue_dma source(%arg24 : memref<128x16xf32, #tpu.memory_space<vmem>>) target(%dma_start3A_351 : memref<128x16xf32, #tpu.memory_space<hbm>>) target_semaphore(%run_scoped3A : memref<!tpu.dma_semaphore, #tpu.memory_space<semaphore_mem>>)
        %dma_wait3A = arith.constant 0 : i32
        %dma_wait3A_352 = tpu.memref_slice %arg14[%add3A_336, %dma_wait3A] : memref<10240x16xf32, #tpu.memory_space<hbm>> -> memref<128x16xf32, #tpu.memory_space<hbm>>
        %dma_wait3A_353 = arith.constant 0 : i32
        %dma_wait3A_354 = tpu.memref_slice %arg14[%add3A_336, %dma_wait3A_353] : memref<10240x16xf32, #tpu.memory_space<hbm>> -> memref<128x16xf32, #tpu.memory_space<hbm>>
        tpu.wait_dma2 semaphore(%run_scoped3A : memref<!tpu.dma_semaphore, #tpu.memory_space<semaphore_mem>>) src(%arg24 : memref<128x16xf32, #tpu.memory_space<vmem>>) dst(%dma_wait3A_354 : memref<128x16xf32, #tpu.memory_space<hbm>>)
        tpu.yield
      }) : () -> ()
      %mul3A_337 = arith.constant 640 : i32
      %mul3A_338 = arith.muli %arg1, %mul3A_337 : i32
      %add3A_339 = arith.constant 256 : i32
      %add3A_340 = arith.addi %mul3A_338, %add3A_339 : i32
      "tpu.region"() ({
        %run_scoped3A = tpu.sem_alloc : memref<!tpu.dma_semaphore, #tpu.memory_space<semaphore_mem>>
        %dma_start3A = arith.constant 0 : i32
        %dma_start3A_349 = tpu.memref_slice %arg26[%add3A_340, %dma_start3A] : memref<10240x16xf32, #tpu.memory_space<vmem_shared>> -> memref<128x16xf32, #tpu.memory_space<vmem_shared>>
        %dma_start3A_350 = arith.constant 0 : i32
        %dma_start3A_351 = tpu.memref_slice %arg26[%add3A_340, %dma_start3A_350] : memref<10240x16xf32, #tpu.memory_space<vmem_shared>> -> memref<128x16xf32, #tpu.memory_space<vmem_shared>>
        tpu.enqueue_dma source(%dma_start3A_351 : memref<128x16xf32, #tpu.memory_space<vmem_shared>>) target(%arg24 : memref<128x16xf32, #tpu.memory_space<vmem>>) target_semaphore(%run_scoped3A : memref<!tpu.dma_semaphore, #tpu.memory_space<semaphore_mem>>)
        %dma_wait3A = arith.constant 0 : i32
        %dma_wait3A_352 = tpu.memref_slice %arg26[%add3A_340, %dma_wait3A] : memref<10240x16xf32, #tpu.memory_space<vmem_shared>> -> memref<128x16xf32, #tpu.memory_space<vmem_shared>>
        %dma_wait3A_353 = arith.constant 0 : i32
        %dma_wait3A_354 = tpu.memref_slice %arg26[%add3A_340, %dma_wait3A_353] : memref<10240x16xf32, #tpu.memory_space<vmem_shared>> -> memref<128x16xf32, #tpu.memory_space<vmem_shared>>
        tpu.wait_dma2 semaphore(%run_scoped3A : memref<!tpu.dma_semaphore, #tpu.memory_space<semaphore_mem>>) src(%dma_wait3A_354 : memref<128x16xf32, #tpu.memory_space<vmem_shared>>) dst(%arg24 : memref<128x16xf32, #tpu.memory_space<vmem>>)
        tpu.yield
      }) : () -> ()
      "tpu.region"() ({
        %run_scoped3A = tpu.sem_alloc : memref<!tpu.dma_semaphore, #tpu.memory_space<semaphore_mem>>
        %dma_start3A = arith.constant 0 : i32
        %dma_start3A_349 = tpu.memref_slice %arg14[%add3A_340, %dma_start3A] : memref<10240x16xf32, #tpu.memory_space<hbm>> -> memref<128x16xf32, #tpu.memory_space<hbm>>
        %dma_start3A_350 = arith.constant 0 : i32
        %dma_start3A_351 = tpu.memref_slice %arg14[%add3A_340, %dma_start3A_350] : memref<10240x16xf32, #tpu.memory_space<hbm>> -> memref<128x16xf32, #tpu.memory_space<hbm>>
        tpu.enqueue_dma source(%arg24 : memref<128x16xf32, #tpu.memory_space<vmem>>) target(%dma_start3A_351 : memref<128x16xf32, #tpu.memory_space<hbm>>) target_semaphore(%run_scoped3A : memref<!tpu.dma_semaphore, #tpu.memory_space<semaphore_mem>>)
        %dma_wait3A = arith.constant 0 : i32
        %dma_wait3A_352 = tpu.memref_slice %arg14[%add3A_340, %dma_wait3A] : memref<10240x16xf32, #tpu.memory_space<hbm>> -> memref<128x16xf32, #tpu.memory_space<hbm>>
        %dma_wait3A_353 = arith.constant 0 : i32
        %dma_wait3A_354 = tpu.memref_slice %arg14[%add3A_340, %dma_wait3A_353] : memref<10240x16xf32, #tpu.memory_space<hbm>> -> memref<128x16xf32, #tpu.memory_space<hbm>>
        tpu.wait_dma2 semaphore(%run_scoped3A : memref<!tpu.dma_semaphore, #tpu.memory_space<semaphore_mem>>) src(%arg24 : memref<128x16xf32, #tpu.memory_space<vmem>>) dst(%dma_wait3A_354 : memref<128x16xf32, #tpu.memory_space<hbm>>)
        tpu.yield
      }) : () -> ()
      %mul3A_341 = arith.constant 640 : i32
      %mul3A_342 = arith.muli %arg1, %mul3A_341 : i32
      %add3A_343 = arith.constant 384 : i32
      %add3A_344 = arith.addi %mul3A_342, %add3A_343 : i32
      "tpu.region"() ({
        %run_scoped3A = tpu.sem_alloc : memref<!tpu.dma_semaphore, #tpu.memory_space<semaphore_mem>>
        %dma_start3A = arith.constant 0 : i32
        %dma_start3A_349 = tpu.memref_slice %arg26[%add3A_344, %dma_start3A] : memref<10240x16xf32, #tpu.memory_space<vmem_shared>> -> memref<128x16xf32, #tpu.memory_space<vmem_shared>>
        %dma_start3A_350 = arith.constant 0 : i32
        %dma_start3A_351 = tpu.memref_slice %arg26[%add3A_344, %dma_start3A_350] : memref<10240x16xf32, #tpu.memory_space<vmem_shared>> -> memref<128x16xf32, #tpu.memory_space<vmem_shared>>
        tpu.enqueue_dma source(%dma_start3A_351 : memref<128x16xf32, #tpu.memory_space<vmem_shared>>) target(%arg24 : memref<128x16xf32, #tpu.memory_space<vmem>>) target_semaphore(%run_scoped3A : memref<!tpu.dma_semaphore, #tpu.memory_space<semaphore_mem>>)
        %dma_wait3A = arith.constant 0 : i32
        %dma_wait3A_352 = tpu.memref_slice %arg26[%add3A_344, %dma_wait3A] : memref<10240x16xf32, #tpu.memory_space<vmem_shared>> -> memref<128x16xf32, #tpu.memory_space<vmem_shared>>
        %dma_wait3A_353 = arith.constant 0 : i32
        %dma_wait3A_354 = tpu.memref_slice %arg26[%add3A_344, %dma_wait3A_353] : memref<10240x16xf32, #tpu.memory_space<vmem_shared>> -> memref<128x16xf32, #tpu.memory_space<vmem_shared>>
        tpu.wait_dma2 semaphore(%run_scoped3A : memref<!tpu.dma_semaphore, #tpu.memory_space<semaphore_mem>>) src(%dma_wait3A_354 : memref<128x16xf32, #tpu.memory_space<vmem_shared>>) dst(%arg24 : memref<128x16xf32, #tpu.memory_space<vmem>>)
        tpu.yield
      }) : () -> ()
      "tpu.region"() ({
        %run_scoped3A = tpu.sem_alloc : memref<!tpu.dma_semaphore, #tpu.memory_space<semaphore_mem>>
        %dma_start3A = arith.constant 0 : i32
        %dma_start3A_349 = tpu.memref_slice %arg14[%add3A_344, %dma_start3A] : memref<10240x16xf32, #tpu.memory_space<hbm>> -> memref<128x16xf32, #tpu.memory_space<hbm>>
        %dma_start3A_350 = arith.constant 0 : i32
        %dma_start3A_351 = tpu.memref_slice %arg14[%add3A_344, %dma_start3A_350] : memref<10240x16xf32, #tpu.memory_space<hbm>> -> memref<128x16xf32, #tpu.memory_space<hbm>>
        tpu.enqueue_dma source(%arg24 : memref<128x16xf32, #tpu.memory_space<vmem>>) target(%dma_start3A_351 : memref<128x16xf32, #tpu.memory_space<hbm>>) target_semaphore(%run_scoped3A : memref<!tpu.dma_semaphore, #tpu.memory_space<semaphore_mem>>)
        %dma_wait3A = arith.constant 0 : i32
        %dma_wait3A_352 = tpu.memref_slice %arg14[%add3A_344, %dma_wait3A] : memref<10240x16xf32, #tpu.memory_space<hbm>> -> memref<128x16xf32, #tpu.memory_space<hbm>>
        %dma_wait3A_353 = arith.constant 0 : i32
        %dma_wait3A_354 = tpu.memref_slice %arg14[%add3A_344, %dma_wait3A_353] : memref<10240x16xf32, #tpu.memory_space<hbm>> -> memref<128x16xf32, #tpu.memory_space<hbm>>
        tpu.wait_dma2 semaphore(%run_scoped3A : memref<!tpu.dma_semaphore, #tpu.memory_space<semaphore_mem>>) src(%arg24 : memref<128x16xf32, #tpu.memory_space<vmem>>) dst(%dma_wait3A_354 : memref<128x16xf32, #tpu.memory_space<hbm>>)
        tpu.yield
      }) : () -> ()
      %mul3A_345 = arith.constant 640 : i32
      %mul3A_346 = arith.muli %arg1, %mul3A_345 : i32
      %add3A_347 = arith.constant 512 : i32
      %add3A_348 = arith.addi %mul3A_346, %add3A_347 : i32
      "tpu.region"() ({
        %run_scoped3A = tpu.sem_alloc : memref<!tpu.dma_semaphore, #tpu.memory_space<semaphore_mem>>
        %dma_start3A = arith.constant 0 : i32
        %dma_start3A_349 = tpu.memref_slice %arg26[%add3A_348, %dma_start3A] : memref<10240x16xf32, #tpu.memory_space<vmem_shared>> -> memref<128x16xf32, #tpu.memory_space<vmem_shared>>
        %dma_start3A_350 = arith.constant 0 : i32
        %dma_start3A_351 = tpu.memref_slice %arg26[%add3A_348, %dma_start3A_350] : memref<10240x16xf32, #tpu.memory_space<vmem_shared>> -> memref<128x16xf32, #tpu.memory_space<vmem_shared>>
        tpu.enqueue_dma source(%dma_start3A_351 : memref<128x16xf32, #tpu.memory_space<vmem_shared>>) target(%arg24 : memref<128x16xf32, #tpu.memory_space<vmem>>) target_semaphore(%run_scoped3A : memref<!tpu.dma_semaphore, #tpu.memory_space<semaphore_mem>>)
        %dma_wait3A = arith.constant 0 : i32
        %dma_wait3A_352 = tpu.memref_slice %arg26[%add3A_348, %dma_wait3A] : memref<10240x16xf32, #tpu.memory_space<vmem_shared>> -> memref<128x16xf32, #tpu.memory_space<vmem_shared>>
        %dma_wait3A_353 = arith.constant 0 : i32
        %dma_wait3A_354 = tpu.memref_slice %arg26[%add3A_348, %dma_wait3A_353] : memref<10240x16xf32, #tpu.memory_space<vmem_shared>> -> memref<128x16xf32, #tpu.memory_space<vmem_shared>>
        tpu.wait_dma2 semaphore(%run_scoped3A : memref<!tpu.dma_semaphore, #tpu.memory_space<semaphore_mem>>) src(%dma_wait3A_354 : memref<128x16xf32, #tpu.memory_space<vmem_shared>>) dst(%arg24 : memref<128x16xf32, #tpu.memory_space<vmem>>)
        tpu.yield
      }) : () -> ()
      "tpu.region"() ({
        %run_scoped3A = tpu.sem_alloc : memref<!tpu.dma_semaphore, #tpu.memory_space<semaphore_mem>>
        %dma_start3A = arith.constant 0 : i32
        %dma_start3A_349 = tpu.memref_slice %arg14[%add3A_348, %dma_start3A] : memref<10240x16xf32, #tpu.memory_space<hbm>> -> memref<128x16xf32, #tpu.memory_space<hbm>>
        %dma_start3A_350 = arith.constant 0 : i32
        %dma_start3A_351 = tpu.memref_slice %arg14[%add3A_348, %dma_start3A_350] : memref<10240x16xf32, #tpu.memory_space<hbm>> -> memref<128x16xf32, #tpu.memory_space<hbm>>
        tpu.enqueue_dma source(%arg24 : memref<128x16xf32, #tpu.memory_space<vmem>>) target(%dma_start3A_351 : memref<128x16xf32, #tpu.memory_space<hbm>>) target_semaphore(%run_scoped3A : memref<!tpu.dma_semaphore, #tpu.memory_space<semaphore_mem>>)
        %dma_wait3A = arith.constant 0 : i32
        %dma_wait3A_352 = tpu.memref_slice %arg14[%add3A_348, %dma_wait3A] : memref<10240x16xf32, #tpu.memory_space<hbm>> -> memref<128x16xf32, #tpu.memory_space<hbm>>
        %dma_wait3A_353 = arith.constant 0 : i32
        %dma_wait3A_354 = tpu.memref_slice %arg14[%add3A_348, %dma_wait3A_353] : memref<10240x16xf32, #tpu.memory_space<hbm>> -> memref<128x16xf32, #tpu.memory_space<hbm>>
        tpu.wait_dma2 semaphore(%run_scoped3A : memref<!tpu.dma_semaphore, #tpu.memory_space<semaphore_mem>>) src(%arg24 : memref<128x16xf32, #tpu.memory_space<vmem>>) dst(%dma_wait3A_354 : memref<128x16xf32, #tpu.memory_space<hbm>>)
        tpu.yield
      }) : () -> ()
    } else {
    }
    %barrier3A_53 = arith.constant 0 : index
    tpu.barrier barrier_id(%barrier3A_53)
    %add3A_54 = arith.constant 2 : i32
    %add3A_55 = arith.addi %add3A_54, %arg0 : i32
    %mul3A_56 = arith.constant 640 : i32
    %mul3A_57 = arith.muli %arg1, %mul3A_56 : i32
    %add3A_58 = arith.constant 0 : i32
    %add3A_59 = arith.addi %mul3A_57, %add3A_58 : i32
    "tpu.region"() ({
      %run_scoped3A = tpu.sem_alloc : memref<!tpu.dma_semaphore, #tpu.memory_space<semaphore_mem>>
      %dma_start3A = arith.constant 0 : i32
      %dma_start3A_329 = tpu.memref_slice %arg25[%add3A_59, %dma_start3A] : memref<10240x64xf32, #tpu.memory_space<vmem_shared>> -> memref<128x64xf32, #tpu.memory_space<vmem_shared>>
      %dma_start3A_330 = arith.constant 0 : i32
      %dma_start3A_331 = tpu.memref_slice %arg25[%add3A_59, %dma_start3A_330] : memref<10240x64xf32, #tpu.memory_space<vmem_shared>> -> memref<128x64xf32, #tpu.memory_space<vmem_shared>>
      tpu.enqueue_dma source(%arg23 : memref<128x64xf32, #tpu.memory_space<vmem>>) target(%dma_start3A_331 : memref<128x64xf32, #tpu.memory_space<vmem_shared>>) target_semaphore(%run_scoped3A : memref<!tpu.dma_semaphore, #tpu.memory_space<semaphore_mem>>)
      %dma_wait3A = arith.constant 0 : i32
      %dma_wait3A_332 = tpu.memref_slice %arg25[%add3A_59, %dma_wait3A] : memref<10240x64xf32, #tpu.memory_space<vmem_shared>> -> memref<128x64xf32, #tpu.memory_space<vmem_shared>>
      %dma_wait3A_333 = arith.constant 0 : i32
      %dma_wait3A_334 = tpu.memref_slice %arg25[%add3A_59, %dma_wait3A_333] : memref<10240x64xf32, #tpu.memory_space<vmem_shared>> -> memref<128x64xf32, #tpu.memory_space<vmem_shared>>
      tpu.wait_dma2 semaphore(%run_scoped3A : memref<!tpu.dma_semaphore, #tpu.memory_space<semaphore_mem>>) src(%arg23 : memref<128x64xf32, #tpu.memory_space<vmem>>) dst(%dma_wait3A_334 : memref<128x64xf32, #tpu.memory_space<vmem_shared>>)
      tpu.yield
    }) : () -> ()
    %mul3A_60 = arith.constant 640 : i32
    %mul3A_61 = arith.muli %arg1, %mul3A_60 : i32
    %add3A_62 = arith.constant 128 : i32
    %add3A_63 = arith.addi %mul3A_61, %add3A_62 : i32
    "tpu.region"() ({
      %run_scoped3A = tpu.sem_alloc : memref<!tpu.dma_semaphore, #tpu.memory_space<semaphore_mem>>
      %dma_start3A = arith.constant 0 : i32
      %dma_start3A_329 = tpu.memref_slice %arg25[%add3A_63, %dma_start3A] : memref<10240x64xf32, #tpu.memory_space<vmem_shared>> -> memref<128x64xf32, #tpu.memory_space<vmem_shared>>
      %dma_start3A_330 = arith.constant 0 : i32
      %dma_start3A_331 = tpu.memref_slice %arg25[%add3A_63, %dma_start3A_330] : memref<10240x64xf32, #tpu.memory_space<vmem_shared>> -> memref<128x64xf32, #tpu.memory_space<vmem_shared>>
      tpu.enqueue_dma source(%arg23 : memref<128x64xf32, #tpu.memory_space<vmem>>) target(%dma_start3A_331 : memref<128x64xf32, #tpu.memory_space<vmem_shared>>) target_semaphore(%run_scoped3A : memref<!tpu.dma_semaphore, #tpu.memory_space<semaphore_mem>>)
      %dma_wait3A = arith.constant 0 : i32
      %dma_wait3A_332 = tpu.memref_slice %arg25[%add3A_63, %dma_wait3A] : memref<10240x64xf32, #tpu.memory_space<vmem_shared>> -> memref<128x64xf32, #tpu.memory_space<vmem_shared>>
      %dma_wait3A_333 = arith.constant 0 : i32
      %dma_wait3A_334 = tpu.memref_slice %arg25[%add3A_63, %dma_wait3A_333] : memref<10240x64xf32, #tpu.memory_space<vmem_shared>> -> memref<128x64xf32, #tpu.memory_space<vmem_shared>>
      tpu.wait_dma2 semaphore(%run_scoped3A : memref<!tpu.dma_semaphore, #tpu.memory_space<semaphore_mem>>) src(%arg23 : memref<128x64xf32, #tpu.memory_space<vmem>>) dst(%dma_wait3A_334 : memref<128x64xf32, #tpu.memory_space<vmem_shared>>)
      tpu.yield
    }) : () -> ()
    %mul3A_64 = arith.constant 640 : i32
    %mul3A_65 = arith.muli %arg1, %mul3A_64 : i32
    %add3A_66 = arith.constant 256 : i32
    %add3A_67 = arith.addi %mul3A_65, %add3A_66 : i32
    "tpu.region"() ({
      %run_scoped3A = tpu.sem_alloc : memref<!tpu.dma_semaphore, #tpu.memory_space<semaphore_mem>>
      %dma_start3A = arith.constant 0 : i32
      %dma_start3A_329 = tpu.memref_slice %arg25[%add3A_67, %dma_start3A] : memref<10240x64xf32, #tpu.memory_space<vmem_shared>> -> memref<128x64xf32, #tpu.memory_space<vmem_shared>>
      %dma_start3A_330 = arith.constant 0 : i32
      %dma_start3A_331 = tpu.memref_slice %arg25[%add3A_67, %dma_start3A_330] : memref<10240x64xf32, #tpu.memory_space<vmem_shared>> -> memref<128x64xf32, #tpu.memory_space<vmem_shared>>
      tpu.enqueue_dma source(%arg23 : memref<128x64xf32, #tpu.memory_space<vmem>>) target(%dma_start3A_331 : memref<128x64xf32, #tpu.memory_space<vmem_shared>>) target_semaphore(%run_scoped3A : memref<!tpu.dma_semaphore, #tpu.memory_space<semaphore_mem>>)
      %dma_wait3A = arith.constant 0 : i32
      %dma_wait3A_332 = tpu.memref_slice %arg25[%add3A_67, %dma_wait3A] : memref<10240x64xf32, #tpu.memory_space<vmem_shared>> -> memref<128x64xf32, #tpu.memory_space<vmem_shared>>
      %dma_wait3A_333 = arith.constant 0 : i32
      %dma_wait3A_334 = tpu.memref_slice %arg25[%add3A_67, %dma_wait3A_333] : memref<10240x64xf32, #tpu.memory_space<vmem_shared>> -> memref<128x64xf32, #tpu.memory_space<vmem_shared>>
      tpu.wait_dma2 semaphore(%run_scoped3A : memref<!tpu.dma_semaphore, #tpu.memory_space<semaphore_mem>>) src(%arg23 : memref<128x64xf32, #tpu.memory_space<vmem>>) dst(%dma_wait3A_334 : memref<128x64xf32, #tpu.memory_space<vmem_shared>>)
      tpu.yield
    }) : () -> ()
    %mul3A_68 = arith.constant 640 : i32
    %mul3A_69 = arith.muli %arg1, %mul3A_68 : i32
    %add3A_70 = arith.constant 384 : i32
    %add3A_71 = arith.addi %mul3A_69, %add3A_70 : i32
    "tpu.region"() ({
      %run_scoped3A = tpu.sem_alloc : memref<!tpu.dma_semaphore, #tpu.memory_space<semaphore_mem>>
      %dma_start3A = arith.constant 0 : i32
      %dma_start3A_329 = tpu.memref_slice %arg25[%add3A_71, %dma_start3A] : memref<10240x64xf32, #tpu.memory_space<vmem_shared>> -> memref<128x64xf32, #tpu.memory_space<vmem_shared>>
      %dma_start3A_330 = arith.constant 0 : i32
      %dma_start3A_331 = tpu.memref_slice %arg25[%add3A_71, %dma_start3A_330] : memref<10240x64xf32, #tpu.memory_space<vmem_shared>> -> memref<128x64xf32, #tpu.memory_space<vmem_shared>>
      tpu.enqueue_dma source(%arg23 : memref<128x64xf32, #tpu.memory_space<vmem>>) target(%dma_start3A_331 : memref<128x64xf32, #tpu.memory_space<vmem_shared>>) target_semaphore(%run_scoped3A : memref<!tpu.dma_semaphore, #tpu.memory_space<semaphore_mem>>)
      %dma_wait3A = arith.constant 0 : i32
      %dma_wait3A_332 = tpu.memref_slice %arg25[%add3A_71, %dma_wait3A] : memref<10240x64xf32, #tpu.memory_space<vmem_shared>> -> memref<128x64xf32, #tpu.memory_space<vmem_shared>>
      %dma_wait3A_333 = arith.constant 0 : i32
      %dma_wait3A_334 = tpu.memref_slice %arg25[%add3A_71, %dma_wait3A_333] : memref<10240x64xf32, #tpu.memory_space<vmem_shared>> -> memref<128x64xf32, #tpu.memory_space<vmem_shared>>
      tpu.wait_dma2 semaphore(%run_scoped3A : memref<!tpu.dma_semaphore, #tpu.memory_space<semaphore_mem>>) src(%arg23 : memref<128x64xf32, #tpu.memory_space<vmem>>) dst(%dma_wait3A_334 : memref<128x64xf32, #tpu.memory_space<vmem_shared>>)
      tpu.yield
    }) : () -> ()
    %mul3A_72 = arith.constant 640 : i32
    %mul3A_73 = arith.muli %arg1, %mul3A_72 : i32
    %add3A_74 = arith.constant 512 : i32
    %add3A_75 = arith.addi %mul3A_73, %add3A_74 : i32
    "tpu.region"() ({
      %run_scoped3A = tpu.sem_alloc : memref<!tpu.dma_semaphore, #tpu.memory_space<semaphore_mem>>
      %dma_start3A = arith.constant 0 : i32
      %dma_start3A_329 = tpu.memref_slice %arg25[%add3A_75, %dma_start3A] : memref<10240x64xf32, #tpu.memory_space<vmem_shared>> -> memref<128x64xf32, #tpu.memory_space<vmem_shared>>
      %dma_start3A_330 = arith.constant 0 : i32
      %dma_start3A_331 = tpu.memref_slice %arg25[%add3A_75, %dma_start3A_330] : memref<10240x64xf32, #tpu.memory_space<vmem_shared>> -> memref<128x64xf32, #tpu.memory_space<vmem_shared>>
      tpu.enqueue_dma source(%arg23 : memref<128x64xf32, #tpu.memory_space<vmem>>) target(%dma_start3A_331 : memref<128x64xf32, #tpu.memory_space<vmem_shared>>) target_semaphore(%run_scoped3A : memref<!tpu.dma_semaphore, #tpu.memory_space<semaphore_mem>>)
      %dma_wait3A = arith.constant 0 : i32
      %dma_wait3A_332 = tpu.memref_slice %arg25[%add3A_75, %dma_wait3A] : memref<10240x64xf32, #tpu.memory_space<vmem_shared>> -> memref<128x64xf32, #tpu.memory_space<vmem_shared>>
      %dma_wait3A_333 = arith.constant 0 : i32
      %dma_wait3A_334 = tpu.memref_slice %arg25[%add3A_75, %dma_wait3A_333] : memref<10240x64xf32, #tpu.memory_space<vmem_shared>> -> memref<128x64xf32, #tpu.memory_space<vmem_shared>>
      tpu.wait_dma2 semaphore(%run_scoped3A : memref<!tpu.dma_semaphore, #tpu.memory_space<semaphore_mem>>) src(%arg23 : memref<128x64xf32, #tpu.memory_space<vmem>>) dst(%dma_wait3A_334 : memref<128x64xf32, #tpu.memory_space<vmem_shared>>)
      tpu.yield
    }) : () -> ()
    %barrier3A_76 = arith.constant 0 : index
    tpu.barrier barrier_id(%barrier3A_76)
    "tpu.region"() ({
      %run_scoped3A = tpu.sem_alloc : memref<!tpu.dma_semaphore, #tpu.memory_space<semaphore_mem>>
      %dma_start3A = arith.constant 0 : i32
      %dma_start3A_329 = arith.constant 0 : i32
      %dma_start3A_330 = tpu.memref_slice %arg4[%add3A_55, %arg1, %dma_start3A, %dma_start3A_329] : memref<4x16x79x128xi32, #tpu.memory_space<hbm>> -> memref<1x1x79x128xi32, #tpu.memory_space<hbm>>
      %dma_start3A_331 = tpu.memref_squeeze %dma_start3A_330 : memref<1x1x79x128xi32, #tpu.memory_space<hbm>> -> memref<79x128xi32, #tpu.memory_space<hbm>>
      %dma_start3A_332 = arith.constant 0 : i32
      %dma_start3A_333 = arith.constant 0 : i32
      %dma_start3A_334 = tpu.memref_slice %arg4[%add3A_55, %arg1, %dma_start3A_332, %dma_start3A_333] : memref<4x16x79x128xi32, #tpu.memory_space<hbm>> -> memref<1x1x79x128xi32, #tpu.memory_space<hbm>>
      %dma_start3A_335 = tpu.memref_squeeze %dma_start3A_334 : memref<1x1x79x128xi32, #tpu.memory_space<hbm>> -> memref<79x128xi32, #tpu.memory_space<hbm>>
      tpu.enqueue_dma source(%dma_start3A_335 : memref<79x128xi32, #tpu.memory_space<hbm>>) target(%arg19 : memref<79x128xi32, #tpu.memory_space<vmem>>) target_semaphore(%run_scoped3A : memref<!tpu.dma_semaphore, #tpu.memory_space<semaphore_mem>>)
      %dma_wait3A = arith.constant 0 : i32
      %dma_wait3A_336 = arith.constant 0 : i32
      %dma_wait3A_337 = tpu.memref_slice %arg4[%add3A_55, %arg1, %dma_wait3A, %dma_wait3A_336] : memref<4x16x79x128xi32, #tpu.memory_space<hbm>> -> memref<1x1x79x128xi32, #tpu.memory_space<hbm>>
      %dma_wait3A_338 = tpu.memref_squeeze %dma_wait3A_337 : memref<1x1x79x128xi32, #tpu.memory_space<hbm>> -> memref<79x128xi32, #tpu.memory_space<hbm>>
      %dma_wait3A_339 = arith.constant 0 : i32
      %dma_wait3A_340 = arith.constant 0 : i32
      %dma_wait3A_341 = tpu.memref_slice %arg4[%add3A_55, %arg1, %dma_wait3A_339, %dma_wait3A_340] : memref<4x16x79x128xi32, #tpu.memory_space<hbm>> -> memref<1x1x79x128xi32, #tpu.memory_space<hbm>>
      %dma_wait3A_342 = tpu.memref_squeeze %dma_wait3A_341 : memref<1x1x79x128xi32, #tpu.memory_space<hbm>> -> memref<79x128xi32, #tpu.memory_space<hbm>>
      tpu.wait_dma2 semaphore(%run_scoped3A : memref<!tpu.dma_semaphore, #tpu.memory_space<semaphore_mem>>) src(%dma_wait3A_342 : memref<79x128xi32, #tpu.memory_space<hbm>>) dst(%arg19 : memref<79x128xi32, #tpu.memory_space<vmem>>)
      tpu.yield
    }) : () -> ()
    %scan3A_77 = arith.constant 0 : i32
    %scan3A_78 = arith.constant 0 : i32
    %scan3A_79 = arith.constant 79 : i32
    %scan3A_80 = arith.addi %scan3A_78, %scan3A_79 : i32
    %scan3A_81 = arith.constant 1 : i32
    scf.for %scan3A_329 = %scan3A_78 to %scan3A_80 step %scan3A_81  : i32 {
      %dma_start3A = arith.constant 0 : i32
      %dma_start3A_330 = tpu.memref_slice %arg19[%scan3A_329, %dma_start3A] : memref<79x128xi32, #tpu.memory_space<vmem>> -> memref<1x128xi32, #tpu.memory_space<vmem>>
      %dma_start3A_331 = tpu.memref_squeeze %dma_start3A_330 : memref<1x128xi32, #tpu.memory_space<vmem>> -> memref<128xi32, #tpu.memory_space<vmem>>
      %dma_start3A_332 = arith.constant 0 : i32
      %dma_start3A_333 = arith.constant 0 : i32
      %dma_start3A_334 = tpu.memref_slice %arg2[%dma_start3A_332, %dma_start3A_333] : memref<40000x64xf32, #tpu.memory_space<hbm>> -> memref<40000x64xf32, #tpu.memory_space<hbm>>
      tpu.enqueue_indirect_dma source(%dma_start3A_334 : memref<40000x64xf32, #tpu.memory_space<hbm>>) target(%arg21 : memref<128x64xf32, #tpu.memory_space<vmem>>) offsets(%dma_start3A_331 : memref<128xi32, #tpu.memory_space<vmem>>) semaphore(%arg27 : memref<!tpu.dma_semaphore, #tpu.memory_space<semaphore_mem>>)
      %dma_wait3A = arith.constant 0 : i32
      %dma_wait3A_335 = tpu.memref_slice %arg19[%scan3A_329, %dma_wait3A] : memref<79x128xi32, #tpu.memory_space<vmem>> -> memref<1x128xi32, #tpu.memory_space<vmem>>
      %dma_wait3A_336 = tpu.memref_squeeze %dma_wait3A_335 : memref<1x128xi32, #tpu.memory_space<vmem>> -> memref<128xi32, #tpu.memory_space<vmem>>
      %dma_wait3A_337 = arith.constant 0 : i32
      %dma_wait3A_338 = arith.constant 0 : i32
      %dma_wait3A_339 = tpu.memref_slice %arg2[%dma_wait3A_337, %dma_wait3A_338] : memref<40000x64xf32, #tpu.memory_space<hbm>> -> memref<40000x64xf32, #tpu.memory_space<hbm>>
      tpu.wait_indirect_dma semaphore(%arg27 : memref<!tpu.dma_semaphore, #tpu.memory_space<semaphore_mem>>) src(%dma_wait3A_339 : memref<40000x64xf32, #tpu.memory_space<hbm>>) dst(%arg21 : memref<128x64xf32, #tpu.memory_space<vmem>>)
      "tpu.region"() ({
        %run_scoped3A = tpu.sem_alloc : memref<!tpu.dma_semaphore, #tpu.memory_space<semaphore_mem>>
        %dma_start3A_340 = arith.constant 0 : i32
        %dma_start3A_341 = tpu.memref_slice %arg20[%scan3A_329, %dma_start3A_340] : memref<79x128xi32, #tpu.memory_space<vmem>> -> memref<1x128xi32, #tpu.memory_space<vmem>>
        %dma_start3A_342 = tpu.memref_squeeze %dma_start3A_341 : memref<1x128xi32, #tpu.memory_space<vmem>> -> memref<128xi32, #tpu.memory_space<vmem>>
        %dma_start3A_343 = arith.constant 0 : i32
        %dma_start3A_344 = arith.constant 0 : i32
        %dma_start3A_345 = tpu.memref_slice %arg25[%dma_start3A_343, %dma_start3A_344] : memref<10240x64xf32, #tpu.memory_space<vmem_shared>> -> memref<10240x64xf32, #tpu.memory_space<vmem_shared>>
        tpu.enqueue_indirect_dma source(%arg21 : memref<128x64xf32, #tpu.memory_space<vmem>>) target(%dma_start3A_345 : memref<10240x64xf32, #tpu.memory_space<vmem_shared>>) offsets(%dma_start3A_342 : memref<128xi32, #tpu.memory_space<vmem>>) semaphore(%run_scoped3A : memref<!tpu.dma_semaphore, #tpu.memory_space<semaphore_mem>>) {add = true}
        %dma_wait3A_346 = arith.constant 0 : i32
        %dma_wait3A_347 = tpu.memref_slice %arg20[%scan3A_329, %dma_wait3A_346] : memref<79x128xi32, #tpu.memory_space<vmem>> -> memref<1x128xi32, #tpu.memory_space<vmem>>
        %dma_wait3A_348 = tpu.memref_squeeze %dma_wait3A_347 : memref<1x128xi32, #tpu.memory_space<vmem>> -> memref<128xi32, #tpu.memory_space<vmem>>
        %dma_wait3A_349 = arith.constant 0 : i32
        %dma_wait3A_350 = arith.constant 0 : i32
        %dma_wait3A_351 = tpu.memref_slice %arg25[%dma_wait3A_349, %dma_wait3A_350] : memref<10240x64xf32, #tpu.memory_space<vmem_shared>> -> memref<10240x64xf32, #tpu.memory_space<vmem_shared>>
        tpu.wait_indirect_dma semaphore(%run_scoped3A : memref<!tpu.dma_semaphore, #tpu.memory_space<semaphore_mem>>) src(%arg21 : memref<128x64xf32, #tpu.memory_space<vmem>>) dst(%dma_wait3A_351 : memref<10240x64xf32, #tpu.memory_space<vmem_shared>>)
        tpu.yield
      }) : () -> ()
    }
    %scan3A_82 = arith.constant 79 : i32
    %barrier3A_83 = arith.constant 0 : index
    tpu.barrier barrier_id(%barrier3A_83)
    %mul3A_84 = arith.constant 640 : i32
    %mul3A_85 = arith.muli %arg1, %mul3A_84 : i32
    %add3A_86 = arith.constant 0 : i32
    %add3A_87 = arith.addi %mul3A_85, %add3A_86 : i32
    "tpu.region"() ({
      %run_scoped3A = tpu.sem_alloc : memref<!tpu.dma_semaphore, #tpu.memory_space<semaphore_mem>>
      %dma_start3A = arith.constant 0 : i32
      %dma_start3A_329 = tpu.memref_slice %arg25[%add3A_87, %dma_start3A] : memref<10240x64xf32, #tpu.memory_space<vmem_shared>> -> memref<128x64xf32, #tpu.memory_space<vmem_shared>>
      %dma_start3A_330 = arith.constant 0 : i32
      %dma_start3A_331 = tpu.memref_slice %arg25[%add3A_87, %dma_start3A_330] : memref<10240x64xf32, #tpu.memory_space<vmem_shared>> -> memref<128x64xf32, #tpu.memory_space<vmem_shared>>
      tpu.enqueue_dma source(%dma_start3A_331 : memref<128x64xf32, #tpu.memory_space<vmem_shared>>) target(%arg21 : memref<128x64xf32, #tpu.memory_space<vmem>>) target_semaphore(%run_scoped3A : memref<!tpu.dma_semaphore, #tpu.memory_space<semaphore_mem>>)
      %dma_wait3A = arith.constant 0 : i32
      %dma_wait3A_332 = tpu.memref_slice %arg25[%add3A_87, %dma_wait3A] : memref<10240x64xf32, #tpu.memory_space<vmem_shared>> -> memref<128x64xf32, #tpu.memory_space<vmem_shared>>
      %dma_wait3A_333 = arith.constant 0 : i32
      %dma_wait3A_334 = tpu.memref_slice %arg25[%add3A_87, %dma_wait3A_333] : memref<10240x64xf32, #tpu.memory_space<vmem_shared>> -> memref<128x64xf32, #tpu.memory_space<vmem_shared>>
      tpu.wait_dma2 semaphore(%run_scoped3A : memref<!tpu.dma_semaphore, #tpu.memory_space<semaphore_mem>>) src(%dma_wait3A_334 : memref<128x64xf32, #tpu.memory_space<vmem_shared>>) dst(%arg21 : memref<128x64xf32, #tpu.memory_space<vmem>>)
      tpu.yield
    }) : () -> ()
    "tpu.region"() ({
      %run_scoped3A = tpu.sem_alloc : memref<!tpu.dma_semaphore, #tpu.memory_space<semaphore_mem>>
      %dma_start3A = arith.constant 0 : i32
      %dma_start3A_329 = tpu.memref_slice %arg13[%add3A_55, %add3A_87, %dma_start3A] : memref<4x10240x64xf32, #tpu.memory_space<hbm>> -> memref<1x128x64xf32, #tpu.memory_space<hbm>>
      %dma_start3A_330 = tpu.memref_squeeze %dma_start3A_329 : memref<1x128x64xf32, #tpu.memory_space<hbm>> -> memref<128x64xf32, #tpu.memory_space<hbm>>
      %dma_start3A_331 = arith.constant 0 : i32
      %dma_start3A_332 = tpu.memref_slice %arg13[%add3A_55, %add3A_87, %dma_start3A_331] : memref<4x10240x64xf32, #tpu.memory_space<hbm>> -> memref<1x128x64xf32, #tpu.memory_space<hbm>>
      %dma_start3A_333 = tpu.memref_squeeze %dma_start3A_332 : memref<1x128x64xf32, #tpu.memory_space<hbm>> -> memref<128x64xf32, #tpu.memory_space<hbm>>
      tpu.enqueue_dma source(%arg21 : memref<128x64xf32, #tpu.memory_space<vmem>>) target(%dma_start3A_333 : memref<128x64xf32, #tpu.memory_space<hbm>>) target_semaphore(%run_scoped3A : memref<!tpu.dma_semaphore, #tpu.memory_space<semaphore_mem>>)
      %dma_wait3A = arith.constant 0 : i32
      %dma_wait3A_334 = tpu.memref_slice %arg13[%add3A_55, %add3A_87, %dma_wait3A] : memref<4x10240x64xf32, #tpu.memory_space<hbm>> -> memref<1x128x64xf32, #tpu.memory_space<hbm>>
      %dma_wait3A_335 = tpu.memref_squeeze %dma_wait3A_334 : memref<1x128x64xf32, #tpu.memory_space<hbm>> -> memref<128x64xf32, #tpu.memory_space<hbm>>
      %dma_wait3A_336 = arith.constant 0 : i32
      %dma_wait3A_337 = tpu.memref_slice %arg13[%add3A_55, %add3A_87, %dma_wait3A_336] : memref<4x10240x64xf32, #tpu.memory_space<hbm>> -> memref<1x128x64xf32, #tpu.memory_space<hbm>>
      %dma_wait3A_338 = tpu.memref_squeeze %dma_wait3A_337 : memref<1x128x64xf32, #tpu.memory_space<hbm>> -> memref<128x64xf32, #tpu.memory_space<hbm>>
      tpu.wait_dma2 semaphore(%run_scoped3A : memref<!tpu.dma_semaphore, #tpu.memory_space<semaphore_mem>>) src(%arg21 : memref<128x64xf32, #tpu.memory_space<vmem>>) dst(%dma_wait3A_338 : memref<128x64xf32, #tpu.memory_space<hbm>>)
      tpu.yield
    }) : () -> ()
    %mul3A_88 = arith.constant 640 : i32
    %mul3A_89 = arith.muli %arg1, %mul3A_88 : i32
    %add3A_90 = arith.constant 128 : i32
    %add3A_91 = arith.addi %mul3A_89, %add3A_90 : i32
    "tpu.region"() ({
      %run_scoped3A = tpu.sem_alloc : memref<!tpu.dma_semaphore, #tpu.memory_space<semaphore_mem>>
      %dma_start3A = arith.constant 0 : i32
      %dma_start3A_329 = tpu.memref_slice %arg25[%add3A_91, %dma_start3A] : memref<10240x64xf32, #tpu.memory_space<vmem_shared>> -> memref<128x64xf32, #tpu.memory_space<vmem_shared>>
      %dma_start3A_330 = arith.constant 0 : i32
      %dma_start3A_331 = tpu.memref_slice %arg25[%add3A_91, %dma_start3A_330] : memref<10240x64xf32, #tpu.memory_space<vmem_shared>> -> memref<128x64xf32, #tpu.memory_space<vmem_shared>>
      tpu.enqueue_dma source(%dma_start3A_331 : memref<128x64xf32, #tpu.memory_space<vmem_shared>>) target(%arg21 : memref<128x64xf32, #tpu.memory_space<vmem>>) target_semaphore(%run_scoped3A : memref<!tpu.dma_semaphore, #tpu.memory_space<semaphore_mem>>)
      %dma_wait3A = arith.constant 0 : i32
      %dma_wait3A_332 = tpu.memref_slice %arg25[%add3A_91, %dma_wait3A] : memref<10240x64xf32, #tpu.memory_space<vmem_shared>> -> memref<128x64xf32, #tpu.memory_space<vmem_shared>>
      %dma_wait3A_333 = arith.constant 0 : i32
      %dma_wait3A_334 = tpu.memref_slice %arg25[%add3A_91, %dma_wait3A_333] : memref<10240x64xf32, #tpu.memory_space<vmem_shared>> -> memref<128x64xf32, #tpu.memory_space<vmem_shared>>
      tpu.wait_dma2 semaphore(%run_scoped3A : memref<!tpu.dma_semaphore, #tpu.memory_space<semaphore_mem>>) src(%dma_wait3A_334 : memref<128x64xf32, #tpu.memory_space<vmem_shared>>) dst(%arg21 : memref<128x64xf32, #tpu.memory_space<vmem>>)
      tpu.yield
    }) : () -> ()
    "tpu.region"() ({
      %run_scoped3A = tpu.sem_alloc : memref<!tpu.dma_semaphore, #tpu.memory_space<semaphore_mem>>
      %dma_start3A = arith.constant 0 : i32
      %dma_start3A_329 = tpu.memref_slice %arg13[%add3A_55, %add3A_91, %dma_start3A] : memref<4x10240x64xf32, #tpu.memory_space<hbm>> -> memref<1x128x64xf32, #tpu.memory_space<hbm>>
      %dma_start3A_330 = tpu.memref_squeeze %dma_start3A_329 : memref<1x128x64xf32, #tpu.memory_space<hbm>> -> memref<128x64xf32, #tpu.memory_space<hbm>>
      %dma_start3A_331 = arith.constant 0 : i32
      %dma_start3A_332 = tpu.memref_slice %arg13[%add3A_55, %add3A_91, %dma_start3A_331] : memref<4x10240x64xf32, #tpu.memory_space<hbm>> -> memref<1x128x64xf32, #tpu.memory_space<hbm>>
      %dma_start3A_333 = tpu.memref_squeeze %dma_start3A_332 : memref<1x128x64xf32, #tpu.memory_space<hbm>> -> memref<128x64xf32, #tpu.memory_space<hbm>>
      tpu.enqueue_dma source(%arg21 : memref<128x64xf32, #tpu.memory_space<vmem>>) target(%dma_start3A_333 : memref<128x64xf32, #tpu.memory_space<hbm>>) target_semaphore(%run_scoped3A : memref<!tpu.dma_semaphore, #tpu.memory_space<semaphore_mem>>)
      %dma_wait3A = arith.constant 0 : i32
      %dma_wait3A_334 = tpu.memref_slice %arg13[%add3A_55, %add3A_91, %dma_wait3A] : memref<4x10240x64xf32, #tpu.memory_space<hbm>> -> memref<1x128x64xf32, #tpu.memory_space<hbm>>
      %dma_wait3A_335 = tpu.memref_squeeze %dma_wait3A_334 : memref<1x128x64xf32, #tpu.memory_space<hbm>> -> memref<128x64xf32, #tpu.memory_space<hbm>>
      %dma_wait3A_336 = arith.constant 0 : i32
      %dma_wait3A_337 = tpu.memref_slice %arg13[%add3A_55, %add3A_91, %dma_wait3A_336] : memref<4x10240x64xf32, #tpu.memory_space<hbm>> -> memref<1x128x64xf32, #tpu.memory_space<hbm>>
      %dma_wait3A_338 = tpu.memref_squeeze %dma_wait3A_337 : memref<1x128x64xf32, #tpu.memory_space<hbm>> -> memref<128x64xf32, #tpu.memory_space<hbm>>
      tpu.wait_dma2 semaphore(%run_scoped3A : memref<!tpu.dma_semaphore, #tpu.memory_space<semaphore_mem>>) src(%arg21 : memref<128x64xf32, #tpu.memory_space<vmem>>) dst(%dma_wait3A_338 : memref<128x64xf32, #tpu.memory_space<hbm>>)
      tpu.yield
    }) : () -> ()
    %mul3A_92 = arith.constant 640 : i32
    %mul3A_93 = arith.muli %arg1, %mul3A_92 : i32
    %add3A_94 = arith.constant 256 : i32
    %add3A_95 = arith.addi %mul3A_93, %add3A_94 : i32
    "tpu.region"() ({
      %run_scoped3A = tpu.sem_alloc : memref<!tpu.dma_semaphore, #tpu.memory_space<semaphore_mem>>
      %dma_start3A = arith.constant 0 : i32
      %dma_start3A_329 = tpu.memref_slice %arg25[%add3A_95, %dma_start3A] : memref<10240x64xf32, #tpu.memory_space<vmem_shared>> -> memref<128x64xf32, #tpu.memory_space<vmem_shared>>
      %dma_start3A_330 = arith.constant 0 : i32
      %dma_start3A_331 = tpu.memref_slice %arg25[%add3A_95, %dma_start3A_330] : memref<10240x64xf32, #tpu.memory_space<vmem_shared>> -> memref<128x64xf32, #tpu.memory_space<vmem_shared>>
      tpu.enqueue_dma source(%dma_start3A_331 : memref<128x64xf32, #tpu.memory_space<vmem_shared>>) target(%arg21 : memref<128x64xf32, #tpu.memory_space<vmem>>) target_semaphore(%run_scoped3A : memref<!tpu.dma_semaphore, #tpu.memory_space<semaphore_mem>>)
      %dma_wait3A = arith.constant 0 : i32
      %dma_wait3A_332 = tpu.memref_slice %arg25[%add3A_95, %dma_wait3A] : memref<10240x64xf32, #tpu.memory_space<vmem_shared>> -> memref<128x64xf32, #tpu.memory_space<vmem_shared>>
      %dma_wait3A_333 = arith.constant 0 : i32
      %dma_wait3A_334 = tpu.memref_slice %arg25[%add3A_95, %dma_wait3A_333] : memref<10240x64xf32, #tpu.memory_space<vmem_shared>> -> memref<128x64xf32, #tpu.memory_space<vmem_shared>>
      tpu.wait_dma2 semaphore(%run_scoped3A : memref<!tpu.dma_semaphore, #tpu.memory_space<semaphore_mem>>) src(%dma_wait3A_334 : memref<128x64xf32, #tpu.memory_space<vmem_shared>>) dst(%arg21 : memref<128x64xf32, #tpu.memory_space<vmem>>)
      tpu.yield
    }) : () -> ()
    "tpu.region"() ({
      %run_scoped3A = tpu.sem_alloc : memref<!tpu.dma_semaphore, #tpu.memory_space<semaphore_mem>>
      %dma_start3A = arith.constant 0 : i32
      %dma_start3A_329 = tpu.memref_slice %arg13[%add3A_55, %add3A_95, %dma_start3A] : memref<4x10240x64xf32, #tpu.memory_space<hbm>> -> memref<1x128x64xf32, #tpu.memory_space<hbm>>
      %dma_start3A_330 = tpu.memref_squeeze %dma_start3A_329 : memref<1x128x64xf32, #tpu.memory_space<hbm>> -> memref<128x64xf32, #tpu.memory_space<hbm>>
      %dma_start3A_331 = arith.constant 0 : i32
      %dma_start3A_332 = tpu.memref_slice %arg13[%add3A_55, %add3A_95, %dma_start3A_331] : memref<4x10240x64xf32, #tpu.memory_space<hbm>> -> memref<1x128x64xf32, #tpu.memory_space<hbm>>
      %dma_start3A_333 = tpu.memref_squeeze %dma_start3A_332 : memref<1x128x64xf32, #tpu.memory_space<hbm>> -> memref<128x64xf32, #tpu.memory_space<hbm>>
      tpu.enqueue_dma source(%arg21 : memref<128x64xf32, #tpu.memory_space<vmem>>) target(%dma_start3A_333 : memref<128x64xf32, #tpu.memory_space<hbm>>) target_semaphore(%run_scoped3A : memref<!tpu.dma_semaphore, #tpu.memory_space<semaphore_mem>>)
      %dma_wait3A = arith.constant 0 : i32
      %dma_wait3A_334 = tpu.memref_slice %arg13[%add3A_55, %add3A_95, %dma_wait3A] : memref<4x10240x64xf32, #tpu.memory_space<hbm>> -> memref<1x128x64xf32, #tpu.memory_space<hbm>>
      %dma_wait3A_335 = tpu.memref_squeeze %dma_wait3A_334 : memref<1x128x64xf32, #tpu.memory_space<hbm>> -> memref<128x64xf32, #tpu.memory_space<hbm>>
      %dma_wait3A_336 = arith.constant 0 : i32
      %dma_wait3A_337 = tpu.memref_slice %arg13[%add3A_55, %add3A_95, %dma_wait3A_336] : memref<4x10240x64xf32, #tpu.memory_space<hbm>> -> memref<1x128x64xf32, #tpu.memory_space<hbm>>
      %dma_wait3A_338 = tpu.memref_squeeze %dma_wait3A_337 : memref<1x128x64xf32, #tpu.memory_space<hbm>> -> memref<128x64xf32, #tpu.memory_space<hbm>>
      tpu.wait_dma2 semaphore(%run_scoped3A : memref<!tpu.dma_semaphore, #tpu.memory_space<semaphore_mem>>) src(%arg21 : memref<128x64xf32, #tpu.memory_space<vmem>>) dst(%dma_wait3A_338 : memref<128x64xf32, #tpu.memory_space<hbm>>)
      tpu.yield
    }) : () -> ()
    %mul3A_96 = arith.constant 640 : i32
    %mul3A_97 = arith.muli %arg1, %mul3A_96 : i32
    %add3A_98 = arith.constant 384 : i32
    %add3A_99 = arith.addi %mul3A_97, %add3A_98 : i32
    "tpu.region"() ({
      %run_scoped3A = tpu.sem_alloc : memref<!tpu.dma_semaphore, #tpu.memory_space<semaphore_mem>>
      %dma_start3A = arith.constant 0 : i32
      %dma_start3A_329 = tpu.memref_slice %arg25[%add3A_99, %dma_start3A] : memref<10240x64xf32, #tpu.memory_space<vmem_shared>> -> memref<128x64xf32, #tpu.memory_space<vmem_shared>>
      %dma_start3A_330 = arith.constant 0 : i32
      %dma_start3A_331 = tpu.memref_slice %arg25[%add3A_99, %dma_start3A_330] : memref<10240x64xf32, #tpu.memory_space<vmem_shared>> -> memref<128x64xf32, #tpu.memory_space<vmem_shared>>
      tpu.enqueue_dma source(%dma_start3A_331 : memref<128x64xf32, #tpu.memory_space<vmem_shared>>) target(%arg21 : memref<128x64xf32, #tpu.memory_space<vmem>>) target_semaphore(%run_scoped3A : memref<!tpu.dma_semaphore, #tpu.memory_space<semaphore_mem>>)
      %dma_wait3A = arith.constant 0 : i32
      %dma_wait3A_332 = tpu.memref_slice %arg25[%add3A_99, %dma_wait3A] : memref<10240x64xf32, #tpu.memory_space<vmem_shared>> -> memref<128x64xf32, #tpu.memory_space<vmem_shared>>
      %dma_wait3A_333 = arith.constant 0 : i32
      %dma_wait3A_334 = tpu.memref_slice %arg25[%add3A_99, %dma_wait3A_333] : memref<10240x64xf32, #tpu.memory_space<vmem_shared>> -> memref<128x64xf32, #tpu.memory_space<vmem_shared>>
      tpu.wait_dma2 semaphore(%run_scoped3A : memref<!tpu.dma_semaphore, #tpu.memory_space<semaphore_mem>>) src(%dma_wait3A_334 : memref<128x64xf32, #tpu.memory_space<vmem_shared>>) dst(%arg21 : memref<128x64xf32, #tpu.memory_space<vmem>>)
      tpu.yield
    }) : () -> ()
    "tpu.region"() ({
      %run_scoped3A = tpu.sem_alloc : memref<!tpu.dma_semaphore, #tpu.memory_space<semaphore_mem>>
      %dma_start3A = arith.constant 0 : i32
      %dma_start3A_329 = tpu.memref_slice %arg13[%add3A_55, %add3A_99, %dma_start3A] : memref<4x10240x64xf32, #tpu.memory_space<hbm>> -> memref<1x128x64xf32, #tpu.memory_space<hbm>>
      %dma_start3A_330 = tpu.memref_squeeze %dma_start3A_329 : memref<1x128x64xf32, #tpu.memory_space<hbm>> -> memref<128x64xf32, #tpu.memory_space<hbm>>
      %dma_start3A_331 = arith.constant 0 : i32
      %dma_start3A_332 = tpu.memref_slice %arg13[%add3A_55, %add3A_99, %dma_start3A_331] : memref<4x10240x64xf32, #tpu.memory_space<hbm>> -> memref<1x128x64xf32, #tpu.memory_space<hbm>>
      %dma_start3A_333 = tpu.memref_squeeze %dma_start3A_332 : memref<1x128x64xf32, #tpu.memory_space<hbm>> -> memref<128x64xf32, #tpu.memory_space<hbm>>
      tpu.enqueue_dma source(%arg21 : memref<128x64xf32, #tpu.memory_space<vmem>>) target(%dma_start3A_333 : memref<128x64xf32, #tpu.memory_space<hbm>>) target_semaphore(%run_scoped3A : memref<!tpu.dma_semaphore, #tpu.memory_space<semaphore_mem>>)
      %dma_wait3A = arith.constant 0 : i32
      %dma_wait3A_334 = tpu.memref_slice %arg13[%add3A_55, %add3A_99, %dma_wait3A] : memref<4x10240x64xf32, #tpu.memory_space<hbm>> -> memref<1x128x64xf32, #tpu.memory_space<hbm>>
      %dma_wait3A_335 = tpu.memref_squeeze %dma_wait3A_334 : memref<1x128x64xf32, #tpu.memory_space<hbm>> -> memref<128x64xf32, #tpu.memory_space<hbm>>
      %dma_wait3A_336 = arith.constant 0 : i32
      %dma_wait3A_337 = tpu.memref_slice %arg13[%add3A_55, %add3A_99, %dma_wait3A_336] : memref<4x10240x64xf32, #tpu.memory_space<hbm>> -> memref<1x128x64xf32, #tpu.memory_space<hbm>>
      %dma_wait3A_338 = tpu.memref_squeeze %dma_wait3A_337 : memref<1x128x64xf32, #tpu.memory_space<hbm>> -> memref<128x64xf32, #tpu.memory_space<hbm>>
      tpu.wait_dma2 semaphore(%run_scoped3A : memref<!tpu.dma_semaphore, #tpu.memory_space<semaphore_mem>>) src(%arg21 : memref<128x64xf32, #tpu.memory_space<vmem>>) dst(%dma_wait3A_338 : memref<128x64xf32, #tpu.memory_space<hbm>>)
      tpu.yield
    }) : () -> ()
    %mul3A_100 = arith.constant 640 : i32
    %mul3A_101 = arith.muli %arg1, %mul3A_100 : i32
    %add3A_102 = arith.constant 512 : i32
    %add3A_103 = arith.addi %mul3A_101, %add3A_102 : i32
    "tpu.region"() ({
      %run_scoped3A = tpu.sem_alloc : memref<!tpu.dma_semaphore, #tpu.memory_space<semaphore_mem>>
      %dma_start3A = arith.constant 0 : i32
      %dma_start3A_329 = tpu.memref_slice %arg25[%add3A_103, %dma_start3A] : memref<10240x64xf32, #tpu.memory_space<vmem_shared>> -> memref<128x64xf32, #tpu.memory_space<vmem_shared>>
      %dma_start3A_330 = arith.constant 0 : i32
      %dma_start3A_331 = tpu.memref_slice %arg25[%add3A_103, %dma_start3A_330] : memref<10240x64xf32, #tpu.memory_space<vmem_shared>> -> memref<128x64xf32, #tpu.memory_space<vmem_shared>>
      tpu.enqueue_dma source(%dma_start3A_331 : memref<128x64xf32, #tpu.memory_space<vmem_shared>>) target(%arg21 : memref<128x64xf32, #tpu.memory_space<vmem>>) target_semaphore(%run_scoped3A : memref<!tpu.dma_semaphore, #tpu.memory_space<semaphore_mem>>)
      %dma_wait3A = arith.constant 0 : i32
      %dma_wait3A_332 = tpu.memref_slice %arg25[%add3A_103, %dma_wait3A] : memref<10240x64xf32, #tpu.memory_space<vmem_shared>> -> memref<128x64xf32, #tpu.memory_space<vmem_shared>>
      %dma_wait3A_333 = arith.constant 0 : i32
      %dma_wait3A_334 = tpu.memref_slice %arg25[%add3A_103, %dma_wait3A_333] : memref<10240x64xf32, #tpu.memory_space<vmem_shared>> -> memref<128x64xf32, #tpu.memory_space<vmem_shared>>
      tpu.wait_dma2 semaphore(%run_scoped3A : memref<!tpu.dma_semaphore, #tpu.memory_space<semaphore_mem>>) src(%dma_wait3A_334 : memref<128x64xf32, #tpu.memory_space<vmem_shared>>) dst(%arg21 : memref<128x64xf32, #tpu.memory_space<vmem>>)
      tpu.yield
    }) : () -> ()
    "tpu.region"() ({
      %run_scoped3A = tpu.sem_alloc : memref<!tpu.dma_semaphore, #tpu.memory_space<semaphore_mem>>
      %dma_start3A = arith.constant 0 : i32
      %dma_start3A_329 = tpu.memref_slice %arg13[%add3A_55, %add3A_103, %dma_start3A] : memref<4x10240x64xf32, #tpu.memory_space<hbm>> -> memref<1x128x64xf32, #tpu.memory_space<hbm>>
      %dma_start3A_330 = tpu.memref_squeeze %dma_start3A_329 : memref<1x128x64xf32, #tpu.memory_space<hbm>> -> memref<128x64xf32, #tpu.memory_space<hbm>>
      %dma_start3A_331 = arith.constant 0 : i32
      %dma_start3A_332 = tpu.memref_slice %arg13[%add3A_55, %add3A_103, %dma_start3A_331] : memref<4x10240x64xf32, #tpu.memory_space<hbm>> -> memref<1x128x64xf32, #tpu.memory_space<hbm>>
      %dma_start3A_333 = tpu.memref_squeeze %dma_start3A_332 : memref<1x128x64xf32, #tpu.memory_space<hbm>> -> memref<128x64xf32, #tpu.memory_space<hbm>>
      tpu.enqueue_dma source(%arg21 : memref<128x64xf32, #tpu.memory_space<vmem>>) target(%dma_start3A_333 : memref<128x64xf32, #tpu.memory_space<hbm>>) target_semaphore(%run_scoped3A : memref<!tpu.dma_semaphore, #tpu.memory_space<semaphore_mem>>)
      %dma_wait3A = arith.constant 0 : i32
      %dma_wait3A_334 = tpu.memref_slice %arg13[%add3A_55, %add3A_103, %dma_wait3A] : memref<4x10240x64xf32, #tpu.memory_space<hbm>> -> memref<1x128x64xf32, #tpu.memory_space<hbm>>
      %dma_wait3A_335 = tpu.memref_squeeze %dma_wait3A_334 : memref<1x128x64xf32, #tpu.memory_space<hbm>> -> memref<128x64xf32, #tpu.memory_space<hbm>>
      %dma_wait3A_336 = arith.constant 0 : i32
      %dma_wait3A_337 = tpu.memref_slice %arg13[%add3A_55, %add3A_103, %dma_wait3A_336] : memref<4x10240x64xf32, #tpu.memory_space<hbm>> -> memref<1x128x64xf32, #tpu.memory_space<hbm>>
      %dma_wait3A_338 = tpu.memref_squeeze %dma_wait3A_337 : memref<1x128x64xf32, #tpu.memory_space<hbm>> -> memref<128x64xf32, #tpu.memory_space<hbm>>
      tpu.wait_dma2 semaphore(%run_scoped3A : memref<!tpu.dma_semaphore, #tpu.memory_space<semaphore_mem>>) src(%arg21 : memref<128x64xf32, #tpu.memory_space<vmem>>) dst(%dma_wait3A_338 : memref<128x64xf32, #tpu.memory_space<hbm>>)
      tpu.yield
    }) : () -> ()
    %barrier3A_104 = arith.constant 0 : index
    tpu.barrier barrier_id(%barrier3A_104)
    "tpu.region"() ({
      %run_scoped3A = tpu.sem_alloc : memref<!tpu.dma_semaphore, #tpu.memory_space<semaphore_mem>>
      %dma_start3A = arith.constant 0 : i32
      %dma_start3A_329 = arith.constant 0 : i32
      %dma_start3A_330 = tpu.memref_slice %arg7[%arg1, %dma_start3A, %dma_start3A_329] : memref<16x79x128xi32, #tpu.memory_space<hbm>> -> memref<1x79x128xi32, #tpu.memory_space<hbm>>
      %dma_start3A_331 = tpu.memref_squeeze %dma_start3A_330 : memref<1x79x128xi32, #tpu.memory_space<hbm>> -> memref<79x128xi32, #tpu.memory_space<hbm>>
      %dma_start3A_332 = arith.constant 0 : i32
      %dma_start3A_333 = arith.constant 0 : i32
      %dma_start3A_334 = tpu.memref_slice %arg7[%arg1, %dma_start3A_332, %dma_start3A_333] : memref<16x79x128xi32, #tpu.memory_space<hbm>> -> memref<1x79x128xi32, #tpu.memory_space<hbm>>
      %dma_start3A_335 = tpu.memref_squeeze %dma_start3A_334 : memref<1x79x128xi32, #tpu.memory_space<hbm>> -> memref<79x128xi32, #tpu.memory_space<hbm>>
      tpu.enqueue_dma source(%dma_start3A_335 : memref<79x128xi32, #tpu.memory_space<hbm>>) target(%arg20 : memref<79x128xi32, #tpu.memory_space<vmem>>) target_semaphore(%run_scoped3A : memref<!tpu.dma_semaphore, #tpu.memory_space<semaphore_mem>>)
      %dma_wait3A = arith.constant 0 : i32
      %dma_wait3A_336 = arith.constant 0 : i32
      %dma_wait3A_337 = tpu.memref_slice %arg7[%arg1, %dma_wait3A, %dma_wait3A_336] : memref<16x79x128xi32, #tpu.memory_space<hbm>> -> memref<1x79x128xi32, #tpu.memory_space<hbm>>
      %dma_wait3A_338 = tpu.memref_squeeze %dma_wait3A_337 : memref<1x79x128xi32, #tpu.memory_space<hbm>> -> memref<79x128xi32, #tpu.memory_space<hbm>>
      %dma_wait3A_339 = arith.constant 0 : i32
      %dma_wait3A_340 = arith.constant 0 : i32
      %dma_wait3A_341 = tpu.memref_slice %arg7[%arg1, %dma_wait3A_339, %dma_wait3A_340] : memref<16x79x128xi32, #tpu.memory_space<hbm>> -> memref<1x79x128xi32, #tpu.memory_space<hbm>>
      %dma_wait3A_342 = tpu.memref_squeeze %dma_wait3A_341 : memref<1x79x128xi32, #tpu.memory_space<hbm>> -> memref<79x128xi32, #tpu.memory_space<hbm>>
      tpu.wait_dma2 semaphore(%run_scoped3A : memref<!tpu.dma_semaphore, #tpu.memory_space<semaphore_mem>>) src(%dma_wait3A_342 : memref<79x128xi32, #tpu.memory_space<hbm>>) dst(%arg20 : memref<79x128xi32, #tpu.memory_space<vmem>>)
      tpu.yield
    }) : () -> ()
    %add3A_105 = arith.constant 0 : i32
    %add3A_106 = arith.addi %add3A_105, %arg0 : i32
    %mul3A_107 = arith.constant 640 : i32
    %mul3A_108 = arith.muli %arg1, %mul3A_107 : i32
    %add3A_109 = arith.constant 0 : i32
    %add3A_110 = arith.addi %mul3A_108, %add3A_109 : i32
    "tpu.region"() ({
      %run_scoped3A = tpu.sem_alloc : memref<!tpu.dma_semaphore, #tpu.memory_space<semaphore_mem>>
      %dma_start3A = arith.constant 0 : i32
      %dma_start3A_329 = tpu.memref_slice %arg25[%add3A_110, %dma_start3A] : memref<10240x64xf32, #tpu.memory_space<vmem_shared>> -> memref<128x64xf32, #tpu.memory_space<vmem_shared>>
      %dma_start3A_330 = arith.constant 0 : i32
      %dma_start3A_331 = tpu.memref_slice %arg25[%add3A_110, %dma_start3A_330] : memref<10240x64xf32, #tpu.memory_space<vmem_shared>> -> memref<128x64xf32, #tpu.memory_space<vmem_shared>>
      tpu.enqueue_dma source(%arg23 : memref<128x64xf32, #tpu.memory_space<vmem>>) target(%dma_start3A_331 : memref<128x64xf32, #tpu.memory_space<vmem_shared>>) target_semaphore(%run_scoped3A : memref<!tpu.dma_semaphore, #tpu.memory_space<semaphore_mem>>)
      %dma_wait3A = arith.constant 0 : i32
      %dma_wait3A_332 = tpu.memref_slice %arg25[%add3A_110, %dma_wait3A] : memref<10240x64xf32, #tpu.memory_space<vmem_shared>> -> memref<128x64xf32, #tpu.memory_space<vmem_shared>>
      %dma_wait3A_333 = arith.constant 0 : i32
      %dma_wait3A_334 = tpu.memref_slice %arg25[%add3A_110, %dma_wait3A_333] : memref<10240x64xf32, #tpu.memory_space<vmem_shared>> -> memref<128x64xf32, #tpu.memory_space<vmem_shared>>
      tpu.wait_dma2 semaphore(%run_scoped3A : memref<!tpu.dma_semaphore, #tpu.memory_space<semaphore_mem>>) src(%arg23 : memref<128x64xf32, #tpu.memory_space<vmem>>) dst(%dma_wait3A_334 : memref<128x64xf32, #tpu.memory_space<vmem_shared>>)
      tpu.yield
    }) : () -> ()
    %mul3A_111 = arith.constant 640 : i32
    %mul3A_112 = arith.muli %arg1, %mul3A_111 : i32
    %add3A_113 = arith.constant 128 : i32
    %add3A_114 = arith.addi %mul3A_112, %add3A_113 : i32
    "tpu.region"() ({
      %run_scoped3A = tpu.sem_alloc : memref<!tpu.dma_semaphore, #tpu.memory_space<semaphore_mem>>
      %dma_start3A = arith.constant 0 : i32
      %dma_start3A_329 = tpu.memref_slice %arg25[%add3A_114, %dma_start3A] : memref<10240x64xf32, #tpu.memory_space<vmem_shared>> -> memref<128x64xf32, #tpu.memory_space<vmem_shared>>
      %dma_start3A_330 = arith.constant 0 : i32
      %dma_start3A_331 = tpu.memref_slice %arg25[%add3A_114, %dma_start3A_330] : memref<10240x64xf32, #tpu.memory_space<vmem_shared>> -> memref<128x64xf32, #tpu.memory_space<vmem_shared>>
      tpu.enqueue_dma source(%arg23 : memref<128x64xf32, #tpu.memory_space<vmem>>) target(%dma_start3A_331 : memref<128x64xf32, #tpu.memory_space<vmem_shared>>) target_semaphore(%run_scoped3A : memref<!tpu.dma_semaphore, #tpu.memory_space<semaphore_mem>>)
      %dma_wait3A = arith.constant 0 : i32
      %dma_wait3A_332 = tpu.memref_slice %arg25[%add3A_114, %dma_wait3A] : memref<10240x64xf32, #tpu.memory_space<vmem_shared>> -> memref<128x64xf32, #tpu.memory_space<vmem_shared>>
      %dma_wait3A_333 = arith.constant 0 : i32
      %dma_wait3A_334 = tpu.memref_slice %arg25[%add3A_114, %dma_wait3A_333] : memref<10240x64xf32, #tpu.memory_space<vmem_shared>> -> memref<128x64xf32, #tpu.memory_space<vmem_shared>>
      tpu.wait_dma2 semaphore(%run_scoped3A : memref<!tpu.dma_semaphore, #tpu.memory_space<semaphore_mem>>) src(%arg23 : memref<128x64xf32, #tpu.memory_space<vmem>>) dst(%dma_wait3A_334 : memref<128x64xf32, #tpu.memory_space<vmem_shared>>)
      tpu.yield
    }) : () -> ()
    %mul3A_115 = arith.constant 640 : i32
    %mul3A_116 = arith.muli %arg1, %mul3A_115 : i32
    %add3A_117 = arith.constant 256 : i32
    %add3A_118 = arith.addi %mul3A_116, %add3A_117 : i32
    "tpu.region"() ({
      %run_scoped3A = tpu.sem_alloc : memref<!tpu.dma_semaphore, #tpu.memory_space<semaphore_mem>>
      %dma_start3A = arith.constant 0 : i32
      %dma_start3A_329 = tpu.memref_slice %arg25[%add3A_118, %dma_start3A] : memref<10240x64xf32, #tpu.memory_space<vmem_shared>> -> memref<128x64xf32, #tpu.memory_space<vmem_shared>>
      %dma_start3A_330 = arith.constant 0 : i32
      %dma_start3A_331 = tpu.memref_slice %arg25[%add3A_118, %dma_start3A_330] : memref<10240x64xf32, #tpu.memory_space<vmem_shared>> -> memref<128x64xf32, #tpu.memory_space<vmem_shared>>
      tpu.enqueue_dma source(%arg23 : memref<128x64xf32, #tpu.memory_space<vmem>>) target(%dma_start3A_331 : memref<128x64xf32, #tpu.memory_space<vmem_shared>>) target_semaphore(%run_scoped3A : memref<!tpu.dma_semaphore, #tpu.memory_space<semaphore_mem>>)
      %dma_wait3A = arith.constant 0 : i32
      %dma_wait3A_332 = tpu.memref_slice %arg25[%add3A_118, %dma_wait3A] : memref<10240x64xf32, #tpu.memory_space<vmem_shared>> -> memref<128x64xf32, #tpu.memory_space<vmem_shared>>
      %dma_wait3A_333 = arith.constant 0 : i32
      %dma_wait3A_334 = tpu.memref_slice %arg25[%add3A_118, %dma_wait3A_333] : memref<10240x64xf32, #tpu.memory_space<vmem_shared>> -> memref<128x64xf32, #tpu.memory_space<vmem_shared>>
      tpu.wait_dma2 semaphore(%run_scoped3A : memref<!tpu.dma_semaphore, #tpu.memory_space<semaphore_mem>>) src(%arg23 : memref<128x64xf32, #tpu.memory_space<vmem>>) dst(%dma_wait3A_334 : memref<128x64xf32, #tpu.memory_space<vmem_shared>>)
      tpu.yield
    }) : () -> ()
    %mul3A_119 = arith.constant 640 : i32
    %mul3A_120 = arith.muli %arg1, %mul3A_119 : i32
    %add3A_121 = arith.constant 384 : i32
    %add3A_122 = arith.addi %mul3A_120, %add3A_121 : i32
    "tpu.region"() ({
      %run_scoped3A = tpu.sem_alloc : memref<!tpu.dma_semaphore, #tpu.memory_space<semaphore_mem>>
      %dma_start3A = arith.constant 0 : i32
      %dma_start3A_329 = tpu.memref_slice %arg25[%add3A_122, %dma_start3A] : memref<10240x64xf32, #tpu.memory_space<vmem_shared>> -> memref<128x64xf32, #tpu.memory_space<vmem_shared>>
      %dma_start3A_330 = arith.constant 0 : i32
      %dma_start3A_331 = tpu.memref_slice %arg25[%add3A_122, %dma_start3A_330] : memref<10240x64xf32, #tpu.memory_space<vmem_shared>> -> memref<128x64xf32, #tpu.memory_space<vmem_shared>>
      tpu.enqueue_dma source(%arg23 : memref<128x64xf32, #tpu.memory_space<vmem>>) target(%dma_start3A_331 : memref<128x64xf32, #tpu.memory_space<vmem_shared>>) target_semaphore(%run_scoped3A : memref<!tpu.dma_semaphore, #tpu.memory_space<semaphore_mem>>)
      %dma_wait3A = arith.constant 0 : i32
      %dma_wait3A_332 = tpu.memref_slice %arg25[%add3A_122, %dma_wait3A] : memref<10240x64xf32, #tpu.memory_space<vmem_shared>> -> memref<128x64xf32, #tpu.memory_space<vmem_shared>>
      %dma_wait3A_333 = arith.constant 0 : i32
      %dma_wait3A_334 = tpu.memref_slice %arg25[%add3A_122, %dma_wait3A_333] : memref<10240x64xf32, #tpu.memory_space<vmem_shared>> -> memref<128x64xf32, #tpu.memory_space<vmem_shared>>
      tpu.wait_dma2 semaphore(%run_scoped3A : memref<!tpu.dma_semaphore, #tpu.memory_space<semaphore_mem>>) src(%arg23 : memref<128x64xf32, #tpu.memory_space<vmem>>) dst(%dma_wait3A_334 : memref<128x64xf32, #tpu.memory_space<vmem_shared>>)
      tpu.yield
    }) : () -> ()
    %mul3A_123 = arith.constant 640 : i32
    %mul3A_124 = arith.muli %arg1, %mul3A_123 : i32
    %add3A_125 = arith.constant 512 : i32
    %add3A_126 = arith.addi %mul3A_124, %add3A_125 : i32
    "tpu.region"() ({
      %run_scoped3A = tpu.sem_alloc : memref<!tpu.dma_semaphore, #tpu.memory_space<semaphore_mem>>
      %dma_start3A = arith.constant 0 : i32
      %dma_start3A_329 = tpu.memref_slice %arg25[%add3A_126, %dma_start3A] : memref<10240x64xf32, #tpu.memory_space<vmem_shared>> -> memref<128x64xf32, #tpu.memory_space<vmem_shared>>
      %dma_start3A_330 = arith.constant 0 : i32
      %dma_start3A_331 = tpu.memref_slice %arg25[%add3A_126, %dma_start3A_330] : memref<10240x64xf32, #tpu.memory_space<vmem_shared>> -> memref<128x64xf32, #tpu.memory_space<vmem_shared>>
      tpu.enqueue_dma source(%arg23 : memref<128x64xf32, #tpu.memory_space<vmem>>) target(%dma_start3A_331 : memref<128x64xf32, #tpu.memory_space<vmem_shared>>) target_semaphore(%run_scoped3A : memref<!tpu.dma_semaphore, #tpu.memory_space<semaphore_mem>>)
      %dma_wait3A = arith.constant 0 : i32
      %dma_wait3A_332 = tpu.memref_slice %arg25[%add3A_126, %dma_wait3A] : memref<10240x64xf32, #tpu.memory_space<vmem_shared>> -> memref<128x64xf32, #tpu.memory_space<vmem_shared>>
      %dma_wait3A_333 = arith.constant 0 : i32
      %dma_wait3A_334 = tpu.memref_slice %arg25[%add3A_126, %dma_wait3A_333] : memref<10240x64xf32, #tpu.memory_space<vmem_shared>> -> memref<128x64xf32, #tpu.memory_space<vmem_shared>>
      tpu.wait_dma2 semaphore(%run_scoped3A : memref<!tpu.dma_semaphore, #tpu.memory_space<semaphore_mem>>) src(%arg23 : memref<128x64xf32, #tpu.memory_space<vmem>>) dst(%dma_wait3A_334 : memref<128x64xf32, #tpu.memory_space<vmem_shared>>)
      tpu.yield
    }) : () -> ()
    %eq3A_127 = arith.constant 1 : i32
    %eq3A_128 = arith.cmpi eq, %arg0, %eq3A_127 : i32
    %convert_element_type3A_129 = arith.extui %eq3A_128 : i1 to i32
    %cond3A_130 = arith.constant 0 : i32
    %cond3A_131 = arith.cmpi ne, %convert_element_type3A_129, %cond3A_130 : i32
    scf.if %cond3A_131 {
      "tpu.region"() ({
        %run_scoped3A = tpu.sem_alloc : memref<!tpu.dma_semaphore, #tpu.memory_space<semaphore_mem>>
        tpu.enqueue_dma source(%arg11 : memref<128x16xf32, #tpu.memory_space<hbm>>) target(%arg24 : memref<128x16xf32, #tpu.memory_space<vmem>>) target_semaphore(%run_scoped3A : memref<!tpu.dma_semaphore, #tpu.memory_space<semaphore_mem>>)
        tpu.wait_dma2 semaphore(%run_scoped3A : memref<!tpu.dma_semaphore, #tpu.memory_space<semaphore_mem>>) src(%arg11 : memref<128x16xf32, #tpu.memory_space<hbm>>) dst(%arg24 : memref<128x16xf32, #tpu.memory_space<vmem>>)
        tpu.yield
      }) : () -> ()
      %mul3A_329 = arith.constant 640 : i32
      %mul3A_330 = arith.muli %arg1, %mul3A_329 : i32
      %add3A_331 = arith.constant 0 : i32
      %add3A_332 = arith.addi %mul3A_330, %add3A_331 : i32
      "tpu.region"() ({
        %run_scoped3A = tpu.sem_alloc : memref<!tpu.dma_semaphore, #tpu.memory_space<semaphore_mem>>
        %dma_start3A = arith.constant 0 : i32
        %dma_start3A_349 = tpu.memref_slice %arg26[%add3A_332, %dma_start3A] : memref<10240x16xf32, #tpu.memory_space<vmem_shared>> -> memref<128x16xf32, #tpu.memory_space<vmem_shared>>
        %dma_start3A_350 = arith.constant 0 : i32
        %dma_start3A_351 = tpu.memref_slice %arg26[%add3A_332, %dma_start3A_350] : memref<10240x16xf32, #tpu.memory_space<vmem_shared>> -> memref<128x16xf32, #tpu.memory_space<vmem_shared>>
        tpu.enqueue_dma source(%arg24 : memref<128x16xf32, #tpu.memory_space<vmem>>) target(%dma_start3A_351 : memref<128x16xf32, #tpu.memory_space<vmem_shared>>) target_semaphore(%run_scoped3A : memref<!tpu.dma_semaphore, #tpu.memory_space<semaphore_mem>>)
        %dma_wait3A = arith.constant 0 : i32
        %dma_wait3A_352 = tpu.memref_slice %arg26[%add3A_332, %dma_wait3A] : memref<10240x16xf32, #tpu.memory_space<vmem_shared>> -> memref<128x16xf32, #tpu.memory_space<vmem_shared>>
        %dma_wait3A_353 = arith.constant 0 : i32
        %dma_wait3A_354 = tpu.memref_slice %arg26[%add3A_332, %dma_wait3A_353] : memref<10240x16xf32, #tpu.memory_space<vmem_shared>> -> memref<128x16xf32, #tpu.memory_space<vmem_shared>>
        tpu.wait_dma2 semaphore(%run_scoped3A : memref<!tpu.dma_semaphore, #tpu.memory_space<semaphore_mem>>) src(%arg24 : memref<128x16xf32, #tpu.memory_space<vmem>>) dst(%dma_wait3A_354 : memref<128x16xf32, #tpu.memory_space<vmem_shared>>)
        tpu.yield
      }) : () -> ()
      %mul3A_333 = arith.constant 640 : i32
      %mul3A_334 = arith.muli %arg1, %mul3A_333 : i32
      %add3A_335 = arith.constant 128 : i32
      %add3A_336 = arith.addi %mul3A_334, %add3A_335 : i32
      "tpu.region"() ({
        %run_scoped3A = tpu.sem_alloc : memref<!tpu.dma_semaphore, #tpu.memory_space<semaphore_mem>>
        %dma_start3A = arith.constant 0 : i32
        %dma_start3A_349 = tpu.memref_slice %arg26[%add3A_336, %dma_start3A] : memref<10240x16xf32, #tpu.memory_space<vmem_shared>> -> memref<128x16xf32, #tpu.memory_space<vmem_shared>>
        %dma_start3A_350 = arith.constant 0 : i32
        %dma_start3A_351 = tpu.memref_slice %arg26[%add3A_336, %dma_start3A_350] : memref<10240x16xf32, #tpu.memory_space<vmem_shared>> -> memref<128x16xf32, #tpu.memory_space<vmem_shared>>
        tpu.enqueue_dma source(%arg24 : memref<128x16xf32, #tpu.memory_space<vmem>>) target(%dma_start3A_351 : memref<128x16xf32, #tpu.memory_space<vmem_shared>>) target_semaphore(%run_scoped3A : memref<!tpu.dma_semaphore, #tpu.memory_space<semaphore_mem>>)
        %dma_wait3A = arith.constant 0 : i32
        %dma_wait3A_352 = tpu.memref_slice %arg26[%add3A_336, %dma_wait3A] : memref<10240x16xf32, #tpu.memory_space<vmem_shared>> -> memref<128x16xf32, #tpu.memory_space<vmem_shared>>
        %dma_wait3A_353 = arith.constant 0 : i32
        %dma_wait3A_354 = tpu.memref_slice %arg26[%add3A_336, %dma_wait3A_353] : memref<10240x16xf32, #tpu.memory_space<vmem_shared>> -> memref<128x16xf32, #tpu.memory_space<vmem_shared>>
        tpu.wait_dma2 semaphore(%run_scoped3A : memref<!tpu.dma_semaphore, #tpu.memory_space<semaphore_mem>>) src(%arg24 : memref<128x16xf32, #tpu.memory_space<vmem>>) dst(%dma_wait3A_354 : memref<128x16xf32, #tpu.memory_space<vmem_shared>>)
        tpu.yield
      }) : () -> ()
      %mul3A_337 = arith.constant 640 : i32
      %mul3A_338 = arith.muli %arg1, %mul3A_337 : i32
      %add3A_339 = arith.constant 256 : i32
      %add3A_340 = arith.addi %mul3A_338, %add3A_339 : i32
      "tpu.region"() ({
        %run_scoped3A = tpu.sem_alloc : memref<!tpu.dma_semaphore, #tpu.memory_space<semaphore_mem>>
        %dma_start3A = arith.constant 0 : i32
        %dma_start3A_349 = tpu.memref_slice %arg26[%add3A_340, %dma_start3A] : memref<10240x16xf32, #tpu.memory_space<vmem_shared>> -> memref<128x16xf32, #tpu.memory_space<vmem_shared>>
        %dma_start3A_350 = arith.constant 0 : i32
        %dma_start3A_351 = tpu.memref_slice %arg26[%add3A_340, %dma_start3A_350] : memref<10240x16xf32, #tpu.memory_space<vmem_shared>> -> memref<128x16xf32, #tpu.memory_space<vmem_shared>>
        tpu.enqueue_dma source(%arg24 : memref<128x16xf32, #tpu.memory_space<vmem>>) target(%dma_start3A_351 : memref<128x16xf32, #tpu.memory_space<vmem_shared>>) target_semaphore(%run_scoped3A : memref<!tpu.dma_semaphore, #tpu.memory_space<semaphore_mem>>)
        %dma_wait3A = arith.constant 0 : i32
        %dma_wait3A_352 = tpu.memref_slice %arg26[%add3A_340, %dma_wait3A] : memref<10240x16xf32, #tpu.memory_space<vmem_shared>> -> memref<128x16xf32, #tpu.memory_space<vmem_shared>>
        %dma_wait3A_353 = arith.constant 0 : i32
        %dma_wait3A_354 = tpu.memref_slice %arg26[%add3A_340, %dma_wait3A_353] : memref<10240x16xf32, #tpu.memory_space<vmem_shared>> -> memref<128x16xf32, #tpu.memory_space<vmem_shared>>
        tpu.wait_dma2 semaphore(%run_scoped3A : memref<!tpu.dma_semaphore, #tpu.memory_space<semaphore_mem>>) src(%arg24 : memref<128x16xf32, #tpu.memory_space<vmem>>) dst(%dma_wait3A_354 : memref<128x16xf32, #tpu.memory_space<vmem_shared>>)
        tpu.yield
      }) : () -> ()
      %mul3A_341 = arith.constant 640 : i32
      %mul3A_342 = arith.muli %arg1, %mul3A_341 : i32
      %add3A_343 = arith.constant 384 : i32
      %add3A_344 = arith.addi %mul3A_342, %add3A_343 : i32
      "tpu.region"() ({
        %run_scoped3A = tpu.sem_alloc : memref<!tpu.dma_semaphore, #tpu.memory_space<semaphore_mem>>
        %dma_start3A = arith.constant 0 : i32
        %dma_start3A_349 = tpu.memref_slice %arg26[%add3A_344, %dma_start3A] : memref<10240x16xf32, #tpu.memory_space<vmem_shared>> -> memref<128x16xf32, #tpu.memory_space<vmem_shared>>
        %dma_start3A_350 = arith.constant 0 : i32
        %dma_start3A_351 = tpu.memref_slice %arg26[%add3A_344, %dma_start3A_350] : memref<10240x16xf32, #tpu.memory_space<vmem_shared>> -> memref<128x16xf32, #tpu.memory_space<vmem_shared>>
        tpu.enqueue_dma source(%arg24 : memref<128x16xf32, #tpu.memory_space<vmem>>) target(%dma_start3A_351 : memref<128x16xf32, #tpu.memory_space<vmem_shared>>) target_semaphore(%run_scoped3A : memref<!tpu.dma_semaphore, #tpu.memory_space<semaphore_mem>>)
        %dma_wait3A = arith.constant 0 : i32
        %dma_wait3A_352 = tpu.memref_slice %arg26[%add3A_344, %dma_wait3A] : memref<10240x16xf32, #tpu.memory_space<vmem_shared>> -> memref<128x16xf32, #tpu.memory_space<vmem_shared>>
        %dma_wait3A_353 = arith.constant 0 : i32
        %dma_wait3A_354 = tpu.memref_slice %arg26[%add3A_344, %dma_wait3A_353] : memref<10240x16xf32, #tpu.memory_space<vmem_shared>> -> memref<128x16xf32, #tpu.memory_space<vmem_shared>>
        tpu.wait_dma2 semaphore(%run_scoped3A : memref<!tpu.dma_semaphore, #tpu.memory_space<semaphore_mem>>) src(%arg24 : memref<128x16xf32, #tpu.memory_space<vmem>>) dst(%dma_wait3A_354 : memref<128x16xf32, #tpu.memory_space<vmem_shared>>)
        tpu.yield
      }) : () -> ()
      %mul3A_345 = arith.constant 640 : i32
      %mul3A_346 = arith.muli %arg1, %mul3A_345 : i32
      %add3A_347 = arith.constant 512 : i32
      %add3A_348 = arith.addi %mul3A_346, %add3A_347 : i32
      "tpu.region"() ({
        %run_scoped3A = tpu.sem_alloc : memref<!tpu.dma_semaphore, #tpu.memory_space<semaphore_mem>>
        %dma_start3A = arith.constant 0 : i32
        %dma_start3A_349 = tpu.memref_slice %arg26[%add3A_348, %dma_start3A] : memref<10240x16xf32, #tpu.memory_space<vmem_shared>> -> memref<128x16xf32, #tpu.memory_space<vmem_shared>>
        %dma_start3A_350 = arith.constant 0 : i32
        %dma_start3A_351 = tpu.memref_slice %arg26[%add3A_348, %dma_start3A_350] : memref<10240x16xf32, #tpu.memory_space<vmem_shared>> -> memref<128x16xf32, #tpu.memory_space<vmem_shared>>
        tpu.enqueue_dma source(%arg24 : memref<128x16xf32, #tpu.memory_space<vmem>>) target(%dma_start3A_351 : memref<128x16xf32, #tpu.memory_space<vmem_shared>>) target_semaphore(%run_scoped3A : memref<!tpu.dma_semaphore, #tpu.memory_space<semaphore_mem>>)
        %dma_wait3A = arith.constant 0 : i32
        %dma_wait3A_352 = tpu.memref_slice %arg26[%add3A_348, %dma_wait3A] : memref<10240x16xf32, #tpu.memory_space<vmem_shared>> -> memref<128x16xf32, #tpu.memory_space<vmem_shared>>
        %dma_wait3A_353 = arith.constant 0 : i32
        %dma_wait3A_354 = tpu.memref_slice %arg26[%add3A_348, %dma_wait3A_353] : memref<10240x16xf32, #tpu.memory_space<vmem_shared>> -> memref<128x16xf32, #tpu.memory_space<vmem_shared>>
        tpu.wait_dma2 semaphore(%run_scoped3A : memref<!tpu.dma_semaphore, #tpu.memory_space<semaphore_mem>>) src(%arg24 : memref<128x16xf32, #tpu.memory_space<vmem>>) dst(%dma_wait3A_354 : memref<128x16xf32, #tpu.memory_space<vmem_shared>>)
        tpu.yield
      }) : () -> ()
    } else {
    }
    %barrier3A_132 = arith.constant 0 : index
    tpu.barrier barrier_id(%barrier3A_132)
    "tpu.region"() ({
      %run_scoped3A = tpu.sem_alloc : memref<!tpu.dma_semaphore, #tpu.memory_space<semaphore_mem>>
      %dma_start3A = arith.constant 0 : i32
      %dma_start3A_329 = arith.constant 0 : i32
      %dma_start3A_330 = tpu.memref_slice %arg6[%add3A_106, %arg1, %dma_start3A, %dma_start3A_329] : memref<4x16x79x128xi32, #tpu.memory_space<hbm>> -> memref<1x1x79x128xi32, #tpu.memory_space<hbm>>
      %dma_start3A_331 = tpu.memref_squeeze %dma_start3A_330 : memref<1x1x79x128xi32, #tpu.memory_space<hbm>> -> memref<79x128xi32, #tpu.memory_space<hbm>>
      %dma_start3A_332 = arith.constant 0 : i32
      %dma_start3A_333 = arith.constant 0 : i32
      %dma_start3A_334 = tpu.memref_slice %arg6[%add3A_106, %arg1, %dma_start3A_332, %dma_start3A_333] : memref<4x16x79x128xi32, #tpu.memory_space<hbm>> -> memref<1x1x79x128xi32, #tpu.memory_space<hbm>>
      %dma_start3A_335 = tpu.memref_squeeze %dma_start3A_334 : memref<1x1x79x128xi32, #tpu.memory_space<hbm>> -> memref<79x128xi32, #tpu.memory_space<hbm>>
      tpu.enqueue_dma source(%dma_start3A_335 : memref<79x128xi32, #tpu.memory_space<hbm>>) target(%arg19 : memref<79x128xi32, #tpu.memory_space<vmem>>) target_semaphore(%run_scoped3A : memref<!tpu.dma_semaphore, #tpu.memory_space<semaphore_mem>>)
      %dma_wait3A = arith.constant 0 : i32
      %dma_wait3A_336 = arith.constant 0 : i32
      %dma_wait3A_337 = tpu.memref_slice %arg6[%add3A_106, %arg1, %dma_wait3A, %dma_wait3A_336] : memref<4x16x79x128xi32, #tpu.memory_space<hbm>> -> memref<1x1x79x128xi32, #tpu.memory_space<hbm>>
      %dma_wait3A_338 = tpu.memref_squeeze %dma_wait3A_337 : memref<1x1x79x128xi32, #tpu.memory_space<hbm>> -> memref<79x128xi32, #tpu.memory_space<hbm>>
      %dma_wait3A_339 = arith.constant 0 : i32
      %dma_wait3A_340 = arith.constant 0 : i32
      %dma_wait3A_341 = tpu.memref_slice %arg6[%add3A_106, %arg1, %dma_wait3A_339, %dma_wait3A_340] : memref<4x16x79x128xi32, #tpu.memory_space<hbm>> -> memref<1x1x79x128xi32, #tpu.memory_space<hbm>>
      %dma_wait3A_342 = tpu.memref_squeeze %dma_wait3A_341 : memref<1x1x79x128xi32, #tpu.memory_space<hbm>> -> memref<79x128xi32, #tpu.memory_space<hbm>>
      tpu.wait_dma2 semaphore(%run_scoped3A : memref<!tpu.dma_semaphore, #tpu.memory_space<semaphore_mem>>) src(%dma_wait3A_342 : memref<79x128xi32, #tpu.memory_space<hbm>>) dst(%arg19 : memref<79x128xi32, #tpu.memory_space<vmem>>)
      tpu.yield
    }) : () -> ()
    %scan3A_133 = arith.constant 0 : i32
    %scan3A_134 = arith.constant 0 : i32
    %scan3A_135 = arith.constant 79 : i32
    %scan3A_136 = arith.addi %scan3A_134, %scan3A_135 : i32
    %scan3A_137 = arith.constant 1 : i32
    scf.for %scan3A_329 = %scan3A_134 to %scan3A_136 step %scan3A_137  : i32 {
      %dma_start3A = arith.constant 0 : i32
      %dma_start3A_330 = tpu.memref_slice %arg19[%scan3A_329, %dma_start3A] : memref<79x128xi32, #tpu.memory_space<vmem>> -> memref<1x128xi32, #tpu.memory_space<vmem>>
      %dma_start3A_331 = tpu.memref_squeeze %dma_start3A_330 : memref<1x128xi32, #tpu.memory_space<vmem>> -> memref<128xi32, #tpu.memory_space<vmem>>
      %dma_start3A_332 = arith.constant 0 : i32
      %dma_start3A_333 = arith.constant 0 : i32
      %dma_start3A_334 = tpu.memref_slice %arg3[%dma_start3A_332, %dma_start3A_333] : memref<40000x64xf32, #tpu.memory_space<hbm>> -> memref<40000x64xf32, #tpu.memory_space<hbm>>
      tpu.enqueue_indirect_dma source(%dma_start3A_334 : memref<40000x64xf32, #tpu.memory_space<hbm>>) target(%arg21 : memref<128x64xf32, #tpu.memory_space<vmem>>) offsets(%dma_start3A_331 : memref<128xi32, #tpu.memory_space<vmem>>) semaphore(%arg27 : memref<!tpu.dma_semaphore, #tpu.memory_space<semaphore_mem>>)
      %dma_wait3A = arith.constant 0 : i32
      %dma_wait3A_335 = tpu.memref_slice %arg19[%scan3A_329, %dma_wait3A] : memref<79x128xi32, #tpu.memory_space<vmem>> -> memref<1x128xi32, #tpu.memory_space<vmem>>
      %dma_wait3A_336 = tpu.memref_squeeze %dma_wait3A_335 : memref<1x128xi32, #tpu.memory_space<vmem>> -> memref<128xi32, #tpu.memory_space<vmem>>
      %dma_wait3A_337 = arith.constant 0 : i32
      %dma_wait3A_338 = arith.constant 0 : i32
      %dma_wait3A_339 = tpu.memref_slice %arg3[%dma_wait3A_337, %dma_wait3A_338] : memref<40000x64xf32, #tpu.memory_space<hbm>> -> memref<40000x64xf32, #tpu.memory_space<hbm>>
      tpu.wait_indirect_dma semaphore(%arg27 : memref<!tpu.dma_semaphore, #tpu.memory_space<semaphore_mem>>) src(%dma_wait3A_339 : memref<40000x64xf32, #tpu.memory_space<hbm>>) dst(%arg21 : memref<128x64xf32, #tpu.memory_space<vmem>>)
      "tpu.region"() ({
        %run_scoped3A = tpu.sem_alloc : memref<!tpu.dma_semaphore, #tpu.memory_space<semaphore_mem>>
        %dma_start3A_345 = arith.constant 0 : i32
        %dma_start3A_346 = tpu.memref_slice %arg20[%scan3A_329, %dma_start3A_345] : memref<79x128xi32, #tpu.memory_space<vmem>> -> memref<1x128xi32, #tpu.memory_space<vmem>>
        %dma_start3A_347 = tpu.memref_squeeze %dma_start3A_346 : memref<1x128xi32, #tpu.memory_space<vmem>> -> memref<128xi32, #tpu.memory_space<vmem>>
        %dma_start3A_348 = arith.constant 0 : i32
        %dma_start3A_349 = arith.constant 0 : i32
        %dma_start3A_350 = tpu.memref_slice %arg25[%dma_start3A_348, %dma_start3A_349] : memref<10240x64xf32, #tpu.memory_space<vmem_shared>> -> memref<10240x64xf32, #tpu.memory_space<vmem_shared>>
        tpu.enqueue_indirect_dma source(%arg21 : memref<128x64xf32, #tpu.memory_space<vmem>>) target(%dma_start3A_350 : memref<10240x64xf32, #tpu.memory_space<vmem_shared>>) offsets(%dma_start3A_347 : memref<128xi32, #tpu.memory_space<vmem>>) semaphore(%run_scoped3A : memref<!tpu.dma_semaphore, #tpu.memory_space<semaphore_mem>>) {add = true}
        %dma_wait3A_351 = arith.constant 0 : i32
        %dma_wait3A_352 = tpu.memref_slice %arg20[%scan3A_329, %dma_wait3A_351] : memref<79x128xi32, #tpu.memory_space<vmem>> -> memref<1x128xi32, #tpu.memory_space<vmem>>
        %dma_wait3A_353 = tpu.memref_squeeze %dma_wait3A_352 : memref<1x128xi32, #tpu.memory_space<vmem>> -> memref<128xi32, #tpu.memory_space<vmem>>
        %dma_wait3A_354 = arith.constant 0 : i32
        %dma_wait3A_355 = arith.constant 0 : i32
        %dma_wait3A_356 = tpu.memref_slice %arg25[%dma_wait3A_354, %dma_wait3A_355] : memref<10240x64xf32, #tpu.memory_space<vmem_shared>> -> memref<10240x64xf32, #tpu.memory_space<vmem_shared>>
        tpu.wait_indirect_dma semaphore(%run_scoped3A : memref<!tpu.dma_semaphore, #tpu.memory_space<semaphore_mem>>) src(%arg21 : memref<128x64xf32, #tpu.memory_space<vmem>>) dst(%dma_wait3A_356 : memref<10240x64xf32, #tpu.memory_space<vmem_shared>>)
        tpu.yield
      }) : () -> ()
      %eq3A_340 = arith.constant 1 : i32
      %eq3A_341 = arith.cmpi eq, %arg0, %eq3A_340 : i32
      %convert_element_type3A_342 = arith.extui %eq3A_341 : i1 to i32
      %cond3A_343 = arith.constant 0 : i32
      %cond3A_344 = arith.cmpi ne, %convert_element_type3A_342, %cond3A_343 : i32
      scf.if %cond3A_344 {
        "tpu.region"() ({
          %run_scoped3A = tpu.sem_alloc : memref<!tpu.dma_semaphore, #tpu.memory_space<semaphore_mem>>
          %dma_start3A_345 = arith.constant 0 : i32
          %dma_start3A_346 = tpu.memref_slice %arg20[%scan3A_329, %dma_start3A_345] : memref<79x128xi32, #tpu.memory_space<vmem>> -> memref<1x128xi32, #tpu.memory_space<vmem>>
          %dma_start3A_347 = tpu.memref_squeeze %dma_start3A_346 : memref<1x128xi32, #tpu.memory_space<vmem>> -> memref<128xi32, #tpu.memory_space<vmem>>
          %dma_start3A_348 = arith.constant 0 : i32
          %dma_start3A_349 = arith.constant 0 : i32
          %dma_start3A_350 = tpu.memref_slice %arg26[%dma_start3A_348, %dma_start3A_349] : memref<10240x16xf32, #tpu.memory_space<vmem_shared>> -> memref<10240x16xf32, #tpu.memory_space<vmem_shared>>
          tpu.enqueue_indirect_dma source(%arg22 : memref<128x16xf32, #tpu.memory_space<vmem>>) target(%dma_start3A_350 : memref<10240x16xf32, #tpu.memory_space<vmem_shared>>) offsets(%dma_start3A_347 : memref<128xi32, #tpu.memory_space<vmem>>) semaphore(%run_scoped3A : memref<!tpu.dma_semaphore, #tpu.memory_space<semaphore_mem>>) {add = true}
          %dma_wait3A_351 = arith.constant 0 : i32
          %dma_wait3A_352 = tpu.memref_slice %arg20[%scan3A_329, %dma_wait3A_351] : memref<79x128xi32, #tpu.memory_space<vmem>> -> memref<1x128xi32, #tpu.memory_space<vmem>>
          %dma_wait3A_353 = tpu.memref_squeeze %dma_wait3A_352 : memref<1x128xi32, #tpu.memory_space<vmem>> -> memref<128xi32, #tpu.memory_space<vmem>>
          %dma_wait3A_354 = arith.constant 0 : i32
          %dma_wait3A_355 = arith.constant 0 : i32
          %dma_wait3A_356 = tpu.memref_slice %arg26[%dma_wait3A_354, %dma_wait3A_355] : memref<10240x16xf32, #tpu.memory_space<vmem_shared>> -> memref<10240x16xf32, #tpu.memory_space<vmem_shared>>
          tpu.wait_indirect_dma semaphore(%run_scoped3A : memref<!tpu.dma_semaphore, #tpu.memory_space<semaphore_mem>>) src(%arg22 : memref<128x16xf32, #tpu.memory_space<vmem>>) dst(%dma_wait3A_356 : memref<10240x16xf32, #tpu.memory_space<vmem_shared>>)
          tpu.yield
        }) : () -> ()
      } else {
      }
    }
    %scan3A_138 = arith.constant 79 : i32
    %barrier3A_139 = arith.constant 0 : index
    tpu.barrier barrier_id(%barrier3A_139)
    %mul3A_140 = arith.constant 640 : i32
    %mul3A_141 = arith.muli %arg1, %mul3A_140 : i32
    %add3A_142 = arith.constant 0 : i32
    %add3A_143 = arith.addi %mul3A_141, %add3A_142 : i32
    "tpu.region"() ({
      %run_scoped3A = tpu.sem_alloc : memref<!tpu.dma_semaphore, #tpu.memory_space<semaphore_mem>>
      %dma_start3A = arith.constant 0 : i32
      %dma_start3A_329 = tpu.memref_slice %arg25[%add3A_143, %dma_start3A] : memref<10240x64xf32, #tpu.memory_space<vmem_shared>> -> memref<128x64xf32, #tpu.memory_space<vmem_shared>>
      %dma_start3A_330 = arith.constant 0 : i32
      %dma_start3A_331 = tpu.memref_slice %arg25[%add3A_143, %dma_start3A_330] : memref<10240x64xf32, #tpu.memory_space<vmem_shared>> -> memref<128x64xf32, #tpu.memory_space<vmem_shared>>
      tpu.enqueue_dma source(%dma_start3A_331 : memref<128x64xf32, #tpu.memory_space<vmem_shared>>) target(%arg21 : memref<128x64xf32, #tpu.memory_space<vmem>>) target_semaphore(%run_scoped3A : memref<!tpu.dma_semaphore, #tpu.memory_space<semaphore_mem>>)
      %dma_wait3A = arith.constant 0 : i32
      %dma_wait3A_332 = tpu.memref_slice %arg25[%add3A_143, %dma_wait3A] : memref<10240x64xf32, #tpu.memory_space<vmem_shared>> -> memref<128x64xf32, #tpu.memory_space<vmem_shared>>
      %dma_wait3A_333 = arith.constant 0 : i32
      %dma_wait3A_334 = tpu.memref_slice %arg25[%add3A_143, %dma_wait3A_333] : memref<10240x64xf32, #tpu.memory_space<vmem_shared>> -> memref<128x64xf32, #tpu.memory_space<vmem_shared>>
      tpu.wait_dma2 semaphore(%run_scoped3A : memref<!tpu.dma_semaphore, #tpu.memory_space<semaphore_mem>>) src(%dma_wait3A_334 : memref<128x64xf32, #tpu.memory_space<vmem_shared>>) dst(%arg21 : memref<128x64xf32, #tpu.memory_space<vmem>>)
      tpu.yield
    }) : () -> ()
    "tpu.region"() ({
      %run_scoped3A = tpu.sem_alloc : memref<!tpu.dma_semaphore, #tpu.memory_space<semaphore_mem>>
      %dma_start3A = arith.constant 0 : i32
      %dma_start3A_329 = tpu.memref_slice %arg15[%add3A_106, %add3A_143, %dma_start3A] : memref<4x10240x64xf32, #tpu.memory_space<hbm>> -> memref<1x128x64xf32, #tpu.memory_space<hbm>>
      %dma_start3A_330 = tpu.memref_squeeze %dma_start3A_329 : memref<1x128x64xf32, #tpu.memory_space<hbm>> -> memref<128x64xf32, #tpu.memory_space<hbm>>
      %dma_start3A_331 = arith.constant 0 : i32
      %dma_start3A_332 = tpu.memref_slice %arg15[%add3A_106, %add3A_143, %dma_start3A_331] : memref<4x10240x64xf32, #tpu.memory_space<hbm>> -> memref<1x128x64xf32, #tpu.memory_space<hbm>>
      %dma_start3A_333 = tpu.memref_squeeze %dma_start3A_332 : memref<1x128x64xf32, #tpu.memory_space<hbm>> -> memref<128x64xf32, #tpu.memory_space<hbm>>
      tpu.enqueue_dma source(%arg21 : memref<128x64xf32, #tpu.memory_space<vmem>>) target(%dma_start3A_333 : memref<128x64xf32, #tpu.memory_space<hbm>>) target_semaphore(%run_scoped3A : memref<!tpu.dma_semaphore, #tpu.memory_space<semaphore_mem>>)
      %dma_wait3A = arith.constant 0 : i32
      %dma_wait3A_334 = tpu.memref_slice %arg15[%add3A_106, %add3A_143, %dma_wait3A] : memref<4x10240x64xf32, #tpu.memory_space<hbm>> -> memref<1x128x64xf32, #tpu.memory_space<hbm>>
      %dma_wait3A_335 = tpu.memref_squeeze %dma_wait3A_334 : memref<1x128x64xf32, #tpu.memory_space<hbm>> -> memref<128x64xf32, #tpu.memory_space<hbm>>
      %dma_wait3A_336 = arith.constant 0 : i32
      %dma_wait3A_337 = tpu.memref_slice %arg15[%add3A_106, %add3A_143, %dma_wait3A_336] : memref<4x10240x64xf32, #tpu.memory_space<hbm>> -> memref<1x128x64xf32, #tpu.memory_space<hbm>>
      %dma_wait3A_338 = tpu.memref_squeeze %dma_wait3A_337 : memref<1x128x64xf32, #tpu.memory_space<hbm>> -> memref<128x64xf32, #tpu.memory_space<hbm>>
      tpu.wait_dma2 semaphore(%run_scoped3A : memref<!tpu.dma_semaphore, #tpu.memory_space<semaphore_mem>>) src(%arg21 : memref<128x64xf32, #tpu.memory_space<vmem>>) dst(%dma_wait3A_338 : memref<128x64xf32, #tpu.memory_space<hbm>>)
      tpu.yield
    }) : () -> ()
    %mul3A_144 = arith.constant 640 : i32
    %mul3A_145 = arith.muli %arg1, %mul3A_144 : i32
    %add3A_146 = arith.constant 128 : i32
    %add3A_147 = arith.addi %mul3A_145, %add3A_146 : i32
    "tpu.region"() ({
      %run_scoped3A = tpu.sem_alloc : memref<!tpu.dma_semaphore, #tpu.memory_space<semaphore_mem>>
      %dma_start3A = arith.constant 0 : i32
      %dma_start3A_329 = tpu.memref_slice %arg25[%add3A_147, %dma_start3A] : memref<10240x64xf32, #tpu.memory_space<vmem_shared>> -> memref<128x64xf32, #tpu.memory_space<vmem_shared>>
      %dma_start3A_330 = arith.constant 0 : i32
      %dma_start3A_331 = tpu.memref_slice %arg25[%add3A_147, %dma_start3A_330] : memref<10240x64xf32, #tpu.memory_space<vmem_shared>> -> memref<128x64xf32, #tpu.memory_space<vmem_shared>>
      tpu.enqueue_dma source(%dma_start3A_331 : memref<128x64xf32, #tpu.memory_space<vmem_shared>>) target(%arg21 : memref<128x64xf32, #tpu.memory_space<vmem>>) target_semaphore(%run_scoped3A : memref<!tpu.dma_semaphore, #tpu.memory_space<semaphore_mem>>)
      %dma_wait3A = arith.constant 0 : i32
      %dma_wait3A_332 = tpu.memref_slice %arg25[%add3A_147, %dma_wait3A] : memref<10240x64xf32, #tpu.memory_space<vmem_shared>> -> memref<128x64xf32, #tpu.memory_space<vmem_shared>>
      %dma_wait3A_333 = arith.constant 0 : i32
      %dma_wait3A_334 = tpu.memref_slice %arg25[%add3A_147, %dma_wait3A_333] : memref<10240x64xf32, #tpu.memory_space<vmem_shared>> -> memref<128x64xf32, #tpu.memory_space<vmem_shared>>
      tpu.wait_dma2 semaphore(%run_scoped3A : memref<!tpu.dma_semaphore, #tpu.memory_space<semaphore_mem>>) src(%dma_wait3A_334 : memref<128x64xf32, #tpu.memory_space<vmem_shared>>) dst(%arg21 : memref<128x64xf32, #tpu.memory_space<vmem>>)
      tpu.yield
    }) : () -> ()
    "tpu.region"() ({
      %run_scoped3A = tpu.sem_alloc : memref<!tpu.dma_semaphore, #tpu.memory_space<semaphore_mem>>
      %dma_start3A = arith.constant 0 : i32
      %dma_start3A_329 = tpu.memref_slice %arg15[%add3A_106, %add3A_147, %dma_start3A] : memref<4x10240x64xf32, #tpu.memory_space<hbm>> -> memref<1x128x64xf32, #tpu.memory_space<hbm>>
      %dma_start3A_330 = tpu.memref_squeeze %dma_start3A_329 : memref<1x128x64xf32, #tpu.memory_space<hbm>> -> memref<128x64xf32, #tpu.memory_space<hbm>>
      %dma_start3A_331 = arith.constant 0 : i32
      %dma_start3A_332 = tpu.memref_slice %arg15[%add3A_106, %add3A_147, %dma_start3A_331] : memref<4x10240x64xf32, #tpu.memory_space<hbm>> -> memref<1x128x64xf32, #tpu.memory_space<hbm>>
      %dma_start3A_333 = tpu.memref_squeeze %dma_start3A_332 : memref<1x128x64xf32, #tpu.memory_space<hbm>> -> memref<128x64xf32, #tpu.memory_space<hbm>>
      tpu.enqueue_dma source(%arg21 : memref<128x64xf32, #tpu.memory_space<vmem>>) target(%dma_start3A_333 : memref<128x64xf32, #tpu.memory_space<hbm>>) target_semaphore(%run_scoped3A : memref<!tpu.dma_semaphore, #tpu.memory_space<semaphore_mem>>)
      %dma_wait3A = arith.constant 0 : i32
      %dma_wait3A_334 = tpu.memref_slice %arg15[%add3A_106, %add3A_147, %dma_wait3A] : memref<4x10240x64xf32, #tpu.memory_space<hbm>> -> memref<1x128x64xf32, #tpu.memory_space<hbm>>
      %dma_wait3A_335 = tpu.memref_squeeze %dma_wait3A_334 : memref<1x128x64xf32, #tpu.memory_space<hbm>> -> memref<128x64xf32, #tpu.memory_space<hbm>>
      %dma_wait3A_336 = arith.constant 0 : i32
      %dma_wait3A_337 = tpu.memref_slice %arg15[%add3A_106, %add3A_147, %dma_wait3A_336] : memref<4x10240x64xf32, #tpu.memory_space<hbm>> -> memref<1x128x64xf32, #tpu.memory_space<hbm>>
      %dma_wait3A_338 = tpu.memref_squeeze %dma_wait3A_337 : memref<1x128x64xf32, #tpu.memory_space<hbm>> -> memref<128x64xf32, #tpu.memory_space<hbm>>
      tpu.wait_dma2 semaphore(%run_scoped3A : memref<!tpu.dma_semaphore, #tpu.memory_space<semaphore_mem>>) src(%arg21 : memref<128x64xf32, #tpu.memory_space<vmem>>) dst(%dma_wait3A_338 : memref<128x64xf32, #tpu.memory_space<hbm>>)
      tpu.yield
    }) : () -> ()
    %mul3A_148 = arith.constant 640 : i32
    %mul3A_149 = arith.muli %arg1, %mul3A_148 : i32
    %add3A_150 = arith.constant 256 : i32
    %add3A_151 = arith.addi %mul3A_149, %add3A_150 : i32
    "tpu.region"() ({
      %run_scoped3A = tpu.sem_alloc : memref<!tpu.dma_semaphore, #tpu.memory_space<semaphore_mem>>
      %dma_start3A = arith.constant 0 : i32
      %dma_start3A_329 = tpu.memref_slice %arg25[%add3A_151, %dma_start3A] : memref<10240x64xf32, #tpu.memory_space<vmem_shared>> -> memref<128x64xf32, #tpu.memory_space<vmem_shared>>
      %dma_start3A_330 = arith.constant 0 : i32
      %dma_start3A_331 = tpu.memref_slice %arg25[%add3A_151, %dma_start3A_330] : memref<10240x64xf32, #tpu.memory_space<vmem_shared>> -> memref<128x64xf32, #tpu.memory_space<vmem_shared>>
      tpu.enqueue_dma source(%dma_start3A_331 : memref<128x64xf32, #tpu.memory_space<vmem_shared>>) target(%arg21 : memref<128x64xf32, #tpu.memory_space<vmem>>) target_semaphore(%run_scoped3A : memref<!tpu.dma_semaphore, #tpu.memory_space<semaphore_mem>>)
      %dma_wait3A = arith.constant 0 : i32
      %dma_wait3A_332 = tpu.memref_slice %arg25[%add3A_151, %dma_wait3A] : memref<10240x64xf32, #tpu.memory_space<vmem_shared>> -> memref<128x64xf32, #tpu.memory_space<vmem_shared>>
      %dma_wait3A_333 = arith.constant 0 : i32
      %dma_wait3A_334 = tpu.memref_slice %arg25[%add3A_151, %dma_wait3A_333] : memref<10240x64xf32, #tpu.memory_space<vmem_shared>> -> memref<128x64xf32, #tpu.memory_space<vmem_shared>>
      tpu.wait_dma2 semaphore(%run_scoped3A : memref<!tpu.dma_semaphore, #tpu.memory_space<semaphore_mem>>) src(%dma_wait3A_334 : memref<128x64xf32, #tpu.memory_space<vmem_shared>>) dst(%arg21 : memref<128x64xf32, #tpu.memory_space<vmem>>)
      tpu.yield
    }) : () -> ()
    "tpu.region"() ({
      %run_scoped3A = tpu.sem_alloc : memref<!tpu.dma_semaphore, #tpu.memory_space<semaphore_mem>>
      %dma_start3A = arith.constant 0 : i32
      %dma_start3A_329 = tpu.memref_slice %arg15[%add3A_106, %add3A_151, %dma_start3A] : memref<4x10240x64xf32, #tpu.memory_space<hbm>> -> memref<1x128x64xf32, #tpu.memory_space<hbm>>
      %dma_start3A_330 = tpu.memref_squeeze %dma_start3A_329 : memref<1x128x64xf32, #tpu.memory_space<hbm>> -> memref<128x64xf32, #tpu.memory_space<hbm>>
      %dma_start3A_331 = arith.constant 0 : i32
      %dma_start3A_332 = tpu.memref_slice %arg15[%add3A_106, %add3A_151, %dma_start3A_331] : memref<4x10240x64xf32, #tpu.memory_space<hbm>> -> memref<1x128x64xf32, #tpu.memory_space<hbm>>
      %dma_start3A_333 = tpu.memref_squeeze %dma_start3A_332 : memref<1x128x64xf32, #tpu.memory_space<hbm>> -> memref<128x64xf32, #tpu.memory_space<hbm>>
      tpu.enqueue_dma source(%arg21 : memref<128x64xf32, #tpu.memory_space<vmem>>) target(%dma_start3A_333 : memref<128x64xf32, #tpu.memory_space<hbm>>) target_semaphore(%run_scoped3A : memref<!tpu.dma_semaphore, #tpu.memory_space<semaphore_mem>>)
      %dma_wait3A = arith.constant 0 : i32
      %dma_wait3A_334 = tpu.memref_slice %arg15[%add3A_106, %add3A_151, %dma_wait3A] : memref<4x10240x64xf32, #tpu.memory_space<hbm>> -> memref<1x128x64xf32, #tpu.memory_space<hbm>>
      %dma_wait3A_335 = tpu.memref_squeeze %dma_wait3A_334 : memref<1x128x64xf32, #tpu.memory_space<hbm>> -> memref<128x64xf32, #tpu.memory_space<hbm>>
      %dma_wait3A_336 = arith.constant 0 : i32
      %dma_wait3A_337 = tpu.memref_slice %arg15[%add3A_106, %add3A_151, %dma_wait3A_336] : memref<4x10240x64xf32, #tpu.memory_space<hbm>> -> memref<1x128x64xf32, #tpu.memory_space<hbm>>
      %dma_wait3A_338 = tpu.memref_squeeze %dma_wait3A_337 : memref<1x128x64xf32, #tpu.memory_space<hbm>> -> memref<128x64xf32, #tpu.memory_space<hbm>>
      tpu.wait_dma2 semaphore(%run_scoped3A : memref<!tpu.dma_semaphore, #tpu.memory_space<semaphore_mem>>) src(%arg21 : memref<128x64xf32, #tpu.memory_space<vmem>>) dst(%dma_wait3A_338 : memref<128x64xf32, #tpu.memory_space<hbm>>)
      tpu.yield
    }) : () -> ()
    %mul3A_152 = arith.constant 640 : i32
    %mul3A_153 = arith.muli %arg1, %mul3A_152 : i32
    %add3A_154 = arith.constant 384 : i32
    %add3A_155 = arith.addi %mul3A_153, %add3A_154 : i32
    "tpu.region"() ({
      %run_scoped3A = tpu.sem_alloc : memref<!tpu.dma_semaphore, #tpu.memory_space<semaphore_mem>>
      %dma_start3A = arith.constant 0 : i32
      %dma_start3A_329 = tpu.memref_slice %arg25[%add3A_155, %dma_start3A] : memref<10240x64xf32, #tpu.memory_space<vmem_shared>> -> memref<128x64xf32, #tpu.memory_space<vmem_shared>>
      %dma_start3A_330 = arith.constant 0 : i32
      %dma_start3A_331 = tpu.memref_slice %arg25[%add3A_155, %dma_start3A_330] : memref<10240x64xf32, #tpu.memory_space<vmem_shared>> -> memref<128x64xf32, #tpu.memory_space<vmem_shared>>
      tpu.enqueue_dma source(%dma_start3A_331 : memref<128x64xf32, #tpu.memory_space<vmem_shared>>) target(%arg21 : memref<128x64xf32, #tpu.memory_space<vmem>>) target_semaphore(%run_scoped3A : memref<!tpu.dma_semaphore, #tpu.memory_space<semaphore_mem>>)
      %dma_wait3A = arith.constant 0 : i32
      %dma_wait3A_332 = tpu.memref_slice %arg25[%add3A_155, %dma_wait3A] : memref<10240x64xf32, #tpu.memory_space<vmem_shared>> -> memref<128x64xf32, #tpu.memory_space<vmem_shared>>
      %dma_wait3A_333 = arith.constant 0 : i32
      %dma_wait3A_334 = tpu.memref_slice %arg25[%add3A_155, %dma_wait3A_333] : memref<10240x64xf32, #tpu.memory_space<vmem_shared>> -> memref<128x64xf32, #tpu.memory_space<vmem_shared>>
      tpu.wait_dma2 semaphore(%run_scoped3A : memref<!tpu.dma_semaphore, #tpu.memory_space<semaphore_mem>>) src(%dma_wait3A_334 : memref<128x64xf32, #tpu.memory_space<vmem_shared>>) dst(%arg21 : memref<128x64xf32, #tpu.memory_space<vmem>>)
      tpu.yield
    }) : () -> ()
    "tpu.region"() ({
      %run_scoped3A = tpu.sem_alloc : memref<!tpu.dma_semaphore, #tpu.memory_space<semaphore_mem>>
      %dma_start3A = arith.constant 0 : i32
      %dma_start3A_329 = tpu.memref_slice %arg15[%add3A_106, %add3A_155, %dma_start3A] : memref<4x10240x64xf32, #tpu.memory_space<hbm>> -> memref<1x128x64xf32, #tpu.memory_space<hbm>>
      %dma_start3A_330 = tpu.memref_squeeze %dma_start3A_329 : memref<1x128x64xf32, #tpu.memory_space<hbm>> -> memref<128x64xf32, #tpu.memory_space<hbm>>
      %dma_start3A_331 = arith.constant 0 : i32
      %dma_start3A_332 = tpu.memref_slice %arg15[%add3A_106, %add3A_155, %dma_start3A_331] : memref<4x10240x64xf32, #tpu.memory_space<hbm>> -> memref<1x128x64xf32, #tpu.memory_space<hbm>>
      %dma_start3A_333 = tpu.memref_squeeze %dma_start3A_332 : memref<1x128x64xf32, #tpu.memory_space<hbm>> -> memref<128x64xf32, #tpu.memory_space<hbm>>
      tpu.enqueue_dma source(%arg21 : memref<128x64xf32, #tpu.memory_space<vmem>>) target(%dma_start3A_333 : memref<128x64xf32, #tpu.memory_space<hbm>>) target_semaphore(%run_scoped3A : memref<!tpu.dma_semaphore, #tpu.memory_space<semaphore_mem>>)
      %dma_wait3A = arith.constant 0 : i32
      %dma_wait3A_334 = tpu.memref_slice %arg15[%add3A_106, %add3A_155, %dma_wait3A] : memref<4x10240x64xf32, #tpu.memory_space<hbm>> -> memref<1x128x64xf32, #tpu.memory_space<hbm>>
      %dma_wait3A_335 = tpu.memref_squeeze %dma_wait3A_334 : memref<1x128x64xf32, #tpu.memory_space<hbm>> -> memref<128x64xf32, #tpu.memory_space<hbm>>
      %dma_wait3A_336 = arith.constant 0 : i32
      %dma_wait3A_337 = tpu.memref_slice %arg15[%add3A_106, %add3A_155, %dma_wait3A_336] : memref<4x10240x64xf32, #tpu.memory_space<hbm>> -> memref<1x128x64xf32, #tpu.memory_space<hbm>>
      %dma_wait3A_338 = tpu.memref_squeeze %dma_wait3A_337 : memref<1x128x64xf32, #tpu.memory_space<hbm>> -> memref<128x64xf32, #tpu.memory_space<hbm>>
      tpu.wait_dma2 semaphore(%run_scoped3A : memref<!tpu.dma_semaphore, #tpu.memory_space<semaphore_mem>>) src(%arg21 : memref<128x64xf32, #tpu.memory_space<vmem>>) dst(%dma_wait3A_338 : memref<128x64xf32, #tpu.memory_space<hbm>>)
      tpu.yield
    }) : () -> ()
    %mul3A_156 = arith.constant 640 : i32
    %mul3A_157 = arith.muli %arg1, %mul3A_156 : i32
    %add3A_158 = arith.constant 512 : i32
    %add3A_159 = arith.addi %mul3A_157, %add3A_158 : i32
    "tpu.region"() ({
      %run_scoped3A = tpu.sem_alloc : memref<!tpu.dma_semaphore, #tpu.memory_space<semaphore_mem>>
      %dma_start3A = arith.constant 0 : i32
      %dma_start3A_329 = tpu.memref_slice %arg25[%add3A_159, %dma_start3A] : memref<10240x64xf32, #tpu.memory_space<vmem_shared>> -> memref<128x64xf32, #tpu.memory_space<vmem_shared>>
      %dma_start3A_330 = arith.constant 0 : i32
      %dma_start3A_331 = tpu.memref_slice %arg25[%add3A_159, %dma_start3A_330] : memref<10240x64xf32, #tpu.memory_space<vmem_shared>> -> memref<128x64xf32, #tpu.memory_space<vmem_shared>>
      tpu.enqueue_dma source(%dma_start3A_331 : memref<128x64xf32, #tpu.memory_space<vmem_shared>>) target(%arg21 : memref<128x64xf32, #tpu.memory_space<vmem>>) target_semaphore(%run_scoped3A : memref<!tpu.dma_semaphore, #tpu.memory_space<semaphore_mem>>)
      %dma_wait3A = arith.constant 0 : i32
      %dma_wait3A_332 = tpu.memref_slice %arg25[%add3A_159, %dma_wait3A] : memref<10240x64xf32, #tpu.memory_space<vmem_shared>> -> memref<128x64xf32, #tpu.memory_space<vmem_shared>>
      %dma_wait3A_333 = arith.constant 0 : i32
      %dma_wait3A_334 = tpu.memref_slice %arg25[%add3A_159, %dma_wait3A_333] : memref<10240x64xf32, #tpu.memory_space<vmem_shared>> -> memref<128x64xf32, #tpu.memory_space<vmem_shared>>
      tpu.wait_dma2 semaphore(%run_scoped3A : memref<!tpu.dma_semaphore, #tpu.memory_space<semaphore_mem>>) src(%dma_wait3A_334 : memref<128x64xf32, #tpu.memory_space<vmem_shared>>) dst(%arg21 : memref<128x64xf32, #tpu.memory_space<vmem>>)
      tpu.yield
    }) : () -> ()
    "tpu.region"() ({
      %run_scoped3A = tpu.sem_alloc : memref<!tpu.dma_semaphore, #tpu.memory_space<semaphore_mem>>
      %dma_start3A = arith.constant 0 : i32
      %dma_start3A_329 = tpu.memref_slice %arg15[%add3A_106, %add3A_159, %dma_start3A] : memref<4x10240x64xf32, #tpu.memory_space<hbm>> -> memref<1x128x64xf32, #tpu.memory_space<hbm>>
      %dma_start3A_330 = tpu.memref_squeeze %dma_start3A_329 : memref<1x128x64xf32, #tpu.memory_space<hbm>> -> memref<128x64xf32, #tpu.memory_space<hbm>>
      %dma_start3A_331 = arith.constant 0 : i32
      %dma_start3A_332 = tpu.memref_slice %arg15[%add3A_106, %add3A_159, %dma_start3A_331] : memref<4x10240x64xf32, #tpu.memory_space<hbm>> -> memref<1x128x64xf32, #tpu.memory_space<hbm>>
      %dma_start3A_333 = tpu.memref_squeeze %dma_start3A_332 : memref<1x128x64xf32, #tpu.memory_space<hbm>> -> memref<128x64xf32, #tpu.memory_space<hbm>>
      tpu.enqueue_dma source(%arg21 : memref<128x64xf32, #tpu.memory_space<vmem>>) target(%dma_start3A_333 : memref<128x64xf32, #tpu.memory_space<hbm>>) target_semaphore(%run_scoped3A : memref<!tpu.dma_semaphore, #tpu.memory_space<semaphore_mem>>)
      %dma_wait3A = arith.constant 0 : i32
      %dma_wait3A_334 = tpu.memref_slice %arg15[%add3A_106, %add3A_159, %dma_wait3A] : memref<4x10240x64xf32, #tpu.memory_space<hbm>> -> memref<1x128x64xf32, #tpu.memory_space<hbm>>
      %dma_wait3A_335 = tpu.memref_squeeze %dma_wait3A_334 : memref<1x128x64xf32, #tpu.memory_space<hbm>> -> memref<128x64xf32, #tpu.memory_space<hbm>>
      %dma_wait3A_336 = arith.constant 0 : i32
      %dma_wait3A_337 = tpu.memref_slice %arg15[%add3A_106, %add3A_159, %dma_wait3A_336] : memref<4x10240x64xf32, #tpu.memory_space<hbm>> -> memref<1x128x64xf32, #tpu.memory_space<hbm>>
      %dma_wait3A_338 = tpu.memref_squeeze %dma_wait3A_337 : memref<1x128x64xf32, #tpu.memory_space<hbm>> -> memref<128x64xf32, #tpu.memory_space<hbm>>
      tpu.wait_dma2 semaphore(%run_scoped3A : memref<!tpu.dma_semaphore, #tpu.memory_space<semaphore_mem>>) src(%arg21 : memref<128x64xf32, #tpu.memory_space<vmem>>) dst(%dma_wait3A_338 : memref<128x64xf32, #tpu.memory_space<hbm>>)
      tpu.yield
    }) : () -> ()
    %eq3A_160 = arith.constant 1 : i32
    %eq3A_161 = arith.cmpi eq, %arg0, %eq3A_160 : i32
    %convert_element_type3A_162 = arith.extui %eq3A_161 : i1 to i32
    %cond3A_163 = arith.constant 0 : i32
    %cond3A_164 = arith.cmpi ne, %convert_element_type3A_162, %cond3A_163 : i32
    scf.if %cond3A_164 {
      %mul3A_329 = arith.constant 640 : i32
      %mul3A_330 = arith.muli %arg1, %mul3A_329 : i32
      %add3A_331 = arith.constant 0 : i32
      %add3A_332 = arith.addi %mul3A_330, %add3A_331 : i32
      "tpu.region"() ({
        %run_scoped3A = tpu.sem_alloc : memref<!tpu.dma_semaphore, #tpu.memory_space<semaphore_mem>>
        %dma_start3A = arith.constant 0 : i32
        %dma_start3A_349 = tpu.memref_slice %arg26[%add3A_332, %dma_start3A] : memref<10240x16xf32, #tpu.memory_space<vmem_shared>> -> memref<128x16xf32, #tpu.memory_space<vmem_shared>>
        %dma_start3A_350 = arith.constant 0 : i32
        %dma_start3A_351 = tpu.memref_slice %arg26[%add3A_332, %dma_start3A_350] : memref<10240x16xf32, #tpu.memory_space<vmem_shared>> -> memref<128x16xf32, #tpu.memory_space<vmem_shared>>
        tpu.enqueue_dma source(%dma_start3A_351 : memref<128x16xf32, #tpu.memory_space<vmem_shared>>) target(%arg24 : memref<128x16xf32, #tpu.memory_space<vmem>>) target_semaphore(%run_scoped3A : memref<!tpu.dma_semaphore, #tpu.memory_space<semaphore_mem>>)
        %dma_wait3A = arith.constant 0 : i32
        %dma_wait3A_352 = tpu.memref_slice %arg26[%add3A_332, %dma_wait3A] : memref<10240x16xf32, #tpu.memory_space<vmem_shared>> -> memref<128x16xf32, #tpu.memory_space<vmem_shared>>
        %dma_wait3A_353 = arith.constant 0 : i32
        %dma_wait3A_354 = tpu.memref_slice %arg26[%add3A_332, %dma_wait3A_353] : memref<10240x16xf32, #tpu.memory_space<vmem_shared>> -> memref<128x16xf32, #tpu.memory_space<vmem_shared>>
        tpu.wait_dma2 semaphore(%run_scoped3A : memref<!tpu.dma_semaphore, #tpu.memory_space<semaphore_mem>>) src(%dma_wait3A_354 : memref<128x16xf32, #tpu.memory_space<vmem_shared>>) dst(%arg24 : memref<128x16xf32, #tpu.memory_space<vmem>>)
        tpu.yield
      }) : () -> ()
      "tpu.region"() ({
        %run_scoped3A = tpu.sem_alloc : memref<!tpu.dma_semaphore, #tpu.memory_space<semaphore_mem>>
        %dma_start3A = arith.constant 0 : i32
        %dma_start3A_349 = tpu.memref_slice %arg16[%add3A_332, %dma_start3A] : memref<10240x16xf32, #tpu.memory_space<hbm>> -> memref<128x16xf32, #tpu.memory_space<hbm>>
        %dma_start3A_350 = arith.constant 0 : i32
        %dma_start3A_351 = tpu.memref_slice %arg16[%add3A_332, %dma_start3A_350] : memref<10240x16xf32, #tpu.memory_space<hbm>> -> memref<128x16xf32, #tpu.memory_space<hbm>>
        tpu.enqueue_dma source(%arg24 : memref<128x16xf32, #tpu.memory_space<vmem>>) target(%dma_start3A_351 : memref<128x16xf32, #tpu.memory_space<hbm>>) target_semaphore(%run_scoped3A : memref<!tpu.dma_semaphore, #tpu.memory_space<semaphore_mem>>)
        %dma_wait3A = arith.constant 0 : i32
        %dma_wait3A_352 = tpu.memref_slice %arg16[%add3A_332, %dma_wait3A] : memref<10240x16xf32, #tpu.memory_space<hbm>> -> memref<128x16xf32, #tpu.memory_space<hbm>>
        %dma_wait3A_353 = arith.constant 0 : i32
        %dma_wait3A_354 = tpu.memref_slice %arg16[%add3A_332, %dma_wait3A_353] : memref<10240x16xf32, #tpu.memory_space<hbm>> -> memref<128x16xf32, #tpu.memory_space<hbm>>
        tpu.wait_dma2 semaphore(%run_scoped3A : memref<!tpu.dma_semaphore, #tpu.memory_space<semaphore_mem>>) src(%arg24 : memref<128x16xf32, #tpu.memory_space<vmem>>) dst(%dma_wait3A_354 : memref<128x16xf32, #tpu.memory_space<hbm>>)
        tpu.yield
      }) : () -> ()
      %mul3A_333 = arith.constant 640 : i32
      %mul3A_334 = arith.muli %arg1, %mul3A_333 : i32
      %add3A_335 = arith.constant 128 : i32
      %add3A_336 = arith.addi %mul3A_334, %add3A_335 : i32
      "tpu.region"() ({
        %run_scoped3A = tpu.sem_alloc : memref<!tpu.dma_semaphore, #tpu.memory_space<semaphore_mem>>
        %dma_start3A = arith.constant 0 : i32
        %dma_start3A_349 = tpu.memref_slice %arg26[%add3A_336, %dma_start3A] : memref<10240x16xf32, #tpu.memory_space<vmem_shared>> -> memref<128x16xf32, #tpu.memory_space<vmem_shared>>
        %dma_start3A_350 = arith.constant 0 : i32
        %dma_start3A_351 = tpu.memref_slice %arg26[%add3A_336, %dma_start3A_350] : memref<10240x16xf32, #tpu.memory_space<vmem_shared>> -> memref<128x16xf32, #tpu.memory_space<vmem_shared>>
        tpu.enqueue_dma source(%dma_start3A_351 : memref<128x16xf32, #tpu.memory_space<vmem_shared>>) target(%arg24 : memref<128x16xf32, #tpu.memory_space<vmem>>) target_semaphore(%run_scoped3A : memref<!tpu.dma_semaphore, #tpu.memory_space<semaphore_mem>>)
        %dma_wait3A = arith.constant 0 : i32
        %dma_wait3A_352 = tpu.memref_slice %arg26[%add3A_336, %dma_wait3A] : memref<10240x16xf32, #tpu.memory_space<vmem_shared>> -> memref<128x16xf32, #tpu.memory_space<vmem_shared>>
        %dma_wait3A_353 = arith.constant 0 : i32
        %dma_wait3A_354 = tpu.memref_slice %arg26[%add3A_336, %dma_wait3A_353] : memref<10240x16xf32, #tpu.memory_space<vmem_shared>> -> memref<128x16xf32, #tpu.memory_space<vmem_shared>>
        tpu.wait_dma2 semaphore(%run_scoped3A : memref<!tpu.dma_semaphore, #tpu.memory_space<semaphore_mem>>) src(%dma_wait3A_354 : memref<128x16xf32, #tpu.memory_space<vmem_shared>>) dst(%arg24 : memref<128x16xf32, #tpu.memory_space<vmem>>)
        tpu.yield
      }) : () -> ()
      "tpu.region"() ({
        %run_scoped3A = tpu.sem_alloc : memref<!tpu.dma_semaphore, #tpu.memory_space<semaphore_mem>>
        %dma_start3A = arith.constant 0 : i32
        %dma_start3A_349 = tpu.memref_slice %arg16[%add3A_336, %dma_start3A] : memref<10240x16xf32, #tpu.memory_space<hbm>> -> memref<128x16xf32, #tpu.memory_space<hbm>>
        %dma_start3A_350 = arith.constant 0 : i32
        %dma_start3A_351 = tpu.memref_slice %arg16[%add3A_336, %dma_start3A_350] : memref<10240x16xf32, #tpu.memory_space<hbm>> -> memref<128x16xf32, #tpu.memory_space<hbm>>
        tpu.enqueue_dma source(%arg24 : memref<128x16xf32, #tpu.memory_space<vmem>>) target(%dma_start3A_351 : memref<128x16xf32, #tpu.memory_space<hbm>>) target_semaphore(%run_scoped3A : memref<!tpu.dma_semaphore, #tpu.memory_space<semaphore_mem>>)
        %dma_wait3A = arith.constant 0 : i32
        %dma_wait3A_352 = tpu.memref_slice %arg16[%add3A_336, %dma_wait3A] : memref<10240x16xf32, #tpu.memory_space<hbm>> -> memref<128x16xf32, #tpu.memory_space<hbm>>
        %dma_wait3A_353 = arith.constant 0 : i32
        %dma_wait3A_354 = tpu.memref_slice %arg16[%add3A_336, %dma_wait3A_353] : memref<10240x16xf32, #tpu.memory_space<hbm>> -> memref<128x16xf32, #tpu.memory_space<hbm>>
        tpu.wait_dma2 semaphore(%run_scoped3A : memref<!tpu.dma_semaphore, #tpu.memory_space<semaphore_mem>>) src(%arg24 : memref<128x16xf32, #tpu.memory_space<vmem>>) dst(%dma_wait3A_354 : memref<128x16xf32, #tpu.memory_space<hbm>>)
        tpu.yield
      }) : () -> ()
      %mul3A_337 = arith.constant 640 : i32
      %mul3A_338 = arith.muli %arg1, %mul3A_337 : i32
      %add3A_339 = arith.constant 256 : i32
      %add3A_340 = arith.addi %mul3A_338, %add3A_339 : i32
      "tpu.region"() ({
        %run_scoped3A = tpu.sem_alloc : memref<!tpu.dma_semaphore, #tpu.memory_space<semaphore_mem>>
        %dma_start3A = arith.constant 0 : i32
        %dma_start3A_349 = tpu.memref_slice %arg26[%add3A_340, %dma_start3A] : memref<10240x16xf32, #tpu.memory_space<vmem_shared>> -> memref<128x16xf32, #tpu.memory_space<vmem_shared>>
        %dma_start3A_350 = arith.constant 0 : i32
        %dma_start3A_351 = tpu.memref_slice %arg26[%add3A_340, %dma_start3A_350] : memref<10240x16xf32, #tpu.memory_space<vmem_shared>> -> memref<128x16xf32, #tpu.memory_space<vmem_shared>>
        tpu.enqueue_dma source(%dma_start3A_351 : memref<128x16xf32, #tpu.memory_space<vmem_shared>>) target(%arg24 : memref<128x16xf32, #tpu.memory_space<vmem>>) target_semaphore(%run_scoped3A : memref<!tpu.dma_semaphore, #tpu.memory_space<semaphore_mem>>)
        %dma_wait3A = arith.constant 0 : i32
        %dma_wait3A_352 = tpu.memref_slice %arg26[%add3A_340, %dma_wait3A] : memref<10240x16xf32, #tpu.memory_space<vmem_shared>> -> memref<128x16xf32, #tpu.memory_space<vmem_shared>>
        %dma_wait3A_353 = arith.constant 0 : i32
        %dma_wait3A_354 = tpu.memref_slice %arg26[%add3A_340, %dma_wait3A_353] : memref<10240x16xf32, #tpu.memory_space<vmem_shared>> -> memref<128x16xf32, #tpu.memory_space<vmem_shared>>
        tpu.wait_dma2 semaphore(%run_scoped3A : memref<!tpu.dma_semaphore, #tpu.memory_space<semaphore_mem>>) src(%dma_wait3A_354 : memref<128x16xf32, #tpu.memory_space<vmem_shared>>) dst(%arg24 : memref<128x16xf32, #tpu.memory_space<vmem>>)
        tpu.yield
      }) : () -> ()
      "tpu.region"() ({
        %run_scoped3A = tpu.sem_alloc : memref<!tpu.dma_semaphore, #tpu.memory_space<semaphore_mem>>
        %dma_start3A = arith.constant 0 : i32
        %dma_start3A_349 = tpu.memref_slice %arg16[%add3A_340, %dma_start3A] : memref<10240x16xf32, #tpu.memory_space<hbm>> -> memref<128x16xf32, #tpu.memory_space<hbm>>
        %dma_start3A_350 = arith.constant 0 : i32
        %dma_start3A_351 = tpu.memref_slice %arg16[%add3A_340, %dma_start3A_350] : memref<10240x16xf32, #tpu.memory_space<hbm>> -> memref<128x16xf32, #tpu.memory_space<hbm>>
        tpu.enqueue_dma source(%arg24 : memref<128x16xf32, #tpu.memory_space<vmem>>) target(%dma_start3A_351 : memref<128x16xf32, #tpu.memory_space<hbm>>) target_semaphore(%run_scoped3A : memref<!tpu.dma_semaphore, #tpu.memory_space<semaphore_mem>>)
        %dma_wait3A = arith.constant 0 : i32
        %dma_wait3A_352 = tpu.memref_slice %arg16[%add3A_340, %dma_wait3A] : memref<10240x16xf32, #tpu.memory_space<hbm>> -> memref<128x16xf32, #tpu.memory_space<hbm>>
        %dma_wait3A_353 = arith.constant 0 : i32
        %dma_wait3A_354 = tpu.memref_slice %arg16[%add3A_340, %dma_wait3A_353] : memref<10240x16xf32, #tpu.memory_space<hbm>> -> memref<128x16xf32, #tpu.memory_space<hbm>>
        tpu.wait_dma2 semaphore(%run_scoped3A : memref<!tpu.dma_semaphore, #tpu.memory_space<semaphore_mem>>) src(%arg24 : memref<128x16xf32, #tpu.memory_space<vmem>>) dst(%dma_wait3A_354 : memref<128x16xf32, #tpu.memory_space<hbm>>)
        tpu.yield
      }) : () -> ()
      %mul3A_341 = arith.constant 640 : i32
      %mul3A_342 = arith.muli %arg1, %mul3A_341 : i32
      %add3A_343 = arith.constant 384 : i32
      %add3A_344 = arith.addi %mul3A_342, %add3A_343 : i32
      "tpu.region"() ({
        %run_scoped3A = tpu.sem_alloc : memref<!tpu.dma_semaphore, #tpu.memory_space<semaphore_mem>>
        %dma_start3A = arith.constant 0 : i32
        %dma_start3A_349 = tpu.memref_slice %arg26[%add3A_344, %dma_start3A] : memref<10240x16xf32, #tpu.memory_space<vmem_shared>> -> memref<128x16xf32, #tpu.memory_space<vmem_shared>>
        %dma_start3A_350 = arith.constant 0 : i32
        %dma_start3A_351 = tpu.memref_slice %arg26[%add3A_344, %dma_start3A_350] : memref<10240x16xf32, #tpu.memory_space<vmem_shared>> -> memref<128x16xf32, #tpu.memory_space<vmem_shared>>
        tpu.enqueue_dma source(%dma_start3A_351 : memref<128x16xf32, #tpu.memory_space<vmem_shared>>) target(%arg24 : memref<128x16xf32, #tpu.memory_space<vmem>>) target_semaphore(%run_scoped3A : memref<!tpu.dma_semaphore, #tpu.memory_space<semaphore_mem>>)
        %dma_wait3A = arith.constant 0 : i32
        %dma_wait3A_352 = tpu.memref_slice %arg26[%add3A_344, %dma_wait3A] : memref<10240x16xf32, #tpu.memory_space<vmem_shared>> -> memref<128x16xf32, #tpu.memory_space<vmem_shared>>
        %dma_wait3A_353 = arith.constant 0 : i32
        %dma_wait3A_354 = tpu.memref_slice %arg26[%add3A_344, %dma_wait3A_353] : memref<10240x16xf32, #tpu.memory_space<vmem_shared>> -> memref<128x16xf32, #tpu.memory_space<vmem_shared>>
        tpu.wait_dma2 semaphore(%run_scoped3A : memref<!tpu.dma_semaphore, #tpu.memory_space<semaphore_mem>>) src(%dma_wait3A_354 : memref<128x16xf32, #tpu.memory_space<vmem_shared>>) dst(%arg24 : memref<128x16xf32, #tpu.memory_space<vmem>>)
        tpu.yield
      }) : () -> ()
      "tpu.region"() ({
        %run_scoped3A = tpu.sem_alloc : memref<!tpu.dma_semaphore, #tpu.memory_space<semaphore_mem>>
        %dma_start3A = arith.constant 0 : i32
        %dma_start3A_349 = tpu.memref_slice %arg16[%add3A_344, %dma_start3A] : memref<10240x16xf32, #tpu.memory_space<hbm>> -> memref<128x16xf32, #tpu.memory_space<hbm>>
        %dma_start3A_350 = arith.constant 0 : i32
        %dma_start3A_351 = tpu.memref_slice %arg16[%add3A_344, %dma_start3A_350] : memref<10240x16xf32, #tpu.memory_space<hbm>> -> memref<128x16xf32, #tpu.memory_space<hbm>>
        tpu.enqueue_dma source(%arg24 : memref<128x16xf32, #tpu.memory_space<vmem>>) target(%dma_start3A_351 : memref<128x16xf32, #tpu.memory_space<hbm>>) target_semaphore(%run_scoped3A : memref<!tpu.dma_semaphore, #tpu.memory_space<semaphore_mem>>)
        %dma_wait3A = arith.constant 0 : i32
        %dma_wait3A_352 = tpu.memref_slice %arg16[%add3A_344, %dma_wait3A] : memref<10240x16xf32, #tpu.memory_space<hbm>> -> memref<128x16xf32, #tpu.memory_space<hbm>>
        %dma_wait3A_353 = arith.constant 0 : i32
        %dma_wait3A_354 = tpu.memref_slice %arg16[%add3A_344, %dma_wait3A_353] : memref<10240x16xf32, #tpu.memory_space<hbm>> -> memref<128x16xf32, #tpu.memory_space<hbm>>
        tpu.wait_dma2 semaphore(%run_scoped3A : memref<!tpu.dma_semaphore, #tpu.memory_space<semaphore_mem>>) src(%arg24 : memref<128x16xf32, #tpu.memory_space<vmem>>) dst(%dma_wait3A_354 : memref<128x16xf32, #tpu.memory_space<hbm>>)
        tpu.yield
      }) : () -> ()
      %mul3A_345 = arith.constant 640 : i32
      %mul3A_346 = arith.muli %arg1, %mul3A_345 : i32
      %add3A_347 = arith.constant 512 : i32
      %add3A_348 = arith.addi %mul3A_346, %add3A_347 : i32
      "tpu.region"() ({
        %run_scoped3A = tpu.sem_alloc : memref<!tpu.dma_semaphore, #tpu.memory_space<semaphore_mem>>
        %dma_start3A = arith.constant 0 : i32
        %dma_start3A_349 = tpu.memref_slice %arg26[%add3A_348, %dma_start3A] : memref<10240x16xf32, #tpu.memory_space<vmem_shared>> -> memref<128x16xf32, #tpu.memory_space<vmem_shared>>
        %dma_start3A_350 = arith.constant 0 : i32
        %dma_start3A_351 = tpu.memref_slice %arg26[%add3A_348, %dma_start3A_350] : memref<10240x16xf32, #tpu.memory_space<vmem_shared>> -> memref<128x16xf32, #tpu.memory_space<vmem_shared>>
        tpu.enqueue_dma source(%dma_start3A_351 : memref<128x16xf32, #tpu.memory_space<vmem_shared>>) target(%arg24 : memref<128x16xf32, #tpu.memory_space<vmem>>) target_semaphore(%run_scoped3A : memref<!tpu.dma_semaphore, #tpu.memory_space<semaphore_mem>>)
        %dma_wait3A = arith.constant 0 : i32
        %dma_wait3A_352 = tpu.memref_slice %arg26[%add3A_348, %dma_wait3A] : memref<10240x16xf32, #tpu.memory_space<vmem_shared>> -> memref<128x16xf32, #tpu.memory_space<vmem_shared>>
        %dma_wait3A_353 = arith.constant 0 : i32
        %dma_wait3A_354 = tpu.memref_slice %arg26[%add3A_348, %dma_wait3A_353] : memref<10240x16xf32, #tpu.memory_space<vmem_shared>> -> memref<128x16xf32, #tpu.memory_space<vmem_shared>>
        tpu.wait_dma2 semaphore(%run_scoped3A : memref<!tpu.dma_semaphore, #tpu.memory_space<semaphore_mem>>) src(%dma_wait3A_354 : memref<128x16xf32, #tpu.memory_space<vmem_shared>>) dst(%arg24 : memref<128x16xf32, #tpu.memory_space<vmem>>)
        tpu.yield
      }) : () -> ()
      "tpu.region"() ({
        %run_scoped3A = tpu.sem_alloc : memref<!tpu.dma_semaphore, #tpu.memory_space<semaphore_mem>>
        %dma_start3A = arith.constant 0 : i32
        %dma_start3A_349 = tpu.memref_slice %arg16[%add3A_348, %dma_start3A] : memref<10240x16xf32, #tpu.memory_space<hbm>> -> memref<128x16xf32, #tpu.memory_space<hbm>>
        %dma_start3A_350 = arith.constant 0 : i32
        %dma_start3A_351 = tpu.memref_slice %arg16[%add3A_348, %dma_start3A_350] : memref<10240x16xf32, #tpu.memory_space<hbm>> -> memref<128x16xf32, #tpu.memory_space<hbm>>
        tpu.enqueue_dma source(%arg24 : memref<128x16xf32, #tpu.memory_space<vmem>>) target(%dma_start3A_351 : memref<128x16xf32, #tpu.memory_space<hbm>>) target_semaphore(%run_scoped3A : memref<!tpu.dma_semaphore, #tpu.memory_space<semaphore_mem>>)
        %dma_wait3A = arith.constant 0 : i32
        %dma_wait3A_352 = tpu.memref_slice %arg16[%add3A_348, %dma_wait3A] : memref<10240x16xf32, #tpu.memory_space<hbm>> -> memref<128x16xf32, #tpu.memory_space<hbm>>
        %dma_wait3A_353 = arith.constant 0 : i32
        %dma_wait3A_354 = tpu.memref_slice %arg16[%add3A_348, %dma_wait3A_353] : memref<10240x16xf32, #tpu.memory_space<hbm>> -> memref<128x16xf32, #tpu.memory_space<hbm>>
        tpu.wait_dma2 semaphore(%run_scoped3A : memref<!tpu.dma_semaphore, #tpu.memory_space<semaphore_mem>>) src(%arg24 : memref<128x16xf32, #tpu.memory_space<vmem>>) dst(%dma_wait3A_354 : memref<128x16xf32, #tpu.memory_space<hbm>>)
        tpu.yield
      }) : () -> ()
    } else {
    }
    %barrier3A_165 = arith.constant 0 : index
    tpu.barrier barrier_id(%barrier3A_165)
    %add3A_166 = arith.constant 2 : i32
    %add3A_167 = arith.addi %add3A_166, %arg0 : i32
    %mul3A_168 = arith.constant 640 : i32
    %mul3A_169 = arith.muli %arg1, %mul3A_168 : i32
    %add3A_170 = arith.constant 0 : i32
    %add3A_171 = arith.addi %mul3A_169, %add3A_170 : i32
    "tpu.region"() ({
      %run_scoped3A = tpu.sem_alloc : memref<!tpu.dma_semaphore, #tpu.memory_space<semaphore_mem>>
      %dma_start3A = arith.constant 0 : i32
      %dma_start3A_329 = tpu.memref_slice %arg25[%add3A_171, %dma_start3A] : memref<10240x64xf32, #tpu.memory_space<vmem_shared>> -> memref<128x64xf32, #tpu.memory_space<vmem_shared>>
      %dma_start3A_330 = arith.constant 0 : i32
      %dma_start3A_331 = tpu.memref_slice %arg25[%add3A_171, %dma_start3A_330] : memref<10240x64xf32, #tpu.memory_space<vmem_shared>> -> memref<128x64xf32, #tpu.memory_space<vmem_shared>>
      tpu.enqueue_dma source(%arg23 : memref<128x64xf32, #tpu.memory_space<vmem>>) target(%dma_start3A_331 : memref<128x64xf32, #tpu.memory_space<vmem_shared>>) target_semaphore(%run_scoped3A : memref<!tpu.dma_semaphore, #tpu.memory_space<semaphore_mem>>)
      %dma_wait3A = arith.constant 0 : i32
      %dma_wait3A_332 = tpu.memref_slice %arg25[%add3A_171, %dma_wait3A] : memref<10240x64xf32, #tpu.memory_space<vmem_shared>> -> memref<128x64xf32, #tpu.memory_space<vmem_shared>>
      %dma_wait3A_333 = arith.constant 0 : i32
      %dma_wait3A_334 = tpu.memref_slice %arg25[%add3A_171, %dma_wait3A_333] : memref<10240x64xf32, #tpu.memory_space<vmem_shared>> -> memref<128x64xf32, #tpu.memory_space<vmem_shared>>
      tpu.wait_dma2 semaphore(%run_scoped3A : memref<!tpu.dma_semaphore, #tpu.memory_space<semaphore_mem>>) src(%arg23 : memref<128x64xf32, #tpu.memory_space<vmem>>) dst(%dma_wait3A_334 : memref<128x64xf32, #tpu.memory_space<vmem_shared>>)
      tpu.yield
    }) : () -> ()
    %mul3A_172 = arith.constant 640 : i32
    %mul3A_173 = arith.muli %arg1, %mul3A_172 : i32
    %add3A_174 = arith.constant 128 : i32
    %add3A_175 = arith.addi %mul3A_173, %add3A_174 : i32
    "tpu.region"() ({
      %run_scoped3A = tpu.sem_alloc : memref<!tpu.dma_semaphore, #tpu.memory_space<semaphore_mem>>
      %dma_start3A = arith.constant 0 : i32
      %dma_start3A_329 = tpu.memref_slice %arg25[%add3A_175, %dma_start3A] : memref<10240x64xf32, #tpu.memory_space<vmem_shared>> -> memref<128x64xf32, #tpu.memory_space<vmem_shared>>
      %dma_start3A_330 = arith.constant 0 : i32
      %dma_start3A_331 = tpu.memref_slice %arg25[%add3A_175, %dma_start3A_330] : memref<10240x64xf32, #tpu.memory_space<vmem_shared>> -> memref<128x64xf32, #tpu.memory_space<vmem_shared>>
      tpu.enqueue_dma source(%arg23 : memref<128x64xf32, #tpu.memory_space<vmem>>) target(%dma_start3A_331 : memref<128x64xf32, #tpu.memory_space<vmem_shared>>) target_semaphore(%run_scoped3A : memref<!tpu.dma_semaphore, #tpu.memory_space<semaphore_mem>>)
      %dma_wait3A = arith.constant 0 : i32
      %dma_wait3A_332 = tpu.memref_slice %arg25[%add3A_175, %dma_wait3A] : memref<10240x64xf32, #tpu.memory_space<vmem_shared>> -> memref<128x64xf32, #tpu.memory_space<vmem_shared>>
      %dma_wait3A_333 = arith.constant 0 : i32
      %dma_wait3A_334 = tpu.memref_slice %arg25[%add3A_175, %dma_wait3A_333] : memref<10240x64xf32, #tpu.memory_space<vmem_shared>> -> memref<128x64xf32, #tpu.memory_space<vmem_shared>>
      tpu.wait_dma2 semaphore(%run_scoped3A : memref<!tpu.dma_semaphore, #tpu.memory_space<semaphore_mem>>) src(%arg23 : memref<128x64xf32, #tpu.memory_space<vmem>>) dst(%dma_wait3A_334 : memref<128x64xf32, #tpu.memory_space<vmem_shared>>)
      tpu.yield
    }) : () -> ()
    %mul3A_176 = arith.constant 640 : i32
    %mul3A_177 = arith.muli %arg1, %mul3A_176 : i32
    %add3A_178 = arith.constant 256 : i32
    %add3A_179 = arith.addi %mul3A_177, %add3A_178 : i32
    "tpu.region"() ({
      %run_scoped3A = tpu.sem_alloc : memref<!tpu.dma_semaphore, #tpu.memory_space<semaphore_mem>>
      %dma_start3A = arith.constant 0 : i32
      %dma_start3A_329 = tpu.memref_slice %arg25[%add3A_179, %dma_start3A] : memref<10240x64xf32, #tpu.memory_space<vmem_shared>> -> memref<128x64xf32, #tpu.memory_space<vmem_shared>>
      %dma_start3A_330 = arith.constant 0 : i32
      %dma_start3A_331 = tpu.memref_slice %arg25[%add3A_179, %dma_start3A_330] : memref<10240x64xf32, #tpu.memory_space<vmem_shared>> -> memref<128x64xf32, #tpu.memory_space<vmem_shared>>
      tpu.enqueue_dma source(%arg23 : memref<128x64xf32, #tpu.memory_space<vmem>>) target(%dma_start3A_331 : memref<128x64xf32, #tpu.memory_space<vmem_shared>>) target_semaphore(%run_scoped3A : memref<!tpu.dma_semaphore, #tpu.memory_space<semaphore_mem>>)
      %dma_wait3A = arith.constant 0 : i32
      %dma_wait3A_332 = tpu.memref_slice %arg25[%add3A_179, %dma_wait3A] : memref<10240x64xf32, #tpu.memory_space<vmem_shared>> -> memref<128x64xf32, #tpu.memory_space<vmem_shared>>
      %dma_wait3A_333 = arith.constant 0 : i32
      %dma_wait3A_334 = tpu.memref_slice %arg25[%add3A_179, %dma_wait3A_333] : memref<10240x64xf32, #tpu.memory_space<vmem_shared>> -> memref<128x64xf32, #tpu.memory_space<vmem_shared>>
      tpu.wait_dma2 semaphore(%run_scoped3A : memref<!tpu.dma_semaphore, #tpu.memory_space<semaphore_mem>>) src(%arg23 : memref<128x64xf32, #tpu.memory_space<vmem>>) dst(%dma_wait3A_334 : memref<128x64xf32, #tpu.memory_space<vmem_shared>>)
      tpu.yield
    }) : () -> ()
    %mul3A_180 = arith.constant 640 : i32
    %mul3A_181 = arith.muli %arg1, %mul3A_180 : i32
    %add3A_182 = arith.constant 384 : i32
    %add3A_183 = arith.addi %mul3A_181, %add3A_182 : i32
    "tpu.region"() ({
      %run_scoped3A = tpu.sem_alloc : memref<!tpu.dma_semaphore, #tpu.memory_space<semaphore_mem>>
      %dma_start3A = arith.constant 0 : i32
      %dma_start3A_329 = tpu.memref_slice %arg25[%add3A_183, %dma_start3A] : memref<10240x64xf32, #tpu.memory_space<vmem_shared>> -> memref<128x64xf32, #tpu.memory_space<vmem_shared>>
      %dma_start3A_330 = arith.constant 0 : i32
      %dma_start3A_331 = tpu.memref_slice %arg25[%add3A_183, %dma_start3A_330] : memref<10240x64xf32, #tpu.memory_space<vmem_shared>> -> memref<128x64xf32, #tpu.memory_space<vmem_shared>>
      tpu.enqueue_dma source(%arg23 : memref<128x64xf32, #tpu.memory_space<vmem>>) target(%dma_start3A_331 : memref<128x64xf32, #tpu.memory_space<vmem_shared>>) target_semaphore(%run_scoped3A : memref<!tpu.dma_semaphore, #tpu.memory_space<semaphore_mem>>)
      %dma_wait3A = arith.constant 0 : i32
      %dma_wait3A_332 = tpu.memref_slice %arg25[%add3A_183, %dma_wait3A] : memref<10240x64xf32, #tpu.memory_space<vmem_shared>> -> memref<128x64xf32, #tpu.memory_space<vmem_shared>>
      %dma_wait3A_333 = arith.constant 0 : i32
      %dma_wait3A_334 = tpu.memref_slice %arg25[%add3A_183, %dma_wait3A_333] : memref<10240x64xf32, #tpu.memory_space<vmem_shared>> -> memref<128x64xf32, #tpu.memory_space<vmem_shared>>
      tpu.wait_dma2 semaphore(%run_scoped3A : memref<!tpu.dma_semaphore, #tpu.memory_space<semaphore_mem>>) src(%arg23 : memref<128x64xf32, #tpu.memory_space<vmem>>) dst(%dma_wait3A_334 : memref<128x64xf32, #tpu.memory_space<vmem_shared>>)
      tpu.yield
    }) : () -> ()
    %mul3A_184 = arith.constant 640 : i32
    %mul3A_185 = arith.muli %arg1, %mul3A_184 : i32
    %add3A_186 = arith.constant 512 : i32
    %add3A_187 = arith.addi %mul3A_185, %add3A_186 : i32
    "tpu.region"() ({
      %run_scoped3A = tpu.sem_alloc : memref<!tpu.dma_semaphore, #tpu.memory_space<semaphore_mem>>
      %dma_start3A = arith.constant 0 : i32
      %dma_start3A_329 = tpu.memref_slice %arg25[%add3A_187, %dma_start3A] : memref<10240x64xf32, #tpu.memory_space<vmem_shared>> -> memref<128x64xf32, #tpu.memory_space<vmem_shared>>
      %dma_start3A_330 = arith.constant 0 : i32
      %dma_start3A_331 = tpu.memref_slice %arg25[%add3A_187, %dma_start3A_330] : memref<10240x64xf32, #tpu.memory_space<vmem_shared>> -> memref<128x64xf32, #tpu.memory_space<vmem_shared>>
      tpu.enqueue_dma source(%arg23 : memref<128x64xf32, #tpu.memory_space<vmem>>) target(%dma_start3A_331 : memref<128x64xf32, #tpu.memory_space<vmem_shared>>) target_semaphore(%run_scoped3A : memref<!tpu.dma_semaphore, #tpu.memory_space<semaphore_mem>>)
      %dma_wait3A = arith.constant 0 : i32
      %dma_wait3A_332 = tpu.memref_slice %arg25[%add3A_187, %dma_wait3A] : memref<10240x64xf32, #tpu.memory_space<vmem_shared>> -> memref<128x64xf32, #tpu.memory_space<vmem_shared>>
      %dma_wait3A_333 = arith.constant 0 : i32
      %dma_wait3A_334 = tpu.memref_slice %arg25[%add3A_187, %dma_wait3A_333] : memref<10240x64xf32, #tpu.memory_space<vmem_shared>> -> memref<128x64xf32, #tpu.memory_space<vmem_shared>>
      tpu.wait_dma2 semaphore(%run_scoped3A : memref<!tpu.dma_semaphore, #tpu.memory_space<semaphore_mem>>) src(%arg23 : memref<128x64xf32, #tpu.memory_space<vmem>>) dst(%dma_wait3A_334 : memref<128x64xf32, #tpu.memory_space<vmem_shared>>)
      tpu.yield
    }) : () -> ()
    %barrier3A_188 = arith.constant 0 : index
    tpu.barrier barrier_id(%barrier3A_188)
    "tpu.region"() ({
      %run_scoped3A = tpu.sem_alloc : memref<!tpu.dma_semaphore, #tpu.memory_space<semaphore_mem>>
      %dma_start3A = arith.constant 0 : i32
      %dma_start3A_329 = arith.constant 0 : i32
      %dma_start3A_330 = tpu.memref_slice %arg6[%add3A_167, %arg1, %dma_start3A, %dma_start3A_329] : memref<4x16x79x128xi32, #tpu.memory_space<hbm>> -> memref<1x1x79x128xi32, #tpu.memory_space<hbm>>
      %dma_start3A_331 = tpu.memref_squeeze %dma_start3A_330 : memref<1x1x79x128xi32, #tpu.memory_space<hbm>> -> memref<79x128xi32, #tpu.memory_space<hbm>>
      %dma_start3A_332 = arith.constant 0 : i32
      %dma_start3A_333 = arith.constant 0 : i32
      %dma_start3A_334 = tpu.memref_slice %arg6[%add3A_167, %arg1, %dma_start3A_332, %dma_start3A_333] : memref<4x16x79x128xi32, #tpu.memory_space<hbm>> -> memref<1x1x79x128xi32, #tpu.memory_space<hbm>>
      %dma_start3A_335 = tpu.memref_squeeze %dma_start3A_334 : memref<1x1x79x128xi32, #tpu.memory_space<hbm>> -> memref<79x128xi32, #tpu.memory_space<hbm>>
      tpu.enqueue_dma source(%dma_start3A_335 : memref<79x128xi32, #tpu.memory_space<hbm>>) target(%arg19 : memref<79x128xi32, #tpu.memory_space<vmem>>) target_semaphore(%run_scoped3A : memref<!tpu.dma_semaphore, #tpu.memory_space<semaphore_mem>>)
      %dma_wait3A = arith.constant 0 : i32
      %dma_wait3A_336 = arith.constant 0 : i32
      %dma_wait3A_337 = tpu.memref_slice %arg6[%add3A_167, %arg1, %dma_wait3A, %dma_wait3A_336] : memref<4x16x79x128xi32, #tpu.memory_space<hbm>> -> memref<1x1x79x128xi32, #tpu.memory_space<hbm>>
      %dma_wait3A_338 = tpu.memref_squeeze %dma_wait3A_337 : memref<1x1x79x128xi32, #tpu.memory_space<hbm>> -> memref<79x128xi32, #tpu.memory_space<hbm>>
      %dma_wait3A_339 = arith.constant 0 : i32
      %dma_wait3A_340 = arith.constant 0 : i32
      %dma_wait3A_341 = tpu.memref_slice %arg6[%add3A_167, %arg1, %dma_wait3A_339, %dma_wait3A_340] : memref<4x16x79x128xi32, #tpu.memory_space<hbm>> -> memref<1x1x79x128xi32, #tpu.memory_space<hbm>>
      %dma_wait3A_342 = tpu.memref_squeeze %dma_wait3A_341 : memref<1x1x79x128xi32, #tpu.memory_space<hbm>> -> memref<79x128xi32, #tpu.memory_space<hbm>>
      tpu.wait_dma2 semaphore(%run_scoped3A : memref<!tpu.dma_semaphore, #tpu.memory_space<semaphore_mem>>) src(%dma_wait3A_342 : memref<79x128xi32, #tpu.memory_space<hbm>>) dst(%arg19 : memref<79x128xi32, #tpu.memory_space<vmem>>)
      tpu.yield
    }) : () -> ()
    %scan3A_189 = arith.constant 0 : i32
    %scan3A_190 = arith.constant 0 : i32
    %scan3A_191 = arith.constant 79 : i32
    %scan3A_192 = arith.addi %scan3A_190, %scan3A_191 : i32
    %scan3A_193 = arith.constant 1 : i32
    scf.for %scan3A_329 = %scan3A_190 to %scan3A_192 step %scan3A_193  : i32 {
      %dma_start3A = arith.constant 0 : i32
      %dma_start3A_330 = tpu.memref_slice %arg19[%scan3A_329, %dma_start3A] : memref<79x128xi32, #tpu.memory_space<vmem>> -> memref<1x128xi32, #tpu.memory_space<vmem>>
      %dma_start3A_331 = tpu.memref_squeeze %dma_start3A_330 : memref<1x128xi32, #tpu.memory_space<vmem>> -> memref<128xi32, #tpu.memory_space<vmem>>
      %dma_start3A_332 = arith.constant 0 : i32
      %dma_start3A_333 = arith.constant 0 : i32
      %dma_start3A_334 = tpu.memref_slice %arg3[%dma_start3A_332, %dma_start3A_333] : memref<40000x64xf32, #tpu.memory_space<hbm>> -> memref<40000x64xf32, #tpu.memory_space<hbm>>
      tpu.enqueue_indirect_dma source(%dma_start3A_334 : memref<40000x64xf32, #tpu.memory_space<hbm>>) target(%arg21 : memref<128x64xf32, #tpu.memory_space<vmem>>) offsets(%dma_start3A_331 : memref<128xi32, #tpu.memory_space<vmem>>) semaphore(%arg27 : memref<!tpu.dma_semaphore, #tpu.memory_space<semaphore_mem>>)
      %dma_wait3A = arith.constant 0 : i32
      %dma_wait3A_335 = tpu.memref_slice %arg19[%scan3A_329, %dma_wait3A] : memref<79x128xi32, #tpu.memory_space<vmem>> -> memref<1x128xi32, #tpu.memory_space<vmem>>
      %dma_wait3A_336 = tpu.memref_squeeze %dma_wait3A_335 : memref<1x128xi32, #tpu.memory_space<vmem>> -> memref<128xi32, #tpu.memory_space<vmem>>
      %dma_wait3A_337 = arith.constant 0 : i32
      %dma_wait3A_338 = arith.constant 0 : i32
      %dma_wait3A_339 = tpu.memref_slice %arg3[%dma_wait3A_337, %dma_wait3A_338] : memref<40000x64xf32, #tpu.memory_space<hbm>> -> memref<40000x64xf32, #tpu.memory_space<hbm>>
      tpu.wait_indirect_dma semaphore(%arg27 : memref<!tpu.dma_semaphore, #tpu.memory_space<semaphore_mem>>) src(%dma_wait3A_339 : memref<40000x64xf32, #tpu.memory_space<hbm>>) dst(%arg21 : memref<128x64xf32, #tpu.memory_space<vmem>>)
      "tpu.region"() ({
        %run_scoped3A = tpu.sem_alloc : memref<!tpu.dma_semaphore, #tpu.memory_space<semaphore_mem>>
        %dma_start3A_340 = arith.constant 0 : i32
        %dma_start3A_341 = tpu.memref_slice %arg20[%scan3A_329, %dma_start3A_340] : memref<79x128xi32, #tpu.memory_space<vmem>> -> memref<1x128xi32, #tpu.memory_space<vmem>>
        %dma_start3A_342 = tpu.memref_squeeze %dma_start3A_341 : memref<1x128xi32, #tpu.memory_space<vmem>> -> memref<128xi32, #tpu.memory_space<vmem>>
        %dma_start3A_343 = arith.constant 0 : i32
        %dma_start3A_344 = arith.constant 0 : i32
        %dma_start3A_345 = tpu.memref_slice %arg25[%dma_start3A_343, %dma_start3A_344] : memref<10240x64xf32, #tpu.memory_space<vmem_shared>> -> memref<10240x64xf32, #tpu.memory_space<vmem_shared>>
        tpu.enqueue_indirect_dma source(%arg21 : memref<128x64xf32, #tpu.memory_space<vmem>>) target(%dma_start3A_345 : memref<10240x64xf32, #tpu.memory_space<vmem_shared>>) offsets(%dma_start3A_342 : memref<128xi32, #tpu.memory_space<vmem>>) semaphore(%run_scoped3A : memref<!tpu.dma_semaphore, #tpu.memory_space<semaphore_mem>>) {add = true}
        %dma_wait3A_346 = arith.constant 0 : i32
        %dma_wait3A_347 = tpu.memref_slice %arg20[%scan3A_329, %dma_wait3A_346] : memref<79x128xi32, #tpu.memory_space<vmem>> -> memref<1x128xi32, #tpu.memory_space<vmem>>
        %dma_wait3A_348 = tpu.memref_squeeze %dma_wait3A_347 : memref<1x128xi32, #tpu.memory_space<vmem>> -> memref<128xi32, #tpu.memory_space<vmem>>
        %dma_wait3A_349 = arith.constant 0 : i32
        %dma_wait3A_350 = arith.constant 0 : i32
        %dma_wait3A_351 = tpu.memref_slice %arg25[%dma_wait3A_349, %dma_wait3A_350] : memref<10240x64xf32, #tpu.memory_space<vmem_shared>> -> memref<10240x64xf32, #tpu.memory_space<vmem_shared>>
        tpu.wait_indirect_dma semaphore(%run_scoped3A : memref<!tpu.dma_semaphore, #tpu.memory_space<semaphore_mem>>) src(%arg21 : memref<128x64xf32, #tpu.memory_space<vmem>>) dst(%dma_wait3A_351 : memref<10240x64xf32, #tpu.memory_space<vmem_shared>>)
        tpu.yield
      }) : () -> ()
    }
    %scan3A_194 = arith.constant 79 : i32
    %barrier3A_195 = arith.constant 0 : index
    tpu.barrier barrier_id(%barrier3A_195)
    %mul3A_196 = arith.constant 640 : i32
    %mul3A_197 = arith.muli %arg1, %mul3A_196 : i32
    %add3A_198 = arith.constant 0 : i32
    %add3A_199 = arith.addi %mul3A_197, %add3A_198 : i32
    "tpu.region"() ({
      %run_scoped3A = tpu.sem_alloc : memref<!tpu.dma_semaphore, #tpu.memory_space<semaphore_mem>>
      %dma_start3A = arith.constant 0 : i32
      %dma_start3A_329 = tpu.memref_slice %arg25[%add3A_199, %dma_start3A] : memref<10240x64xf32, #tpu.memory_space<vmem_shared>> -> memref<128x64xf32, #tpu.memory_space<vmem_shared>>
      %dma_start3A_330 = arith.constant 0 : i32
      %dma_start3A_331 = tpu.memref_slice %arg25[%add3A_199, %dma_start3A_330] : memref<10240x64xf32, #tpu.memory_space<vmem_shared>> -> memref<128x64xf32, #tpu.memory_space<vmem_shared>>
      tpu.enqueue_dma source(%dma_start3A_331 : memref<128x64xf32, #tpu.memory_space<vmem_shared>>) target(%arg21 : memref<128x64xf32, #tpu.memory_space<vmem>>) target_semaphore(%run_scoped3A : memref<!tpu.dma_semaphore, #tpu.memory_space<semaphore_mem>>)
      %dma_wait3A = arith.constant 0 : i32
      %dma_wait3A_332 = tpu.memref_slice %arg25[%add3A_199, %dma_wait3A] : memref<10240x64xf32, #tpu.memory_space<vmem_shared>> -> memref<128x64xf32, #tpu.memory_space<vmem_shared>>
      %dma_wait3A_333 = arith.constant 0 : i32
      %dma_wait3A_334 = tpu.memref_slice %arg25[%add3A_199, %dma_wait3A_333] : memref<10240x64xf32, #tpu.memory_space<vmem_shared>> -> memref<128x64xf32, #tpu.memory_space<vmem_shared>>
      tpu.wait_dma2 semaphore(%run_scoped3A : memref<!tpu.dma_semaphore, #tpu.memory_space<semaphore_mem>>) src(%dma_wait3A_334 : memref<128x64xf32, #tpu.memory_space<vmem_shared>>) dst(%arg21 : memref<128x64xf32, #tpu.memory_space<vmem>>)
      tpu.yield
    }) : () -> ()
    "tpu.region"() ({
      %run_scoped3A = tpu.sem_alloc : memref<!tpu.dma_semaphore, #tpu.memory_space<semaphore_mem>>
      %dma_start3A = arith.constant 0 : i32
      %dma_start3A_329 = tpu.memref_slice %arg15[%add3A_167, %add3A_199, %dma_start3A] : memref<4x10240x64xf32, #tpu.memory_space<hbm>> -> memref<1x128x64xf32, #tpu.memory_space<hbm>>
      %dma_start3A_330 = tpu.memref_squeeze %dma_start3A_329 : memref<1x128x64xf32, #tpu.memory_space<hbm>> -> memref<128x64xf32, #tpu.memory_space<hbm>>
      %dma_start3A_331 = arith.constant 0 : i32
      %dma_start3A_332 = tpu.memref_slice %arg15[%add3A_167, %add3A_199, %dma_start3A_331] : memref<4x10240x64xf32, #tpu.memory_space<hbm>> -> memref<1x128x64xf32, #tpu.memory_space<hbm>>
      %dma_start3A_333 = tpu.memref_squeeze %dma_start3A_332 : memref<1x128x64xf32, #tpu.memory_space<hbm>> -> memref<128x64xf32, #tpu.memory_space<hbm>>
      tpu.enqueue_dma source(%arg21 : memref<128x64xf32, #tpu.memory_space<vmem>>) target(%dma_start3A_333 : memref<128x64xf32, #tpu.memory_space<hbm>>) target_semaphore(%run_scoped3A : memref<!tpu.dma_semaphore, #tpu.memory_space<semaphore_mem>>)
      %dma_wait3A = arith.constant 0 : i32
      %dma_wait3A_334 = tpu.memref_slice %arg15[%add3A_167, %add3A_199, %dma_wait3A] : memref<4x10240x64xf32, #tpu.memory_space<hbm>> -> memref<1x128x64xf32, #tpu.memory_space<hbm>>
      %dma_wait3A_335 = tpu.memref_squeeze %dma_wait3A_334 : memref<1x128x64xf32, #tpu.memory_space<hbm>> -> memref<128x64xf32, #tpu.memory_space<hbm>>
      %dma_wait3A_336 = arith.constant 0 : i32
      %dma_wait3A_337 = tpu.memref_slice %arg15[%add3A_167, %add3A_199, %dma_wait3A_336] : memref<4x10240x64xf32, #tpu.memory_space<hbm>> -> memref<1x128x64xf32, #tpu.memory_space<hbm>>
      %dma_wait3A_338 = tpu.memref_squeeze %dma_wait3A_337 : memref<1x128x64xf32, #tpu.memory_space<hbm>> -> memref<128x64xf32, #tpu.memory_space<hbm>>
      tpu.wait_dma2 semaphore(%run_scoped3A : memref<!tpu.dma_semaphore, #tpu.memory_space<semaphore_mem>>) src(%arg21 : memref<128x64xf32, #tpu.memory_space<vmem>>) dst(%dma_wait3A_338 : memref<128x64xf32, #tpu.memory_space<hbm>>)
      tpu.yield
    }) : () -> ()
    %mul3A_200 = arith.constant 640 : i32
    %mul3A_201 = arith.muli %arg1, %mul3A_200 : i32
    %add3A_202 = arith.constant 128 : i32
    %add3A_203 = arith.addi %mul3A_201, %add3A_202 : i32
    "tpu.region"() ({
      %run_scoped3A = tpu.sem_alloc : memref<!tpu.dma_semaphore, #tpu.memory_space<semaphore_mem>>
      %dma_start3A = arith.constant 0 : i32
      %dma_start3A_329 = tpu.memref_slice %arg25[%add3A_203, %dma_start3A] : memref<10240x64xf32, #tpu.memory_space<vmem_shared>> -> memref<128x64xf32, #tpu.memory_space<vmem_shared>>
      %dma_start3A_330 = arith.constant 0 : i32
      %dma_start3A_331 = tpu.memref_slice %arg25[%add3A_203, %dma_start3A_330] : memref<10240x64xf32, #tpu.memory_space<vmem_shared>> -> memref<128x64xf32, #tpu.memory_space<vmem_shared>>
      tpu.enqueue_dma source(%dma_start3A_331 : memref<128x64xf32, #tpu.memory_space<vmem_shared>>) target(%arg21 : memref<128x64xf32, #tpu.memory_space<vmem>>) target_semaphore(%run_scoped3A : memref<!tpu.dma_semaphore, #tpu.memory_space<semaphore_mem>>)
      %dma_wait3A = arith.constant 0 : i32
      %dma_wait3A_332 = tpu.memref_slice %arg25[%add3A_203, %dma_wait3A] : memref<10240x64xf32, #tpu.memory_space<vmem_shared>> -> memref<128x64xf32, #tpu.memory_space<vmem_shared>>
      %dma_wait3A_333 = arith.constant 0 : i32
      %dma_wait3A_334 = tpu.memref_slice %arg25[%add3A_203, %dma_wait3A_333] : memref<10240x64xf32, #tpu.memory_space<vmem_shared>> -> memref<128x64xf32, #tpu.memory_space<vmem_shared>>
      tpu.wait_dma2 semaphore(%run_scoped3A : memref<!tpu.dma_semaphore, #tpu.memory_space<semaphore_mem>>) src(%dma_wait3A_334 : memref<128x64xf32, #tpu.memory_space<vmem_shared>>) dst(%arg21 : memref<128x64xf32, #tpu.memory_space<vmem>>)
      tpu.yield
    }) : () -> ()
    "tpu.region"() ({
      %run_scoped3A = tpu.sem_alloc : memref<!tpu.dma_semaphore, #tpu.memory_space<semaphore_mem>>
      %dma_start3A = arith.constant 0 : i32
      %dma_start3A_329 = tpu.memref_slice %arg15[%add3A_167, %add3A_203, %dma_start3A] : memref<4x10240x64xf32, #tpu.memory_space<hbm>> -> memref<1x128x64xf32, #tpu.memory_space<hbm>>
      %dma_start3A_330 = tpu.memref_squeeze %dma_start3A_329 : memref<1x128x64xf32, #tpu.memory_space<hbm>> -> memref<128x64xf32, #tpu.memory_space<hbm>>
      %dma_start3A_331 = arith.constant 0 : i32
      %dma_start3A_332 = tpu.memref_slice %arg15[%add3A_167, %add3A_203, %dma_start3A_331] : memref<4x10240x64xf32, #tpu.memory_space<hbm>> -> memref<1x128x64xf32, #tpu.memory_space<hbm>>
      %dma_start3A_333 = tpu.memref_squeeze %dma_start3A_332 : memref<1x128x64xf32, #tpu.memory_space<hbm>> -> memref<128x64xf32, #tpu.memory_space<hbm>>
      tpu.enqueue_dma source(%arg21 : memref<128x64xf32, #tpu.memory_space<vmem>>) target(%dma_start3A_333 : memref<128x64xf32, #tpu.memory_space<hbm>>) target_semaphore(%run_scoped3A : memref<!tpu.dma_semaphore, #tpu.memory_space<semaphore_mem>>)
      %dma_wait3A = arith.constant 0 : i32
      %dma_wait3A_334 = tpu.memref_slice %arg15[%add3A_167, %add3A_203, %dma_wait3A] : memref<4x10240x64xf32, #tpu.memory_space<hbm>> -> memref<1x128x64xf32, #tpu.memory_space<hbm>>
      %dma_wait3A_335 = tpu.memref_squeeze %dma_wait3A_334 : memref<1x128x64xf32, #tpu.memory_space<hbm>> -> memref<128x64xf32, #tpu.memory_space<hbm>>
      %dma_wait3A_336 = arith.constant 0 : i32
      %dma_wait3A_337 = tpu.memref_slice %arg15[%add3A_167, %add3A_203, %dma_wait3A_336] : memref<4x10240x64xf32, #tpu.memory_space<hbm>> -> memref<1x128x64xf32, #tpu.memory_space<hbm>>
      %dma_wait3A_338 = tpu.memref_squeeze %dma_wait3A_337 : memref<1x128x64xf32, #tpu.memory_space<hbm>> -> memref<128x64xf32, #tpu.memory_space<hbm>>
      tpu.wait_dma2 semaphore(%run_scoped3A : memref<!tpu.dma_semaphore, #tpu.memory_space<semaphore_mem>>) src(%arg21 : memref<128x64xf32, #tpu.memory_space<vmem>>) dst(%dma_wait3A_338 : memref<128x64xf32, #tpu.memory_space<hbm>>)
      tpu.yield
    }) : () -> ()
    %mul3A_204 = arith.constant 640 : i32
    %mul3A_205 = arith.muli %arg1, %mul3A_204 : i32
    %add3A_206 = arith.constant 256 : i32
    %add3A_207 = arith.addi %mul3A_205, %add3A_206 : i32
    "tpu.region"() ({
      %run_scoped3A = tpu.sem_alloc : memref<!tpu.dma_semaphore, #tpu.memory_space<semaphore_mem>>
      %dma_start3A = arith.constant 0 : i32
      %dma_start3A_329 = tpu.memref_slice %arg25[%add3A_207, %dma_start3A] : memref<10240x64xf32, #tpu.memory_space<vmem_shared>> -> memref<128x64xf32, #tpu.memory_space<vmem_shared>>
      %dma_start3A_330 = arith.constant 0 : i32
      %dma_start3A_331 = tpu.memref_slice %arg25[%add3A_207, %dma_start3A_330] : memref<10240x64xf32, #tpu.memory_space<vmem_shared>> -> memref<128x64xf32, #tpu.memory_space<vmem_shared>>
      tpu.enqueue_dma source(%dma_start3A_331 : memref<128x64xf32, #tpu.memory_space<vmem_shared>>) target(%arg21 : memref<128x64xf32, #tpu.memory_space<vmem>>) target_semaphore(%run_scoped3A : memref<!tpu.dma_semaphore, #tpu.memory_space<semaphore_mem>>)
      %dma_wait3A = arith.constant 0 : i32
      %dma_wait3A_332 = tpu.memref_slice %arg25[%add3A_207, %dma_wait3A] : memref<10240x64xf32, #tpu.memory_space<vmem_shared>> -> memref<128x64xf32, #tpu.memory_space<vmem_shared>>
      %dma_wait3A_333 = arith.constant 0 : i32
      %dma_wait3A_334 = tpu.memref_slice %arg25[%add3A_207, %dma_wait3A_333] : memref<10240x64xf32, #tpu.memory_space<vmem_shared>> -> memref<128x64xf32, #tpu.memory_space<vmem_shared>>
      tpu.wait_dma2 semaphore(%run_scoped3A : memref<!tpu.dma_semaphore, #tpu.memory_space<semaphore_mem>>) src(%dma_wait3A_334 : memref<128x64xf32, #tpu.memory_space<vmem_shared>>) dst(%arg21 : memref<128x64xf32, #tpu.memory_space<vmem>>)
      tpu.yield
    }) : () -> ()
    "tpu.region"() ({
      %run_scoped3A = tpu.sem_alloc : memref<!tpu.dma_semaphore, #tpu.memory_space<semaphore_mem>>
      %dma_start3A = arith.constant 0 : i32
      %dma_start3A_329 = tpu.memref_slice %arg15[%add3A_167, %add3A_207, %dma_start3A] : memref<4x10240x64xf32, #tpu.memory_space<hbm>> -> memref<1x128x64xf32, #tpu.memory_space<hbm>>
      %dma_start3A_330 = tpu.memref_squeeze %dma_start3A_329 : memref<1x128x64xf32, #tpu.memory_space<hbm>> -> memref<128x64xf32, #tpu.memory_space<hbm>>
      %dma_start3A_331 = arith.constant 0 : i32
      %dma_start3A_332 = tpu.memref_slice %arg15[%add3A_167, %add3A_207, %dma_start3A_331] : memref<4x10240x64xf32, #tpu.memory_space<hbm>> -> memref<1x128x64xf32, #tpu.memory_space<hbm>>
      %dma_start3A_333 = tpu.memref_squeeze %dma_start3A_332 : memref<1x128x64xf32, #tpu.memory_space<hbm>> -> memref<128x64xf32, #tpu.memory_space<hbm>>
      tpu.enqueue_dma source(%arg21 : memref<128x64xf32, #tpu.memory_space<vmem>>) target(%dma_start3A_333 : memref<128x64xf32, #tpu.memory_space<hbm>>) target_semaphore(%run_scoped3A : memref<!tpu.dma_semaphore, #tpu.memory_space<semaphore_mem>>)
      %dma_wait3A = arith.constant 0 : i32
      %dma_wait3A_334 = tpu.memref_slice %arg15[%add3A_167, %add3A_207, %dma_wait3A] : memref<4x10240x64xf32, #tpu.memory_space<hbm>> -> memref<1x128x64xf32, #tpu.memory_space<hbm>>
      %dma_wait3A_335 = tpu.memref_squeeze %dma_wait3A_334 : memref<1x128x64xf32, #tpu.memory_space<hbm>> -> memref<128x64xf32, #tpu.memory_space<hbm>>
      %dma_wait3A_336 = arith.constant 0 : i32
      %dma_wait3A_337 = tpu.memref_slice %arg15[%add3A_167, %add3A_207, %dma_wait3A_336] : memref<4x10240x64xf32, #tpu.memory_space<hbm>> -> memref<1x128x64xf32, #tpu.memory_space<hbm>>
      %dma_wait3A_338 = tpu.memref_squeeze %dma_wait3A_337 : memref<1x128x64xf32, #tpu.memory_space<hbm>> -> memref<128x64xf32, #tpu.memory_space<hbm>>
      tpu.wait_dma2 semaphore(%run_scoped3A : memref<!tpu.dma_semaphore, #tpu.memory_space<semaphore_mem>>) src(%arg21 : memref<128x64xf32, #tpu.memory_space<vmem>>) dst(%dma_wait3A_338 : memref<128x64xf32, #tpu.memory_space<hbm>>)
      tpu.yield
    }) : () -> ()
    %mul3A_208 = arith.constant 640 : i32
    %mul3A_209 = arith.muli %arg1, %mul3A_208 : i32
    %add3A_210 = arith.constant 384 : i32
    %add3A_211 = arith.addi %mul3A_209, %add3A_210 : i32
    "tpu.region"() ({
      %run_scoped3A = tpu.sem_alloc : memref<!tpu.dma_semaphore, #tpu.memory_space<semaphore_mem>>
      %dma_start3A = arith.constant 0 : i32
      %dma_start3A_329 = tpu.memref_slice %arg25[%add3A_211, %dma_start3A] : memref<10240x64xf32, #tpu.memory_space<vmem_shared>> -> memref<128x64xf32, #tpu.memory_space<vmem_shared>>
      %dma_start3A_330 = arith.constant 0 : i32
      %dma_start3A_331 = tpu.memref_slice %arg25[%add3A_211, %dma_start3A_330] : memref<10240x64xf32, #tpu.memory_space<vmem_shared>> -> memref<128x64xf32, #tpu.memory_space<vmem_shared>>
      tpu.enqueue_dma source(%dma_start3A_331 : memref<128x64xf32, #tpu.memory_space<vmem_shared>>) target(%arg21 : memref<128x64xf32, #tpu.memory_space<vmem>>) target_semaphore(%run_scoped3A : memref<!tpu.dma_semaphore, #tpu.memory_space<semaphore_mem>>)
      %dma_wait3A = arith.constant 0 : i32
      %dma_wait3A_332 = tpu.memref_slice %arg25[%add3A_211, %dma_wait3A] : memref<10240x64xf32, #tpu.memory_space<vmem_shared>> -> memref<128x64xf32, #tpu.memory_space<vmem_shared>>
      %dma_wait3A_333 = arith.constant 0 : i32
      %dma_wait3A_334 = tpu.memref_slice %arg25[%add3A_211, %dma_wait3A_333] : memref<10240x64xf32, #tpu.memory_space<vmem_shared>> -> memref<128x64xf32, #tpu.memory_space<vmem_shared>>
      tpu.wait_dma2 semaphore(%run_scoped3A : memref<!tpu.dma_semaphore, #tpu.memory_space<semaphore_mem>>) src(%dma_wait3A_334 : memref<128x64xf32, #tpu.memory_space<vmem_shared>>) dst(%arg21 : memref<128x64xf32, #tpu.memory_space<vmem>>)
      tpu.yield
    }) : () -> ()
    "tpu.region"() ({
      %run_scoped3A = tpu.sem_alloc : memref<!tpu.dma_semaphore, #tpu.memory_space<semaphore_mem>>
      %dma_start3A = arith.constant 0 : i32
      %dma_start3A_329 = tpu.memref_slice %arg15[%add3A_167, %add3A_211, %dma_start3A] : memref<4x10240x64xf32, #tpu.memory_space<hbm>> -> memref<1x128x64xf32, #tpu.memory_space<hbm>>
      %dma_start3A_330 = tpu.memref_squeeze %dma_start3A_329 : memref<1x128x64xf32, #tpu.memory_space<hbm>> -> memref<128x64xf32, #tpu.memory_space<hbm>>
      %dma_start3A_331 = arith.constant 0 : i32
      %dma_start3A_332 = tpu.memref_slice %arg15[%add3A_167, %add3A_211, %dma_start3A_331] : memref<4x10240x64xf32, #tpu.memory_space<hbm>> -> memref<1x128x64xf32, #tpu.memory_space<hbm>>
      %dma_start3A_333 = tpu.memref_squeeze %dma_start3A_332 : memref<1x128x64xf32, #tpu.memory_space<hbm>> -> memref<128x64xf32, #tpu.memory_space<hbm>>
      tpu.enqueue_dma source(%arg21 : memref<128x64xf32, #tpu.memory_space<vmem>>) target(%dma_start3A_333 : memref<128x64xf32, #tpu.memory_space<hbm>>) target_semaphore(%run_scoped3A : memref<!tpu.dma_semaphore, #tpu.memory_space<semaphore_mem>>)
      %dma_wait3A = arith.constant 0 : i32
      %dma_wait3A_334 = tpu.memref_slice %arg15[%add3A_167, %add3A_211, %dma_wait3A] : memref<4x10240x64xf32, #tpu.memory_space<hbm>> -> memref<1x128x64xf32, #tpu.memory_space<hbm>>
      %dma_wait3A_335 = tpu.memref_squeeze %dma_wait3A_334 : memref<1x128x64xf32, #tpu.memory_space<hbm>> -> memref<128x64xf32, #tpu.memory_space<hbm>>
      %dma_wait3A_336 = arith.constant 0 : i32
      %dma_wait3A_337 = tpu.memref_slice %arg15[%add3A_167, %add3A_211, %dma_wait3A_336] : memref<4x10240x64xf32, #tpu.memory_space<hbm>> -> memref<1x128x64xf32, #tpu.memory_space<hbm>>
      %dma_wait3A_338 = tpu.memref_squeeze %dma_wait3A_337 : memref<1x128x64xf32, #tpu.memory_space<hbm>> -> memref<128x64xf32, #tpu.memory_space<hbm>>
      tpu.wait_dma2 semaphore(%run_scoped3A : memref<!tpu.dma_semaphore, #tpu.memory_space<semaphore_mem>>) src(%arg21 : memref<128x64xf32, #tpu.memory_space<vmem>>) dst(%dma_wait3A_338 : memref<128x64xf32, #tpu.memory_space<hbm>>)
      tpu.yield
    }) : () -> ()
    %mul3A_212 = arith.constant 640 : i32
    %mul3A_213 = arith.muli %arg1, %mul3A_212 : i32
    %add3A_214 = arith.constant 512 : i32
    %add3A_215 = arith.addi %mul3A_213, %add3A_214 : i32
    "tpu.region"() ({
      %run_scoped3A = tpu.sem_alloc : memref<!tpu.dma_semaphore, #tpu.memory_space<semaphore_mem>>
      %dma_start3A = arith.constant 0 : i32
      %dma_start3A_329 = tpu.memref_slice %arg25[%add3A_215, %dma_start3A] : memref<10240x64xf32, #tpu.memory_space<vmem_shared>> -> memref<128x64xf32, #tpu.memory_space<vmem_shared>>
      %dma_start3A_330 = arith.constant 0 : i32
      %dma_start3A_331 = tpu.memref_slice %arg25[%add3A_215, %dma_start3A_330] : memref<10240x64xf32, #tpu.memory_space<vmem_shared>> -> memref<128x64xf32, #tpu.memory_space<vmem_shared>>
      tpu.enqueue_dma source(%dma_start3A_331 : memref<128x64xf32, #tpu.memory_space<vmem_shared>>) target(%arg21 : memref<128x64xf32, #tpu.memory_space<vmem>>) target_semaphore(%run_scoped3A : memref<!tpu.dma_semaphore, #tpu.memory_space<semaphore_mem>>)
      %dma_wait3A = arith.constant 0 : i32
      %dma_wait3A_332 = tpu.memref_slice %arg25[%add3A_215, %dma_wait3A] : memref<10240x64xf32, #tpu.memory_space<vmem_shared>> -> memref<128x64xf32, #tpu.memory_space<vmem_shared>>
      %dma_wait3A_333 = arith.constant 0 : i32
      %dma_wait3A_334 = tpu.memref_slice %arg25[%add3A_215, %dma_wait3A_333] : memref<10240x64xf32, #tpu.memory_space<vmem_shared>> -> memref<128x64xf32, #tpu.memory_space<vmem_shared>>
      tpu.wait_dma2 semaphore(%run_scoped3A : memref<!tpu.dma_semaphore, #tpu.memory_space<semaphore_mem>>) src(%dma_wait3A_334 : memref<128x64xf32, #tpu.memory_space<vmem_shared>>) dst(%arg21 : memref<128x64xf32, #tpu.memory_space<vmem>>)
      tpu.yield
    }) : () -> ()
    "tpu.region"() ({
      %run_scoped3A = tpu.sem_alloc : memref<!tpu.dma_semaphore, #tpu.memory_space<semaphore_mem>>
      %dma_start3A = arith.constant 0 : i32
      %dma_start3A_329 = tpu.memref_slice %arg15[%add3A_167, %add3A_215, %dma_start3A] : memref<4x10240x64xf32, #tpu.memory_space<hbm>> -> memref<1x128x64xf32, #tpu.memory_space<hbm>>
      %dma_start3A_330 = tpu.memref_squeeze %dma_start3A_329 : memref<1x128x64xf32, #tpu.memory_space<hbm>> -> memref<128x64xf32, #tpu.memory_space<hbm>>
      %dma_start3A_331 = arith.constant 0 : i32
      %dma_start3A_332 = tpu.memref_slice %arg15[%add3A_167, %add3A_215, %dma_start3A_331] : memref<4x10240x64xf32, #tpu.memory_space<hbm>> -> memref<1x128x64xf32, #tpu.memory_space<hbm>>
      %dma_start3A_333 = tpu.memref_squeeze %dma_start3A_332 : memref<1x128x64xf32, #tpu.memory_space<hbm>> -> memref<128x64xf32, #tpu.memory_space<hbm>>
      tpu.enqueue_dma source(%arg21 : memref<128x64xf32, #tpu.memory_space<vmem>>) target(%dma_start3A_333 : memref<128x64xf32, #tpu.memory_space<hbm>>) target_semaphore(%run_scoped3A : memref<!tpu.dma_semaphore, #tpu.memory_space<semaphore_mem>>)
      %dma_wait3A = arith.constant 0 : i32
      %dma_wait3A_334 = tpu.memref_slice %arg15[%add3A_167, %add3A_215, %dma_wait3A] : memref<4x10240x64xf32, #tpu.memory_space<hbm>> -> memref<1x128x64xf32, #tpu.memory_space<hbm>>
      %dma_wait3A_335 = tpu.memref_squeeze %dma_wait3A_334 : memref<1x128x64xf32, #tpu.memory_space<hbm>> -> memref<128x64xf32, #tpu.memory_space<hbm>>
      %dma_wait3A_336 = arith.constant 0 : i32
      %dma_wait3A_337 = tpu.memref_slice %arg15[%add3A_167, %add3A_215, %dma_wait3A_336] : memref<4x10240x64xf32, #tpu.memory_space<hbm>> -> memref<1x128x64xf32, #tpu.memory_space<hbm>>
      %dma_wait3A_338 = tpu.memref_squeeze %dma_wait3A_337 : memref<1x128x64xf32, #tpu.memory_space<hbm>> -> memref<128x64xf32, #tpu.memory_space<hbm>>
      tpu.wait_dma2 semaphore(%run_scoped3A : memref<!tpu.dma_semaphore, #tpu.memory_space<semaphore_mem>>) src(%arg21 : memref<128x64xf32, #tpu.memory_space<vmem>>) dst(%dma_wait3A_338 : memref<128x64xf32, #tpu.memory_space<hbm>>)
      tpu.yield
    }) : () -> ()
    %barrier3A_216 = arith.constant 0 : index
    tpu.barrier barrier_id(%barrier3A_216)
    "tpu.region"() ({
      %run_scoped3A = tpu.sem_alloc : memref<!tpu.dma_semaphore, #tpu.memory_space<semaphore_mem>>
      %dma_start3A = arith.constant 0 : i32
      %dma_start3A_329 = arith.constant 0 : i32
      %dma_start3A_330 = tpu.memref_slice %arg9[%arg1, %dma_start3A, %dma_start3A_329] : memref<16x79x128xi32, #tpu.memory_space<hbm>> -> memref<1x79x128xi32, #tpu.memory_space<hbm>>
      %dma_start3A_331 = tpu.memref_squeeze %dma_start3A_330 : memref<1x79x128xi32, #tpu.memory_space<hbm>> -> memref<79x128xi32, #tpu.memory_space<hbm>>
      %dma_start3A_332 = arith.constant 0 : i32
      %dma_start3A_333 = arith.constant 0 : i32
      %dma_start3A_334 = tpu.memref_slice %arg9[%arg1, %dma_start3A_332, %dma_start3A_333] : memref<16x79x128xi32, #tpu.memory_space<hbm>> -> memref<1x79x128xi32, #tpu.memory_space<hbm>>
      %dma_start3A_335 = tpu.memref_squeeze %dma_start3A_334 : memref<1x79x128xi32, #tpu.memory_space<hbm>> -> memref<79x128xi32, #tpu.memory_space<hbm>>
      tpu.enqueue_dma source(%dma_start3A_335 : memref<79x128xi32, #tpu.memory_space<hbm>>) target(%arg20 : memref<79x128xi32, #tpu.memory_space<vmem>>) target_semaphore(%run_scoped3A : memref<!tpu.dma_semaphore, #tpu.memory_space<semaphore_mem>>)
      %dma_wait3A = arith.constant 0 : i32
      %dma_wait3A_336 = arith.constant 0 : i32
      %dma_wait3A_337 = tpu.memref_slice %arg9[%arg1, %dma_wait3A, %dma_wait3A_336] : memref<16x79x128xi32, #tpu.memory_space<hbm>> -> memref<1x79x128xi32, #tpu.memory_space<hbm>>
      %dma_wait3A_338 = tpu.memref_squeeze %dma_wait3A_337 : memref<1x79x128xi32, #tpu.memory_space<hbm>> -> memref<79x128xi32, #tpu.memory_space<hbm>>
      %dma_wait3A_339 = arith.constant 0 : i32
      %dma_wait3A_340 = arith.constant 0 : i32
      %dma_wait3A_341 = tpu.memref_slice %arg9[%arg1, %dma_wait3A_339, %dma_wait3A_340] : memref<16x79x128xi32, #tpu.memory_space<hbm>> -> memref<1x79x128xi32, #tpu.memory_space<hbm>>
      %dma_wait3A_342 = tpu.memref_squeeze %dma_wait3A_341 : memref<1x79x128xi32, #tpu.memory_space<hbm>> -> memref<79x128xi32, #tpu.memory_space<hbm>>
      tpu.wait_dma2 semaphore(%run_scoped3A : memref<!tpu.dma_semaphore, #tpu.memory_space<semaphore_mem>>) src(%dma_wait3A_342 : memref<79x128xi32, #tpu.memory_space<hbm>>) dst(%arg20 : memref<79x128xi32, #tpu.memory_space<vmem>>)
      tpu.yield
    }) : () -> ()
    %add3A_217 = arith.constant 0 : i32
    %add3A_218 = arith.addi %add3A_217, %arg0 : i32
    %mul3A_219 = arith.constant 640 : i32
    %mul3A_220 = arith.muli %arg1, %mul3A_219 : i32
    %add3A_221 = arith.constant 0 : i32
    %add3A_222 = arith.addi %mul3A_220, %add3A_221 : i32
    "tpu.region"() ({
      %run_scoped3A = tpu.sem_alloc : memref<!tpu.dma_semaphore, #tpu.memory_space<semaphore_mem>>
      %dma_start3A = arith.constant 0 : i32
      %dma_start3A_329 = tpu.memref_slice %arg25[%add3A_222, %dma_start3A] : memref<10240x64xf32, #tpu.memory_space<vmem_shared>> -> memref<128x64xf32, #tpu.memory_space<vmem_shared>>
      %dma_start3A_330 = arith.constant 0 : i32
      %dma_start3A_331 = tpu.memref_slice %arg25[%add3A_222, %dma_start3A_330] : memref<10240x64xf32, #tpu.memory_space<vmem_shared>> -> memref<128x64xf32, #tpu.memory_space<vmem_shared>>
      tpu.enqueue_dma source(%arg23 : memref<128x64xf32, #tpu.memory_space<vmem>>) target(%dma_start3A_331 : memref<128x64xf32, #tpu.memory_space<vmem_shared>>) target_semaphore(%run_scoped3A : memref<!tpu.dma_semaphore, #tpu.memory_space<semaphore_mem>>)
      %dma_wait3A = arith.constant 0 : i32
      %dma_wait3A_332 = tpu.memref_slice %arg25[%add3A_222, %dma_wait3A] : memref<10240x64xf32, #tpu.memory_space<vmem_shared>> -> memref<128x64xf32, #tpu.memory_space<vmem_shared>>
      %dma_wait3A_333 = arith.constant 0 : i32
      %dma_wait3A_334 = tpu.memref_slice %arg25[%add3A_222, %dma_wait3A_333] : memref<10240x64xf32, #tpu.memory_space<vmem_shared>> -> memref<128x64xf32, #tpu.memory_space<vmem_shared>>
      tpu.wait_dma2 semaphore(%run_scoped3A : memref<!tpu.dma_semaphore, #tpu.memory_space<semaphore_mem>>) src(%arg23 : memref<128x64xf32, #tpu.memory_space<vmem>>) dst(%dma_wait3A_334 : memref<128x64xf32, #tpu.memory_space<vmem_shared>>)
      tpu.yield
    }) : () -> ()
    %mul3A_223 = arith.constant 640 : i32
    %mul3A_224 = arith.muli %arg1, %mul3A_223 : i32
    %add3A_225 = arith.constant 128 : i32
    %add3A_226 = arith.addi %mul3A_224, %add3A_225 : i32
    "tpu.region"() ({
      %run_scoped3A = tpu.sem_alloc : memref<!tpu.dma_semaphore, #tpu.memory_space<semaphore_mem>>
      %dma_start3A = arith.constant 0 : i32
      %dma_start3A_329 = tpu.memref_slice %arg25[%add3A_226, %dma_start3A] : memref<10240x64xf32, #tpu.memory_space<vmem_shared>> -> memref<128x64xf32, #tpu.memory_space<vmem_shared>>
      %dma_start3A_330 = arith.constant 0 : i32
      %dma_start3A_331 = tpu.memref_slice %arg25[%add3A_226, %dma_start3A_330] : memref<10240x64xf32, #tpu.memory_space<vmem_shared>> -> memref<128x64xf32, #tpu.memory_space<vmem_shared>>
      tpu.enqueue_dma source(%arg23 : memref<128x64xf32, #tpu.memory_space<vmem>>) target(%dma_start3A_331 : memref<128x64xf32, #tpu.memory_space<vmem_shared>>) target_semaphore(%run_scoped3A : memref<!tpu.dma_semaphore, #tpu.memory_space<semaphore_mem>>)
      %dma_wait3A = arith.constant 0 : i32
      %dma_wait3A_332 = tpu.memref_slice %arg25[%add3A_226, %dma_wait3A] : memref<10240x64xf32, #tpu.memory_space<vmem_shared>> -> memref<128x64xf32, #tpu.memory_space<vmem_shared>>
      %dma_wait3A_333 = arith.constant 0 : i32
      %dma_wait3A_334 = tpu.memref_slice %arg25[%add3A_226, %dma_wait3A_333] : memref<10240x64xf32, #tpu.memory_space<vmem_shared>> -> memref<128x64xf32, #tpu.memory_space<vmem_shared>>
      tpu.wait_dma2 semaphore(%run_scoped3A : memref<!tpu.dma_semaphore, #tpu.memory_space<semaphore_mem>>) src(%arg23 : memref<128x64xf32, #tpu.memory_space<vmem>>) dst(%dma_wait3A_334 : memref<128x64xf32, #tpu.memory_space<vmem_shared>>)
      tpu.yield
    }) : () -> ()
    %mul3A_227 = arith.constant 640 : i32
    %mul3A_228 = arith.muli %arg1, %mul3A_227 : i32
    %add3A_229 = arith.constant 256 : i32
    %add3A_230 = arith.addi %mul3A_228, %add3A_229 : i32
    "tpu.region"() ({
      %run_scoped3A = tpu.sem_alloc : memref<!tpu.dma_semaphore, #tpu.memory_space<semaphore_mem>>
      %dma_start3A = arith.constant 0 : i32
      %dma_start3A_329 = tpu.memref_slice %arg25[%add3A_230, %dma_start3A] : memref<10240x64xf32, #tpu.memory_space<vmem_shared>> -> memref<128x64xf32, #tpu.memory_space<vmem_shared>>
      %dma_start3A_330 = arith.constant 0 : i32
      %dma_start3A_331 = tpu.memref_slice %arg25[%add3A_230, %dma_start3A_330] : memref<10240x64xf32, #tpu.memory_space<vmem_shared>> -> memref<128x64xf32, #tpu.memory_space<vmem_shared>>
      tpu.enqueue_dma source(%arg23 : memref<128x64xf32, #tpu.memory_space<vmem>>) target(%dma_start3A_331 : memref<128x64xf32, #tpu.memory_space<vmem_shared>>) target_semaphore(%run_scoped3A : memref<!tpu.dma_semaphore, #tpu.memory_space<semaphore_mem>>)
      %dma_wait3A = arith.constant 0 : i32
      %dma_wait3A_332 = tpu.memref_slice %arg25[%add3A_230, %dma_wait3A] : memref<10240x64xf32, #tpu.memory_space<vmem_shared>> -> memref<128x64xf32, #tpu.memory_space<vmem_shared>>
      %dma_wait3A_333 = arith.constant 0 : i32
      %dma_wait3A_334 = tpu.memref_slice %arg25[%add3A_230, %dma_wait3A_333] : memref<10240x64xf32, #tpu.memory_space<vmem_shared>> -> memref<128x64xf32, #tpu.memory_space<vmem_shared>>
      tpu.wait_dma2 semaphore(%run_scoped3A : memref<!tpu.dma_semaphore, #tpu.memory_space<semaphore_mem>>) src(%arg23 : memref<128x64xf32, #tpu.memory_space<vmem>>) dst(%dma_wait3A_334 : memref<128x64xf32, #tpu.memory_space<vmem_shared>>)
      tpu.yield
    }) : () -> ()
    %mul3A_231 = arith.constant 640 : i32
    %mul3A_232 = arith.muli %arg1, %mul3A_231 : i32
    %add3A_233 = arith.constant 384 : i32
    %add3A_234 = arith.addi %mul3A_232, %add3A_233 : i32
    "tpu.region"() ({
      %run_scoped3A = tpu.sem_alloc : memref<!tpu.dma_semaphore, #tpu.memory_space<semaphore_mem>>
      %dma_start3A = arith.constant 0 : i32
      %dma_start3A_329 = tpu.memref_slice %arg25[%add3A_234, %dma_start3A] : memref<10240x64xf32, #tpu.memory_space<vmem_shared>> -> memref<128x64xf32, #tpu.memory_space<vmem_shared>>
      %dma_start3A_330 = arith.constant 0 : i32
      %dma_start3A_331 = tpu.memref_slice %arg25[%add3A_234, %dma_start3A_330] : memref<10240x64xf32, #tpu.memory_space<vmem_shared>> -> memref<128x64xf32, #tpu.memory_space<vmem_shared>>
      tpu.enqueue_dma source(%arg23 : memref<128x64xf32, #tpu.memory_space<vmem>>) target(%dma_start3A_331 : memref<128x64xf32, #tpu.memory_space<vmem_shared>>) target_semaphore(%run_scoped3A : memref<!tpu.dma_semaphore, #tpu.memory_space<semaphore_mem>>)
      %dma_wait3A = arith.constant 0 : i32
      %dma_wait3A_332 = tpu.memref_slice %arg25[%add3A_234, %dma_wait3A] : memref<10240x64xf32, #tpu.memory_space<vmem_shared>> -> memref<128x64xf32, #tpu.memory_space<vmem_shared>>
      %dma_wait3A_333 = arith.constant 0 : i32
      %dma_wait3A_334 = tpu.memref_slice %arg25[%add3A_234, %dma_wait3A_333] : memref<10240x64xf32, #tpu.memory_space<vmem_shared>> -> memref<128x64xf32, #tpu.memory_space<vmem_shared>>
      tpu.wait_dma2 semaphore(%run_scoped3A : memref<!tpu.dma_semaphore, #tpu.memory_space<semaphore_mem>>) src(%arg23 : memref<128x64xf32, #tpu.memory_space<vmem>>) dst(%dma_wait3A_334 : memref<128x64xf32, #tpu.memory_space<vmem_shared>>)
      tpu.yield
    }) : () -> ()
    %mul3A_235 = arith.constant 640 : i32
    %mul3A_236 = arith.muli %arg1, %mul3A_235 : i32
    %add3A_237 = arith.constant 512 : i32
    %add3A_238 = arith.addi %mul3A_236, %add3A_237 : i32
    "tpu.region"() ({
      %run_scoped3A = tpu.sem_alloc : memref<!tpu.dma_semaphore, #tpu.memory_space<semaphore_mem>>
      %dma_start3A = arith.constant 0 : i32
      %dma_start3A_329 = tpu.memref_slice %arg25[%add3A_238, %dma_start3A] : memref<10240x64xf32, #tpu.memory_space<vmem_shared>> -> memref<128x64xf32, #tpu.memory_space<vmem_shared>>
      %dma_start3A_330 = arith.constant 0 : i32
      %dma_start3A_331 = tpu.memref_slice %arg25[%add3A_238, %dma_start3A_330] : memref<10240x64xf32, #tpu.memory_space<vmem_shared>> -> memref<128x64xf32, #tpu.memory_space<vmem_shared>>
      tpu.enqueue_dma source(%arg23 : memref<128x64xf32, #tpu.memory_space<vmem>>) target(%dma_start3A_331 : memref<128x64xf32, #tpu.memory_space<vmem_shared>>) target_semaphore(%run_scoped3A : memref<!tpu.dma_semaphore, #tpu.memory_space<semaphore_mem>>)
      %dma_wait3A = arith.constant 0 : i32
      %dma_wait3A_332 = tpu.memref_slice %arg25[%add3A_238, %dma_wait3A] : memref<10240x64xf32, #tpu.memory_space<vmem_shared>> -> memref<128x64xf32, #tpu.memory_space<vmem_shared>>
      %dma_wait3A_333 = arith.constant 0 : i32
      %dma_wait3A_334 = tpu.memref_slice %arg25[%add3A_238, %dma_wait3A_333] : memref<10240x64xf32, #tpu.memory_space<vmem_shared>> -> memref<128x64xf32, #tpu.memory_space<vmem_shared>>
      tpu.wait_dma2 semaphore(%run_scoped3A : memref<!tpu.dma_semaphore, #tpu.memory_space<semaphore_mem>>) src(%arg23 : memref<128x64xf32, #tpu.memory_space<vmem>>) dst(%dma_wait3A_334 : memref<128x64xf32, #tpu.memory_space<vmem_shared>>)
      tpu.yield
    }) : () -> ()
    %barrier3A_239 = arith.constant 0 : index
    tpu.barrier barrier_id(%barrier3A_239)
    "tpu.region"() ({
      %run_scoped3A = tpu.sem_alloc : memref<!tpu.dma_semaphore, #tpu.memory_space<semaphore_mem>>
      %dma_start3A = arith.constant 0 : i32
      %dma_start3A_329 = arith.constant 0 : i32
      %dma_start3A_330 = tpu.memref_slice %arg8[%add3A_218, %arg1, %dma_start3A, %dma_start3A_329] : memref<4x16x79x128xi32, #tpu.memory_space<hbm>> -> memref<1x1x79x128xi32, #tpu.memory_space<hbm>>
      %dma_start3A_331 = tpu.memref_squeeze %dma_start3A_330 : memref<1x1x79x128xi32, #tpu.memory_space<hbm>> -> memref<79x128xi32, #tpu.memory_space<hbm>>
      %dma_start3A_332 = arith.constant 0 : i32
      %dma_start3A_333 = arith.constant 0 : i32
      %dma_start3A_334 = tpu.memref_slice %arg8[%add3A_218, %arg1, %dma_start3A_332, %dma_start3A_333] : memref<4x16x79x128xi32, #tpu.memory_space<hbm>> -> memref<1x1x79x128xi32, #tpu.memory_space<hbm>>
      %dma_start3A_335 = tpu.memref_squeeze %dma_start3A_334 : memref<1x1x79x128xi32, #tpu.memory_space<hbm>> -> memref<79x128xi32, #tpu.memory_space<hbm>>
      tpu.enqueue_dma source(%dma_start3A_335 : memref<79x128xi32, #tpu.memory_space<hbm>>) target(%arg19 : memref<79x128xi32, #tpu.memory_space<vmem>>) target_semaphore(%run_scoped3A : memref<!tpu.dma_semaphore, #tpu.memory_space<semaphore_mem>>)
      %dma_wait3A = arith.constant 0 : i32
      %dma_wait3A_336 = arith.constant 0 : i32
      %dma_wait3A_337 = tpu.memref_slice %arg8[%add3A_218, %arg1, %dma_wait3A, %dma_wait3A_336] : memref<4x16x79x128xi32, #tpu.memory_space<hbm>> -> memref<1x1x79x128xi32, #tpu.memory_space<hbm>>
      %dma_wait3A_338 = tpu.memref_squeeze %dma_wait3A_337 : memref<1x1x79x128xi32, #tpu.memory_space<hbm>> -> memref<79x128xi32, #tpu.memory_space<hbm>>
      %dma_wait3A_339 = arith.constant 0 : i32
      %dma_wait3A_340 = arith.constant 0 : i32
      %dma_wait3A_341 = tpu.memref_slice %arg8[%add3A_218, %arg1, %dma_wait3A_339, %dma_wait3A_340] : memref<4x16x79x128xi32, #tpu.memory_space<hbm>> -> memref<1x1x79x128xi32, #tpu.memory_space<hbm>>
      %dma_wait3A_342 = tpu.memref_squeeze %dma_wait3A_341 : memref<1x1x79x128xi32, #tpu.memory_space<hbm>> -> memref<79x128xi32, #tpu.memory_space<hbm>>
      tpu.wait_dma2 semaphore(%run_scoped3A : memref<!tpu.dma_semaphore, #tpu.memory_space<semaphore_mem>>) src(%dma_wait3A_342 : memref<79x128xi32, #tpu.memory_space<hbm>>) dst(%arg19 : memref<79x128xi32, #tpu.memory_space<vmem>>)
      tpu.yield
    }) : () -> ()
    %scan3A_240 = arith.constant 0 : i32
    %scan3A_241 = arith.constant 0 : i32
    %scan3A_242 = arith.constant 79 : i32
    %scan3A_243 = arith.addi %scan3A_241, %scan3A_242 : i32
    %scan3A_244 = arith.constant 1 : i32
    scf.for %scan3A_329 = %scan3A_241 to %scan3A_243 step %scan3A_244  : i32 {
      %dma_start3A = arith.constant 0 : i32
      %dma_start3A_330 = tpu.memref_slice %arg19[%scan3A_329, %dma_start3A] : memref<79x128xi32, #tpu.memory_space<vmem>> -> memref<1x128xi32, #tpu.memory_space<vmem>>
      %dma_start3A_331 = tpu.memref_squeeze %dma_start3A_330 : memref<1x128xi32, #tpu.memory_space<vmem>> -> memref<128xi32, #tpu.memory_space<vmem>>
      %dma_start3A_332 = arith.constant 0 : i32
      %dma_start3A_333 = arith.constant 0 : i32
      %dma_start3A_334 = tpu.memref_slice %arg2[%dma_start3A_332, %dma_start3A_333] : memref<40000x64xf32, #tpu.memory_space<hbm>> -> memref<40000x64xf32, #tpu.memory_space<hbm>>
      tpu.enqueue_indirect_dma source(%dma_start3A_334 : memref<40000x64xf32, #tpu.memory_space<hbm>>) target(%arg21 : memref<128x64xf32, #tpu.memory_space<vmem>>) offsets(%dma_start3A_331 : memref<128xi32, #tpu.memory_space<vmem>>) semaphore(%arg27 : memref<!tpu.dma_semaphore, #tpu.memory_space<semaphore_mem>>)
      %dma_wait3A = arith.constant 0 : i32
      %dma_wait3A_335 = tpu.memref_slice %arg19[%scan3A_329, %dma_wait3A] : memref<79x128xi32, #tpu.memory_space<vmem>> -> memref<1x128xi32, #tpu.memory_space<vmem>>
      %dma_wait3A_336 = tpu.memref_squeeze %dma_wait3A_335 : memref<1x128xi32, #tpu.memory_space<vmem>> -> memref<128xi32, #tpu.memory_space<vmem>>
      %dma_wait3A_337 = arith.constant 0 : i32
      %dma_wait3A_338 = arith.constant 0 : i32
      %dma_wait3A_339 = tpu.memref_slice %arg2[%dma_wait3A_337, %dma_wait3A_338] : memref<40000x64xf32, #tpu.memory_space<hbm>> -> memref<40000x64xf32, #tpu.memory_space<hbm>>
      tpu.wait_indirect_dma semaphore(%arg27 : memref<!tpu.dma_semaphore, #tpu.memory_space<semaphore_mem>>) src(%dma_wait3A_339 : memref<40000x64xf32, #tpu.memory_space<hbm>>) dst(%arg21 : memref<128x64xf32, #tpu.memory_space<vmem>>)
      "tpu.region"() ({
        %run_scoped3A = tpu.sem_alloc : memref<!tpu.dma_semaphore, #tpu.memory_space<semaphore_mem>>
        %dma_start3A_340 = arith.constant 0 : i32
        %dma_start3A_341 = tpu.memref_slice %arg20[%scan3A_329, %dma_start3A_340] : memref<79x128xi32, #tpu.memory_space<vmem>> -> memref<1x128xi32, #tpu.memory_space<vmem>>
        %dma_start3A_342 = tpu.memref_squeeze %dma_start3A_341 : memref<1x128xi32, #tpu.memory_space<vmem>> -> memref<128xi32, #tpu.memory_space<vmem>>
        %dma_start3A_343 = arith.constant 0 : i32
        %dma_start3A_344 = arith.constant 0 : i32
        %dma_start3A_345 = tpu.memref_slice %arg25[%dma_start3A_343, %dma_start3A_344] : memref<10240x64xf32, #tpu.memory_space<vmem_shared>> -> memref<10240x64xf32, #tpu.memory_space<vmem_shared>>
        tpu.enqueue_indirect_dma source(%arg21 : memref<128x64xf32, #tpu.memory_space<vmem>>) target(%dma_start3A_345 : memref<10240x64xf32, #tpu.memory_space<vmem_shared>>) offsets(%dma_start3A_342 : memref<128xi32, #tpu.memory_space<vmem>>) semaphore(%run_scoped3A : memref<!tpu.dma_semaphore, #tpu.memory_space<semaphore_mem>>) {add = true}
        %dma_wait3A_346 = arith.constant 0 : i32
        %dma_wait3A_347 = tpu.memref_slice %arg20[%scan3A_329, %dma_wait3A_346] : memref<79x128xi32, #tpu.memory_space<vmem>> -> memref<1x128xi32, #tpu.memory_space<vmem>>
        %dma_wait3A_348 = tpu.memref_squeeze %dma_wait3A_347 : memref<1x128xi32, #tpu.memory_space<vmem>> -> memref<128xi32, #tpu.memory_space<vmem>>
        %dma_wait3A_349 = arith.constant 0 : i32
        %dma_wait3A_350 = arith.constant 0 : i32
        %dma_wait3A_351 = tpu.memref_slice %arg25[%dma_wait3A_349, %dma_wait3A_350] : memref<10240x64xf32, #tpu.memory_space<vmem_shared>> -> memref<10240x64xf32, #tpu.memory_space<vmem_shared>>
        tpu.wait_indirect_dma semaphore(%run_scoped3A : memref<!tpu.dma_semaphore, #tpu.memory_space<semaphore_mem>>) src(%arg21 : memref<128x64xf32, #tpu.memory_space<vmem>>) dst(%dma_wait3A_351 : memref<10240x64xf32, #tpu.memory_space<vmem_shared>>)
        tpu.yield
      }) : () -> ()
    }
    %scan3A_245 = arith.constant 79 : i32
    %barrier3A_246 = arith.constant 0 : index
    tpu.barrier barrier_id(%barrier3A_246)
    %mul3A_247 = arith.constant 640 : i32
    %mul3A_248 = arith.muli %arg1, %mul3A_247 : i32
    %add3A_249 = arith.constant 0 : i32
    %add3A_250 = arith.addi %mul3A_248, %add3A_249 : i32
    "tpu.region"() ({
      %run_scoped3A = tpu.sem_alloc : memref<!tpu.dma_semaphore, #tpu.memory_space<semaphore_mem>>
      %dma_start3A = arith.constant 0 : i32
      %dma_start3A_329 = tpu.memref_slice %arg25[%add3A_250, %dma_start3A] : memref<10240x64xf32, #tpu.memory_space<vmem_shared>> -> memref<128x64xf32, #tpu.memory_space<vmem_shared>>
      %dma_start3A_330 = arith.constant 0 : i32
      %dma_start3A_331 = tpu.memref_slice %arg25[%add3A_250, %dma_start3A_330] : memref<10240x64xf32, #tpu.memory_space<vmem_shared>> -> memref<128x64xf32, #tpu.memory_space<vmem_shared>>
      tpu.enqueue_dma source(%dma_start3A_331 : memref<128x64xf32, #tpu.memory_space<vmem_shared>>) target(%arg21 : memref<128x64xf32, #tpu.memory_space<vmem>>) target_semaphore(%run_scoped3A : memref<!tpu.dma_semaphore, #tpu.memory_space<semaphore_mem>>)
      %dma_wait3A = arith.constant 0 : i32
      %dma_wait3A_332 = tpu.memref_slice %arg25[%add3A_250, %dma_wait3A] : memref<10240x64xf32, #tpu.memory_space<vmem_shared>> -> memref<128x64xf32, #tpu.memory_space<vmem_shared>>
      %dma_wait3A_333 = arith.constant 0 : i32
      %dma_wait3A_334 = tpu.memref_slice %arg25[%add3A_250, %dma_wait3A_333] : memref<10240x64xf32, #tpu.memory_space<vmem_shared>> -> memref<128x64xf32, #tpu.memory_space<vmem_shared>>
      tpu.wait_dma2 semaphore(%run_scoped3A : memref<!tpu.dma_semaphore, #tpu.memory_space<semaphore_mem>>) src(%dma_wait3A_334 : memref<128x64xf32, #tpu.memory_space<vmem_shared>>) dst(%arg21 : memref<128x64xf32, #tpu.memory_space<vmem>>)
      tpu.yield
    }) : () -> ()
    "tpu.region"() ({
      %run_scoped3A = tpu.sem_alloc : memref<!tpu.dma_semaphore, #tpu.memory_space<semaphore_mem>>
      %dma_start3A = arith.constant 0 : i32
      %dma_start3A_329 = tpu.memref_slice %arg17[%add3A_218, %add3A_250, %dma_start3A] : memref<4x10240x64xf32, #tpu.memory_space<hbm>> -> memref<1x128x64xf32, #tpu.memory_space<hbm>>
      %dma_start3A_330 = tpu.memref_squeeze %dma_start3A_329 : memref<1x128x64xf32, #tpu.memory_space<hbm>> -> memref<128x64xf32, #tpu.memory_space<hbm>>
      %dma_start3A_331 = arith.constant 0 : i32
      %dma_start3A_332 = tpu.memref_slice %arg17[%add3A_218, %add3A_250, %dma_start3A_331] : memref<4x10240x64xf32, #tpu.memory_space<hbm>> -> memref<1x128x64xf32, #tpu.memory_space<hbm>>
      %dma_start3A_333 = tpu.memref_squeeze %dma_start3A_332 : memref<1x128x64xf32, #tpu.memory_space<hbm>> -> memref<128x64xf32, #tpu.memory_space<hbm>>
      tpu.enqueue_dma source(%arg21 : memref<128x64xf32, #tpu.memory_space<vmem>>) target(%dma_start3A_333 : memref<128x64xf32, #tpu.memory_space<hbm>>) target_semaphore(%run_scoped3A : memref<!tpu.dma_semaphore, #tpu.memory_space<semaphore_mem>>)
      %dma_wait3A = arith.constant 0 : i32
      %dma_wait3A_334 = tpu.memref_slice %arg17[%add3A_218, %add3A_250, %dma_wait3A] : memref<4x10240x64xf32, #tpu.memory_space<hbm>> -> memref<1x128x64xf32, #tpu.memory_space<hbm>>
      %dma_wait3A_335 = tpu.memref_squeeze %dma_wait3A_334 : memref<1x128x64xf32, #tpu.memory_space<hbm>> -> memref<128x64xf32, #tpu.memory_space<hbm>>
      %dma_wait3A_336 = arith.constant 0 : i32
      %dma_wait3A_337 = tpu.memref_slice %arg17[%add3A_218, %add3A_250, %dma_wait3A_336] : memref<4x10240x64xf32, #tpu.memory_space<hbm>> -> memref<1x128x64xf32, #tpu.memory_space<hbm>>
      %dma_wait3A_338 = tpu.memref_squeeze %dma_wait3A_337 : memref<1x128x64xf32, #tpu.memory_space<hbm>> -> memref<128x64xf32, #tpu.memory_space<hbm>>
      tpu.wait_dma2 semaphore(%run_scoped3A : memref<!tpu.dma_semaphore, #tpu.memory_space<semaphore_mem>>) src(%arg21 : memref<128x64xf32, #tpu.memory_space<vmem>>) dst(%dma_wait3A_338 : memref<128x64xf32, #tpu.memory_space<hbm>>)
      tpu.yield
    }) : () -> ()
    %mul3A_251 = arith.constant 640 : i32
    %mul3A_252 = arith.muli %arg1, %mul3A_251 : i32
    %add3A_253 = arith.constant 128 : i32
    %add3A_254 = arith.addi %mul3A_252, %add3A_253 : i32
    "tpu.region"() ({
      %run_scoped3A = tpu.sem_alloc : memref<!tpu.dma_semaphore, #tpu.memory_space<semaphore_mem>>
      %dma_start3A = arith.constant 0 : i32
      %dma_start3A_329 = tpu.memref_slice %arg25[%add3A_254, %dma_start3A] : memref<10240x64xf32, #tpu.memory_space<vmem_shared>> -> memref<128x64xf32, #tpu.memory_space<vmem_shared>>
      %dma_start3A_330 = arith.constant 0 : i32
      %dma_start3A_331 = tpu.memref_slice %arg25[%add3A_254, %dma_start3A_330] : memref<10240x64xf32, #tpu.memory_space<vmem_shared>> -> memref<128x64xf32, #tpu.memory_space<vmem_shared>>
      tpu.enqueue_dma source(%dma_start3A_331 : memref<128x64xf32, #tpu.memory_space<vmem_shared>>) target(%arg21 : memref<128x64xf32, #tpu.memory_space<vmem>>) target_semaphore(%run_scoped3A : memref<!tpu.dma_semaphore, #tpu.memory_space<semaphore_mem>>)
      %dma_wait3A = arith.constant 0 : i32
      %dma_wait3A_332 = tpu.memref_slice %arg25[%add3A_254, %dma_wait3A] : memref<10240x64xf32, #tpu.memory_space<vmem_shared>> -> memref<128x64xf32, #tpu.memory_space<vmem_shared>>
      %dma_wait3A_333 = arith.constant 0 : i32
      %dma_wait3A_334 = tpu.memref_slice %arg25[%add3A_254, %dma_wait3A_333] : memref<10240x64xf32, #tpu.memory_space<vmem_shared>> -> memref<128x64xf32, #tpu.memory_space<vmem_shared>>
      tpu.wait_dma2 semaphore(%run_scoped3A : memref<!tpu.dma_semaphore, #tpu.memory_space<semaphore_mem>>) src(%dma_wait3A_334 : memref<128x64xf32, #tpu.memory_space<vmem_shared>>) dst(%arg21 : memref<128x64xf32, #tpu.memory_space<vmem>>)
      tpu.yield
    }) : () -> ()
    "tpu.region"() ({
      %run_scoped3A = tpu.sem_alloc : memref<!tpu.dma_semaphore, #tpu.memory_space<semaphore_mem>>
      %dma_start3A = arith.constant 0 : i32
      %dma_start3A_329 = tpu.memref_slice %arg17[%add3A_218, %add3A_254, %dma_start3A] : memref<4x10240x64xf32, #tpu.memory_space<hbm>> -> memref<1x128x64xf32, #tpu.memory_space<hbm>>
      %dma_start3A_330 = tpu.memref_squeeze %dma_start3A_329 : memref<1x128x64xf32, #tpu.memory_space<hbm>> -> memref<128x64xf32, #tpu.memory_space<hbm>>
      %dma_start3A_331 = arith.constant 0 : i32
      %dma_start3A_332 = tpu.memref_slice %arg17[%add3A_218, %add3A_254, %dma_start3A_331] : memref<4x10240x64xf32, #tpu.memory_space<hbm>> -> memref<1x128x64xf32, #tpu.memory_space<hbm>>
      %dma_start3A_333 = tpu.memref_squeeze %dma_start3A_332 : memref<1x128x64xf32, #tpu.memory_space<hbm>> -> memref<128x64xf32, #tpu.memory_space<hbm>>
      tpu.enqueue_dma source(%arg21 : memref<128x64xf32, #tpu.memory_space<vmem>>) target(%dma_start3A_333 : memref<128x64xf32, #tpu.memory_space<hbm>>) target_semaphore(%run_scoped3A : memref<!tpu.dma_semaphore, #tpu.memory_space<semaphore_mem>>)
      %dma_wait3A = arith.constant 0 : i32
      %dma_wait3A_334 = tpu.memref_slice %arg17[%add3A_218, %add3A_254, %dma_wait3A] : memref<4x10240x64xf32, #tpu.memory_space<hbm>> -> memref<1x128x64xf32, #tpu.memory_space<hbm>>
      %dma_wait3A_335 = tpu.memref_squeeze %dma_wait3A_334 : memref<1x128x64xf32, #tpu.memory_space<hbm>> -> memref<128x64xf32, #tpu.memory_space<hbm>>
      %dma_wait3A_336 = arith.constant 0 : i32
      %dma_wait3A_337 = tpu.memref_slice %arg17[%add3A_218, %add3A_254, %dma_wait3A_336] : memref<4x10240x64xf32, #tpu.memory_space<hbm>> -> memref<1x128x64xf32, #tpu.memory_space<hbm>>
      %dma_wait3A_338 = tpu.memref_squeeze %dma_wait3A_337 : memref<1x128x64xf32, #tpu.memory_space<hbm>> -> memref<128x64xf32, #tpu.memory_space<hbm>>
      tpu.wait_dma2 semaphore(%run_scoped3A : memref<!tpu.dma_semaphore, #tpu.memory_space<semaphore_mem>>) src(%arg21 : memref<128x64xf32, #tpu.memory_space<vmem>>) dst(%dma_wait3A_338 : memref<128x64xf32, #tpu.memory_space<hbm>>)
      tpu.yield
    }) : () -> ()
    %mul3A_255 = arith.constant 640 : i32
    %mul3A_256 = arith.muli %arg1, %mul3A_255 : i32
    %add3A_257 = arith.constant 256 : i32
    %add3A_258 = arith.addi %mul3A_256, %add3A_257 : i32
    "tpu.region"() ({
      %run_scoped3A = tpu.sem_alloc : memref<!tpu.dma_semaphore, #tpu.memory_space<semaphore_mem>>
      %dma_start3A = arith.constant 0 : i32
      %dma_start3A_329 = tpu.memref_slice %arg25[%add3A_258, %dma_start3A] : memref<10240x64xf32, #tpu.memory_space<vmem_shared>> -> memref<128x64xf32, #tpu.memory_space<vmem_shared>>
      %dma_start3A_330 = arith.constant 0 : i32
      %dma_start3A_331 = tpu.memref_slice %arg25[%add3A_258, %dma_start3A_330] : memref<10240x64xf32, #tpu.memory_space<vmem_shared>> -> memref<128x64xf32, #tpu.memory_space<vmem_shared>>
      tpu.enqueue_dma source(%dma_start3A_331 : memref<128x64xf32, #tpu.memory_space<vmem_shared>>) target(%arg21 : memref<128x64xf32, #tpu.memory_space<vmem>>) target_semaphore(%run_scoped3A : memref<!tpu.dma_semaphore, #tpu.memory_space<semaphore_mem>>)
      %dma_wait3A = arith.constant 0 : i32
      %dma_wait3A_332 = tpu.memref_slice %arg25[%add3A_258, %dma_wait3A] : memref<10240x64xf32, #tpu.memory_space<vmem_shared>> -> memref<128x64xf32, #tpu.memory_space<vmem_shared>>
      %dma_wait3A_333 = arith.constant 0 : i32
      %dma_wait3A_334 = tpu.memref_slice %arg25[%add3A_258, %dma_wait3A_333] : memref<10240x64xf32, #tpu.memory_space<vmem_shared>> -> memref<128x64xf32, #tpu.memory_space<vmem_shared>>
      tpu.wait_dma2 semaphore(%run_scoped3A : memref<!tpu.dma_semaphore, #tpu.memory_space<semaphore_mem>>) src(%dma_wait3A_334 : memref<128x64xf32, #tpu.memory_space<vmem_shared>>) dst(%arg21 : memref<128x64xf32, #tpu.memory_space<vmem>>)
      tpu.yield
    }) : () -> ()
    "tpu.region"() ({
      %run_scoped3A = tpu.sem_alloc : memref<!tpu.dma_semaphore, #tpu.memory_space<semaphore_mem>>
      %dma_start3A = arith.constant 0 : i32
      %dma_start3A_329 = tpu.memref_slice %arg17[%add3A_218, %add3A_258, %dma_start3A] : memref<4x10240x64xf32, #tpu.memory_space<hbm>> -> memref<1x128x64xf32, #tpu.memory_space<hbm>>
      %dma_start3A_330 = tpu.memref_squeeze %dma_start3A_329 : memref<1x128x64xf32, #tpu.memory_space<hbm>> -> memref<128x64xf32, #tpu.memory_space<hbm>>
      %dma_start3A_331 = arith.constant 0 : i32
      %dma_start3A_332 = tpu.memref_slice %arg17[%add3A_218, %add3A_258, %dma_start3A_331] : memref<4x10240x64xf32, #tpu.memory_space<hbm>> -> memref<1x128x64xf32, #tpu.memory_space<hbm>>
      %dma_start3A_333 = tpu.memref_squeeze %dma_start3A_332 : memref<1x128x64xf32, #tpu.memory_space<hbm>> -> memref<128x64xf32, #tpu.memory_space<hbm>>
      tpu.enqueue_dma source(%arg21 : memref<128x64xf32, #tpu.memory_space<vmem>>) target(%dma_start3A_333 : memref<128x64xf32, #tpu.memory_space<hbm>>) target_semaphore(%run_scoped3A : memref<!tpu.dma_semaphore, #tpu.memory_space<semaphore_mem>>)
      %dma_wait3A = arith.constant 0 : i32
      %dma_wait3A_334 = tpu.memref_slice %arg17[%add3A_218, %add3A_258, %dma_wait3A] : memref<4x10240x64xf32, #tpu.memory_space<hbm>> -> memref<1x128x64xf32, #tpu.memory_space<hbm>>
      %dma_wait3A_335 = tpu.memref_squeeze %dma_wait3A_334 : memref<1x128x64xf32, #tpu.memory_space<hbm>> -> memref<128x64xf32, #tpu.memory_space<hbm>>
      %dma_wait3A_336 = arith.constant 0 : i32
      %dma_wait3A_337 = tpu.memref_slice %arg17[%add3A_218, %add3A_258, %dma_wait3A_336] : memref<4x10240x64xf32, #tpu.memory_space<hbm>> -> memref<1x128x64xf32, #tpu.memory_space<hbm>>
      %dma_wait3A_338 = tpu.memref_squeeze %dma_wait3A_337 : memref<1x128x64xf32, #tpu.memory_space<hbm>> -> memref<128x64xf32, #tpu.memory_space<hbm>>
      tpu.wait_dma2 semaphore(%run_scoped3A : memref<!tpu.dma_semaphore, #tpu.memory_space<semaphore_mem>>) src(%arg21 : memref<128x64xf32, #tpu.memory_space<vmem>>) dst(%dma_wait3A_338 : memref<128x64xf32, #tpu.memory_space<hbm>>)
      tpu.yield
    }) : () -> ()
    %mul3A_259 = arith.constant 640 : i32
    %mul3A_260 = arith.muli %arg1, %mul3A_259 : i32
    %add3A_261 = arith.constant 384 : i32
    %add3A_262 = arith.addi %mul3A_260, %add3A_261 : i32
    "tpu.region"() ({
      %run_scoped3A = tpu.sem_alloc : memref<!tpu.dma_semaphore, #tpu.memory_space<semaphore_mem>>
      %dma_start3A = arith.constant 0 : i32
      %dma_start3A_329 = tpu.memref_slice %arg25[%add3A_262, %dma_start3A] : memref<10240x64xf32, #tpu.memory_space<vmem_shared>> -> memref<128x64xf32, #tpu.memory_space<vmem_shared>>
      %dma_start3A_330 = arith.constant 0 : i32
      %dma_start3A_331 = tpu.memref_slice %arg25[%add3A_262, %dma_start3A_330] : memref<10240x64xf32, #tpu.memory_space<vmem_shared>> -> memref<128x64xf32, #tpu.memory_space<vmem_shared>>
      tpu.enqueue_dma source(%dma_start3A_331 : memref<128x64xf32, #tpu.memory_space<vmem_shared>>) target(%arg21 : memref<128x64xf32, #tpu.memory_space<vmem>>) target_semaphore(%run_scoped3A : memref<!tpu.dma_semaphore, #tpu.memory_space<semaphore_mem>>)
      %dma_wait3A = arith.constant 0 : i32
      %dma_wait3A_332 = tpu.memref_slice %arg25[%add3A_262, %dma_wait3A] : memref<10240x64xf32, #tpu.memory_space<vmem_shared>> -> memref<128x64xf32, #tpu.memory_space<vmem_shared>>
      %dma_wait3A_333 = arith.constant 0 : i32
      %dma_wait3A_334 = tpu.memref_slice %arg25[%add3A_262, %dma_wait3A_333] : memref<10240x64xf32, #tpu.memory_space<vmem_shared>> -> memref<128x64xf32, #tpu.memory_space<vmem_shared>>
      tpu.wait_dma2 semaphore(%run_scoped3A : memref<!tpu.dma_semaphore, #tpu.memory_space<semaphore_mem>>) src(%dma_wait3A_334 : memref<128x64xf32, #tpu.memory_space<vmem_shared>>) dst(%arg21 : memref<128x64xf32, #tpu.memory_space<vmem>>)
      tpu.yield
    }) : () -> ()
    "tpu.region"() ({
      %run_scoped3A = tpu.sem_alloc : memref<!tpu.dma_semaphore, #tpu.memory_space<semaphore_mem>>
      %dma_start3A = arith.constant 0 : i32
      %dma_start3A_329 = tpu.memref_slice %arg17[%add3A_218, %add3A_262, %dma_start3A] : memref<4x10240x64xf32, #tpu.memory_space<hbm>> -> memref<1x128x64xf32, #tpu.memory_space<hbm>>
      %dma_start3A_330 = tpu.memref_squeeze %dma_start3A_329 : memref<1x128x64xf32, #tpu.memory_space<hbm>> -> memref<128x64xf32, #tpu.memory_space<hbm>>
      %dma_start3A_331 = arith.constant 0 : i32
      %dma_start3A_332 = tpu.memref_slice %arg17[%add3A_218, %add3A_262, %dma_start3A_331] : memref<4x10240x64xf32, #tpu.memory_space<hbm>> -> memref<1x128x64xf32, #tpu.memory_space<hbm>>
      %dma_start3A_333 = tpu.memref_squeeze %dma_start3A_332 : memref<1x128x64xf32, #tpu.memory_space<hbm>> -> memref<128x64xf32, #tpu.memory_space<hbm>>
      tpu.enqueue_dma source(%arg21 : memref<128x64xf32, #tpu.memory_space<vmem>>) target(%dma_start3A_333 : memref<128x64xf32, #tpu.memory_space<hbm>>) target_semaphore(%run_scoped3A : memref<!tpu.dma_semaphore, #tpu.memory_space<semaphore_mem>>)
      %dma_wait3A = arith.constant 0 : i32
      %dma_wait3A_334 = tpu.memref_slice %arg17[%add3A_218, %add3A_262, %dma_wait3A] : memref<4x10240x64xf32, #tpu.memory_space<hbm>> -> memref<1x128x64xf32, #tpu.memory_space<hbm>>
      %dma_wait3A_335 = tpu.memref_squeeze %dma_wait3A_334 : memref<1x128x64xf32, #tpu.memory_space<hbm>> -> memref<128x64xf32, #tpu.memory_space<hbm>>
      %dma_wait3A_336 = arith.constant 0 : i32
      %dma_wait3A_337 = tpu.memref_slice %arg17[%add3A_218, %add3A_262, %dma_wait3A_336] : memref<4x10240x64xf32, #tpu.memory_space<hbm>> -> memref<1x128x64xf32, #tpu.memory_space<hbm>>
      %dma_wait3A_338 = tpu.memref_squeeze %dma_wait3A_337 : memref<1x128x64xf32, #tpu.memory_space<hbm>> -> memref<128x64xf32, #tpu.memory_space<hbm>>
      tpu.wait_dma2 semaphore(%run_scoped3A : memref<!tpu.dma_semaphore, #tpu.memory_space<semaphore_mem>>) src(%arg21 : memref<128x64xf32, #tpu.memory_space<vmem>>) dst(%dma_wait3A_338 : memref<128x64xf32, #tpu.memory_space<hbm>>)
      tpu.yield
    }) : () -> ()
    %mul3A_263 = arith.constant 640 : i32
    %mul3A_264 = arith.muli %arg1, %mul3A_263 : i32
    %add3A_265 = arith.constant 512 : i32
    %add3A_266 = arith.addi %mul3A_264, %add3A_265 : i32
    "tpu.region"() ({
      %run_scoped3A = tpu.sem_alloc : memref<!tpu.dma_semaphore, #tpu.memory_space<semaphore_mem>>
      %dma_start3A = arith.constant 0 : i32
      %dma_start3A_329 = tpu.memref_slice %arg25[%add3A_266, %dma_start3A] : memref<10240x64xf32, #tpu.memory_space<vmem_shared>> -> memref<128x64xf32, #tpu.memory_space<vmem_shared>>
      %dma_start3A_330 = arith.constant 0 : i32
      %dma_start3A_331 = tpu.memref_slice %arg25[%add3A_266, %dma_start3A_330] : memref<10240x64xf32, #tpu.memory_space<vmem_shared>> -> memref<128x64xf32, #tpu.memory_space<vmem_shared>>
      tpu.enqueue_dma source(%dma_start3A_331 : memref<128x64xf32, #tpu.memory_space<vmem_shared>>) target(%arg21 : memref<128x64xf32, #tpu.memory_space<vmem>>) target_semaphore(%run_scoped3A : memref<!tpu.dma_semaphore, #tpu.memory_space<semaphore_mem>>)
      %dma_wait3A = arith.constant 0 : i32
      %dma_wait3A_332 = tpu.memref_slice %arg25[%add3A_266, %dma_wait3A] : memref<10240x64xf32, #tpu.memory_space<vmem_shared>> -> memref<128x64xf32, #tpu.memory_space<vmem_shared>>
      %dma_wait3A_333 = arith.constant 0 : i32
      %dma_wait3A_334 = tpu.memref_slice %arg25[%add3A_266, %dma_wait3A_333] : memref<10240x64xf32, #tpu.memory_space<vmem_shared>> -> memref<128x64xf32, #tpu.memory_space<vmem_shared>>
      tpu.wait_dma2 semaphore(%run_scoped3A : memref<!tpu.dma_semaphore, #tpu.memory_space<semaphore_mem>>) src(%dma_wait3A_334 : memref<128x64xf32, #tpu.memory_space<vmem_shared>>) dst(%arg21 : memref<128x64xf32, #tpu.memory_space<vmem>>)
      tpu.yield
    }) : () -> ()
    "tpu.region"() ({
      %run_scoped3A = tpu.sem_alloc : memref<!tpu.dma_semaphore, #tpu.memory_space<semaphore_mem>>
      %dma_start3A = arith.constant 0 : i32
      %dma_start3A_329 = tpu.memref_slice %arg17[%add3A_218, %add3A_266, %dma_start3A] : memref<4x10240x64xf32, #tpu.memory_space<hbm>> -> memref<1x128x64xf32, #tpu.memory_space<hbm>>
      %dma_start3A_330 = tpu.memref_squeeze %dma_start3A_329 : memref<1x128x64xf32, #tpu.memory_space<hbm>> -> memref<128x64xf32, #tpu.memory_space<hbm>>
      %dma_start3A_331 = arith.constant 0 : i32
      %dma_start3A_332 = tpu.memref_slice %arg17[%add3A_218, %add3A_266, %dma_start3A_331] : memref<4x10240x64xf32, #tpu.memory_space<hbm>> -> memref<1x128x64xf32, #tpu.memory_space<hbm>>
      %dma_start3A_333 = tpu.memref_squeeze %dma_start3A_332 : memref<1x128x64xf32, #tpu.memory_space<hbm>> -> memref<128x64xf32, #tpu.memory_space<hbm>>
      tpu.enqueue_dma source(%arg21 : memref<128x64xf32, #tpu.memory_space<vmem>>) target(%dma_start3A_333 : memref<128x64xf32, #tpu.memory_space<hbm>>) target_semaphore(%run_scoped3A : memref<!tpu.dma_semaphore, #tpu.memory_space<semaphore_mem>>)
      %dma_wait3A = arith.constant 0 : i32
      %dma_wait3A_334 = tpu.memref_slice %arg17[%add3A_218, %add3A_266, %dma_wait3A] : memref<4x10240x64xf32, #tpu.memory_space<hbm>> -> memref<1x128x64xf32, #tpu.memory_space<hbm>>
      %dma_wait3A_335 = tpu.memref_squeeze %dma_wait3A_334 : memref<1x128x64xf32, #tpu.memory_space<hbm>> -> memref<128x64xf32, #tpu.memory_space<hbm>>
      %dma_wait3A_336 = arith.constant 0 : i32
      %dma_wait3A_337 = tpu.memref_slice %arg17[%add3A_218, %add3A_266, %dma_wait3A_336] : memref<4x10240x64xf32, #tpu.memory_space<hbm>> -> memref<1x128x64xf32, #tpu.memory_space<hbm>>
      %dma_wait3A_338 = tpu.memref_squeeze %dma_wait3A_337 : memref<1x128x64xf32, #tpu.memory_space<hbm>> -> memref<128x64xf32, #tpu.memory_space<hbm>>
      tpu.wait_dma2 semaphore(%run_scoped3A : memref<!tpu.dma_semaphore, #tpu.memory_space<semaphore_mem>>) src(%arg21 : memref<128x64xf32, #tpu.memory_space<vmem>>) dst(%dma_wait3A_338 : memref<128x64xf32, #tpu.memory_space<hbm>>)
      tpu.yield
    }) : () -> ()
    %barrier3A_267 = arith.constant 0 : index
    tpu.barrier barrier_id(%barrier3A_267)
    %add3A_268 = arith.constant 2 : i32
    %add3A_269 = arith.addi %add3A_268, %arg0 : i32
    %mul3A_270 = arith.constant 640 : i32
    %mul3A_271 = arith.muli %arg1, %mul3A_270 : i32
    %add3A_272 = arith.constant 0 : i32
    %add3A_273 = arith.addi %mul3A_271, %add3A_272 : i32
    "tpu.region"() ({
      %run_scoped3A = tpu.sem_alloc : memref<!tpu.dma_semaphore, #tpu.memory_space<semaphore_mem>>
      %dma_start3A = arith.constant 0 : i32
      %dma_start3A_329 = tpu.memref_slice %arg25[%add3A_273, %dma_start3A] : memref<10240x64xf32, #tpu.memory_space<vmem_shared>> -> memref<128x64xf32, #tpu.memory_space<vmem_shared>>
      %dma_start3A_330 = arith.constant 0 : i32
      %dma_start3A_331 = tpu.memref_slice %arg25[%add3A_273, %dma_start3A_330] : memref<10240x64xf32, #tpu.memory_space<vmem_shared>> -> memref<128x64xf32, #tpu.memory_space<vmem_shared>>
      tpu.enqueue_dma source(%arg23 : memref<128x64xf32, #tpu.memory_space<vmem>>) target(%dma_start3A_331 : memref<128x64xf32, #tpu.memory_space<vmem_shared>>) target_semaphore(%run_scoped3A : memref<!tpu.dma_semaphore, #tpu.memory_space<semaphore_mem>>)
      %dma_wait3A = arith.constant 0 : i32
      %dma_wait3A_332 = tpu.memref_slice %arg25[%add3A_273, %dma_wait3A] : memref<10240x64xf32, #tpu.memory_space<vmem_shared>> -> memref<128x64xf32, #tpu.memory_space<vmem_shared>>
      %dma_wait3A_333 = arith.constant 0 : i32
      %dma_wait3A_334 = tpu.memref_slice %arg25[%add3A_273, %dma_wait3A_333] : memref<10240x64xf32, #tpu.memory_space<vmem_shared>> -> memref<128x64xf32, #tpu.memory_space<vmem_shared>>
      tpu.wait_dma2 semaphore(%run_scoped3A : memref<!tpu.dma_semaphore, #tpu.memory_space<semaphore_mem>>) src(%arg23 : memref<128x64xf32, #tpu.memory_space<vmem>>) dst(%dma_wait3A_334 : memref<128x64xf32, #tpu.memory_space<vmem_shared>>)
      tpu.yield
    }) : () -> ()
    %mul3A_274 = arith.constant 640 : i32
    %mul3A_275 = arith.muli %arg1, %mul3A_274 : i32
    %add3A_276 = arith.constant 128 : i32
    %add3A_277 = arith.addi %mul3A_275, %add3A_276 : i32
    "tpu.region"() ({
      %run_scoped3A = tpu.sem_alloc : memref<!tpu.dma_semaphore, #tpu.memory_space<semaphore_mem>>
      %dma_start3A = arith.constant 0 : i32
      %dma_start3A_329 = tpu.memref_slice %arg25[%add3A_277, %dma_start3A] : memref<10240x64xf32, #tpu.memory_space<vmem_shared>> -> memref<128x64xf32, #tpu.memory_space<vmem_shared>>
      %dma_start3A_330 = arith.constant 0 : i32
      %dma_start3A_331 = tpu.memref_slice %arg25[%add3A_277, %dma_start3A_330] : memref<10240x64xf32, #tpu.memory_space<vmem_shared>> -> memref<128x64xf32, #tpu.memory_space<vmem_shared>>
      tpu.enqueue_dma source(%arg23 : memref<128x64xf32, #tpu.memory_space<vmem>>) target(%dma_start3A_331 : memref<128x64xf32, #tpu.memory_space<vmem_shared>>) target_semaphore(%run_scoped3A : memref<!tpu.dma_semaphore, #tpu.memory_space<semaphore_mem>>)
      %dma_wait3A = arith.constant 0 : i32
      %dma_wait3A_332 = tpu.memref_slice %arg25[%add3A_277, %dma_wait3A] : memref<10240x64xf32, #tpu.memory_space<vmem_shared>> -> memref<128x64xf32, #tpu.memory_space<vmem_shared>>
      %dma_wait3A_333 = arith.constant 0 : i32
      %dma_wait3A_334 = tpu.memref_slice %arg25[%add3A_277, %dma_wait3A_333] : memref<10240x64xf32, #tpu.memory_space<vmem_shared>> -> memref<128x64xf32, #tpu.memory_space<vmem_shared>>
      tpu.wait_dma2 semaphore(%run_scoped3A : memref<!tpu.dma_semaphore, #tpu.memory_space<semaphore_mem>>) src(%arg23 : memref<128x64xf32, #tpu.memory_space<vmem>>) dst(%dma_wait3A_334 : memref<128x64xf32, #tpu.memory_space<vmem_shared>>)
      tpu.yield
    }) : () -> ()
    %mul3A_278 = arith.constant 640 : i32
    %mul3A_279 = arith.muli %arg1, %mul3A_278 : i32
    %add3A_280 = arith.constant 256 : i32
    %add3A_281 = arith.addi %mul3A_279, %add3A_280 : i32
    "tpu.region"() ({
      %run_scoped3A = tpu.sem_alloc : memref<!tpu.dma_semaphore, #tpu.memory_space<semaphore_mem>>
      %dma_start3A = arith.constant 0 : i32
      %dma_start3A_329 = tpu.memref_slice %arg25[%add3A_281, %dma_start3A] : memref<10240x64xf32, #tpu.memory_space<vmem_shared>> -> memref<128x64xf32, #tpu.memory_space<vmem_shared>>
      %dma_start3A_330 = arith.constant 0 : i32
      %dma_start3A_331 = tpu.memref_slice %arg25[%add3A_281, %dma_start3A_330] : memref<10240x64xf32, #tpu.memory_space<vmem_shared>> -> memref<128x64xf32, #tpu.memory_space<vmem_shared>>
      tpu.enqueue_dma source(%arg23 : memref<128x64xf32, #tpu.memory_space<vmem>>) target(%dma_start3A_331 : memref<128x64xf32, #tpu.memory_space<vmem_shared>>) target_semaphore(%run_scoped3A : memref<!tpu.dma_semaphore, #tpu.memory_space<semaphore_mem>>)
      %dma_wait3A = arith.constant 0 : i32
      %dma_wait3A_332 = tpu.memref_slice %arg25[%add3A_281, %dma_wait3A] : memref<10240x64xf32, #tpu.memory_space<vmem_shared>> -> memref<128x64xf32, #tpu.memory_space<vmem_shared>>
      %dma_wait3A_333 = arith.constant 0 : i32
      %dma_wait3A_334 = tpu.memref_slice %arg25[%add3A_281, %dma_wait3A_333] : memref<10240x64xf32, #tpu.memory_space<vmem_shared>> -> memref<128x64xf32, #tpu.memory_space<vmem_shared>>
      tpu.wait_dma2 semaphore(%run_scoped3A : memref<!tpu.dma_semaphore, #tpu.memory_space<semaphore_mem>>) src(%arg23 : memref<128x64xf32, #tpu.memory_space<vmem>>) dst(%dma_wait3A_334 : memref<128x64xf32, #tpu.memory_space<vmem_shared>>)
      tpu.yield
    }) : () -> ()
    %mul3A_282 = arith.constant 640 : i32
    %mul3A_283 = arith.muli %arg1, %mul3A_282 : i32
    %add3A_284 = arith.constant 384 : i32
    %add3A_285 = arith.addi %mul3A_283, %add3A_284 : i32
    "tpu.region"() ({
      %run_scoped3A = tpu.sem_alloc : memref<!tpu.dma_semaphore, #tpu.memory_space<semaphore_mem>>
      %dma_start3A = arith.constant 0 : i32
      %dma_start3A_329 = tpu.memref_slice %arg25[%add3A_285, %dma_start3A] : memref<10240x64xf32, #tpu.memory_space<vmem_shared>> -> memref<128x64xf32, #tpu.memory_space<vmem_shared>>
      %dma_start3A_330 = arith.constant 0 : i32
      %dma_start3A_331 = tpu.memref_slice %arg25[%add3A_285, %dma_start3A_330] : memref<10240x64xf32, #tpu.memory_space<vmem_shared>> -> memref<128x64xf32, #tpu.memory_space<vmem_shared>>
      tpu.enqueue_dma source(%arg23 : memref<128x64xf32, #tpu.memory_space<vmem>>) target(%dma_start3A_331 : memref<128x64xf32, #tpu.memory_space<vmem_shared>>) target_semaphore(%run_scoped3A : memref<!tpu.dma_semaphore, #tpu.memory_space<semaphore_mem>>)
      %dma_wait3A = arith.constant 0 : i32
      %dma_wait3A_332 = tpu.memref_slice %arg25[%add3A_285, %dma_wait3A] : memref<10240x64xf32, #tpu.memory_space<vmem_shared>> -> memref<128x64xf32, #tpu.memory_space<vmem_shared>>
      %dma_wait3A_333 = arith.constant 0 : i32
      %dma_wait3A_334 = tpu.memref_slice %arg25[%add3A_285, %dma_wait3A_333] : memref<10240x64xf32, #tpu.memory_space<vmem_shared>> -> memref<128x64xf32, #tpu.memory_space<vmem_shared>>
      tpu.wait_dma2 semaphore(%run_scoped3A : memref<!tpu.dma_semaphore, #tpu.memory_space<semaphore_mem>>) src(%arg23 : memref<128x64xf32, #tpu.memory_space<vmem>>) dst(%dma_wait3A_334 : memref<128x64xf32, #tpu.memory_space<vmem_shared>>)
      tpu.yield
    }) : () -> ()
    %mul3A_286 = arith.constant 640 : i32
    %mul3A_287 = arith.muli %arg1, %mul3A_286 : i32
    %add3A_288 = arith.constant 512 : i32
    %add3A_289 = arith.addi %mul3A_287, %add3A_288 : i32
    "tpu.region"() ({
      %run_scoped3A = tpu.sem_alloc : memref<!tpu.dma_semaphore, #tpu.memory_space<semaphore_mem>>
      %dma_start3A = arith.constant 0 : i32
      %dma_start3A_329 = tpu.memref_slice %arg25[%add3A_289, %dma_start3A] : memref<10240x64xf32, #tpu.memory_space<vmem_shared>> -> memref<128x64xf32, #tpu.memory_space<vmem_shared>>
      %dma_start3A_330 = arith.constant 0 : i32
      %dma_start3A_331 = tpu.memref_slice %arg25[%add3A_289, %dma_start3A_330] : memref<10240x64xf32, #tpu.memory_space<vmem_shared>> -> memref<128x64xf32, #tpu.memory_space<vmem_shared>>
      tpu.enqueue_dma source(%arg23 : memref<128x64xf32, #tpu.memory_space<vmem>>) target(%dma_start3A_331 : memref<128x64xf32, #tpu.memory_space<vmem_shared>>) target_semaphore(%run_scoped3A : memref<!tpu.dma_semaphore, #tpu.memory_space<semaphore_mem>>)
      %dma_wait3A = arith.constant 0 : i32
      %dma_wait3A_332 = tpu.memref_slice %arg25[%add3A_289, %dma_wait3A] : memref<10240x64xf32, #tpu.memory_space<vmem_shared>> -> memref<128x64xf32, #tpu.memory_space<vmem_shared>>
      %dma_wait3A_333 = arith.constant 0 : i32
      %dma_wait3A_334 = tpu.memref_slice %arg25[%add3A_289, %dma_wait3A_333] : memref<10240x64xf32, #tpu.memory_space<vmem_shared>> -> memref<128x64xf32, #tpu.memory_space<vmem_shared>>
      tpu.wait_dma2 semaphore(%run_scoped3A : memref<!tpu.dma_semaphore, #tpu.memory_space<semaphore_mem>>) src(%arg23 : memref<128x64xf32, #tpu.memory_space<vmem>>) dst(%dma_wait3A_334 : memref<128x64xf32, #tpu.memory_space<vmem_shared>>)
      tpu.yield
    }) : () -> ()
    %eq3A_290 = arith.constant 1 : i32
    %eq3A_291 = arith.cmpi eq, %arg0, %eq3A_290 : i32
    %convert_element_type3A_292 = arith.extui %eq3A_291 : i1 to i32
    %cond3A_293 = arith.constant 0 : i32
    %cond3A_294 = arith.cmpi ne, %convert_element_type3A_292, %cond3A_293 : i32
    scf.if %cond3A_294 {
      "tpu.region"() ({
        %run_scoped3A = tpu.sem_alloc : memref<!tpu.dma_semaphore, #tpu.memory_space<semaphore_mem>>
        tpu.enqueue_dma source(%arg11 : memref<128x16xf32, #tpu.memory_space<hbm>>) target(%arg24 : memref<128x16xf32, #tpu.memory_space<vmem>>) target_semaphore(%run_scoped3A : memref<!tpu.dma_semaphore, #tpu.memory_space<semaphore_mem>>)
        tpu.wait_dma2 semaphore(%run_scoped3A : memref<!tpu.dma_semaphore, #tpu.memory_space<semaphore_mem>>) src(%arg11 : memref<128x16xf32, #tpu.memory_space<hbm>>) dst(%arg24 : memref<128x16xf32, #tpu.memory_space<vmem>>)
        tpu.yield
      }) : () -> ()
      %mul3A_329 = arith.constant 640 : i32
      %mul3A_330 = arith.muli %arg1, %mul3A_329 : i32
      %add3A_331 = arith.constant 0 : i32
      %add3A_332 = arith.addi %mul3A_330, %add3A_331 : i32
      "tpu.region"() ({
        %run_scoped3A = tpu.sem_alloc : memref<!tpu.dma_semaphore, #tpu.memory_space<semaphore_mem>>
        %dma_start3A = arith.constant 0 : i32
        %dma_start3A_349 = tpu.memref_slice %arg26[%add3A_332, %dma_start3A] : memref<10240x16xf32, #tpu.memory_space<vmem_shared>> -> memref<128x16xf32, #tpu.memory_space<vmem_shared>>
        %dma_start3A_350 = arith.constant 0 : i32
        %dma_start3A_351 = tpu.memref_slice %arg26[%add3A_332, %dma_start3A_350] : memref<10240x16xf32, #tpu.memory_space<vmem_shared>> -> memref<128x16xf32, #tpu.memory_space<vmem_shared>>
        tpu.enqueue_dma source(%arg24 : memref<128x16xf32, #tpu.memory_space<vmem>>) target(%dma_start3A_351 : memref<128x16xf32, #tpu.memory_space<vmem_shared>>) target_semaphore(%run_scoped3A : memref<!tpu.dma_semaphore, #tpu.memory_space<semaphore_mem>>)
        %dma_wait3A = arith.constant 0 : i32
        %dma_wait3A_352 = tpu.memref_slice %arg26[%add3A_332, %dma_wait3A] : memref<10240x16xf32, #tpu.memory_space<vmem_shared>> -> memref<128x16xf32, #tpu.memory_space<vmem_shared>>
        %dma_wait3A_353 = arith.constant 0 : i32
        %dma_wait3A_354 = tpu.memref_slice %arg26[%add3A_332, %dma_wait3A_353] : memref<10240x16xf32, #tpu.memory_space<vmem_shared>> -> memref<128x16xf32, #tpu.memory_space<vmem_shared>>
        tpu.wait_dma2 semaphore(%run_scoped3A : memref<!tpu.dma_semaphore, #tpu.memory_space<semaphore_mem>>) src(%arg24 : memref<128x16xf32, #tpu.memory_space<vmem>>) dst(%dma_wait3A_354 : memref<128x16xf32, #tpu.memory_space<vmem_shared>>)
        tpu.yield
      }) : () -> ()
      %mul3A_333 = arith.constant 640 : i32
      %mul3A_334 = arith.muli %arg1, %mul3A_333 : i32
      %add3A_335 = arith.constant 128 : i32
      %add3A_336 = arith.addi %mul3A_334, %add3A_335 : i32
      "tpu.region"() ({
        %run_scoped3A = tpu.sem_alloc : memref<!tpu.dma_semaphore, #tpu.memory_space<semaphore_mem>>
        %dma_start3A = arith.constant 0 : i32
        %dma_start3A_349 = tpu.memref_slice %arg26[%add3A_336, %dma_start3A] : memref<10240x16xf32, #tpu.memory_space<vmem_shared>> -> memref<128x16xf32, #tpu.memory_space<vmem_shared>>
        %dma_start3A_350 = arith.constant 0 : i32
        %dma_start3A_351 = tpu.memref_slice %arg26[%add3A_336, %dma_start3A_350] : memref<10240x16xf32, #tpu.memory_space<vmem_shared>> -> memref<128x16xf32, #tpu.memory_space<vmem_shared>>
        tpu.enqueue_dma source(%arg24 : memref<128x16xf32, #tpu.memory_space<vmem>>) target(%dma_start3A_351 : memref<128x16xf32, #tpu.memory_space<vmem_shared>>) target_semaphore(%run_scoped3A : memref<!tpu.dma_semaphore, #tpu.memory_space<semaphore_mem>>)
        %dma_wait3A = arith.constant 0 : i32
        %dma_wait3A_352 = tpu.memref_slice %arg26[%add3A_336, %dma_wait3A] : memref<10240x16xf32, #tpu.memory_space<vmem_shared>> -> memref<128x16xf32, #tpu.memory_space<vmem_shared>>
        %dma_wait3A_353 = arith.constant 0 : i32
        %dma_wait3A_354 = tpu.memref_slice %arg26[%add3A_336, %dma_wait3A_353] : memref<10240x16xf32, #tpu.memory_space<vmem_shared>> -> memref<128x16xf32, #tpu.memory_space<vmem_shared>>
        tpu.wait_dma2 semaphore(%run_scoped3A : memref<!tpu.dma_semaphore, #tpu.memory_space<semaphore_mem>>) src(%arg24 : memref<128x16xf32, #tpu.memory_space<vmem>>) dst(%dma_wait3A_354 : memref<128x16xf32, #tpu.memory_space<vmem_shared>>)
        tpu.yield
      }) : () -> ()
      %mul3A_337 = arith.constant 640 : i32
      %mul3A_338 = arith.muli %arg1, %mul3A_337 : i32
      %add3A_339 = arith.constant 256 : i32
      %add3A_340 = arith.addi %mul3A_338, %add3A_339 : i32
      "tpu.region"() ({
        %run_scoped3A = tpu.sem_alloc : memref<!tpu.dma_semaphore, #tpu.memory_space<semaphore_mem>>
        %dma_start3A = arith.constant 0 : i32
        %dma_start3A_349 = tpu.memref_slice %arg26[%add3A_340, %dma_start3A] : memref<10240x16xf32, #tpu.memory_space<vmem_shared>> -> memref<128x16xf32, #tpu.memory_space<vmem_shared>>
        %dma_start3A_350 = arith.constant 0 : i32
        %dma_start3A_351 = tpu.memref_slice %arg26[%add3A_340, %dma_start3A_350] : memref<10240x16xf32, #tpu.memory_space<vmem_shared>> -> memref<128x16xf32, #tpu.memory_space<vmem_shared>>
        tpu.enqueue_dma source(%arg24 : memref<128x16xf32, #tpu.memory_space<vmem>>) target(%dma_start3A_351 : memref<128x16xf32, #tpu.memory_space<vmem_shared>>) target_semaphore(%run_scoped3A : memref<!tpu.dma_semaphore, #tpu.memory_space<semaphore_mem>>)
        %dma_wait3A = arith.constant 0 : i32
        %dma_wait3A_352 = tpu.memref_slice %arg26[%add3A_340, %dma_wait3A] : memref<10240x16xf32, #tpu.memory_space<vmem_shared>> -> memref<128x16xf32, #tpu.memory_space<vmem_shared>>
        %dma_wait3A_353 = arith.constant 0 : i32
        %dma_wait3A_354 = tpu.memref_slice %arg26[%add3A_340, %dma_wait3A_353] : memref<10240x16xf32, #tpu.memory_space<vmem_shared>> -> memref<128x16xf32, #tpu.memory_space<vmem_shared>>
        tpu.wait_dma2 semaphore(%run_scoped3A : memref<!tpu.dma_semaphore, #tpu.memory_space<semaphore_mem>>) src(%arg24 : memref<128x16xf32, #tpu.memory_space<vmem>>) dst(%dma_wait3A_354 : memref<128x16xf32, #tpu.memory_space<vmem_shared>>)
        tpu.yield
      }) : () -> ()
      %mul3A_341 = arith.constant 640 : i32
      %mul3A_342 = arith.muli %arg1, %mul3A_341 : i32
      %add3A_343 = arith.constant 384 : i32
      %add3A_344 = arith.addi %mul3A_342, %add3A_343 : i32
      "tpu.region"() ({
        %run_scoped3A = tpu.sem_alloc : memref<!tpu.dma_semaphore, #tpu.memory_space<semaphore_mem>>
        %dma_start3A = arith.constant 0 : i32
        %dma_start3A_349 = tpu.memref_slice %arg26[%add3A_344, %dma_start3A] : memref<10240x16xf32, #tpu.memory_space<vmem_shared>> -> memref<128x16xf32, #tpu.memory_space<vmem_shared>>
        %dma_start3A_350 = arith.constant 0 : i32
        %dma_start3A_351 = tpu.memref_slice %arg26[%add3A_344, %dma_start3A_350] : memref<10240x16xf32, #tpu.memory_space<vmem_shared>> -> memref<128x16xf32, #tpu.memory_space<vmem_shared>>
        tpu.enqueue_dma source(%arg24 : memref<128x16xf32, #tpu.memory_space<vmem>>) target(%dma_start3A_351 : memref<128x16xf32, #tpu.memory_space<vmem_shared>>) target_semaphore(%run_scoped3A : memref<!tpu.dma_semaphore, #tpu.memory_space<semaphore_mem>>)
        %dma_wait3A = arith.constant 0 : i32
        %dma_wait3A_352 = tpu.memref_slice %arg26[%add3A_344, %dma_wait3A] : memref<10240x16xf32, #tpu.memory_space<vmem_shared>> -> memref<128x16xf32, #tpu.memory_space<vmem_shared>>
        %dma_wait3A_353 = arith.constant 0 : i32
        %dma_wait3A_354 = tpu.memref_slice %arg26[%add3A_344, %dma_wait3A_353] : memref<10240x16xf32, #tpu.memory_space<vmem_shared>> -> memref<128x16xf32, #tpu.memory_space<vmem_shared>>
        tpu.wait_dma2 semaphore(%run_scoped3A : memref<!tpu.dma_semaphore, #tpu.memory_space<semaphore_mem>>) src(%arg24 : memref<128x16xf32, #tpu.memory_space<vmem>>) dst(%dma_wait3A_354 : memref<128x16xf32, #tpu.memory_space<vmem_shared>>)
        tpu.yield
      }) : () -> ()
      %mul3A_345 = arith.constant 640 : i32
      %mul3A_346 = arith.muli %arg1, %mul3A_345 : i32
      %add3A_347 = arith.constant 512 : i32
      %add3A_348 = arith.addi %mul3A_346, %add3A_347 : i32
      "tpu.region"() ({
        %run_scoped3A = tpu.sem_alloc : memref<!tpu.dma_semaphore, #tpu.memory_space<semaphore_mem>>
        %dma_start3A = arith.constant 0 : i32
        %dma_start3A_349 = tpu.memref_slice %arg26[%add3A_348, %dma_start3A] : memref<10240x16xf32, #tpu.memory_space<vmem_shared>> -> memref<128x16xf32, #tpu.memory_space<vmem_shared>>
        %dma_start3A_350 = arith.constant 0 : i32
        %dma_start3A_351 = tpu.memref_slice %arg26[%add3A_348, %dma_start3A_350] : memref<10240x16xf32, #tpu.memory_space<vmem_shared>> -> memref<128x16xf32, #tpu.memory_space<vmem_shared>>
        tpu.enqueue_dma source(%arg24 : memref<128x16xf32, #tpu.memory_space<vmem>>) target(%dma_start3A_351 : memref<128x16xf32, #tpu.memory_space<vmem_shared>>) target_semaphore(%run_scoped3A : memref<!tpu.dma_semaphore, #tpu.memory_space<semaphore_mem>>)
        %dma_wait3A = arith.constant 0 : i32
        %dma_wait3A_352 = tpu.memref_slice %arg26[%add3A_348, %dma_wait3A] : memref<10240x16xf32, #tpu.memory_space<vmem_shared>> -> memref<128x16xf32, #tpu.memory_space<vmem_shared>>
        %dma_wait3A_353 = arith.constant 0 : i32
        %dma_wait3A_354 = tpu.memref_slice %arg26[%add3A_348, %dma_wait3A_353] : memref<10240x16xf32, #tpu.memory_space<vmem_shared>> -> memref<128x16xf32, #tpu.memory_space<vmem_shared>>
        tpu.wait_dma2 semaphore(%run_scoped3A : memref<!tpu.dma_semaphore, #tpu.memory_space<semaphore_mem>>) src(%arg24 : memref<128x16xf32, #tpu.memory_space<vmem>>) dst(%dma_wait3A_354 : memref<128x16xf32, #tpu.memory_space<vmem_shared>>)
        tpu.yield
      }) : () -> ()
    } else {
    }
    %barrier3A_295 = arith.constant 0 : index
    tpu.barrier barrier_id(%barrier3A_295)
    "tpu.region"() ({
      %run_scoped3A = tpu.sem_alloc : memref<!tpu.dma_semaphore, #tpu.memory_space<semaphore_mem>>
      %dma_start3A = arith.constant 0 : i32
      %dma_start3A_329 = arith.constant 0 : i32
      %dma_start3A_330 = tpu.memref_slice %arg8[%add3A_269, %arg1, %dma_start3A, %dma_start3A_329] : memref<4x16x79x128xi32, #tpu.memory_space<hbm>> -> memref<1x1x79x128xi32, #tpu.memory_space<hbm>>
      %dma_start3A_331 = tpu.memref_squeeze %dma_start3A_330 : memref<1x1x79x128xi32, #tpu.memory_space<hbm>> -> memref<79x128xi32, #tpu.memory_space<hbm>>
      %dma_start3A_332 = arith.constant 0 : i32
      %dma_start3A_333 = arith.constant 0 : i32
      %dma_start3A_334 = tpu.memref_slice %arg8[%add3A_269, %arg1, %dma_start3A_332, %dma_start3A_333] : memref<4x16x79x128xi32, #tpu.memory_space<hbm>> -> memref<1x1x79x128xi32, #tpu.memory_space<hbm>>
      %dma_start3A_335 = tpu.memref_squeeze %dma_start3A_334 : memref<1x1x79x128xi32, #tpu.memory_space<hbm>> -> memref<79x128xi32, #tpu.memory_space<hbm>>
      tpu.enqueue_dma source(%dma_start3A_335 : memref<79x128xi32, #tpu.memory_space<hbm>>) target(%arg19 : memref<79x128xi32, #tpu.memory_space<vmem>>) target_semaphore(%run_scoped3A : memref<!tpu.dma_semaphore, #tpu.memory_space<semaphore_mem>>)
      %dma_wait3A = arith.constant 0 : i32
      %dma_wait3A_336 = arith.constant 0 : i32
      %dma_wait3A_337 = tpu.memref_slice %arg8[%add3A_269, %arg1, %dma_wait3A, %dma_wait3A_336] : memref<4x16x79x128xi32, #tpu.memory_space<hbm>> -> memref<1x1x79x128xi32, #tpu.memory_space<hbm>>
      %dma_wait3A_338 = tpu.memref_squeeze %dma_wait3A_337 : memref<1x1x79x128xi32, #tpu.memory_space<hbm>> -> memref<79x128xi32, #tpu.memory_space<hbm>>
      %dma_wait3A_339 = arith.constant 0 : i32
      %dma_wait3A_340 = arith.constant 0 : i32
      %dma_wait3A_341 = tpu.memref_slice %arg8[%add3A_269, %arg1, %dma_wait3A_339, %dma_wait3A_340] : memref<4x16x79x128xi32, #tpu.memory_space<hbm>> -> memref<1x1x79x128xi32, #tpu.memory_space<hbm>>
      %dma_wait3A_342 = tpu.memref_squeeze %dma_wait3A_341 : memref<1x1x79x128xi32, #tpu.memory_space<hbm>> -> memref<79x128xi32, #tpu.memory_space<hbm>>
      tpu.wait_dma2 semaphore(%run_scoped3A : memref<!tpu.dma_semaphore, #tpu.memory_space<semaphore_mem>>) src(%dma_wait3A_342 : memref<79x128xi32, #tpu.memory_space<hbm>>) dst(%arg19 : memref<79x128xi32, #tpu.memory_space<vmem>>)
      tpu.yield
    }) : () -> ()
    %scan3A_296 = arith.constant 0 : i32
    %scan3A_297 = arith.constant 0 : i32
    %scan3A_298 = arith.constant 79 : i32
    %scan3A_299 = arith.addi %scan3A_297, %scan3A_298 : i32
    %scan3A_300 = arith.constant 1 : i32
    scf.for %scan3A_329 = %scan3A_297 to %scan3A_299 step %scan3A_300  : i32 {
      %dma_start3A = arith.constant 0 : i32
      %dma_start3A_330 = tpu.memref_slice %arg19[%scan3A_329, %dma_start3A] : memref<79x128xi32, #tpu.memory_space<vmem>> -> memref<1x128xi32, #tpu.memory_space<vmem>>
      %dma_start3A_331 = tpu.memref_squeeze %dma_start3A_330 : memref<1x128xi32, #tpu.memory_space<vmem>> -> memref<128xi32, #tpu.memory_space<vmem>>
      %dma_start3A_332 = arith.constant 0 : i32
      %dma_start3A_333 = arith.constant 0 : i32
      %dma_start3A_334 = tpu.memref_slice %arg2[%dma_start3A_332, %dma_start3A_333] : memref<40000x64xf32, #tpu.memory_space<hbm>> -> memref<40000x64xf32, #tpu.memory_space<hbm>>
      tpu.enqueue_indirect_dma source(%dma_start3A_334 : memref<40000x64xf32, #tpu.memory_space<hbm>>) target(%arg21 : memref<128x64xf32, #tpu.memory_space<vmem>>) offsets(%dma_start3A_331 : memref<128xi32, #tpu.memory_space<vmem>>) semaphore(%arg27 : memref<!tpu.dma_semaphore, #tpu.memory_space<semaphore_mem>>)
      %dma_wait3A = arith.constant 0 : i32
      %dma_wait3A_335 = tpu.memref_slice %arg19[%scan3A_329, %dma_wait3A] : memref<79x128xi32, #tpu.memory_space<vmem>> -> memref<1x128xi32, #tpu.memory_space<vmem>>
      %dma_wait3A_336 = tpu.memref_squeeze %dma_wait3A_335 : memref<1x128xi32, #tpu.memory_space<vmem>> -> memref<128xi32, #tpu.memory_space<vmem>>
      %dma_wait3A_337 = arith.constant 0 : i32
      %dma_wait3A_338 = arith.constant 0 : i32
      %dma_wait3A_339 = tpu.memref_slice %arg2[%dma_wait3A_337, %dma_wait3A_338] : memref<40000x64xf32, #tpu.memory_space<hbm>> -> memref<40000x64xf32, #tpu.memory_space<hbm>>
      tpu.wait_indirect_dma semaphore(%arg27 : memref<!tpu.dma_semaphore, #tpu.memory_space<semaphore_mem>>) src(%dma_wait3A_339 : memref<40000x64xf32, #tpu.memory_space<hbm>>) dst(%arg21 : memref<128x64xf32, #tpu.memory_space<vmem>>)
      "tpu.region"() ({
        %run_scoped3A = tpu.sem_alloc : memref<!tpu.dma_semaphore, #tpu.memory_space<semaphore_mem>>
        %dma_start3A_345 = arith.constant 0 : i32
        %dma_start3A_346 = tpu.memref_slice %arg20[%scan3A_329, %dma_start3A_345] : memref<79x128xi32, #tpu.memory_space<vmem>> -> memref<1x128xi32, #tpu.memory_space<vmem>>
        %dma_start3A_347 = tpu.memref_squeeze %dma_start3A_346 : memref<1x128xi32, #tpu.memory_space<vmem>> -> memref<128xi32, #tpu.memory_space<vmem>>
        %dma_start3A_348 = arith.constant 0 : i32
        %dma_start3A_349 = arith.constant 0 : i32
        %dma_start3A_350 = tpu.memref_slice %arg25[%dma_start3A_348, %dma_start3A_349] : memref<10240x64xf32, #tpu.memory_space<vmem_shared>> -> memref<10240x64xf32, #tpu.memory_space<vmem_shared>>
        tpu.enqueue_indirect_dma source(%arg21 : memref<128x64xf32, #tpu.memory_space<vmem>>) target(%dma_start3A_350 : memref<10240x64xf32, #tpu.memory_space<vmem_shared>>) offsets(%dma_start3A_347 : memref<128xi32, #tpu.memory_space<vmem>>) semaphore(%run_scoped3A : memref<!tpu.dma_semaphore, #tpu.memory_space<semaphore_mem>>) {add = true}
        %dma_wait3A_351 = arith.constant 0 : i32
        %dma_wait3A_352 = tpu.memref_slice %arg20[%scan3A_329, %dma_wait3A_351] : memref<79x128xi32, #tpu.memory_space<vmem>> -> memref<1x128xi32, #tpu.memory_space<vmem>>
        %dma_wait3A_353 = tpu.memref_squeeze %dma_wait3A_352 : memref<1x128xi32, #tpu.memory_space<vmem>> -> memref<128xi32, #tpu.memory_space<vmem>>
        %dma_wait3A_354 = arith.constant 0 : i32
        %dma_wait3A_355 = arith.constant 0 : i32
        %dma_wait3A_356 = tpu.memref_slice %arg25[%dma_wait3A_354, %dma_wait3A_355] : memref<10240x64xf32, #tpu.memory_space<vmem_shared>> -> memref<10240x64xf32, #tpu.memory_space<vmem_shared>>
        tpu.wait_indirect_dma semaphore(%run_scoped3A : memref<!tpu.dma_semaphore, #tpu.memory_space<semaphore_mem>>) src(%arg21 : memref<128x64xf32, #tpu.memory_space<vmem>>) dst(%dma_wait3A_356 : memref<10240x64xf32, #tpu.memory_space<vmem_shared>>)
        tpu.yield
      }) : () -> ()
      %eq3A_340 = arith.constant 1 : i32
      %eq3A_341 = arith.cmpi eq, %arg0, %eq3A_340 : i32
      %convert_element_type3A_342 = arith.extui %eq3A_341 : i1 to i32
      %cond3A_343 = arith.constant 0 : i32
      %cond3A_344 = arith.cmpi ne, %convert_element_type3A_342, %cond3A_343 : i32
      scf.if %cond3A_344 {
        "tpu.region"() ({
          %run_scoped3A = tpu.sem_alloc : memref<!tpu.dma_semaphore, #tpu.memory_space<semaphore_mem>>
          %dma_start3A_345 = arith.constant 0 : i32
          %dma_start3A_346 = tpu.memref_slice %arg20[%scan3A_329, %dma_start3A_345] : memref<79x128xi32, #tpu.memory_space<vmem>> -> memref<1x128xi32, #tpu.memory_space<vmem>>
          %dma_start3A_347 = tpu.memref_squeeze %dma_start3A_346 : memref<1x128xi32, #tpu.memory_space<vmem>> -> memref<128xi32, #tpu.memory_space<vmem>>
          %dma_start3A_348 = arith.constant 0 : i32
          %dma_start3A_349 = arith.constant 0 : i32
          %dma_start3A_350 = tpu.memref_slice %arg26[%dma_start3A_348, %dma_start3A_349] : memref<10240x16xf32, #tpu.memory_space<vmem_shared>> -> memref<10240x16xf32, #tpu.memory_space<vmem_shared>>
          tpu.enqueue_indirect_dma source(%arg22 : memref<128x16xf32, #tpu.memory_space<vmem>>) target(%dma_start3A_350 : memref<10240x16xf32, #tpu.memory_space<vmem_shared>>) offsets(%dma_start3A_347 : memref<128xi32, #tpu.memory_space<vmem>>) semaphore(%run_scoped3A : memref<!tpu.dma_semaphore, #tpu.memory_space<semaphore_mem>>) {add = true}
          %dma_wait3A_351 = arith.constant 0 : i32
          %dma_wait3A_352 = tpu.memref_slice %arg20[%scan3A_329, %dma_wait3A_351] : memref<79x128xi32, #tpu.memory_space<vmem>> -> memref<1x128xi32, #tpu.memory_space<vmem>>
          %dma_wait3A_353 = tpu.memref_squeeze %dma_wait3A_352 : memref<1x128xi32, #tpu.memory_space<vmem>> -> memref<128xi32, #tpu.memory_space<vmem>>
          %dma_wait3A_354 = arith.constant 0 : i32
          %dma_wait3A_355 = arith.constant 0 : i32
          %dma_wait3A_356 = tpu.memref_slice %arg26[%dma_wait3A_354, %dma_wait3A_355] : memref<10240x16xf32, #tpu.memory_space<vmem_shared>> -> memref<10240x16xf32, #tpu.memory_space<vmem_shared>>
          tpu.wait_indirect_dma semaphore(%run_scoped3A : memref<!tpu.dma_semaphore, #tpu.memory_space<semaphore_mem>>) src(%arg22 : memref<128x16xf32, #tpu.memory_space<vmem>>) dst(%dma_wait3A_356 : memref<10240x16xf32, #tpu.memory_space<vmem_shared>>)
          tpu.yield
        }) : () -> ()
      } else {
      }
    }
    %scan3A_301 = arith.constant 79 : i32
    %barrier3A_302 = arith.constant 0 : index
    tpu.barrier barrier_id(%barrier3A_302)
    %mul3A_303 = arith.constant 640 : i32
    %mul3A_304 = arith.muli %arg1, %mul3A_303 : i32
    %add3A_305 = arith.constant 0 : i32
    %add3A_306 = arith.addi %mul3A_304, %add3A_305 : i32
    "tpu.region"() ({
      %run_scoped3A = tpu.sem_alloc : memref<!tpu.dma_semaphore, #tpu.memory_space<semaphore_mem>>
      %dma_start3A = arith.constant 0 : i32
      %dma_start3A_329 = tpu.memref_slice %arg25[%add3A_306, %dma_start3A] : memref<10240x64xf32, #tpu.memory_space<vmem_shared>> -> memref<128x64xf32, #tpu.memory_space<vmem_shared>>
      %dma_start3A_330 = arith.constant 0 : i32
      %dma_start3A_331 = tpu.memref_slice %arg25[%add3A_306, %dma_start3A_330] : memref<10240x64xf32, #tpu.memory_space<vmem_shared>> -> memref<128x64xf32, #tpu.memory_space<vmem_shared>>
      tpu.enqueue_dma source(%dma_start3A_331 : memref<128x64xf32, #tpu.memory_space<vmem_shared>>) target(%arg21 : memref<128x64xf32, #tpu.memory_space<vmem>>) target_semaphore(%run_scoped3A : memref<!tpu.dma_semaphore, #tpu.memory_space<semaphore_mem>>)
      %dma_wait3A = arith.constant 0 : i32
      %dma_wait3A_332 = tpu.memref_slice %arg25[%add3A_306, %dma_wait3A] : memref<10240x64xf32, #tpu.memory_space<vmem_shared>> -> memref<128x64xf32, #tpu.memory_space<vmem_shared>>
      %dma_wait3A_333 = arith.constant 0 : i32
      %dma_wait3A_334 = tpu.memref_slice %arg25[%add3A_306, %dma_wait3A_333] : memref<10240x64xf32, #tpu.memory_space<vmem_shared>> -> memref<128x64xf32, #tpu.memory_space<vmem_shared>>
      tpu.wait_dma2 semaphore(%run_scoped3A : memref<!tpu.dma_semaphore, #tpu.memory_space<semaphore_mem>>) src(%dma_wait3A_334 : memref<128x64xf32, #tpu.memory_space<vmem_shared>>) dst(%arg21 : memref<128x64xf32, #tpu.memory_space<vmem>>)
      tpu.yield
    }) : () -> ()
    "tpu.region"() ({
      %run_scoped3A = tpu.sem_alloc : memref<!tpu.dma_semaphore, #tpu.memory_space<semaphore_mem>>
      %dma_start3A = arith.constant 0 : i32
      %dma_start3A_329 = tpu.memref_slice %arg17[%add3A_269, %add3A_306, %dma_start3A] : memref<4x10240x64xf32, #tpu.memory_space<hbm>> -> memref<1x128x64xf32, #tpu.memory_space<hbm>>
      %dma_start3A_330 = tpu.memref_squeeze %dma_start3A_329 : memref<1x128x64xf32, #tpu.memory_space<hbm>> -> memref<128x64xf32, #tpu.memory_space<hbm>>
      %dma_start3A_331 = arith.constant 0 : i32
      %dma_start3A_332 = tpu.memref_slice %arg17[%add3A_269, %add3A_306, %dma_start3A_331] : memref<4x10240x64xf32, #tpu.memory_space<hbm>> -> memref<1x128x64xf32, #tpu.memory_space<hbm>>
      %dma_start3A_333 = tpu.memref_squeeze %dma_start3A_332 : memref<1x128x64xf32, #tpu.memory_space<hbm>> -> memref<128x64xf32, #tpu.memory_space<hbm>>
      tpu.enqueue_dma source(%arg21 : memref<128x64xf32, #tpu.memory_space<vmem>>) target(%dma_start3A_333 : memref<128x64xf32, #tpu.memory_space<hbm>>) target_semaphore(%run_scoped3A : memref<!tpu.dma_semaphore, #tpu.memory_space<semaphore_mem>>)
      %dma_wait3A = arith.constant 0 : i32
      %dma_wait3A_334 = tpu.memref_slice %arg17[%add3A_269, %add3A_306, %dma_wait3A] : memref<4x10240x64xf32, #tpu.memory_space<hbm>> -> memref<1x128x64xf32, #tpu.memory_space<hbm>>
      %dma_wait3A_335 = tpu.memref_squeeze %dma_wait3A_334 : memref<1x128x64xf32, #tpu.memory_space<hbm>> -> memref<128x64xf32, #tpu.memory_space<hbm>>
      %dma_wait3A_336 = arith.constant 0 : i32
      %dma_wait3A_337 = tpu.memref_slice %arg17[%add3A_269, %add3A_306, %dma_wait3A_336] : memref<4x10240x64xf32, #tpu.memory_space<hbm>> -> memref<1x128x64xf32, #tpu.memory_space<hbm>>
      %dma_wait3A_338 = tpu.memref_squeeze %dma_wait3A_337 : memref<1x128x64xf32, #tpu.memory_space<hbm>> -> memref<128x64xf32, #tpu.memory_space<hbm>>
      tpu.wait_dma2 semaphore(%run_scoped3A : memref<!tpu.dma_semaphore, #tpu.memory_space<semaphore_mem>>) src(%arg21 : memref<128x64xf32, #tpu.memory_space<vmem>>) dst(%dma_wait3A_338 : memref<128x64xf32, #tpu.memory_space<hbm>>)
      tpu.yield
    }) : () -> ()
    %mul3A_307 = arith.constant 640 : i32
    %mul3A_308 = arith.muli %arg1, %mul3A_307 : i32
    %add3A_309 = arith.constant 128 : i32
    %add3A_310 = arith.addi %mul3A_308, %add3A_309 : i32
    "tpu.region"() ({
      %run_scoped3A = tpu.sem_alloc : memref<!tpu.dma_semaphore, #tpu.memory_space<semaphore_mem>>
      %dma_start3A = arith.constant 0 : i32
      %dma_start3A_329 = tpu.memref_slice %arg25[%add3A_310, %dma_start3A] : memref<10240x64xf32, #tpu.memory_space<vmem_shared>> -> memref<128x64xf32, #tpu.memory_space<vmem_shared>>
      %dma_start3A_330 = arith.constant 0 : i32
      %dma_start3A_331 = tpu.memref_slice %arg25[%add3A_310, %dma_start3A_330] : memref<10240x64xf32, #tpu.memory_space<vmem_shared>> -> memref<128x64xf32, #tpu.memory_space<vmem_shared>>
      tpu.enqueue_dma source(%dma_start3A_331 : memref<128x64xf32, #tpu.memory_space<vmem_shared>>) target(%arg21 : memref<128x64xf32, #tpu.memory_space<vmem>>) target_semaphore(%run_scoped3A : memref<!tpu.dma_semaphore, #tpu.memory_space<semaphore_mem>>)
      %dma_wait3A = arith.constant 0 : i32
      %dma_wait3A_332 = tpu.memref_slice %arg25[%add3A_310, %dma_wait3A] : memref<10240x64xf32, #tpu.memory_space<vmem_shared>> -> memref<128x64xf32, #tpu.memory_space<vmem_shared>>
      %dma_wait3A_333 = arith.constant 0 : i32
      %dma_wait3A_334 = tpu.memref_slice %arg25[%add3A_310, %dma_wait3A_333] : memref<10240x64xf32, #tpu.memory_space<vmem_shared>> -> memref<128x64xf32, #tpu.memory_space<vmem_shared>>
      tpu.wait_dma2 semaphore(%run_scoped3A : memref<!tpu.dma_semaphore, #tpu.memory_space<semaphore_mem>>) src(%dma_wait3A_334 : memref<128x64xf32, #tpu.memory_space<vmem_shared>>) dst(%arg21 : memref<128x64xf32, #tpu.memory_space<vmem>>)
      tpu.yield
    }) : () -> ()
    "tpu.region"() ({
      %run_scoped3A = tpu.sem_alloc : memref<!tpu.dma_semaphore, #tpu.memory_space<semaphore_mem>>
      %dma_start3A = arith.constant 0 : i32
      %dma_start3A_329 = tpu.memref_slice %arg17[%add3A_269, %add3A_310, %dma_start3A] : memref<4x10240x64xf32, #tpu.memory_space<hbm>> -> memref<1x128x64xf32, #tpu.memory_space<hbm>>
      %dma_start3A_330 = tpu.memref_squeeze %dma_start3A_329 : memref<1x128x64xf32, #tpu.memory_space<hbm>> -> memref<128x64xf32, #tpu.memory_space<hbm>>
      %dma_start3A_331 = arith.constant 0 : i32
      %dma_start3A_332 = tpu.memref_slice %arg17[%add3A_269, %add3A_310, %dma_start3A_331] : memref<4x10240x64xf32, #tpu.memory_space<hbm>> -> memref<1x128x64xf32, #tpu.memory_space<hbm>>
      %dma_start3A_333 = tpu.memref_squeeze %dma_start3A_332 : memref<1x128x64xf32, #tpu.memory_space<hbm>> -> memref<128x64xf32, #tpu.memory_space<hbm>>
      tpu.enqueue_dma source(%arg21 : memref<128x64xf32, #tpu.memory_space<vmem>>) target(%dma_start3A_333 : memref<128x64xf32, #tpu.memory_space<hbm>>) target_semaphore(%run_scoped3A : memref<!tpu.dma_semaphore, #tpu.memory_space<semaphore_mem>>)
      %dma_wait3A = arith.constant 0 : i32
      %dma_wait3A_334 = tpu.memref_slice %arg17[%add3A_269, %add3A_310, %dma_wait3A] : memref<4x10240x64xf32, #tpu.memory_space<hbm>> -> memref<1x128x64xf32, #tpu.memory_space<hbm>>
      %dma_wait3A_335 = tpu.memref_squeeze %dma_wait3A_334 : memref<1x128x64xf32, #tpu.memory_space<hbm>> -> memref<128x64xf32, #tpu.memory_space<hbm>>
      %dma_wait3A_336 = arith.constant 0 : i32
      %dma_wait3A_337 = tpu.memref_slice %arg17[%add3A_269, %add3A_310, %dma_wait3A_336] : memref<4x10240x64xf32, #tpu.memory_space<hbm>> -> memref<1x128x64xf32, #tpu.memory_space<hbm>>
      %dma_wait3A_338 = tpu.memref_squeeze %dma_wait3A_337 : memref<1x128x64xf32, #tpu.memory_space<hbm>> -> memref<128x64xf32, #tpu.memory_space<hbm>>
      tpu.wait_dma2 semaphore(%run_scoped3A : memref<!tpu.dma_semaphore, #tpu.memory_space<semaphore_mem>>) src(%arg21 : memref<128x64xf32, #tpu.memory_space<vmem>>) dst(%dma_wait3A_338 : memref<128x64xf32, #tpu.memory_space<hbm>>)
      tpu.yield
    }) : () -> ()
    %mul3A_311 = arith.constant 640 : i32
    %mul3A_312 = arith.muli %arg1, %mul3A_311 : i32
    %add3A_313 = arith.constant 256 : i32
    %add3A_314 = arith.addi %mul3A_312, %add3A_313 : i32
    "tpu.region"() ({
      %run_scoped3A = tpu.sem_alloc : memref<!tpu.dma_semaphore, #tpu.memory_space<semaphore_mem>>
      %dma_start3A = arith.constant 0 : i32
      %dma_start3A_329 = tpu.memref_slice %arg25[%add3A_314, %dma_start3A] : memref<10240x64xf32, #tpu.memory_space<vmem_shared>> -> memref<128x64xf32, #tpu.memory_space<vmem_shared>>
      %dma_start3A_330 = arith.constant 0 : i32
      %dma_start3A_331 = tpu.memref_slice %arg25[%add3A_314, %dma_start3A_330] : memref<10240x64xf32, #tpu.memory_space<vmem_shared>> -> memref<128x64xf32, #tpu.memory_space<vmem_shared>>
      tpu.enqueue_dma source(%dma_start3A_331 : memref<128x64xf32, #tpu.memory_space<vmem_shared>>) target(%arg21 : memref<128x64xf32, #tpu.memory_space<vmem>>) target_semaphore(%run_scoped3A : memref<!tpu.dma_semaphore, #tpu.memory_space<semaphore_mem>>)
      %dma_wait3A = arith.constant 0 : i32
      %dma_wait3A_332 = tpu.memref_slice %arg25[%add3A_314, %dma_wait3A] : memref<10240x64xf32, #tpu.memory_space<vmem_shared>> -> memref<128x64xf32, #tpu.memory_space<vmem_shared>>
      %dma_wait3A_333 = arith.constant 0 : i32
      %dma_wait3A_334 = tpu.memref_slice %arg25[%add3A_314, %dma_wait3A_333] : memref<10240x64xf32, #tpu.memory_space<vmem_shared>> -> memref<128x64xf32, #tpu.memory_space<vmem_shared>>
      tpu.wait_dma2 semaphore(%run_scoped3A : memref<!tpu.dma_semaphore, #tpu.memory_space<semaphore_mem>>) src(%dma_wait3A_334 : memref<128x64xf32, #tpu.memory_space<vmem_shared>>) dst(%arg21 : memref<128x64xf32, #tpu.memory_space<vmem>>)
      tpu.yield
    }) : () -> ()
    "tpu.region"() ({
      %run_scoped3A = tpu.sem_alloc : memref<!tpu.dma_semaphore, #tpu.memory_space<semaphore_mem>>
      %dma_start3A = arith.constant 0 : i32
      %dma_start3A_329 = tpu.memref_slice %arg17[%add3A_269, %add3A_314, %dma_start3A] : memref<4x10240x64xf32, #tpu.memory_space<hbm>> -> memref<1x128x64xf32, #tpu.memory_space<hbm>>
      %dma_start3A_330 = tpu.memref_squeeze %dma_start3A_329 : memref<1x128x64xf32, #tpu.memory_space<hbm>> -> memref<128x64xf32, #tpu.memory_space<hbm>>
      %dma_start3A_331 = arith.constant 0 : i32
      %dma_start3A_332 = tpu.memref_slice %arg17[%add3A_269, %add3A_314, %dma_start3A_331] : memref<4x10240x64xf32, #tpu.memory_space<hbm>> -> memref<1x128x64xf32, #tpu.memory_space<hbm>>
      %dma_start3A_333 = tpu.memref_squeeze %dma_start3A_332 : memref<1x128x64xf32, #tpu.memory_space<hbm>> -> memref<128x64xf32, #tpu.memory_space<hbm>>
      tpu.enqueue_dma source(%arg21 : memref<128x64xf32, #tpu.memory_space<vmem>>) target(%dma_start3A_333 : memref<128x64xf32, #tpu.memory_space<hbm>>) target_semaphore(%run_scoped3A : memref<!tpu.dma_semaphore, #tpu.memory_space<semaphore_mem>>)
      %dma_wait3A = arith.constant 0 : i32
      %dma_wait3A_334 = tpu.memref_slice %arg17[%add3A_269, %add3A_314, %dma_wait3A] : memref<4x10240x64xf32, #tpu.memory_space<hbm>> -> memref<1x128x64xf32, #tpu.memory_space<hbm>>
      %dma_wait3A_335 = tpu.memref_squeeze %dma_wait3A_334 : memref<1x128x64xf32, #tpu.memory_space<hbm>> -> memref<128x64xf32, #tpu.memory_space<hbm>>
      %dma_wait3A_336 = arith.constant 0 : i32
      %dma_wait3A_337 = tpu.memref_slice %arg17[%add3A_269, %add3A_314, %dma_wait3A_336] : memref<4x10240x64xf32, #tpu.memory_space<hbm>> -> memref<1x128x64xf32, #tpu.memory_space<hbm>>
      %dma_wait3A_338 = tpu.memref_squeeze %dma_wait3A_337 : memref<1x128x64xf32, #tpu.memory_space<hbm>> -> memref<128x64xf32, #tpu.memory_space<hbm>>
      tpu.wait_dma2 semaphore(%run_scoped3A : memref<!tpu.dma_semaphore, #tpu.memory_space<semaphore_mem>>) src(%arg21 : memref<128x64xf32, #tpu.memory_space<vmem>>) dst(%dma_wait3A_338 : memref<128x64xf32, #tpu.memory_space<hbm>>)
      tpu.yield
    }) : () -> ()
    %mul3A_315 = arith.constant 640 : i32
    %mul3A_316 = arith.muli %arg1, %mul3A_315 : i32
    %add3A_317 = arith.constant 384 : i32
    %add3A_318 = arith.addi %mul3A_316, %add3A_317 : i32
    "tpu.region"() ({
      %run_scoped3A = tpu.sem_alloc : memref<!tpu.dma_semaphore, #tpu.memory_space<semaphore_mem>>
      %dma_start3A = arith.constant 0 : i32
      %dma_start3A_329 = tpu.memref_slice %arg25[%add3A_318, %dma_start3A] : memref<10240x64xf32, #tpu.memory_space<vmem_shared>> -> memref<128x64xf32, #tpu.memory_space<vmem_shared>>
      %dma_start3A_330 = arith.constant 0 : i32
      %dma_start3A_331 = tpu.memref_slice %arg25[%add3A_318, %dma_start3A_330] : memref<10240x64xf32, #tpu.memory_space<vmem_shared>> -> memref<128x64xf32, #tpu.memory_space<vmem_shared>>
      tpu.enqueue_dma source(%dma_start3A_331 : memref<128x64xf32, #tpu.memory_space<vmem_shared>>) target(%arg21 : memref<128x64xf32, #tpu.memory_space<vmem>>) target_semaphore(%run_scoped3A : memref<!tpu.dma_semaphore, #tpu.memory_space<semaphore_mem>>)
      %dma_wait3A = arith.constant 0 : i32
      %dma_wait3A_332 = tpu.memref_slice %arg25[%add3A_318, %dma_wait3A] : memref<10240x64xf32, #tpu.memory_space<vmem_shared>> -> memref<128x64xf32, #tpu.memory_space<vmem_shared>>
      %dma_wait3A_333 = arith.constant 0 : i32
      %dma_wait3A_334 = tpu.memref_slice %arg25[%add3A_318, %dma_wait3A_333] : memref<10240x64xf32, #tpu.memory_space<vmem_shared>> -> memref<128x64xf32, #tpu.memory_space<vmem_shared>>
      tpu.wait_dma2 semaphore(%run_scoped3A : memref<!tpu.dma_semaphore, #tpu.memory_space<semaphore_mem>>) src(%dma_wait3A_334 : memref<128x64xf32, #tpu.memory_space<vmem_shared>>) dst(%arg21 : memref<128x64xf32, #tpu.memory_space<vmem>>)
      tpu.yield
    }) : () -> ()
    "tpu.region"() ({
      %run_scoped3A = tpu.sem_alloc : memref<!tpu.dma_semaphore, #tpu.memory_space<semaphore_mem>>
      %dma_start3A = arith.constant 0 : i32
      %dma_start3A_329 = tpu.memref_slice %arg17[%add3A_269, %add3A_318, %dma_start3A] : memref<4x10240x64xf32, #tpu.memory_space<hbm>> -> memref<1x128x64xf32, #tpu.memory_space<hbm>>
      %dma_start3A_330 = tpu.memref_squeeze %dma_start3A_329 : memref<1x128x64xf32, #tpu.memory_space<hbm>> -> memref<128x64xf32, #tpu.memory_space<hbm>>
      %dma_start3A_331 = arith.constant 0 : i32
      %dma_start3A_332 = tpu.memref_slice %arg17[%add3A_269, %add3A_318, %dma_start3A_331] : memref<4x10240x64xf32, #tpu.memory_space<hbm>> -> memref<1x128x64xf32, #tpu.memory_space<hbm>>
      %dma_start3A_333 = tpu.memref_squeeze %dma_start3A_332 : memref<1x128x64xf32, #tpu.memory_space<hbm>> -> memref<128x64xf32, #tpu.memory_space<hbm>>
      tpu.enqueue_dma source(%arg21 : memref<128x64xf32, #tpu.memory_space<vmem>>) target(%dma_start3A_333 : memref<128x64xf32, #tpu.memory_space<hbm>>) target_semaphore(%run_scoped3A : memref<!tpu.dma_semaphore, #tpu.memory_space<semaphore_mem>>)
      %dma_wait3A = arith.constant 0 : i32
      %dma_wait3A_334 = tpu.memref_slice %arg17[%add3A_269, %add3A_318, %dma_wait3A] : memref<4x10240x64xf32, #tpu.memory_space<hbm>> -> memref<1x128x64xf32, #tpu.memory_space<hbm>>
      %dma_wait3A_335 = tpu.memref_squeeze %dma_wait3A_334 : memref<1x128x64xf32, #tpu.memory_space<hbm>> -> memref<128x64xf32, #tpu.memory_space<hbm>>
      %dma_wait3A_336 = arith.constant 0 : i32
      %dma_wait3A_337 = tpu.memref_slice %arg17[%add3A_269, %add3A_318, %dma_wait3A_336] : memref<4x10240x64xf32, #tpu.memory_space<hbm>> -> memref<1x128x64xf32, #tpu.memory_space<hbm>>
      %dma_wait3A_338 = tpu.memref_squeeze %dma_wait3A_337 : memref<1x128x64xf32, #tpu.memory_space<hbm>> -> memref<128x64xf32, #tpu.memory_space<hbm>>
      tpu.wait_dma2 semaphore(%run_scoped3A : memref<!tpu.dma_semaphore, #tpu.memory_space<semaphore_mem>>) src(%arg21 : memref<128x64xf32, #tpu.memory_space<vmem>>) dst(%dma_wait3A_338 : memref<128x64xf32, #tpu.memory_space<hbm>>)
      tpu.yield
    }) : () -> ()
    %mul3A_319 = arith.constant 640 : i32
    %mul3A_320 = arith.muli %arg1, %mul3A_319 : i32
    %add3A_321 = arith.constant 512 : i32
    %add3A_322 = arith.addi %mul3A_320, %add3A_321 : i32
    "tpu.region"() ({
      %run_scoped3A = tpu.sem_alloc : memref<!tpu.dma_semaphore, #tpu.memory_space<semaphore_mem>>
      %dma_start3A = arith.constant 0 : i32
      %dma_start3A_329 = tpu.memref_slice %arg25[%add3A_322, %dma_start3A] : memref<10240x64xf32, #tpu.memory_space<vmem_shared>> -> memref<128x64xf32, #tpu.memory_space<vmem_shared>>
      %dma_start3A_330 = arith.constant 0 : i32
      %dma_start3A_331 = tpu.memref_slice %arg25[%add3A_322, %dma_start3A_330] : memref<10240x64xf32, #tpu.memory_space<vmem_shared>> -> memref<128x64xf32, #tpu.memory_space<vmem_shared>>
      tpu.enqueue_dma source(%dma_start3A_331 : memref<128x64xf32, #tpu.memory_space<vmem_shared>>) target(%arg21 : memref<128x64xf32, #tpu.memory_space<vmem>>) target_semaphore(%run_scoped3A : memref<!tpu.dma_semaphore, #tpu.memory_space<semaphore_mem>>)
      %dma_wait3A = arith.constant 0 : i32
      %dma_wait3A_332 = tpu.memref_slice %arg25[%add3A_322, %dma_wait3A] : memref<10240x64xf32, #tpu.memory_space<vmem_shared>> -> memref<128x64xf32, #tpu.memory_space<vmem_shared>>
      %dma_wait3A_333 = arith.constant 0 : i32
      %dma_wait3A_334 = tpu.memref_slice %arg25[%add3A_322, %dma_wait3A_333] : memref<10240x64xf32, #tpu.memory_space<vmem_shared>> -> memref<128x64xf32, #tpu.memory_space<vmem_shared>>
      tpu.wait_dma2 semaphore(%run_scoped3A : memref<!tpu.dma_semaphore, #tpu.memory_space<semaphore_mem>>) src(%dma_wait3A_334 : memref<128x64xf32, #tpu.memory_space<vmem_shared>>) dst(%arg21 : memref<128x64xf32, #tpu.memory_space<vmem>>)
      tpu.yield
    }) : () -> ()
    "tpu.region"() ({
      %run_scoped3A = tpu.sem_alloc : memref<!tpu.dma_semaphore, #tpu.memory_space<semaphore_mem>>
      %dma_start3A = arith.constant 0 : i32
      %dma_start3A_329 = tpu.memref_slice %arg17[%add3A_269, %add3A_322, %dma_start3A] : memref<4x10240x64xf32, #tpu.memory_space<hbm>> -> memref<1x128x64xf32, #tpu.memory_space<hbm>>
      %dma_start3A_330 = tpu.memref_squeeze %dma_start3A_329 : memref<1x128x64xf32, #tpu.memory_space<hbm>> -> memref<128x64xf32, #tpu.memory_space<hbm>>
      %dma_start3A_331 = arith.constant 0 : i32
      %dma_start3A_332 = tpu.memref_slice %arg17[%add3A_269, %add3A_322, %dma_start3A_331] : memref<4x10240x64xf32, #tpu.memory_space<hbm>> -> memref<1x128x64xf32, #tpu.memory_space<hbm>>
      %dma_start3A_333 = tpu.memref_squeeze %dma_start3A_332 : memref<1x128x64xf32, #tpu.memory_space<hbm>> -> memref<128x64xf32, #tpu.memory_space<hbm>>
      tpu.enqueue_dma source(%arg21 : memref<128x64xf32, #tpu.memory_space<vmem>>) target(%dma_start3A_333 : memref<128x64xf32, #tpu.memory_space<hbm>>) target_semaphore(%run_scoped3A : memref<!tpu.dma_semaphore, #tpu.memory_space<semaphore_mem>>)
      %dma_wait3A = arith.constant 0 : i32
      %dma_wait3A_334 = tpu.memref_slice %arg17[%add3A_269, %add3A_322, %dma_wait3A] : memref<4x10240x64xf32, #tpu.memory_space<hbm>> -> memref<1x128x64xf32, #tpu.memory_space<hbm>>
      %dma_wait3A_335 = tpu.memref_squeeze %dma_wait3A_334 : memref<1x128x64xf32, #tpu.memory_space<hbm>> -> memref<128x64xf32, #tpu.memory_space<hbm>>
      %dma_wait3A_336 = arith.constant 0 : i32
      %dma_wait3A_337 = tpu.memref_slice %arg17[%add3A_269, %add3A_322, %dma_wait3A_336] : memref<4x10240x64xf32, #tpu.memory_space<hbm>> -> memref<1x128x64xf32, #tpu.memory_space<hbm>>
      %dma_wait3A_338 = tpu.memref_squeeze %dma_wait3A_337 : memref<1x128x64xf32, #tpu.memory_space<hbm>> -> memref<128x64xf32, #tpu.memory_space<hbm>>
      tpu.wait_dma2 semaphore(%run_scoped3A : memref<!tpu.dma_semaphore, #tpu.memory_space<semaphore_mem>>) src(%arg21 : memref<128x64xf32, #tpu.memory_space<vmem>>) dst(%dma_wait3A_338 : memref<128x64xf32, #tpu.memory_space<hbm>>)
      tpu.yield
    }) : () -> ()
    %eq3A_323 = arith.constant 1 : i32
    %eq3A_324 = arith.cmpi eq, %arg0, %eq3A_323 : i32
    %convert_element_type3A_325 = arith.extui %eq3A_324 : i1 to i32
    %cond3A_326 = arith.constant 0 : i32
    %cond3A_327 = arith.cmpi ne, %convert_element_type3A_325, %cond3A_326 : i32
    scf.if %cond3A_327 {
      %mul3A_329 = arith.constant 640 : i32
      %mul3A_330 = arith.muli %arg1, %mul3A_329 : i32
      %add3A_331 = arith.constant 0 : i32
      %add3A_332 = arith.addi %mul3A_330, %add3A_331 : i32
      "tpu.region"() ({
        %run_scoped3A = tpu.sem_alloc : memref<!tpu.dma_semaphore, #tpu.memory_space<semaphore_mem>>
        %dma_start3A = arith.constant 0 : i32
        %dma_start3A_349 = tpu.memref_slice %arg26[%add3A_332, %dma_start3A] : memref<10240x16xf32, #tpu.memory_space<vmem_shared>> -> memref<128x16xf32, #tpu.memory_space<vmem_shared>>
        %dma_start3A_350 = arith.constant 0 : i32
        %dma_start3A_351 = tpu.memref_slice %arg26[%add3A_332, %dma_start3A_350] : memref<10240x16xf32, #tpu.memory_space<vmem_shared>> -> memref<128x16xf32, #tpu.memory_space<vmem_shared>>
        tpu.enqueue_dma source(%dma_start3A_351 : memref<128x16xf32, #tpu.memory_space<vmem_shared>>) target(%arg24 : memref<128x16xf32, #tpu.memory_space<vmem>>) target_semaphore(%run_scoped3A : memref<!tpu.dma_semaphore, #tpu.memory_space<semaphore_mem>>)
        %dma_wait3A = arith.constant 0 : i32
        %dma_wait3A_352 = tpu.memref_slice %arg26[%add3A_332, %dma_wait3A] : memref<10240x16xf32, #tpu.memory_space<vmem_shared>> -> memref<128x16xf32, #tpu.memory_space<vmem_shared>>
        %dma_wait3A_353 = arith.constant 0 : i32
        %dma_wait3A_354 = tpu.memref_slice %arg26[%add3A_332, %dma_wait3A_353] : memref<10240x16xf32, #tpu.memory_space<vmem_shared>> -> memref<128x16xf32, #tpu.memory_space<vmem_shared>>
        tpu.wait_dma2 semaphore(%run_scoped3A : memref<!tpu.dma_semaphore, #tpu.memory_space<semaphore_mem>>) src(%dma_wait3A_354 : memref<128x16xf32, #tpu.memory_space<vmem_shared>>) dst(%arg24 : memref<128x16xf32, #tpu.memory_space<vmem>>)
        tpu.yield
      }) : () -> ()
      "tpu.region"() ({
        %run_scoped3A = tpu.sem_alloc : memref<!tpu.dma_semaphore, #tpu.memory_space<semaphore_mem>>
        %dma_start3A = arith.constant 0 : i32
        %dma_start3A_349 = tpu.memref_slice %arg18[%add3A_332, %dma_start3A] : memref<10240x16xf32, #tpu.memory_space<hbm>> -> memref<128x16xf32, #tpu.memory_space<hbm>>
        %dma_start3A_350 = arith.constant 0 : i32
        %dma_start3A_351 = tpu.memref_slice %arg18[%add3A_332, %dma_start3A_350] : memref<10240x16xf32, #tpu.memory_space<hbm>> -> memref<128x16xf32, #tpu.memory_space<hbm>>
        tpu.enqueue_dma source(%arg24 : memref<128x16xf32, #tpu.memory_space<vmem>>) target(%dma_start3A_351 : memref<128x16xf32, #tpu.memory_space<hbm>>) target_semaphore(%run_scoped3A : memref<!tpu.dma_semaphore, #tpu.memory_space<semaphore_mem>>)
        %dma_wait3A = arith.constant 0 : i32
        %dma_wait3A_352 = tpu.memref_slice %arg18[%add3A_332, %dma_wait3A] : memref<10240x16xf32, #tpu.memory_space<hbm>> -> memref<128x16xf32, #tpu.memory_space<hbm>>
        %dma_wait3A_353 = arith.constant 0 : i32
        %dma_wait3A_354 = tpu.memref_slice %arg18[%add3A_332, %dma_wait3A_353] : memref<10240x16xf32, #tpu.memory_space<hbm>> -> memref<128x16xf32, #tpu.memory_space<hbm>>
        tpu.wait_dma2 semaphore(%run_scoped3A : memref<!tpu.dma_semaphore, #tpu.memory_space<semaphore_mem>>) src(%arg24 : memref<128x16xf32, #tpu.memory_space<vmem>>) dst(%dma_wait3A_354 : memref<128x16xf32, #tpu.memory_space<hbm>>)
        tpu.yield
      }) : () -> ()
      %mul3A_333 = arith.constant 640 : i32
      %mul3A_334 = arith.muli %arg1, %mul3A_333 : i32
      %add3A_335 = arith.constant 128 : i32
      %add3A_336 = arith.addi %mul3A_334, %add3A_335 : i32
      "tpu.region"() ({
        %run_scoped3A = tpu.sem_alloc : memref<!tpu.dma_semaphore, #tpu.memory_space<semaphore_mem>>
        %dma_start3A = arith.constant 0 : i32
        %dma_start3A_349 = tpu.memref_slice %arg26[%add3A_336, %dma_start3A] : memref<10240x16xf32, #tpu.memory_space<vmem_shared>> -> memref<128x16xf32, #tpu.memory_space<vmem_shared>>
        %dma_start3A_350 = arith.constant 0 : i32
        %dma_start3A_351 = tpu.memref_slice %arg26[%add3A_336, %dma_start3A_350] : memref<10240x16xf32, #tpu.memory_space<vmem_shared>> -> memref<128x16xf32, #tpu.memory_space<vmem_shared>>
        tpu.enqueue_dma source(%dma_start3A_351 : memref<128x16xf32, #tpu.memory_space<vmem_shared>>) target(%arg24 : memref<128x16xf32, #tpu.memory_space<vmem>>) target_semaphore(%run_scoped3A : memref<!tpu.dma_semaphore, #tpu.memory_space<semaphore_mem>>)
        %dma_wait3A = arith.constant 0 : i32
        %dma_wait3A_352 = tpu.memref_slice %arg26[%add3A_336, %dma_wait3A] : memref<10240x16xf32, #tpu.memory_space<vmem_shared>> -> memref<128x16xf32, #tpu.memory_space<vmem_shared>>
        %dma_wait3A_353 = arith.constant 0 : i32
        %dma_wait3A_354 = tpu.memref_slice %arg26[%add3A_336, %dma_wait3A_353] : memref<10240x16xf32, #tpu.memory_space<vmem_shared>> -> memref<128x16xf32, #tpu.memory_space<vmem_shared>>
        tpu.wait_dma2 semaphore(%run_scoped3A : memref<!tpu.dma_semaphore, #tpu.memory_space<semaphore_mem>>) src(%dma_wait3A_354 : memref<128x16xf32, #tpu.memory_space<vmem_shared>>) dst(%arg24 : memref<128x16xf32, #tpu.memory_space<vmem>>)
        tpu.yield
      }) : () -> ()
      "tpu.region"() ({
        %run_scoped3A = tpu.sem_alloc : memref<!tpu.dma_semaphore, #tpu.memory_space<semaphore_mem>>
        %dma_start3A = arith.constant 0 : i32
        %dma_start3A_349 = tpu.memref_slice %arg18[%add3A_336, %dma_start3A] : memref<10240x16xf32, #tpu.memory_space<hbm>> -> memref<128x16xf32, #tpu.memory_space<hbm>>
        %dma_start3A_350 = arith.constant 0 : i32
        %dma_start3A_351 = tpu.memref_slice %arg18[%add3A_336, %dma_start3A_350] : memref<10240x16xf32, #tpu.memory_space<hbm>> -> memref<128x16xf32, #tpu.memory_space<hbm>>
        tpu.enqueue_dma source(%arg24 : memref<128x16xf32, #tpu.memory_space<vmem>>) target(%dma_start3A_351 : memref<128x16xf32, #tpu.memory_space<hbm>>) target_semaphore(%run_scoped3A : memref<!tpu.dma_semaphore, #tpu.memory_space<semaphore_mem>>)
        %dma_wait3A = arith.constant 0 : i32
        %dma_wait3A_352 = tpu.memref_slice %arg18[%add3A_336, %dma_wait3A] : memref<10240x16xf32, #tpu.memory_space<hbm>> -> memref<128x16xf32, #tpu.memory_space<hbm>>
        %dma_wait3A_353 = arith.constant 0 : i32
        %dma_wait3A_354 = tpu.memref_slice %arg18[%add3A_336, %dma_wait3A_353] : memref<10240x16xf32, #tpu.memory_space<hbm>> -> memref<128x16xf32, #tpu.memory_space<hbm>>
        tpu.wait_dma2 semaphore(%run_scoped3A : memref<!tpu.dma_semaphore, #tpu.memory_space<semaphore_mem>>) src(%arg24 : memref<128x16xf32, #tpu.memory_space<vmem>>) dst(%dma_wait3A_354 : memref<128x16xf32, #tpu.memory_space<hbm>>)
        tpu.yield
      }) : () -> ()
      %mul3A_337 = arith.constant 640 : i32
      %mul3A_338 = arith.muli %arg1, %mul3A_337 : i32
      %add3A_339 = arith.constant 256 : i32
      %add3A_340 = arith.addi %mul3A_338, %add3A_339 : i32
      "tpu.region"() ({
        %run_scoped3A = tpu.sem_alloc : memref<!tpu.dma_semaphore, #tpu.memory_space<semaphore_mem>>
        %dma_start3A = arith.constant 0 : i32
        %dma_start3A_349 = tpu.memref_slice %arg26[%add3A_340, %dma_start3A] : memref<10240x16xf32, #tpu.memory_space<vmem_shared>> -> memref<128x16xf32, #tpu.memory_space<vmem_shared>>
        %dma_start3A_350 = arith.constant 0 : i32
        %dma_start3A_351 = tpu.memref_slice %arg26[%add3A_340, %dma_start3A_350] : memref<10240x16xf32, #tpu.memory_space<vmem_shared>> -> memref<128x16xf32, #tpu.memory_space<vmem_shared>>
        tpu.enqueue_dma source(%dma_start3A_351 : memref<128x16xf32, #tpu.memory_space<vmem_shared>>) target(%arg24 : memref<128x16xf32, #tpu.memory_space<vmem>>) target_semaphore(%run_scoped3A : memref<!tpu.dma_semaphore, #tpu.memory_space<semaphore_mem>>)
        %dma_wait3A = arith.constant 0 : i32
        %dma_wait3A_352 = tpu.memref_slice %arg26[%add3A_340, %dma_wait3A] : memref<10240x16xf32, #tpu.memory_space<vmem_shared>> -> memref<128x16xf32, #tpu.memory_space<vmem_shared>>
        %dma_wait3A_353 = arith.constant 0 : i32
        %dma_wait3A_354 = tpu.memref_slice %arg26[%add3A_340, %dma_wait3A_353] : memref<10240x16xf32, #tpu.memory_space<vmem_shared>> -> memref<128x16xf32, #tpu.memory_space<vmem_shared>>
        tpu.wait_dma2 semaphore(%run_scoped3A : memref<!tpu.dma_semaphore, #tpu.memory_space<semaphore_mem>>) src(%dma_wait3A_354 : memref<128x16xf32, #tpu.memory_space<vmem_shared>>) dst(%arg24 : memref<128x16xf32, #tpu.memory_space<vmem>>)
        tpu.yield
      }) : () -> ()
      "tpu.region"() ({
        %run_scoped3A = tpu.sem_alloc : memref<!tpu.dma_semaphore, #tpu.memory_space<semaphore_mem>>
        %dma_start3A = arith.constant 0 : i32
        %dma_start3A_349 = tpu.memref_slice %arg18[%add3A_340, %dma_start3A] : memref<10240x16xf32, #tpu.memory_space<hbm>> -> memref<128x16xf32, #tpu.memory_space<hbm>>
        %dma_start3A_350 = arith.constant 0 : i32
        %dma_start3A_351 = tpu.memref_slice %arg18[%add3A_340, %dma_start3A_350] : memref<10240x16xf32, #tpu.memory_space<hbm>> -> memref<128x16xf32, #tpu.memory_space<hbm>>
        tpu.enqueue_dma source(%arg24 : memref<128x16xf32, #tpu.memory_space<vmem>>) target(%dma_start3A_351 : memref<128x16xf32, #tpu.memory_space<hbm>>) target_semaphore(%run_scoped3A : memref<!tpu.dma_semaphore, #tpu.memory_space<semaphore_mem>>)
        %dma_wait3A = arith.constant 0 : i32
        %dma_wait3A_352 = tpu.memref_slice %arg18[%add3A_340, %dma_wait3A] : memref<10240x16xf32, #tpu.memory_space<hbm>> -> memref<128x16xf32, #tpu.memory_space<hbm>>
        %dma_wait3A_353 = arith.constant 0 : i32
        %dma_wait3A_354 = tpu.memref_slice %arg18[%add3A_340, %dma_wait3A_353] : memref<10240x16xf32, #tpu.memory_space<hbm>> -> memref<128x16xf32, #tpu.memory_space<hbm>>
        tpu.wait_dma2 semaphore(%run_scoped3A : memref<!tpu.dma_semaphore, #tpu.memory_space<semaphore_mem>>) src(%arg24 : memref<128x16xf32, #tpu.memory_space<vmem>>) dst(%dma_wait3A_354 : memref<128x16xf32, #tpu.memory_space<hbm>>)
        tpu.yield
      }) : () -> ()
      %mul3A_341 = arith.constant 640 : i32
      %mul3A_342 = arith.muli %arg1, %mul3A_341 : i32
      %add3A_343 = arith.constant 384 : i32
      %add3A_344 = arith.addi %mul3A_342, %add3A_343 : i32
      "tpu.region"() ({
        %run_scoped3A = tpu.sem_alloc : memref<!tpu.dma_semaphore, #tpu.memory_space<semaphore_mem>>
        %dma_start3A = arith.constant 0 : i32
        %dma_start3A_349 = tpu.memref_slice %arg26[%add3A_344, %dma_start3A] : memref<10240x16xf32, #tpu.memory_space<vmem_shared>> -> memref<128x16xf32, #tpu.memory_space<vmem_shared>>
        %dma_start3A_350 = arith.constant 0 : i32
        %dma_start3A_351 = tpu.memref_slice %arg26[%add3A_344, %dma_start3A_350] : memref<10240x16xf32, #tpu.memory_space<vmem_shared>> -> memref<128x16xf32, #tpu.memory_space<vmem_shared>>
        tpu.enqueue_dma source(%dma_start3A_351 : memref<128x16xf32, #tpu.memory_space<vmem_shared>>) target(%arg24 : memref<128x16xf32, #tpu.memory_space<vmem>>) target_semaphore(%run_scoped3A : memref<!tpu.dma_semaphore, #tpu.memory_space<semaphore_mem>>)
        %dma_wait3A = arith.constant 0 : i32
        %dma_wait3A_352 = tpu.memref_slice %arg26[%add3A_344, %dma_wait3A] : memref<10240x16xf32, #tpu.memory_space<vmem_shared>> -> memref<128x16xf32, #tpu.memory_space<vmem_shared>>
        %dma_wait3A_353 = arith.constant 0 : i32
        %dma_wait3A_354 = tpu.memref_slice %arg26[%add3A_344, %dma_wait3A_353] : memref<10240x16xf32, #tpu.memory_space<vmem_shared>> -> memref<128x16xf32, #tpu.memory_space<vmem_shared>>
        tpu.wait_dma2 semaphore(%run_scoped3A : memref<!tpu.dma_semaphore, #tpu.memory_space<semaphore_mem>>) src(%dma_wait3A_354 : memref<128x16xf32, #tpu.memory_space<vmem_shared>>) dst(%arg24 : memref<128x16xf32, #tpu.memory_space<vmem>>)
        tpu.yield
      }) : () -> ()
      "tpu.region"() ({
        %run_scoped3A = tpu.sem_alloc : memref<!tpu.dma_semaphore, #tpu.memory_space<semaphore_mem>>
        %dma_start3A = arith.constant 0 : i32
        %dma_start3A_349 = tpu.memref_slice %arg18[%add3A_344, %dma_start3A] : memref<10240x16xf32, #tpu.memory_space<hbm>> -> memref<128x16xf32, #tpu.memory_space<hbm>>
        %dma_start3A_350 = arith.constant 0 : i32
        %dma_start3A_351 = tpu.memref_slice %arg18[%add3A_344, %dma_start3A_350] : memref<10240x16xf32, #tpu.memory_space<hbm>> -> memref<128x16xf32, #tpu.memory_space<hbm>>
        tpu.enqueue_dma source(%arg24 : memref<128x16xf32, #tpu.memory_space<vmem>>) target(%dma_start3A_351 : memref<128x16xf32, #tpu.memory_space<hbm>>) target_semaphore(%run_scoped3A : memref<!tpu.dma_semaphore, #tpu.memory_space<semaphore_mem>>)
        %dma_wait3A = arith.constant 0 : i32
        %dma_wait3A_352 = tpu.memref_slice %arg18[%add3A_344, %dma_wait3A] : memref<10240x16xf32, #tpu.memory_space<hbm>> -> memref<128x16xf32, #tpu.memory_space<hbm>>
        %dma_wait3A_353 = arith.constant 0 : i32
        %dma_wait3A_354 = tpu.memref_slice %arg18[%add3A_344, %dma_wait3A_353] : memref<10240x16xf32, #tpu.memory_space<hbm>> -> memref<128x16xf32, #tpu.memory_space<hbm>>
        tpu.wait_dma2 semaphore(%run_scoped3A : memref<!tpu.dma_semaphore, #tpu.memory_space<semaphore_mem>>) src(%arg24 : memref<128x16xf32, #tpu.memory_space<vmem>>) dst(%dma_wait3A_354 : memref<128x16xf32, #tpu.memory_space<hbm>>)
        tpu.yield
      }) : () -> ()
      %mul3A_345 = arith.constant 640 : i32
      %mul3A_346 = arith.muli %arg1, %mul3A_345 : i32
      %add3A_347 = arith.constant 512 : i32
      %add3A_348 = arith.addi %mul3A_346, %add3A_347 : i32
      "tpu.region"() ({
        %run_scoped3A = tpu.sem_alloc : memref<!tpu.dma_semaphore, #tpu.memory_space<semaphore_mem>>
        %dma_start3A = arith.constant 0 : i32
        %dma_start3A_349 = tpu.memref_slice %arg26[%add3A_348, %dma_start3A] : memref<10240x16xf32, #tpu.memory_space<vmem_shared>> -> memref<128x16xf32, #tpu.memory_space<vmem_shared>>
        %dma_start3A_350 = arith.constant 0 : i32
        %dma_start3A_351 = tpu.memref_slice %arg26[%add3A_348, %dma_start3A_350] : memref<10240x16xf32, #tpu.memory_space<vmem_shared>> -> memref<128x16xf32, #tpu.memory_space<vmem_shared>>
        tpu.enqueue_dma source(%dma_start3A_351 : memref<128x16xf32, #tpu.memory_space<vmem_shared>>) target(%arg24 : memref<128x16xf32, #tpu.memory_space<vmem>>) target_semaphore(%run_scoped3A : memref<!tpu.dma_semaphore, #tpu.memory_space<semaphore_mem>>)
        %dma_wait3A = arith.constant 0 : i32
        %dma_wait3A_352 = tpu.memref_slice %arg26[%add3A_348, %dma_wait3A] : memref<10240x16xf32, #tpu.memory_space<vmem_shared>> -> memref<128x16xf32, #tpu.memory_space<vmem_shared>>
        %dma_wait3A_353 = arith.constant 0 : i32
        %dma_wait3A_354 = tpu.memref_slice %arg26[%add3A_348, %dma_wait3A_353] : memref<10240x16xf32, #tpu.memory_space<vmem_shared>> -> memref<128x16xf32, #tpu.memory_space<vmem_shared>>
        tpu.wait_dma2 semaphore(%run_scoped3A : memref<!tpu.dma_semaphore, #tpu.memory_space<semaphore_mem>>) src(%dma_wait3A_354 : memref<128x16xf32, #tpu.memory_space<vmem_shared>>) dst(%arg24 : memref<128x16xf32, #tpu.memory_space<vmem>>)
        tpu.yield
      }) : () -> ()
      "tpu.region"() ({
        %run_scoped3A = tpu.sem_alloc : memref<!tpu.dma_semaphore, #tpu.memory_space<semaphore_mem>>
        %dma_start3A = arith.constant 0 : i32
        %dma_start3A_349 = tpu.memref_slice %arg18[%add3A_348, %dma_start3A] : memref<10240x16xf32, #tpu.memory_space<hbm>> -> memref<128x16xf32, #tpu.memory_space<hbm>>
        %dma_start3A_350 = arith.constant 0 : i32
        %dma_start3A_351 = tpu.memref_slice %arg18[%add3A_348, %dma_start3A_350] : memref<10240x16xf32, #tpu.memory_space<hbm>> -> memref<128x16xf32, #tpu.memory_space<hbm>>
        tpu.enqueue_dma source(%arg24 : memref<128x16xf32, #tpu.memory_space<vmem>>) target(%dma_start3A_351 : memref<128x16xf32, #tpu.memory_space<hbm>>) target_semaphore(%run_scoped3A : memref<!tpu.dma_semaphore, #tpu.memory_space<semaphore_mem>>)
        %dma_wait3A = arith.constant 0 : i32
        %dma_wait3A_352 = tpu.memref_slice %arg18[%add3A_348, %dma_wait3A] : memref<10240x16xf32, #tpu.memory_space<hbm>> -> memref<128x16xf32, #tpu.memory_space<hbm>>
        %dma_wait3A_353 = arith.constant 0 : i32
        %dma_wait3A_354 = tpu.memref_slice %arg18[%add3A_348, %dma_wait3A_353] : memref<10240x16xf32, #tpu.memory_space<hbm>> -> memref<128x16xf32, #tpu.memory_space<hbm>>
        tpu.wait_dma2 semaphore(%run_scoped3A : memref<!tpu.dma_semaphore, #tpu.memory_space<semaphore_mem>>) src(%arg24 : memref<128x16xf32, #tpu.memory_space<vmem>>) dst(%dma_wait3A_354 : memref<128x16xf32, #tpu.memory_space<hbm>>)
        tpu.yield
      }) : () -> ()
    } else {
    }
    %barrier3A_328 = arith.constant 0 : index
    tpu.barrier barrier_id(%barrier3A_328)
    return
  }
}

</mosaic_0001>

<sc_bundles>
// kernel: _sc_segment_sums.3.cloned.1.call-start
scs
__scs_entry_jumppad:
0x0: {  	(pc) =	sbr.rel $0x88, $3  }
0x1: {  	(tag) =	ssettag $0x0;
	lr =	simm.s32 $0x1  }
0x2: {  	[smem:$0x3F99] =	sst lr;
	_ =	strace $0xD0000000  }
0x3: {  	_ = 	snop  }
0x4: {  	_ = 	snop  }
0x5: {  	_ = 	snop  }
0x6: {  	_ = 	snop  }
0x7: {  	_ = 	snop  }
__scs_overlays_trampoline_lowered:
0x8: {  	[smem:$0x3FA8] =	sst s0  }
0x9: {  	[smem:$0x3FA9] =	sst s1  }
0xa: {  	[smem:$0x3FAA] =	sst s2  }
0xb: {  	[smem:$0x3FAB] =	sst s3  }
0xc: {  	[smem:$0x3FAC] =	sst s4  }
0xd: {  	[smem:$0x3FAD] =	sst s5  }
0xe: {  	[smem:$0x3FAE] =	sst s6  }
0xf: {  	[smem:$0x3FAF] =	sst s7  }
0x10: {  	[smem:$0x3FB0] =	sst s8  }
0x11: {  	[smem:$0x3FB1] =	sst s9;
	s0 =	simm.s32 @!p0 $0x0  }
0x12: {  	s1 =	sld [smem:$0x3F97];
	s0 =	simm.s32 @p0 $0x1  }
0x13: {  	[smem:$0x3FB2] =	sst s0;
	s0 =	simm.s32 @!p1 $0x0  }
0x14: {  	s2 =	sld [smem:$0x3F96];
	s0 =	simm.s32 @p1 $0x1  }
0x15: {  	[smem:$0x3FB3] =	sst s0;
	s0 =	simm.s32 @!p2 $0x0  }
0x16: {  	s3 =	sld [smem:$0x3FDB];
	s0 =	simm.s32 @p2 $0x1  }
0x17: {  	s4 =	simm.s32 $0x1BF5;
	[smem:$0x3FB5] =	sst s0  }
0x18: {  	s0 =	sld [smem:$0x3F98];
	_ =	swait.ge [sflag:s4], $0x0  }
0x19: {  	s7 =	sld [smem:$0x3F99]  }
0x1a: {  	s8 =	sadd.s32 $0xFFFFE003, lr  }
0x1b: {  	s9 =	sadd.s32 $0xFFFFFEF7, lr;
	s5 =	simm.s32 $0xFFFFFFFF;
	p2 =	slt.u32 s8, $0xFFFFF086  }
0x1c: {  	p1 =	slt.u32 s9, $0xF7A;
	s5 =	simm.s32 @!p2 $0x0  }
0x1d: {  	s5 =	simm.s32 @p1 $0x1;
	p0 =	seq.s32 s7, s2  }
0x1e: {  	s7 =	smul.u32 @!p0 $0xF7A, s2;
	p2 =	seq.s32 @!p0 s5, $0x0  }
0x1f: {  	s9 =	smul.u32 $0xF7A, s1;
	s8 =	simm.s32 @!p0 $0x1BF5;
	p2 =	por !p2, p0  }
0x20: {  	[sflag:s8] =	ssyncset.s32 @!p0 $0xFFFFF086;
	s6 =	sadd.s32 @!p0 s3, s7;
	s7 =	simm.s32 @!p0 $0x108  }
0x21: {  	s3 =	sadd.s32 s3, s9;
	s6 =	sadd.s32 @!p0 $0x88, s6;
	s7 =	simm.s32 @p2 $0x1082  }
0x22: {  	[simem:s7], [sflag:s8] =	dma.local @!p0 [hbm:s6], $0xF7A  }
0x23: {  	s9 =	sor.u32 $0xD0000000, s2;
	s6 =	simm.s32 $0x108;
	_ =	swait.ge @!p0 [sflag:s8], $0x0  }
0x24: {  	s3 =	sadd.s32 $0x88, s3;
	s6 =	simm.s32 @!p1 $0x1082;
	[sflag:s4] =	ssyncset.s32 $0xFFFFF086  }
0x25: {  	[simem:s6], [sflag:s4] =	dma.local [hbm:s3], $0xF7A  }
0x26: {  	[smem:$0x3F99] =	sst s1;
	(tag) =	ssettag s2;
	_ =	strace s9  }
0x27: {  	s1 =	sld [smem:$0x3FA9]  }
0x28: {  	s2 =	sld [smem:$0x3FAA]  }
0x29: {  	s4 =	sld [smem:$0x3FAC]  }
0x2a: {  	p0 =	seq.s32 s5, $0x0;
	s5 =	sld [smem:$0x3FAD]  }
0x2b: {  	s6 =	sld [smem:$0x3FAE]  }
0x2c: {  	s7 =	sld [smem:$0x3FAF]  }
0x2d: {  	s3 =	simm.s32 $0x108;
	s8 =	sld [smem:$0x3FB0]  }
0x2e: {  	s3 =	simm.s32 @!p0 $0x1082;
	s9 =	sld [smem:$0x3FB1]  }
0x2f: {  	lr =	sadd.s32 s0, s3;
	s0 =	sld [smem:$0x3FA8]  }
0x30: {  	s3 =	sld [smem:$0x3FAB]  }
0x31: {  	[smem:$0x3FB4] =	sst s10  }
0x32: {  	s10 =	sld [smem:$0x3FB2];
	_ =	sdelay $0x3  }
0x33: {  	p0 =	seq.s32 s10, $0x1;
	s10 =	sld [smem:$0x3FB4];
	_ =	sdelay $0x3  }
0x34: {  	[smem:$0x3FB4] =	sst s10  }
0x35: {  	s10 =	sld [smem:$0x3FB3];
	_ =	sdelay $0x3  }
0x36: {  	p1 =	seq.s32 s10, $0x1;
	s10 =	sld [smem:$0x3FB4];
	_ =	sdelay $0x3  }
0x37: {  	[smem:$0x3FB4] =	sst s10  }
0x38: {  	s10 =	sld [smem:$0x3FB5]  }
0x39: {  	_ = 	snop;
	(pc) =	sbr.ind lr, $3  }
0x3a: {  	_ = 	snop  }
0x3b: {  	_ = 	snop  }
0x3c: {  	p2 =	seq.s32 s10, $0x1;
	s10 =	sld [smem:$0x3FB4]  }
0x3d: {  	_ =	shalt  }
0x3e: {  	_ =	shalt  }
0x3f: {  	_ =	shalt  }
0x40: {  	_ =	shalt  }
0x41: {  	_ =	shalt  }
0x42: {  	_ =	shalt  }
0x43: {  	_ =	shalt  }
0x44: {  	_ =	shalt  }
0x45: {  	_ =	shalt  }
0x46: {  	_ =	shalt  }
0x47: {  	_ =	shalt  }
0x48: {  	_ =	shalt  }
0x49: {  	_ =	shalt  }
0x4a: {  	_ =	shalt  }
0x4b: {  	_ =	shalt  }
0x4c: {  	_ =	shalt  }
0x4d: {  	_ =	shalt  }
0x4e: {  	_ =	shalt  }
0x4f: {  	_ =	shalt  }
0x50: {  	_ =	shalt  }
0x51: {  	_ =	shalt  }
0x52: {  	_ =	shalt  }
0x53: {  	_ =	shalt  }
0x54: {  	_ =	shalt  }
0x55: {  	_ =	shalt  }
0x56: {  	_ =	shalt  }
0x57: {  	_ =	shalt  }
0x58: {  	_ =	shalt  }
0x59: {  	_ =	shalt  }
0x5a: {  	_ =	shalt  }
0x5b: {  	_ =	shalt  }
0x5c: {  	_ =	shalt  }
0x5d: {  	_ =	shalt  }
0x5e: {  	_ =	shalt  }
0x5f: {  	_ =	shalt  }
0x60: {  	_ =	shalt  }
0x61: {  	_ =	shalt  }
0x62: {  	_ =	shalt  }
0x63: {  	_ =	shalt  }
0x64: {  	_ =	shalt  }
0x65: {  	_ =	shalt  }
0x66: {  	_ =	shalt  }
0x67: {  	_ =	shalt  }
0x68: {  	_ =	shalt  }
0x69: {  	_ =	shalt  }
0x6a: {  	_ =	shalt  }
0x6b: {  	_ =	shalt  }
0x6c: {  	_ =	shalt  }
0x6d: {  	_ =	shalt  }
0x6e: {  	_ =	shalt  }
0x6f: {  	_ =	shalt  }
0x70: {  	_ =	shalt  }
0x71: {  	_ =	shalt  }
0x72: {  	_ =	shalt  }
0x73: {  	_ =	shalt  }
0x74: {  	_ =	shalt  }
0x75: {  	_ =	shalt  }
0x76: {  	_ =	shalt  }
0x77: {  	_ =	shalt  }
0x78: {  	_ =	shalt  }
0x79: {  	_ =	shalt  }
0x7a: {  	_ =	shalt  }
0x7b: {  	_ =	shalt  }
0x7c: {  	_ =	shalt  }
0x7d: {  	_ =	shalt  }
0x7e: {  	_ =	shalt  }
0x7f: {  	_ =	shalt  }
0x80: {  	_ =	shalt  }
0x81: {  	_ =	shalt  }
0x82: {  	_ =	shalt  }
0x83: {  	_ =	shalt  }
0x84: {  	_ =	shalt  }
0x85: {  	_ =	shalt  }
0x86: {  	_ =	shalt  }
0x87: {  	_ =	shalt  }
.Lfunc_end0:
.L_simem_size_0:
called_computation_lowered:
.L_overlay_start_0:
0x88: {  	s2 =	sld [smem:$0x3FD9]  }
0x89: {  	s3 =	sld [smem:$0x3FFE];
	_ =	sdelay $0x1  }
0x8a: {  	s1 =	srdreg.scid  }
0x8b: {  	s0 =	sand.u32 $0x1, s1  }
0x8c: {  	s14 =	sshll.u32 s0, $0xA;
	s2 =	sadd.s32 s3, s2  }
0x8d: {  	s2 =	sadd.s32 s2, s14  }
0x8e: {  	[smem:$0x3FC0] =	sst s2  }
0x8f: {  	_ = 	snop  }
0x90: {  	s2 =	sld [smem:$0x3FD0];
	_ =	sdelay $0x2  }
0x91: {  	s15 =	simm.s32 $0xA;
	s4 =	simm.s32 $0x10  }
0x92: {  	[smem:s4], [sflag:s15] =	dma.local [hbm:s2], $0x1  }
0x93: {  	_ =	swait.eq [sflag:s15], $0x1  }
0x94: {  	s16 =	sld [smem:$0x10]  }
0x95: {  	s17 =	sld [smem:$0x11]  }
0x96: {  	s5 =	sld [smem:$0x12]  }
0x97: {  	s6 =	sld [smem:$0x13];
	[sflag:s15] =	ssyncset.done $0x0  }
0x98: {  	s7 =	sld [smem:$0x14];
	[sflag:s15] =	ssyncadd.s32 $0xFFFFFFFF  }
0x99: {  	s18 =	sld [smem:$0x15];
	(tm) =	ssettm $0x1  }
0x9a: {  	s8 =	sld [smem:$0x3FFB];
	_ =	sdelay $0x3  }
0x9b: {  	_ =	strace s8  }
0x9c: {  	s8 =	sld [smem:$0x3FFC];
	_ =	sdelay $0x3  }
0x9d: {  	_ =	strace s8  }
0x9e: {  	s8 =	sld [smem:$0x3FFD];
	_ =	sdelay $0x3  }
0x9f: {  	_ =	strace s8  }
0xa0: {  	_ =	strace $0x8FFFFFFF  }
0xa1: {  	s19 =	sld [smem:$0x3FDB];
	_ =	sdelay $0x1  }
0xa2: {  	s9 =	simm.s32 $_scs_section_size  }
0xa3: {  	s10 =	simm.s32 $_size__tile_overlayer_lowered;
	s11 =	simm.s32 $_tile_overlayer_lowered  }
0xa4: {  	s22 =	simm.s32 $0x1BFF;
	s21 =	sshll.u32 s11, $0x1;
	s8 =	sadd.s32 s9, s19  }
0xa5: {  	s12 =	simm.s32 $0x0;
	s20 =	sshll.u32 s10, $0x1;
	s10 =	sadd.s32 s21, s8  }
0xa6: {  	[timem:s12], [sflag:s22] =	dma.local [hbm:s10], s20  }
0xa7: {  	_ =	swait.ge [sflag:s22], s20  }
0xa8: {  	s9 =	ssub.s32 $0x0, s20;
	[sflag:s22] =	ssyncset.done $0x0  }
0xa9: {  	[sflag:s22] =	ssyncadd.s32 s9;
	_ =	sdelay $0x1  }
0xaa: {  	s23 =	simm.s32 $0x1B8B  }
0xab: {  	_ =	swait.ge [sflag:s23], $0x1  }
0xac: {  	[sflag:s23] =	ssyncset.done $0x0  }
0xad: {  	s25 =	simm.s32 $0x1B8E;
	s24 =	sld [smem:$0x3FFE];
	[sflag:s23] =	ssyncadd.s32 $0xFFFFFFFF  }
0xae: {  	s26 =	simm.s32 $execute0_lowered;
	[smem:$0x3FD2] =	sst s25  }
0xaf: {  	s10 =	sshll.u32 s26, $0x1;
	_ =	strace $0x80000046;
	[dreg:$0x1] =	wrdreg $0xFFFFFFFF  }
0xb0: {  	s28 =	simm.s32 $_size_execute0_lowered;
	s8 =	sadd.s32 s8, s10;
	[dreg:$0x0] =	wrdreg $0x0  }
0xb1: {  	s10 =	sshll.u32 s28, $0x1;
	[dreg:$0x2] =	wrdreg s8  }
0xb2: {  	[dreg:$0x3] =	wrdreg s10  }
0xb3: {  	[dreg:$0x4] =	wrdreg $0xC0  }
0xb4: {  	_ =	task [dreg:s12], $0x5FFFF  }
0xb5: {  	[dreg:$0x1] =	wrdreg $0xFFFFFFFF  }
0xb6: {  	[dreg:$0x0] =	wrdreg $0x60  }
0xb7: {  	[dreg:$0x2] =	wrdreg s16  }
0xb8: {  	[dreg:$0x3] =	wrdreg s24  }
0xb9: {  	[dreg:$0x4] =	wrdreg s17  }
0xba: {  	[dreg:$0x5] =	wrdreg s7  }
0xbb: {  	[dreg:$0x6] =	wrdreg s18  }
0xbc: {  	[dreg:$0x7] =	wrdreg s5  }
0xbd: {  	[dreg:$0x8] =	wrdreg s6  }
0xbe: {  	[dreg:$0x9] =	wrdreg $0x9F000  }
0xbf: {  	[dreg:$0xa] =	wrdreg $0x13F000  }
0xc0: {  	[dreg:$0xb] =	wrdreg $0x9  }
0xc1: {  	_ =	task.clear_ibuf [dreg:s12], $0xCFFFF;
	_ =	strace $0x90000046  }
0xc2: {  	s29 =	simm.s32 $0x9;
	_ =	strace $0x80000048  }
0xc3: {  	_ =	swait.ge [sflag:s29], $0x1  }
0xc4: {  	[sflag:s29] =	ssyncadd.s32 $0xFFFFFFFF  }
0xc5: {  	_ =	strace $0x90000048  }
0xc6: {  	_ =	sfence  }
0xc7: {  	s30 =	sld [smem:$0x0];
	_ =	sdelay $0x2  }
0xc8: {  	s31 =	sshll.u32 s1, $0xD;
	s1 =	sshrl.u32 s1, $0x2  }
0xc9: {  	s3 =	sand.u32 $0x4000, s31;
	s1 =	sadd.s32 s1, s30  }
0xca: {  	s0 =	sor.u32 s3, s0;
	s1 =	sshll.u32 s1, $0x11  }
0xcb: {  	s0 =	sor.u32 s1, s0  }
0xcc: {  	s0 =	sadd.s32 $0x8F2B, s0  }
0xcd: {  	[sflag:s0] =	ssyncadd.remote.s32 $0x1  }
0xce: {  	_ =	sfence.sel $0xFFFF  }
0xcf: {  	[dreg:$0x0] =	wrdreg $0xFFFFFFFF;
	(pc) =	sbr.abs _section_cstart, $3  }
0xd0: {  	[dreg:$0x1] =	wrdreg $0xFFFFFFFF  }
0xd1: {  	_ =	task.clear_ibuf [dreg:s12], $0x2FFFF;
	_ =	strace $0x9FFFFFFF  }
0xd2: {  	(tm) =	ssettm $0x7FFFFFFF  }
0xd3: {  	_ =	shalt  }
tec
execute0_lowered:
.L_overlay_start_1:
0x0: {  	(tag) =	ssettag $0x1  }
0x1: {  	s0 =	rddreg [dreg:$0x1];
	s25 =	stileid.u32  }
0x2: {  	s1 =	srdreg.scid;
	s8 =	smul.u32 $0x280, s25  }
0x3: {  	s5 =	sadd.s32 $0xC200, s0;
	s2 =	sand.u32 $0x1, s1;
	s6 =	smul.u32 $0x2780, s25  }
0x4: {  	s13 =	sadd.s32 $0x1FE00, s0;
	s15 =	sadd.s32 $0x33A00, s0;
	s12 =	smul.u32 $0x27800, s2  }
0x5: {  	s1 =	ssub.s32 $0x2, s2;
	s17 =	smul.u32 $0xA0000, s2;
	s18 =	sor.u32 $0x2, s2  }
0x6: {  	s3 =	sshrl.u32 s1, $0x1;
	s9 =	sadd.s32 $0x80, s8;
	s19 =	smul.u32 $0x27800, s18  }
0x7: {  	s10 =	sadd.s32 $0x100, s8;
	s11 =	sadd.s32 $0x180, s8;
	s26 =	smul.u32 $0xA0000, s18  }
0x8: {  	s14 =	ssub.s32 s1, s3;
	s1 =	smul.u32 $0xA000, s25;
	s4 =	sshll.u32 s9, $0x6  }
0x9: {  	s3 =	sshll.u32 s10, $0x6;
	s16 =	sadd.s32 s6, s12;
	s12 =	sadd.s32 $0x200, s8  }
0xa: {  	s7 =	sshll.u32 s11, $0x6;
	s16 =	sshrl.u32 s16, $0x3;
	s8 =	sshll.u32 s12, $0x6  }
0xb: {  	s21 =	sadd.s32 s17, s4;
	s19 =	sadd.s32 s6, s19;
	s22 =	sadd.s32 s17, s3  }
0xc: {  	s23 =	sadd.s32 s26, s3;
	s20 =	sadd.s32 s5, s16;
	s24 =	sadd.s32 s1, s17  }
0xd: {  	s21 =	sshrl.u32 s21, $0x3;
	s19 =	sshrl.u32 s19, $0x3;
	s28 =	sadd.s32 s13, s16  }
0xe: {  	s30 =	sadd.s32 s15, s16;
	s16 =	sadd.s32 s17, s7;
	[dreg:$0xa] =	wrdreg s20  }
0xf: {  	s17 =	sadd.s32 s17, s8;
	s18 =	sadd.s32 s1, s26;
	[dreg:$0xc] =	wrdreg s28  }
0x10: {  	s20 =	sshrl.u32 s24, $0x3;
	s5 =	sadd.s32 s5, s19;
	[dreg:$0xe] =	wrdreg s30  }
0x11: {  	s13 =	sadd.s32 s13, s19;
	s15 =	sadd.s32 s15, s19;
	[dreg:$0xb] =	wrdreg s5  }
0x12: {  	s19 =	sadd.s32 s26, s4;
	s24 =	sadd.s32 s26, s7;
	[dreg:$0xd] =	wrdreg s13  }
0x13: {  	[dreg:$0xf] =	wrdreg s15;
	s13 =	sshrl.u32 s16, $0x3;
	s15 =	sshrl.u32 s17, $0x3  }
0x14: {  	s16 =	sshrl.u32 s18, $0x3;
	s17 =	sshrl.u32 s19, $0x3;
	s18 =	sshrl.u32 s23, $0x3  }
0x15: {  	s19 =	sshrl.u32 s24, $0x3;
	s5 =	sadd.s32 s26, s8;
	s23 =	rddreg [dreg:$0x3]  }
0x16: {  	s24 =	sshrl.u32 s5, $0x3;
	s26 =	sadd.s32 s23, s20;
	s5 =	rddreg [dreg:$0x5]  }
0x17: {  	s22 =	sshrl.u32 s22, $0x3;
	s28 =	sadd.s32 s23, s21;
	[dreg:$0x10] =	wrdreg s26  }
0x18: {  	s30 =	sadd.s32 s23, s22;
	[dreg:$0x11] =	wrdreg s28  }
0x19: {  	[dreg:$0x12] =	wrdreg s30;
	s26 =	sadd.s32 s23, s13  }
0x1a: {  	s28 =	sadd.s32 s23, s15;
	[dreg:$0x13] =	wrdreg s26  }
0x1b: {  	s30 =	sadd.s32 s23, s16;
	[dreg:$0x14] =	wrdreg s28  }
0x1c: {  	[dreg:$0x15] =	wrdreg s30;
	s26 =	sadd.s32 s23, s17  }
0x1d: {  	s28 =	sadd.s32 s23, s18;
	[dreg:$0x16] =	wrdreg s26  }
0x1e: {  	s30 =	sadd.s32 s23, s19;
	[dreg:$0x17] =	wrdreg s28  }
0x1f: {  	[dreg:$0x18] =	wrdreg s30;
	s26 =	sadd.s32 s23, s24  }
0x20: {  	s28 =	sadd.s32 s5, s21;
	[dreg:$0x19] =	wrdreg s26  }
0x21: {  	s30 =	sadd.s32 s5, s22;
	[dreg:$0x1b] =	wrdreg s28  }
0x22: {  	s26 =	sadd.s32 s5, s20;
	[dreg:$0x1c] =	wrdreg s30  }
0x23: {  	s28 =	sadd.s32 s5, s13;
	[dreg:$0x1a] =	wrdreg s26  }
0x24: {  	s23 =	sadd.s32 $0x9B000, s0;
	s30 =	sadd.s32 s5, s15;
	[dreg:$0x1d] =	wrdreg s28  }
0x25: {  	s13 =	sadd.s32 s23, s13;
	[dreg:$0x1e] =	wrdreg s30  }
0x26: {  	s15 =	sadd.s32 s23, s15;
	[smem:$0x7E2] =	sst s13  }
0x27: {  	s28 =	sadd.s32 s5, s16;
	[smem:$0x7E3] =	sst s15  }
0x28: {  	s30 =	sadd.s32 s5, s17;
	[dreg:$0x1f] =	wrdreg s28  }
0x29: {  	s26 =	sadd.s32 s23, s20;
	[smem:$0x7DB] =	sst s30  }
0x2a: {  	s16 =	sadd.s32 s23, s16;
	[smem:$0x7DF] =	sst s26  }
0x2b: {  	s20 =	sadd.s32 s23, s17;
	[smem:$0x7E4] =	sst s16  }
0x2c: {  	s28 =	sadd.s32 s5, s18;
	[smem:$0x7E5] =	sst s20  }
0x2d: {  	s30 =	sadd.s32 s5, s19;
	[smem:$0x7DC] =	sst s28  }
0x2e: {  	s5 =	sadd.s32 s5, s24;
	[smem:$0x7DD] =	sst s30  }
0x2f: {  	s26 =	sadd.s32 s23, s24;
	[smem:$0x7DE] =	sst s5  }
0x30: {  	s28 =	sadd.s32 s23, s21;
	[smem:$0x7E8] =	sst s26  }
0x31: {  	s30 =	sadd.s32 s23, s22;
	[smem:$0x7E0] =	sst s28  }
0x32: {  	s21 =	sadd.s32 s23, s18;
	[smem:$0x7E1] =	sst s30  }
0x33: {  	s22 =	sadd.s32 s23, s19;
	[smem:$0x7E6] =	sst s21  }
0x34: {  	s13 =	smul.u32 $0x2800, s25;
	s5 =	simm.s32 $0x0;
	[smem:$0x7E7] =	sst s22  }
0x35: {  	[smem:$0x7FF] =	sst s5  }
0x36: {  	s9 =	sshll.u32 s9, $0x1;
	s28 =	rddreg [dreg:$0x4];
	s30 =	sshrl.u32 s13, $0x3  }
0x37: {  	s23 =	sadd.s32 $0x96000, s0;
	s22 =	rddreg [dreg:$0x6];
	s18 =	sadd.s32 s28, s30  }
0x38: {  	s24 =	sadd.s32 s22, s30;
	s16 =	sadd.s32 s23, s30;
	s30 =	rddreg [dreg:$0x2]  }
0x39: {  	s10 =	sshll.u32 s10, $0x1;
	s19 =	sadd.s32 s28, s9;
	[smem:$0x7E9] =	sst s18  }
0x3a: {  	s11 =	sshll.u32 s11, $0x1;
	s20 =	sadd.s32 s28, s10;
	[smem:$0x7EA] =	sst s19  }
0x3b: {  	s15 =	sshll.u32 s12, $0x1;
	s21 =	sadd.s32 s28, s11;
	[smem:$0x7EB] =	sst s20  }
0x3c: {  	s12 =	sadd.s32 s28, s15;
	[smem:$0x7EC] =	sst s21  }
0x3d: {  	[smem:$0x7ED] =	sst s12  }
0x3e: {  	s12 =	rddreg [dreg:$0x0]  }
0x3f: {  	s25 =	sadd.s32 s22, s9;
	[smem:$0x7EE] =	sst s24  }
0x40: {  	s26 =	sadd.s32 s22, s10;
	[smem:$0x7EF] =	sst s25  }
0x41: {  	s28 =	sadd.s32 s22, s11;
	[smem:$0x7F0] =	sst s26  }
0x42: {  	s17 =	sadd.s32 s22, s15;
	[smem:$0x7F1] =	sst s28  }
0x43: {  	[smem:$0x7F2] =	sst s17  }
0x44: {  	s9 =	sadd.s32 s23, s9;
	[smem:$0x7F3] =	sst s16  }
0x45: {  	s10 =	sadd.s32 s23, s10;
	[smem:$0x7F4] =	sst s9  }
0x46: {  	s29 =	sadd.s32 $0x95800, s0;
	[smem:$0x7F5] =	sst s10  }
0x47: {  	p0 =	sne.s32 s2, $0x0;
	s11 =	sadd.s32 s23, s11;
	s21 =	rddreg [dreg:$0x7]  }
0x48: {  	p1 =	seq.s32 s2, $0x0;
	s15 =	sadd.s32 s23, s15;
	[smem:$0x7F6] =	sst s11  }
0x49: {  	s6 =	sshrl.u32 s6, $0x3;
	s22 =	sshrl.u32 s3, $0x2;
	[smem:$0x7F7] =	sst s15  }
0x4a: {  	s23 =	sshrl.u32 s7, $0x2;
	s24 =	rddreg [dreg:$0x8];
	s17 =	sadd.s32 s30, s6  }
0x4b: {  	s18 =	sadd.s32 s6, s0;
	s26 =	sadd.s32 $0x47600, s0;
	s19 =	sadd.s32 $0x95C00, s0  }
0x4c: {  	s0 =	sadd.s32 $0x95A00, s0;
	s20 =	sshrl.u32 s1, $0x2;
	s25 =	sshrl.u32 s8, $0x2  }
0x4d: {  	s30 =	smax.u32 s14, $0x1;
	_ =	strace $0x80000047;
	[smem:$0x7F8] =	sst s17  }
0x4e: {  	s15 =	simm.s32 $0x7700;
	s16 =	simm.s32 $0x2;
	[smem:$0x7F9] =	sst s19  }
0x4f: {  	[smem:$0x7FA] =	sst s0;
	s31 =	sadd.s32 s1, s21;
	s0 =	sadd.s32 s20, s24  }
0x50: {  	s1 =	sadd.s32 s4, s21;
	s4 =	sshrl.u32 s4, $0x2;
	s2 =	sadd.s32 s3, s21  }
0x51: {  	s6 =	sadd.s32 s7, s21;
	s7 =	sadd.s32 s8, s21;
	s8 =	sadd.s32 s23, s24  }
0x52: {  	s9 =	sadd.s32 s25, s24;
	s10 =	sadd.s32 s13, s24;
	s28 =	sadd.s32 $0x2200, s18  }
0x53: {  	s11 =	sadd.s32 $0x7200, s18;
	[smem:$0x7FD] =	sst s30;
	s17 =	simm.s32 $0x2780  }
0x54: {  	s18 =	simm.s32 $0x80;
	s19 =	simm.s32 $0x4F00;
	s20 =	simm.s32 $0x1  }
0x55: {  	s23 =	simm.s32 $0x0;
	s3 =	sadd.s32 s4, s24;
	[smem:$0x7FB] =	sst s28  }
0x56: {  	s4 =	sadd.s32 s22, s24;
	[smem:$0x7FC] =	sst s11;
	s22 =	simm.s32 $0x3  }
.LBB2_1:
0x57: {  	s11 =	sld [smem:$0x7F9];
	_ =	sdelay $0x2  }
0x58: {  	[tilespmem:s15], [sflag:$0x2] =	stream.linear.gather [hbm4b:s11+s5], $0x2000, $0x38;
	[tilespmem:$0x16700] =	vst v63  }
0x59: {  	_ =	swait.ge [sflag:s16], $0x2000  }
0x5a: {  	s14 =	sld [smem:$0x7FA]  }
0x5b: {  	[sflag:s16] =	ssyncset.done $0x0  }
0x5c: {  	s13 =	simm.s32 $0x6F00;
	[sflag:s16] =	ssyncadd.s32 $0xFFFFE000  }
0x5d: {  	[tilespmem:s13], [sflag:$0x2] =	stream.linear.gather [hbm4b:s14+s5], $0x800, $0x38;
	[tilespmem:$0x16700] =	vst v63  }
0x5e: {  	_ =	swait.ge [sflag:s16], $0x800  }
0x5f: {  	s25 =	sld [smem:$0x7F8]  }
0x60: {  	[sflag:s16] =	ssyncset.done $0x0  }
0x61: {  	[sflag:s16] =	ssyncadd.s32 $0xFFFFF800  }
0x62: {  	[tilespmem:s17], [sflag:$0x2] =	stream.linear.gather [hbm4b:s25+s5], $0x2780, $0x38;
	[tilespmem:$0x16700] =	vst v63  }
0x63: {  	_ =	swait.ge [sflag:s16], $0x2780  }
0x64: {  	[sflag:s16] =	ssyncset.done $0x0  }
0x65: {  	[sflag:s16] =	ssyncadd.s32 $0xFFFFD880  }
0x66: {  	[spmem:s31] =	stream.linear.scatter [tilespmem:s15], [sflag:$0x2], $0x2000, $0x38;
	[tilespmem:$0x16700] =	vst v63  }
0x67: {  	_ =	swait.ge [sflag:s16], $0x2000  }
0x68: {  	[sflag:s16] =	ssyncset.done $0x0  }
0x69: {  	[sflag:s16] =	ssyncadd.s32 $0xFFFFE000  }
0x6a: {  	[spmem:s1] =	stream.linear.scatter [tilespmem:s15], [sflag:$0x2], $0x2000, $0x38;
	[tilespmem:$0x16700] =	vst v63  }
0x6b: {  	_ =	swait.ge [sflag:s16], $0x2000  }
0x6c: {  	[sflag:s16] =	ssyncset.done $0x0  }
0x6d: {  	[sflag:s16] =	ssyncadd.s32 $0xFFFFE000  }
0x6e: {  	[spmem:s2] =	stream.linear.scatter [tilespmem:s15], [sflag:$0x2], $0x2000, $0x38;
	[tilespmem:$0x16700] =	vst v63  }
0x6f: {  	_ =	swait.ge [sflag:s16], $0x2000  }
0x70: {  	[sflag:s16] =	ssyncset.done $0x0  }
0x71: {  	[sflag:s16] =	ssyncadd.s32 $0xFFFFE000  }
0x72: {  	[spmem:s6] =	stream.linear.scatter [tilespmem:s15], [sflag:$0x2], $0x2000, $0x38;
	[tilespmem:$0x16700] =	vst v63  }
0x73: {  	_ =	swait.ge [sflag:s16], $0x2000  }
0x74: {  	[sflag:s16] =	ssyncset.done $0x0  }
0x75: {  	[sflag:s16] =	ssyncadd.s32 $0xFFFFE000  }
0x76: {  	[spmem:s7] =	stream.linear.scatter [tilespmem:s15], [sflag:$0x2], $0x2000, $0x38;
	[tilespmem:$0x16700] =	vst v63  }
0x77: {  	_ =	swait.ge [sflag:s16], $0x2000  }
0x78: {  	s11 =	simm.s32 @!p0 $0x0;
	[sflag:s16] =	ssyncset.done $0x0  }
0x79: {  	s13 =	simm.s32 @!p0 $0x9700;
	s25 =	simm.s32 @!p0 $0x2;
	[sflag:s16] =	ssyncadd.s32 $0xFFFFE000  }
0x7a: {  	[tilespmem:s13], [sflag:$0x2] =	stream.linear.gather @!p0 [hbm4b:s29+s11], $0x800, $0x38;
	[tilespmem:$0x16700] =	vst v63  }
0x7b: {  	_ =	swait.ge @!p0 [sflag:s25], $0x800  }
0x7c: {  	[sflag:s25] =	ssyncset.done @!p0 $0x0  }
0x7d: {  	[sflag:s25] =	ssyncadd.s32 @!p0 $0xFFFFF800  }
0x7e: {  	[spmem:s0] =	stream.linear.scatter @!p0 [tilespmem:s13], [sflag:$0x2], $0x800, $0x38;
	[tilespmem:$0x16700] =	vst v63  }
0x7f: {  	_ =	swait.ge @!p0 [sflag:s25], $0x800  }
0x80: {  	[sflag:s25] =	ssyncset.done @!p0 $0x0  }
0x81: {  	[sflag:s25] =	ssyncadd.s32 @!p0 $0xFFFFF800  }
0x82: {  	[spmem:s3] =	stream.linear.scatter @!p0 [tilespmem:s13], [sflag:$0x2], $0x800, $0x38;
	[tilespmem:$0x16700] =	vst v63  }
0x83: {  	_ =	swait.ge @!p0 [sflag:s25], $0x800  }
0x84: {  	[sflag:s25] =	ssyncset.done @!p0 $0x0  }
0x85: {  	[sflag:s25] =	ssyncadd.s32 @!p0 $0xFFFFF800  }
0x86: {  	[spmem:s4] =	stream.linear.scatter @!p0 [tilespmem:s13], [sflag:$0x2], $0x800, $0x38;
	[tilespmem:$0x16700] =	vst v63  }
0x87: {  	_ =	swait.ge @!p0 [sflag:s25], $0x800  }
0x88: {  	[sflag:s25] =	ssyncset.done @!p0 $0x0  }
0x89: {  	[sflag:s25] =	ssyncadd.s32 @!p0 $0xFFFFF800  }
0x8a: {  	[spmem:s8] =	stream.linear.scatter @!p0 [tilespmem:s13], [sflag:$0x2], $0x800, $0x38;
	[tilespmem:$0x16700] =	vst v63  }
0x8b: {  	_ =	swait.ge @!p0 [sflag:s25], $0x800  }
0x8c: {  	[sflag:s25] =	ssyncset.done @!p0 $0x0  }
0x8d: {  	[sflag:s25] =	ssyncadd.s32 @!p0 $0xFFFFF800  }
0x8e: {  	[spmem:s9] =	stream.linear.scatter @!p0 [tilespmem:s13], [sflag:$0x2], $0x800, $0x38;
	[tilespmem:$0x16700] =	vst v63  }
0x8f: {  	_ =	swait.ge @!p0 [sflag:s25], $0x800  }
0x90: {  	[sflag:s25] =	ssyncset.done @!p0 $0x0  }
0x91: {  	[sflag:s25] =	ssyncadd.s32 @!p0 $0xFFFFF800  }
0x92: {  	[bflag:$0x0] =	sbarrier.arrive $0xFFFF  }
0x93: {  	s13 =	rddreg [dreg:$0xa]  }
0x94: {  	[tilespmem:s5], [sflag:$0x2] =	stream.linear.gather [hbm4b:s13+s5], $0x2780, $0x38;
	[tilespmem:$0x16700] =	vst v63  }
0x95: {  	_ =	swait.ge [sflag:s16], $0x2780  }
0x96: {  	[sflag:s16] =	ssyncset.done $0x0  }
0x97: {  	s14 =	simm.s32 $0x0;
	[sflag:s16] =	ssyncadd.s32 $0xFFFFD880  }
0x98: {  	[tilespmem:s19], [sflag:$0x1] =	stream.indirect.gather [hbm4b:s12+s18], $0x40, s14, s18, $0xb8;
	[tilespmem:$0x16700] =	vst v63  }
0x99: {  	_ =	swait.ge [sflag:s20], $0x2000  }
0x9a: {  	[sflag:s20] =	ssyncset.done $0x0  }
0x9b: {  	s11 =	simm.s32 $0x2780;
	[sflag:s20] =	ssyncadd.s32 $0xFFFFE000  }
0x9c: {  	[spmem:s21] =	stream.indirect.scatter.add.f32 [tilespmem:s19], [sflag:$0x3], $0x40, s11, s18, $0xb8;
	[tilespmem:$0x16700] =	vst v63  }
0x9d: {  	_ =	swait.ge [sflag:s22], $0x2000  }
0x9e: {  	[sflag:s22] =	ssyncset.done $0x0  }
0x9f: {  	s28 =	simm.s32 @!p0 $0x80;
	s30 =	simm.s32 @!p0 $0x6F00;
	[sflag:s22] =	ssyncadd.s32 $0xFFFFE000  }
0xa0: {  	[spmem:s24] =	stream.indirect.scatter.add.f32 @!p0 [tilespmem:s30], [sflag:$0x2], $0x10, s11, s28, $0xb8;
	[tilespmem:$0x16700] =	vst v63  }
0xa1: {  	_ =	swait.ge @!p0 [sflag:s25], $0x800  }
0xa2: {  	s13 =	simm.s32 $0x400;
	s11 =	simm.s32 $0x200;
	[sflag:s25] =	ssyncset.done @!p0 $0x0  }
.LBB2_2:
0xa3: {  	s14 =	sshra.s32 s11, $0x2  }
0xa4: {  	[sflag:s25] =	ssyncadd.s32 @!p0 $0xFFFFF800;
	s11 =	smov.u32 s13;
	s13 =	sadd.s32 $0x200, s13  }
0xa5: {  	[tilespmem:s19], [sflag:$0x1] =	stream.indirect.gather [hbm4b:s12+s18], $0x40, s14, s18, $0xb8;
	[tilespmem:$0x16700] =	vst v63  }
0xa6: {  	p2 =	sne.s32 s13, $0x9E00;
	_ =	swait.ge [sflag:s20], $0x2000  }
0xa7: {  	[sflag:s20] =	ssyncset.done $0x0  }
0xa8: {  	s14 =	sadd.s32 $0x2780, s14;
	[sflag:s20] =	ssyncadd.s32 $0xFFFFE000  }
0xa9: {  	[spmem:s21] =	stream.indirect.scatter.add.f32 [tilespmem:s19], [sflag:$0x3], $0x40, s14, s18, $0xb8;
	[tilespmem:$0x16700] =	vst v63  }
0xaa: {  	_ =	swait.ge [sflag:s22], $0x2000  }
.Ltmp0:
0xab: {  	[sflag:s22] =	ssyncset.done $0x0;
	(pc) =	sbr.rel @p2 .LBB2_2-.Ltmp0, $4  }
0xac: {  	[sflag:s22] =	ssyncadd.s32 $0xFFFFE000  }
0xad: {  	[spmem:s24] =	stream.indirect.scatter.add.f32 @!p0 [tilespmem:s30], [sflag:$0x2], $0x10, s14, s28, $0xb8;
	[tilespmem:$0x16700] =	vst v63  }
0xae: {  	_ =	swait.ge @!p0 [sflag:s25], $0x800  }
0xaf: {  	[sflag:s25] =	ssyncset.done @!p0 $0x0  }
0xb0: {  	s11 =	sshra.s32 s11, $0x2;
	[sflag:s25] =	ssyncadd.s32 @!p0 $0xFFFFF800  }
0xb1: {  	[tilespmem:s19], [sflag:$0x1] =	stream.indirect.gather [hbm4b:s12+s18], $0x40, s11, s18, $0xb8;
	[tilespmem:$0x16700] =	vst v63  }
0xb2: {  	_ =	swait.ge [sflag:s20], $0x2000  }
0xb3: {  	[sflag:s20] =	ssyncset.done $0x0  }
0xb4: {  	s11 =	sadd.s32 $0x2780, s11;
	[sflag:s20] =	ssyncadd.s32 $0xFFFFE000  }
0xb5: {  	[spmem:s21] =	stream.indirect.scatter.add.f32 [tilespmem:s19], [sflag:$0x3], $0x40, s11, s18, $0xb8;
	[tilespmem:$0x16700] =	vst v63  }
0xb6: {  	_ =	swait.ge [sflag:s22], $0x2000  }
0xb7: {  	[sflag:s22] =	ssyncset.done $0x0  }
0xb8: {  	s13 =	simm.s32 @!p0 $0x80;
	s14 =	simm.s32 @!p0 $0x6F00;
	[sflag:s22] =	ssyncadd.s32 $0xFFFFE000  }
0xb9: {  	[spmem:s24] =	stream.indirect.scatter.add.f32 @!p0 [tilespmem:s14], [sflag:$0x2], $0x10, s11, s13, $0xb8;
	[tilespmem:$0x16700] =	vst v63  }
0xba: {  	_ =	swait.ge @!p0 [sflag:s25], $0x800  }
0xbb: {  	[sflag:s25] =	ssyncset.done @!p0 $0x0  }
0xbc: {  	[sflag:s25] =	ssyncadd.s32 @!p0 $0xFFFFF800  }
0xbd: {  	[bflag:$0x0] =	sbarrier.arrive $0xFFFF  }
0xbe: {  	[tilespmem:s19], [sflag:$0x2] =	stream.linear.gather [spmem:s31], $0x2000, $0x38;
	[tilespmem:$0x16700] =	vst v63  }
0xbf: {  	_ =	swait.ge [sflag:s16], $0x2000  }
0xc0: {  	[sflag:s16] =	ssyncset.done $0x0  }
0xc1: {  	s14 =	rddreg [dreg:$0x10];
	[sflag:s16] =	ssyncadd.s32 $0xFFFFE000  }
0xc2: {  	[hbm4b:s14+s5] =	stream.linear.scatter [tilespmem:s19], [sflag:$0x2], $0x2000, $0x38;
	[tilespmem:$0x16700] =	vst v63  }
0xc3: {  	_ =	swait.ge [sflag:s16], $0x2000  }
0xc4: {  	[sflag:s16] =	ssyncset.done $0x0  }
0xc5: {  	[sflag:s16] =	ssyncadd.s32 $0xFFFFE000  }
0xc6: {  	[tilespmem:s19], [sflag:$0x2] =	stream.linear.gather [spmem:s1], $0x2000, $0x38;
	[tilespmem:$0x16700] =	vst v63  }
0xc7: {  	_ =	swait.ge [sflag:s16], $0x2000  }
0xc8: {  	[sflag:s16] =	ssyncset.done $0x0  }
0xc9: {  	s25 =	rddreg [dreg:$0x11];
	[sflag:s16] =	ssyncadd.s32 $0xFFFFE000  }
0xca: {  	[hbm4b:s25+s5] =	stream.linear.scatter [tilespmem:s19], [sflag:$0x2], $0x2000, $0x38;
	[tilespmem:$0x16700] =	vst v63  }
0xcb: {  	_ =	swait.ge [sflag:s16], $0x2000  }
0xcc: {  	[sflag:s16] =	ssyncset.done $0x0  }
0xcd: {  	[sflag:s16] =	ssyncadd.s32 $0xFFFFE000  }
0xce: {  	[tilespmem:s19], [sflag:$0x2] =	stream.linear.gather [spmem:s2], $0x2000, $0x38;
	[tilespmem:$0x16700] =	vst v63  }
0xcf: {  	_ =	swait.ge [sflag:s16], $0x2000  }
0xd0: {  	[sflag:s16] =	ssyncset.done $0x0  }
0xd1: {  	s28 =	rddreg [dreg:$0x12];
	[sflag:s16] =	ssyncadd.s32 $0xFFFFE000  }
0xd2: {  	[hbm4b:s28+s5] =	stream.linear.scatter [tilespmem:s19], [sflag:$0x2], $0x2000, $0x38;
	[tilespmem:$0x16700] =	vst v63  }
0xd3: {  	_ =	swait.ge [sflag:s16], $0x2000  }
0xd4: {  	[sflag:s16] =	ssyncset.done $0x0  }
0xd5: {  	[sflag:s16] =	ssyncadd.s32 $0xFFFFE000  }
0xd6: {  	[tilespmem:s19], [sflag:$0x2] =	stream.linear.gather [spmem:s6], $0x2000, $0x38;
	[tilespmem:$0x16700] =	vst v63  }
0xd7: {  	_ =	swait.ge [sflag:s16], $0x2000  }
0xd8: {  	[sflag:s16] =	ssyncset.done $0x0  }
0xd9: {  	s30 =	rddreg [dreg:$0x13];
	[sflag:s16] =	ssyncadd.s32 $0xFFFFE000  }
0xda: {  	[hbm4b:s30+s5] =	stream.linear.scatter [tilespmem:s19], [sflag:$0x2], $0x2000, $0x38;
	[tilespmem:$0x16700] =	vst v63  }
0xdb: {  	_ =	swait.ge [sflag:s16], $0x2000  }
0xdc: {  	[sflag:s16] =	ssyncset.done $0x0  }
0xdd: {  	[sflag:s16] =	ssyncadd.s32 $0xFFFFE000  }
0xde: {  	[tilespmem:s19], [sflag:$0x2] =	stream.linear.gather [spmem:s7], $0x2000, $0x38;
	[tilespmem:$0x16700] =	vst v63  }
0xdf: {  	_ =	swait.ge [sflag:s16], $0x2000  }
0xe0: {  	[sflag:s16] =	ssyncset.done $0x0  }
0xe1: {  	s13 =	rddreg [dreg:$0x14];
	[sflag:s16] =	ssyncadd.s32 $0xFFFFE000  }
0xe2: {  	[hbm4b:s13+s5] =	stream.linear.scatter [tilespmem:s19], [sflag:$0x2], $0x2000, $0x38;
	[tilespmem:$0x16700] =	vst v63  }
0xe3: {  	_ =	swait.ge [sflag:s16], $0x2000  }
0xe4: {  	[sflag:s16] =	ssyncset.done $0x0  }
0xe5: {  	s11 =	simm.s32 @!p0 $0x9700;
	s13 =	simm.s32 @!p0 $0x2;
	[sflag:s16] =	ssyncadd.s32 $0xFFFFE000  }
0xe6: {  	[tilespmem:s11], [sflag:$0x2] =	stream.linear.gather @!p0 [spmem:s10], $0x800, $0x38;
	[tilespmem:$0x16700] =	vst v63  }
0xe7: {  	_ =	swait.ge @!p0 [sflag:s13], $0x800  }
0xe8: {  	s25 =	sld [smem:$0x7E9]  }
0xe9: {  	[sflag:s13] =	ssyncset.done @!p0 $0x0  }
0xea: {  	s14 =	simm.s32 @!p0 $0x0;
	[sflag:s13] =	ssyncadd.s32 @!p0 $0xFFFFF800  }
0xeb: {  	[hbm4b:s25+s14] =	stream.linear.scatter @!p0 [tilespmem:s11], [sflag:$0x2], $0x800, $0x38;
	[tilespmem:$0x16700] =	vst v63  }
0xec: {  	_ =	swait.ge @!p0 [sflag:s13], $0x800  }
0xed: {  	[sflag:s13] =	ssyncset.done @!p0 $0x0  }
0xee: {  	[sflag:s13] =	ssyncadd.s32 @!p0 $0xFFFFF800  }
0xef: {  	[tilespmem:s11], [sflag:$0x2] =	stream.linear.gather @!p0 [spmem:s3], $0x800, $0x38;
	[tilespmem:$0x16700] =	vst v63  }
0xf0: {  	_ =	swait.ge @!p0 [sflag:s13], $0x800  }
0xf1: {  	s25 =	sld [smem:$0x7EA]  }
0xf2: {  	[sflag:s13] =	ssyncset.done @!p0 $0x0  }
0xf3: {  	[sflag:s13] =	ssyncadd.s32 @!p0 $0xFFFFF800  }
0xf4: {  	[hbm4b:s25+s14] =	stream.linear.scatter @!p0 [tilespmem:s11], [sflag:$0x2], $0x800, $0x38;
	[tilespmem:$0x16700] =	vst v63  }
0xf5: {  	_ =	swait.ge @!p0 [sflag:s13], $0x800  }
0xf6: {  	[sflag:s13] =	ssyncset.done @!p0 $0x0  }
0xf7: {  	[sflag:s13] =	ssyncadd.s32 @!p0 $0xFFFFF800  }
0xf8: {  	[tilespmem:s11], [sflag:$0x2] =	stream.linear.gather @!p0 [spmem:s4], $0x800, $0x38;
	[tilespmem:$0x16700] =	vst v63  }
0xf9: {  	_ =	swait.ge @!p0 [sflag:s13], $0x800  }
0xfa: {  	s25 =	sld [smem:$0x7EB]  }
0xfb: {  	[sflag:s13] =	ssyncset.done @!p0 $0x0  }
0xfc: {  	[sflag:s13] =	ssyncadd.s32 @!p0 $0xFFFFF800  }
0xfd: {  	[hbm4b:s25+s14] =	stream.linear.scatter @!p0 [tilespmem:s11], [sflag:$0x2], $0x800, $0x38;
	[tilespmem:$0x16700] =	vst v63  }
0xfe: {  	_ =	swait.ge @!p0 [sflag:s13], $0x800  }
0xff: {  	[sflag:s13] =	ssyncset.done @!p0 $0x0  }
0x100: {  	[sflag:s13] =	ssyncadd.s32 @!p0 $0xFFFFF800  }
0x101: {  	[tilespmem:s11], [sflag:$0x2] =	stream.linear.gather @!p0 [spmem:s8], $0x800, $0x38;
	[tilespmem:$0x16700] =	vst v63  }
0x102: {  	_ =	swait.ge @!p0 [sflag:s13], $0x800  }
0x103: {  	s25 =	sld [smem:$0x7EC]  }
0x104: {  	[sflag:s13] =	ssyncset.done @!p0 $0x0  }
0x105: {  	[sflag:s13] =	ssyncadd.s32 @!p0 $0xFFFFF800  }
0x106: {  	[hbm4b:s25+s14] =	stream.linear.scatter @!p0 [tilespmem:s11], [sflag:$0x2], $0x800, $0x38;
	[tilespmem:$0x16700] =	vst v63  }
0x107: {  	_ =	swait.ge @!p0 [sflag:s13], $0x800  }
0x108: {  	[sflag:s13] =	ssyncset.done @!p0 $0x0  }
0x109: {  	[sflag:s13] =	ssyncadd.s32 @!p0 $0xFFFFF800  }
0x10a: {  	[tilespmem:s11], [sflag:$0x2] =	stream.linear.gather @!p0 [spmem:s9], $0x800, $0x38;
	[tilespmem:$0x16700] =	vst v63  }
0x10b: {  	_ =	swait.ge @!p0 [sflag:s13], $0x800  }
0x10c: {  	s25 =	sld [smem:$0x7ED]  }
0x10d: {  	[sflag:s13] =	ssyncset.done @!p0 $0x0  }
0x10e: {  	[sflag:s13] =	ssyncadd.s32 @!p0 $0xFFFFF800  }
0x10f: {  	[hbm4b:s25+s14] =	stream.linear.scatter @!p0 [tilespmem:s11], [sflag:$0x2], $0x800, $0x38;
	[tilespmem:$0x16700] =	vst v63  }
0x110: {  	_ =	swait.ge @!p0 [sflag:s13], $0x800  }
0x111: {  	[sflag:s13] =	ssyncset.done @!p0 $0x0  }
0x112: {  	[sflag:s13] =	ssyncadd.s32 @!p0 $0xFFFFF800  }
0x113: {  	[bflag:$0x0] =	sbarrier.arrive $0xFFFF  }
0x114: {  	[spmem:s31] =	stream.linear.scatter [tilespmem:s15], [sflag:$0x2], $0x2000, $0x38;
	[tilespmem:$0x16700] =	vst v63  }
0x115: {  	_ =	swait.ge [sflag:s16], $0x2000  }
0x116: {  	[sflag:s16] =	ssyncset.done $0x0  }
0x117: {  	[sflag:s16] =	ssyncadd.s32 $0xFFFFE000  }
0x118: {  	[spmem:s1] =	stream.linear.scatter [tilespmem:s15], [sflag:$0x2], $0x2000, $0x38;
	[tilespmem:$0x16700] =	vst v63  }
0x119: {  	_ =	swait.ge [sflag:s16], $0x2000  }
0x11a: {  	[sflag:s16] =	ssyncset.done $0x0  }
0x11b: {  	[sflag:s16] =	ssyncadd.s32 $0xFFFFE000  }
0x11c: {  	[spmem:s2] =	stream.linear.scatter [tilespmem:s15], [sflag:$0x2], $0x2000, $0x38;
	[tilespmem:$0x16700] =	vst v63  }
0x11d: {  	_ =	swait.ge [sflag:s16], $0x2000  }
0x11e: {  	[sflag:s16] =	ssyncset.done $0x0  }
0x11f: {  	[sflag:s16] =	ssyncadd.s32 $0xFFFFE000  }
0x120: {  	[spmem:s6] =	stream.linear.scatter [tilespmem:s15], [sflag:$0x2], $0x2000, $0x38;
	[tilespmem:$0x16700] =	vst v63  }
0x121: {  	_ =	swait.ge [sflag:s16], $0x2000  }
0x122: {  	[sflag:s16] =	ssyncset.done $0x0  }
0x123: {  	[sflag:s16] =	ssyncadd.s32 $0xFFFFE000  }
0x124: {  	[spmem:s7] =	stream.linear.scatter [tilespmem:s15], [sflag:$0x2], $0x2000, $0x38;
	[tilespmem:$0x16700] =	vst v63  }
0x125: {  	_ =	swait.ge [sflag:s16], $0x2000  }
0x126: {  	[sflag:s16] =	ssyncset.done $0x0  }
0x127: {  	[sflag:s16] =	ssyncadd.s32 $0xFFFFE000  }
0x128: {  	[bflag:$0x0] =	sbarrier.arrive $0xFFFF  }
0x129: {  	s14 =	simm.s32 $0x0;
	s25 =	rddreg [dreg:$0xb]  }
0x12a: {  	[tilespmem:s14], [sflag:$0x2] =	stream.linear.gather [hbm4b:s25+s14], $0x2780, $0x38;
	[tilespmem:$0x16700] =	vst v63  }
0x12b: {  	_ =	swait.ge [sflag:s16], $0x2780  }
0x12c: {  	[sflag:s16] =	ssyncset.done $0x0  }
0x12d: {  	s28 =	simm.s32 $0x0;
	[sflag:s16] =	ssyncadd.s32 $0xFFFFD880  }
0x12e: {  	[tilespmem:s19], [sflag:$0x1] =	stream.indirect.gather [hbm4b:s12+s18], $0x40, s28, s18, $0xb8;
	[tilespmem:$0x16700] =	vst v63  }
0x12f: {  	_ =	swait.ge [sflag:s20], $0x2000  }
0x130: {  	[sflag:s20] =	ssyncset.done $0x0  }
0x131: {  	s30 =	simm.s32 $0x2780;
	[sflag:s20] =	ssyncadd.s32 $0xFFFFE000  }
0x132: {  	[spmem:s21] =	stream.indirect.scatter.add.f32 [tilespmem:s19], [sflag:$0x2], $0x40, s30, s18, $0xb8;
	[tilespmem:$0x16700] =	vst v63  }
0x133: {  	_ =	swait.ge [sflag:s16], $0x2000  }
0x134: {  	s11 =	simm.s32 $0x200;
	s13 =	simm.s32 $0x400;
	[sflag:s16] =	ssyncset.done $0x0  }
.LBB2_4:
0x135: {  	s14 =	sshra.s32 s11, $0x2  }
0x136: {  	[sflag:s16] =	ssyncadd.s32 $0xFFFFE000;
	s11 =	smov.u32 s13;
	s25 =	sadd.s32 $0x200, s13  }
0x137: {  	[tilespmem:s19], [sflag:$0x1] =	stream.indirect.gather [hbm4b:s12+s18], $0x40, s14, s18, $0xb8;
	[tilespmem:$0x16700] =	vst v63  }
0x138: {  	p2 =	sne.s32 s13, $0x9C00;
	_ =	swait.ge [sflag:s20], $0x2000  }
.Ltmp1:
0x139: {  	[sflag:s20] =	ssyncset.done $0x0;
	(pc) =	sbr.rel @p2 .LBB2_4-.Ltmp1, $4  }
0x13a: {  	s13 =	sadd.s32 $0x2780, s14;
	[sflag:s20] =	ssyncadd.s32 $0xFFFFE000  }
0x13b: {  	[spmem:s21] =	stream.indirect.scatter.add.f32 [tilespmem:s19], [sflag:$0x2], $0x40, s13, s18, $0xb8;
	[tilespmem:$0x16700] =	vst v63  }
0x13c: {  	_ =	swait.ge [sflag:s16], $0x2000  }
0x13d: {  	s13 =	smov.u32 s25;
	[sflag:s16] =	ssyncset.done $0x0  }
0x13e: {  	s11 =	sshra.s32 s11, $0x2;
	[sflag:s16] =	ssyncadd.s32 $0xFFFFE000  }
0x13f: {  	[tilespmem:s19], [sflag:$0x1] =	stream.indirect.gather [hbm4b:s12+s18], $0x40, s11, s18, $0xb8;
	[tilespmem:$0x16700] =	vst v63  }
0x140: {  	_ =	swait.ge [sflag:s20], $0x2000  }
0x141: {  	[sflag:s20] =	ssyncset.done $0x0  }
0x142: {  	s11 =	sadd.s32 $0x2780, s11;
	[sflag:s20] =	ssyncadd.s32 $0xFFFFE000  }
0x143: {  	[spmem:s21] =	stream.indirect.scatter.add.f32 [tilespmem:s19], [sflag:$0x2], $0x40, s11, s18, $0xb8;
	[tilespmem:$0x16700] =	vst v63  }
0x144: {  	_ =	swait.ge [sflag:s16], $0x2000  }
0x145: {  	[sflag:s16] =	ssyncset.done $0x0  }
0x146: {  	[sflag:s16] =	ssyncadd.s32 $0xFFFFE000  }
0x147: {  	[bflag:$0x0] =	sbarrier.arrive $0xFFFF  }
0x148: {  	[tilespmem:s19], [sflag:$0x2] =	stream.linear.gather [spmem:s31], $0x2000, $0x38;
	[tilespmem:$0x16700] =	vst v63  }
0x149: {  	_ =	swait.ge [sflag:s16], $0x2000  }
0x14a: {  	[sflag:s16] =	ssyncset.done $0x0  }
0x14b: {  	s13 =	rddreg [dreg:$0x15];
	[sflag:s16] =	ssyncadd.s32 $0xFFFFE000  }
0x14c: {  	[hbm4b:s13+s5] =	stream.linear.scatter [tilespmem:s19], [sflag:$0x2], $0x2000, $0x38;
	[tilespmem:$0x16700] =	vst v63  }
0x14d: {  	_ =	swait.ge [sflag:s16], $0x2000  }
0x14e: {  	[sflag:s16] =	ssyncset.done $0x0  }
0x14f: {  	[sflag:s16] =	ssyncadd.s32 $0xFFFFE000  }
0x150: {  	[tilespmem:s19], [sflag:$0x2] =	stream.linear.gather [spmem:s1], $0x2000, $0x38;
	[tilespmem:$0x16700] =	vst v63  }
0x151: {  	_ =	swait.ge [sflag:s16], $0x2000  }
0x152: {  	[sflag:s16] =	ssyncset.done $0x0  }
0x153: {  	s14 =	rddreg [dreg:$0x16];
	[sflag:s16] =	ssyncadd.s32 $0xFFFFE000  }
0x154: {  	[hbm4b:s14+s5] =	stream.linear.scatter [tilespmem:s19], [sflag:$0x2], $0x2000, $0x38;
	[tilespmem:$0x16700] =	vst v63  }
0x155: {  	_ =	swait.ge [sflag:s16], $0x2000  }
0x156: {  	[sflag:s16] =	ssyncset.done $0x0  }
0x157: {  	[sflag:s16] =	ssyncadd.s32 $0xFFFFE000  }
0x158: {  	[tilespmem:s19], [sflag:$0x2] =	stream.linear.gather [spmem:s2], $0x2000, $0x38;
	[tilespmem:$0x16700] =	vst v63  }
0x159: {  	_ =	swait.ge [sflag:s16], $0x2000  }
0x15a: {  	[sflag:s16] =	ssyncset.done $0x0  }
0x15b: {  	s25 =	rddreg [dreg:$0x17];
	[sflag:s16] =	ssyncadd.s32 $0xFFFFE000  }
0x15c: {  	[hbm4b:s25+s5] =	stream.linear.scatter [tilespmem:s19], [sflag:$0x2], $0x2000, $0x38;
	[tilespmem:$0x16700] =	vst v63  }
0x15d: {  	_ =	swait.ge [sflag:s16], $0x2000  }
0x15e: {  	[sflag:s16] =	ssyncset.done $0x0  }
0x15f: {  	[sflag:s16] =	ssyncadd.s32 $0xFFFFE000  }
0x160: {  	[tilespmem:s19], [sflag:$0x2] =	stream.linear.gather [spmem:s6], $0x2000, $0x38;
	[tilespmem:$0x16700] =	vst v63  }
0x161: {  	_ =	swait.ge [sflag:s16], $0x2000  }
0x162: {  	[sflag:s16] =	ssyncset.done $0x0  }
0x163: {  	s13 =	rddreg [dreg:$0x18];
	[sflag:s16] =	ssyncadd.s32 $0xFFFFE000  }
0x164: {  	[hbm4b:s13+s5] =	stream.linear.scatter [tilespmem:s19], [sflag:$0x2], $0x2000, $0x38;
	[tilespmem:$0x16700] =	vst v63  }
0x165: {  	_ =	swait.ge [sflag:s16], $0x2000  }
0x166: {  	[sflag:s16] =	ssyncset.done $0x0  }
0x167: {  	[sflag:s16] =	ssyncadd.s32 $0xFFFFE000  }
0x168: {  	[tilespmem:s19], [sflag:$0x2] =	stream.linear.gather [spmem:s7], $0x2000, $0x38;
	[tilespmem:$0x16700] =	vst v63  }
0x169: {  	_ =	swait.ge [sflag:s16], $0x2000  }
0x16a: {  	[sflag:s16] =	ssyncset.done $0x0  }
0x16b: {  	s14 =	rddreg [dreg:$0x19];
	[sflag:s16] =	ssyncadd.s32 $0xFFFFE000  }
0x16c: {  	[hbm4b:s14+s5] =	stream.linear.scatter [tilespmem:s19], [sflag:$0x2], $0x2000, $0x38;
	[tilespmem:$0x16700] =	vst v63  }
0x16d: {  	_ =	swait.ge [sflag:s16], $0x2000  }
0x16e: {  	[sflag:s16] =	ssyncset.done $0x0  }
0x16f: {  	[sflag:s16] =	ssyncadd.s32 $0xFFFFE000  }
0x170: {  	[bflag:$0x0] =	sbarrier.arrive $0xFFFF  }
0x171: {  	s25 =	sld [smem:$0x7FB];
	_ =	sdelay $0x2  }
0x172: {  	[tilespmem:s17], [sflag:$0x2] =	stream.linear.gather [hbm4b:s25+s5], $0x2780, $0x38;
	[tilespmem:$0x16700] =	vst v63  }
0x173: {  	_ =	swait.ge [sflag:s16], $0x2780  }
0x174: {  	[sflag:s16] =	ssyncset.done $0x0  }
0x175: {  	[sflag:s16] =	ssyncadd.s32 $0xFFFFD880  }
0x176: {  	[spmem:s31] =	stream.linear.scatter [tilespmem:s15], [sflag:$0x2], $0x2000, $0x38;
	[tilespmem:$0x16700] =	vst v63  }
0x177: {  	_ =	swait.ge [sflag:s16], $0x2000  }
0x178: {  	[sflag:s16] =	ssyncset.done $0x0  }
0x179: {  	[sflag:s16] =	ssyncadd.s32 $0xFFFFE000  }
0x17a: {  	[spmem:s1] =	stream.linear.scatter [tilespmem:s15], [sflag:$0x2], $0x2000, $0x38;
	[tilespmem:$0x16700] =	vst v63  }
0x17b: {  	_ =	swait.ge [sflag:s16], $0x2000  }
0x17c: {  	[sflag:s16] =	ssyncset.done $0x0  }
0x17d: {  	[sflag:s16] =	ssyncadd.s32 $0xFFFFE000  }
0x17e: {  	[spmem:s2] =	stream.linear.scatter [tilespmem:s15], [sflag:$0x2], $0x2000, $0x38;
	[tilespmem:$0x16700] =	vst v63  }
0x17f: {  	_ =	swait.ge [sflag:s16], $0x2000  }
0x180: {  	[sflag:s16] =	ssyncset.done $0x0  }
0x181: {  	[sflag:s16] =	ssyncadd.s32 $0xFFFFE000  }
0x182: {  	[spmem:s6] =	stream.linear.scatter [tilespmem:s15], [sflag:$0x2], $0x2000, $0x38;
	[tilespmem:$0x16700] =	vst v63  }
0x183: {  	_ =	swait.ge [sflag:s16], $0x2000  }
0x184: {  	[sflag:s16] =	ssyncset.done $0x0  }
0x185: {  	[sflag:s16] =	ssyncadd.s32 $0xFFFFE000  }
0x186: {  	[spmem:s7] =	stream.linear.scatter [tilespmem:s15], [sflag:$0x2], $0x2000, $0x38;
	[tilespmem:$0x16700] =	vst v63  }
0x187: {  	_ =	swait.ge [sflag:s16], $0x2000  }
0x188: {  	s11 =	simm.s32 @!p1 $0x0;
	[sflag:s16] =	ssyncset.done $0x0  }
0x189: {  	s13 =	simm.s32 @!p1 $0x9700;
	s25 =	simm.s32 @!p1 $0x2;
	[sflag:s16] =	ssyncadd.s32 $0xFFFFE000  }
0x18a: {  	[tilespmem:s13], [sflag:$0x2] =	stream.linear.gather @!p1 [hbm4b:s29+s11], $0x800, $0x38;
	[tilespmem:$0x16700] =	vst v63  }
0x18b: {  	_ =	swait.ge @!p1 [sflag:s25], $0x800  }
0x18c: {  	[sflag:s25] =	ssyncset.done @!p1 $0x0  }
0x18d: {  	[sflag:s25] =	ssyncadd.s32 @!p1 $0xFFFFF800  }
0x18e: {  	[spmem:s0] =	stream.linear.scatter @!p1 [tilespmem:s13], [sflag:$0x2], $0x800, $0x38;
	[tilespmem:$0x16700] =	vst v63  }
0x18f: {  	_ =	swait.ge @!p1 [sflag:s25], $0x800  }
0x190: {  	[sflag:s25] =	ssyncset.done @!p1 $0x0  }
0x191: {  	[sflag:s25] =	ssyncadd.s32 @!p1 $0xFFFFF800  }
0x192: {  	[spmem:s3] =	stream.linear.scatter @!p1 [tilespmem:s13], [sflag:$0x2], $0x800, $0x38;
	[tilespmem:$0x16700] =	vst v63  }
0x193: {  	_ =	swait.ge @!p1 [sflag:s25], $0x800  }
0x194: {  	[sflag:s25] =	ssyncset.done @!p1 $0x0  }
0x195: {  	[sflag:s25] =	ssyncadd.s32 @!p1 $0xFFFFF800  }
0x196: {  	[spmem:s4] =	stream.linear.scatter @!p1 [tilespmem:s13], [sflag:$0x2], $0x800, $0x38;
	[tilespmem:$0x16700] =	vst v63  }
0x197: {  	_ =	swait.ge @!p1 [sflag:s25], $0x800  }
0x198: {  	[sflag:s25] =	ssyncset.done @!p1 $0x0  }
0x199: {  	[sflag:s25] =	ssyncadd.s32 @!p1 $0xFFFFF800  }
0x19a: {  	[spmem:s8] =	stream.linear.scatter @!p1 [tilespmem:s13], [sflag:$0x2], $0x800, $0x38;
	[tilespmem:$0x16700] =	vst v63  }
0x19b: {  	_ =	swait.ge @!p1 [sflag:s25], $0x800  }
0x19c: {  	[sflag:s25] =	ssyncset.done @!p1 $0x0  }
0x19d: {  	[sflag:s25] =	ssyncadd.s32 @!p1 $0xFFFFF800  }
0x19e: {  	[spmem:s9] =	stream.linear.scatter @!p1 [tilespmem:s13], [sflag:$0x2], $0x800, $0x38;
	[tilespmem:$0x16700] =	vst v63  }
0x19f: {  	_ =	swait.ge @!p1 [sflag:s25], $0x800  }
0x1a0: {  	[sflag:s25] =	ssyncset.done @!p1 $0x0  }
0x1a1: {  	[sflag:s25] =	ssyncadd.s32 @!p1 $0xFFFFF800  }
0x1a2: {  	[bflag:$0x0] =	sbarrier.arrive $0xFFFF  }
0x1a3: {  	s13 =	simm.s32 $0x0;
	s14 =	rddreg [dreg:$0xc]  }
0x1a4: {  	[tilespmem:s13], [sflag:$0x2] =	stream.linear.gather [hbm4b:s14+s13], $0x2780, $0x38;
	[tilespmem:$0x16700] =	vst v63  }
0x1a5: {  	_ =	swait.ge [sflag:s16], $0x2780  }
0x1a6: {  	[sflag:s16] =	ssyncset.done $0x0  }
0x1a7: {  	s14 =	simm.s32 $0x0;
	[sflag:s16] =	ssyncadd.s32 $0xFFFFD880  }
0x1a8: {  	[tilespmem:s19], [sflag:$0x1] =	stream.indirect.gather [hbm4b:s26+s18], $0x40, s14, s18, $0xb8;
	[tilespmem:$0x16700] =	vst v63  }
0x1a9: {  	_ =	swait.ge [sflag:s20], $0x2000  }
0x1aa: {  	[sflag:s20] =	ssyncset.done $0x0  }
0x1ab: {  	s11 =	simm.s32 $0x2780;
	[sflag:s20] =	ssyncadd.s32 $0xFFFFE000  }
0x1ac: {  	[spmem:s21] =	stream.indirect.scatter.add.f32 [tilespmem:s19], [sflag:$0x3], $0x40, s11, s18, $0xb8;
	[tilespmem:$0x16700] =	vst v63  }
0x1ad: {  	_ =	swait.ge [sflag:s22], $0x2000  }
0x1ae: {  	[sflag:s22] =	ssyncset.done $0x0  }
0x1af: {  	s28 =	simm.s32 @!p1 $0x80;
	s30 =	simm.s32 @!p1 $0x6F00;
	[sflag:s22] =	ssyncadd.s32 $0xFFFFE000  }
0x1b0: {  	[spmem:s24] =	stream.indirect.scatter.add.f32 @!p1 [tilespmem:s30], [sflag:$0x2], $0x10, s11, s28, $0xb8;
	[tilespmem:$0x16700] =	vst v63  }
0x1b1: {  	_ =	swait.ge @!p1 [sflag:s25], $0x800  }
0x1b2: {  	s13 =	simm.s32 $0x400;
	s11 =	simm.s32 $0x200;
	[sflag:s25] =	ssyncset.done @!p1 $0x0  }
.LBB2_6:
0x1b3: {  	s14 =	sshra.s32 s11, $0x2  }
0x1b4: {  	[sflag:s25] =	ssyncadd.s32 @!p1 $0xFFFFF800;
	s11 =	smov.u32 s13;
	s13 =	sadd.s32 $0x200, s13  }
0x1b5: {  	[tilespmem:s19], [sflag:$0x1] =	stream.indirect.gather [hbm4b:s26+s18], $0x40, s14, s18, $0xb8;
	[tilespmem:$0x16700] =	vst v63  }
0x1b6: {  	p2 =	sne.s32 s13, $0x9E00;
	_ =	swait.ge [sflag:s20], $0x2000  }
0x1b7: {  	[sflag:s20] =	ssyncset.done $0x0  }
0x1b8: {  	s14 =	sadd.s32 $0x2780, s14;
	[sflag:s20] =	ssyncadd.s32 $0xFFFFE000  }
0x1b9: {  	[spmem:s21] =	stream.indirect.scatter.add.f32 [tilespmem:s19], [sflag:$0x3], $0x40, s14, s18, $0xb8;
	[tilespmem:$0x16700] =	vst v63  }
0x1ba: {  	_ =	swait.ge [sflag:s22], $0x2000  }
.Ltmp2:
0x1bb: {  	[sflag:s22] =	ssyncset.done $0x0;
	(pc) =	sbr.rel @p2 .LBB2_6-.Ltmp2, $4  }
0x1bc: {  	[sflag:s22] =	ssyncadd.s32 $0xFFFFE000  }
0x1bd: {  	[spmem:s24] =	stream.indirect.scatter.add.f32 @!p1 [tilespmem:s30], [sflag:$0x2], $0x10, s14, s28, $0xb8;
	[tilespmem:$0x16700] =	vst v63  }
0x1be: {  	_ =	swait.ge @!p1 [sflag:s25], $0x800  }
0x1bf: {  	[sflag:s25] =	ssyncset.done @!p1 $0x0  }
0x1c0: {  	s11 =	sshra.s32 s11, $0x2;
	[sflag:s25] =	ssyncadd.s32 @!p1 $0xFFFFF800  }
0x1c1: {  	[tilespmem:s19], [sflag:$0x1] =	stream.indirect.gather [hbm4b:s26+s18], $0x40, s11, s18, $0xb8;
	[tilespmem:$0x16700] =	vst v63  }
0x1c2: {  	_ =	swait.ge [sflag:s20], $0x2000  }
0x1c3: {  	[sflag:s20] =	ssyncset.done $0x0  }
0x1c4: {  	s11 =	sadd.s32 $0x2780, s11;
	[sflag:s20] =	ssyncadd.s32 $0xFFFFE000  }
0x1c5: {  	[spmem:s21] =	stream.indirect.scatter.add.f32 [tilespmem:s19], [sflag:$0x3], $0x40, s11, s18, $0xb8;
	[tilespmem:$0x16700] =	vst v63  }
0x1c6: {  	_ =	swait.ge [sflag:s22], $0x2000  }
0x1c7: {  	[sflag:s22] =	ssyncset.done $0x0  }
0x1c8: {  	s13 =	simm.s32 @!p1 $0x80;
	s14 =	simm.s32 @!p1 $0x6F00;
	[sflag:s22] =	ssyncadd.s32 $0xFFFFE000  }
0x1c9: {  	[spmem:s24] =	stream.indirect.scatter.add.f32 @!p1 [tilespmem:s14], [sflag:$0x2], $0x10, s11, s13, $0xb8;
	[tilespmem:$0x16700] =	vst v63  }
0x1ca: {  	_ =	swait.ge @!p1 [sflag:s25], $0x800  }
0x1cb: {  	[sflag:s25] =	ssyncset.done @!p1 $0x0  }
0x1cc: {  	[sflag:s25] =	ssyncadd.s32 @!p1 $0xFFFFF800  }
0x1cd: {  	[bflag:$0x0] =	sbarrier.arrive $0xFFFF  }
0x1ce: {  	[tilespmem:s19], [sflag:$0x2] =	stream.linear.gather [spmem:s31], $0x2000, $0x38;
	[tilespmem:$0x16700] =	vst v63  }
0x1cf: {  	_ =	swait.ge [sflag:s16], $0x2000  }
0x1d0: {  	[sflag:s16] =	ssyncset.done $0x0  }
0x1d1: {  	s14 =	rddreg [dreg:$0x1a];
	[sflag:s16] =	ssyncadd.s32 $0xFFFFE000  }
0x1d2: {  	[hbm4b:s14+s5] =	stream.linear.scatter [tilespmem:s19], [sflag:$0x2], $0x2000, $0x38;
	[tilespmem:$0x16700] =	vst v63  }
0x1d3: {  	_ =	swait.ge [sflag:s16], $0x2000  }
0x1d4: {  	[sflag:s16] =	ssyncset.done $0x0  }
0x1d5: {  	[sflag:s16] =	ssyncadd.s32 $0xFFFFE000  }
0x1d6: {  	[tilespmem:s19], [sflag:$0x2] =	stream.linear.gather [spmem:s1], $0x2000, $0x38;
	[tilespmem:$0x16700] =	vst v63  }
0x1d7: {  	_ =	swait.ge [sflag:s16], $0x2000  }
0x1d8: {  	[sflag:s16] =	ssyncset.done $0x0  }
0x1d9: {  	s25 =	rddreg [dreg:$0x1b];
	[sflag:s16] =	ssyncadd.s32 $0xFFFFE000  }
0x1da: {  	[hbm4b:s25+s5] =	stream.linear.scatter [tilespmem:s19], [sflag:$0x2], $0x2000, $0x38;
	[tilespmem:$0x16700] =	vst v63  }
0x1db: {  	_ =	swait.ge [sflag:s16], $0x2000  }
0x1dc: {  	[sflag:s16] =	ssyncset.done $0x0  }
0x1dd: {  	[sflag:s16] =	ssyncadd.s32 $0xFFFFE000  }
0x1de: {  	[tilespmem:s19], [sflag:$0x2] =	stream.linear.gather [spmem:s2], $0x2000, $0x38;
	[tilespmem:$0x16700] =	vst v63  }
0x1df: {  	_ =	swait.ge [sflag:s16], $0x2000  }
0x1e0: {  	[sflag:s16] =	ssyncset.done $0x0  }
0x1e1: {  	s28 =	rddreg [dreg:$0x1c];
	[sflag:s16] =	ssyncadd.s32 $0xFFFFE000  }
0x1e2: {  	[hbm4b:s28+s5] =	stream.linear.scatter [tilespmem:s19], [sflag:$0x2], $0x2000, $0x38;
	[tilespmem:$0x16700] =	vst v63  }
0x1e3: {  	_ =	swait.ge [sflag:s16], $0x2000  }
0x1e4: {  	[sflag:s16] =	ssyncset.done $0x0  }
0x1e5: {  	[sflag:s16] =	ssyncadd.s32 $0xFFFFE000  }
0x1e6: {  	[tilespmem:s19], [sflag:$0x2] =	stream.linear.gather [spmem:s6], $0x2000, $0x38;
	[tilespmem:$0x16700] =	vst v63  }
0x1e7: {  	_ =	swait.ge [sflag:s16], $0x2000  }
0x1e8: {  	[sflag:s16] =	ssyncset.done $0x0  }
0x1e9: {  	s30 =	rddreg [dreg:$0x1d];
	[sflag:s16] =	ssyncadd.s32 $0xFFFFE000  }
0x1ea: {  	[hbm4b:s30+s5] =	stream.linear.scatter [tilespmem:s19], [sflag:$0x2], $0x2000, $0x38;
	[tilespmem:$0x16700] =	vst v63  }
0x1eb: {  	_ =	swait.ge [sflag:s16], $0x2000  }
0x1ec: {  	[sflag:s16] =	ssyncset.done $0x0  }
0x1ed: {  	[sflag:s16] =	ssyncadd.s32 $0xFFFFE000  }
0x1ee: {  	[tilespmem:s19], [sflag:$0x2] =	stream.linear.gather [spmem:s7], $0x2000, $0x38;
	[tilespmem:$0x16700] =	vst v63  }
0x1ef: {  	_ =	swait.ge [sflag:s16], $0x2000  }
0x1f0: {  	[sflag:s16] =	ssyncset.done $0x0  }
0x1f1: {  	s13 =	rddreg [dreg:$0x1e];
	[sflag:s16] =	ssyncadd.s32 $0xFFFFE000  }
0x1f2: {  	[hbm4b:s13+s5] =	stream.linear.scatter [tilespmem:s19], [sflag:$0x2], $0x2000, $0x38;
	[tilespmem:$0x16700] =	vst v63  }
0x1f3: {  	_ =	swait.ge [sflag:s16], $0x2000  }
0x1f4: {  	[sflag:s16] =	ssyncset.done $0x0  }
0x1f5: {  	s11 =	simm.s32 @!p1 $0x9700;
	s13 =	simm.s32 @!p1 $0x2;
	[sflag:s16] =	ssyncadd.s32 $0xFFFFE000  }
0x1f6: {  	[tilespmem:s11], [sflag:$0x2] =	stream.linear.gather @!p1 [spmem:s10], $0x800, $0x38;
	[tilespmem:$0x16700] =	vst v63  }
0x1f7: {  	_ =	swait.ge @!p1 [sflag:s13], $0x800  }
0x1f8: {  	s25 =	sld [smem:$0x7EE]  }
0x1f9: {  	[sflag:s13] =	ssyncset.done @!p1 $0x0  }
0x1fa: {  	s14 =	simm.s32 @!p1 $0x0;
	[sflag:s13] =	ssyncadd.s32 @!p1 $0xFFFFF800  }
0x1fb: {  	[hbm4b:s25+s14] =	stream.linear.scatter @!p1 [tilespmem:s11], [sflag:$0x2], $0x800, $0x38;
	[tilespmem:$0x16700] =	vst v63  }
0x1fc: {  	_ =	swait.ge @!p1 [sflag:s13], $0x800  }
0x1fd: {  	[sflag:s13] =	ssyncset.done @!p1 $0x0  }
0x1fe: {  	[sflag:s13] =	ssyncadd.s32 @!p1 $0xFFFFF800  }
0x1ff: {  	[tilespmem:s11], [sflag:$0x2] =	stream.linear.gather @!p1 [spmem:s3], $0x800, $0x38;
	[tilespmem:$0x16700] =	vst v63  }
0x200: {  	_ =	swait.ge @!p1 [sflag:s13], $0x800  }
0x201: {  	s25 =	sld [smem:$0x7EF]  }
0x202: {  	[sflag:s13] =	ssyncset.done @!p1 $0x0  }
0x203: {  	[sflag:s13] =	ssyncadd.s32 @!p1 $0xFFFFF800  }
0x204: {  	[hbm4b:s25+s14] =	stream.linear.scatter @!p1 [tilespmem:s11], [sflag:$0x2], $0x800, $0x38;
	[tilespmem:$0x16700] =	vst v63  }
0x205: {  	_ =	swait.ge @!p1 [sflag:s13], $0x800  }
0x206: {  	[sflag:s13] =	ssyncset.done @!p1 $0x0  }
0x207: {  	[sflag:s13] =	ssyncadd.s32 @!p1 $0xFFFFF800  }
0x208: {  	[tilespmem:s11], [sflag:$0x2] =	stream.linear.gather @!p1 [spmem:s4], $0x800, $0x38;
	[tilespmem:$0x16700] =	vst v63  }
0x209: {  	_ =	swait.ge @!p1 [sflag:s13], $0x800  }
0x20a: {  	s25 =	sld [smem:$0x7F0]  }
0x20b: {  	[sflag:s13] =	ssyncset.done @!p1 $0x0  }
0x20c: {  	[sflag:s13] =	ssyncadd.s32 @!p1 $0xFFFFF800  }
0x20d: {  	[hbm4b:s25+s14] =	stream.linear.scatter @!p1 [tilespmem:s11], [sflag:$0x2], $0x800, $0x38;
	[tilespmem:$0x16700] =	vst v63  }
0x20e: {  	_ =	swait.ge @!p1 [sflag:s13], $0x800  }
0x20f: {  	[sflag:s13] =	ssyncset.done @!p1 $0x0  }
0x210: {  	[sflag:s13] =	ssyncadd.s32 @!p1 $0xFFFFF800  }
0x211: {  	[tilespmem:s11], [sflag:$0x2] =	stream.linear.gather @!p1 [spmem:s8], $0x800, $0x38;
	[tilespmem:$0x16700] =	vst v63  }
0x212: {  	_ =	swait.ge @!p1 [sflag:s13], $0x800  }
0x213: {  	s25 =	sld [smem:$0x7F1]  }
0x214: {  	[sflag:s13] =	ssyncset.done @!p1 $0x0  }
0x215: {  	[sflag:s13] =	ssyncadd.s32 @!p1 $0xFFFFF800  }
0x216: {  	[hbm4b:s25+s14] =	stream.linear.scatter @!p1 [tilespmem:s11], [sflag:$0x2], $0x800, $0x38;
	[tilespmem:$0x16700] =	vst v63  }
0x217: {  	_ =	swait.ge @!p1 [sflag:s13], $0x800  }
0x218: {  	[sflag:s13] =	ssyncset.done @!p1 $0x0  }
0x219: {  	[sflag:s13] =	ssyncadd.s32 @!p1 $0xFFFFF800  }
0x21a: {  	[tilespmem:s11], [sflag:$0x2] =	stream.linear.gather @!p1 [spmem:s9], $0x800, $0x38;
	[tilespmem:$0x16700] =	vst v63  }
0x21b: {  	_ =	swait.ge @!p1 [sflag:s13], $0x800  }
0x21c: {  	s25 =	sld [smem:$0x7F2]  }
0x21d: {  	[sflag:s13] =	ssyncset.done @!p1 $0x0  }
0x21e: {  	[sflag:s13] =	ssyncadd.s32 @!p1 $0xFFFFF800  }
0x21f: {  	[hbm4b:s25+s14] =	stream.linear.scatter @!p1 [tilespmem:s11], [sflag:$0x2], $0x800, $0x38;
	[tilespmem:$0x16700] =	vst v63  }
0x220: {  	_ =	swait.ge @!p1 [sflag:s13], $0x800  }
0x221: {  	[sflag:s13] =	ssyncset.done @!p1 $0x0  }
0x222: {  	[sflag:s13] =	ssyncadd.s32 @!p1 $0xFFFFF800  }
0x223: {  	[bflag:$0x0] =	sbarrier.arrive $0xFFFF  }
0x224: {  	[spmem:s31] =	stream.linear.scatter [tilespmem:s15], [sflag:$0x2], $0x2000, $0x38;
	[tilespmem:$0x16700] =	vst v63  }
0x225: {  	_ =	swait.ge [sflag:s16], $0x2000  }
0x226: {  	[sflag:s16] =	ssyncset.done $0x0  }
0x227: {  	[sflag:s16] =	ssyncadd.s32 $0xFFFFE000  }
0x228: {  	[spmem:s1] =	stream.linear.scatter [tilespmem:s15], [sflag:$0x2], $0x2000, $0x38;
	[tilespmem:$0x16700] =	vst v63  }
0x229: {  	_ =	swait.ge [sflag:s16], $0x2000  }
0x22a: {  	[sflag:s16] =	ssyncset.done $0x0  }
0x22b: {  	[sflag:s16] =	ssyncadd.s32 $0xFFFFE000  }
0x22c: {  	[spmem:s2] =	stream.linear.scatter [tilespmem:s15], [sflag:$0x2], $0x2000, $0x38;
	[tilespmem:$0x16700] =	vst v63  }
0x22d: {  	_ =	swait.ge [sflag:s16], $0x2000  }
0x22e: {  	[sflag:s16] =	ssyncset.done $0x0  }
0x22f: {  	[sflag:s16] =	ssyncadd.s32 $0xFFFFE000  }
0x230: {  	[spmem:s6] =	stream.linear.scatter [tilespmem:s15], [sflag:$0x2], $0x2000, $0x38;
	[tilespmem:$0x16700] =	vst v63  }
0x231: {  	_ =	swait.ge [sflag:s16], $0x2000  }
0x232: {  	[sflag:s16] =	ssyncset.done $0x0  }
0x233: {  	[sflag:s16] =	ssyncadd.s32 $0xFFFFE000  }
0x234: {  	[spmem:s7] =	stream.linear.scatter [tilespmem:s15], [sflag:$0x2], $0x2000, $0x38;
	[tilespmem:$0x16700] =	vst v63  }
0x235: {  	_ =	swait.ge [sflag:s16], $0x2000  }
0x236: {  	[sflag:s16] =	ssyncset.done $0x0  }
0x237: {  	[sflag:s16] =	ssyncadd.s32 $0xFFFFE000  }
0x238: {  	[bflag:$0x0] =	sbarrier.arrive $0xFFFF  }
0x239: {  	s14 =	simm.s32 $0x0;
	s25 =	rddreg [dreg:$0xd]  }
0x23a: {  	[tilespmem:s14], [sflag:$0x2] =	stream.linear.gather [hbm4b:s25+s14], $0x2780, $0x38;
	[tilespmem:$0x16700] =	vst v63  }
0x23b: {  	_ =	swait.ge [sflag:s16], $0x2780  }
0x23c: {  	[sflag:s16] =	ssyncset.done $0x0  }
0x23d: {  	s28 =	simm.s32 $0x0;
	[sflag:s16] =	ssyncadd.s32 $0xFFFFD880  }
0x23e: {  	[tilespmem:s19], [sflag:$0x1] =	stream.indirect.gather [hbm4b:s26+s18], $0x40, s28, s18, $0xb8;
	[tilespmem:$0x16700] =	vst v63  }
0x23f: {  	_ =	swait.ge [sflag:s20], $0x2000  }
0x240: {  	[sflag:s20] =	ssyncset.done $0x0  }
0x241: {  	s30 =	simm.s32 $0x2780;
	[sflag:s20] =	ssyncadd.s32 $0xFFFFE000  }
0x242: {  	[spmem:s21] =	stream.indirect.scatter.add.f32 [tilespmem:s19], [sflag:$0x2], $0x40, s30, s18, $0xb8;
	[tilespmem:$0x16700] =	vst v63  }
0x243: {  	_ =	swait.ge [sflag:s16], $0x2000  }
0x244: {  	s11 =	simm.s32 $0x200;
	s13 =	simm.s32 $0x400;
	[sflag:s16] =	ssyncset.done $0x0  }
.LBB2_8:
0x245: {  	s14 =	sshra.s32 s11, $0x2  }
0x246: {  	[sflag:s16] =	ssyncadd.s32 $0xFFFFE000;
	s11 =	smov.u32 s13;
	s25 =	sadd.s32 $0x200, s13  }
0x247: {  	[tilespmem:s19], [sflag:$0x1] =	stream.indirect.gather [hbm4b:s26+s18], $0x40, s14, s18, $0xb8;
	[tilespmem:$0x16700] =	vst v63  }
0x248: {  	p2 =	sne.s32 s13, $0x9C00;
	_ =	swait.ge [sflag:s20], $0x2000  }
.Ltmp3:
0x249: {  	[sflag:s20] =	ssyncset.done $0x0;
	(pc) =	sbr.rel @p2 .LBB2_8-.Ltmp3, $4  }
0x24a: {  	s13 =	sadd.s32 $0x2780, s14;
	[sflag:s20] =	ssyncadd.s32 $0xFFFFE000  }
0x24b: {  	[spmem:s21] =	stream.indirect.scatter.add.f32 [tilespmem:s19], [sflag:$0x2], $0x40, s13, s18, $0xb8;
	[tilespmem:$0x16700] =	vst v63  }
0x24c: {  	_ =	swait.ge [sflag:s16], $0x2000  }
0x24d: {  	s13 =	smov.u32 s25;
	[sflag:s16] =	ssyncset.done $0x0  }
0x24e: {  	s11 =	sshra.s32 s11, $0x2;
	[sflag:s16] =	ssyncadd.s32 $0xFFFFE000  }
0x24f: {  	[tilespmem:s19], [sflag:$0x1] =	stream.indirect.gather [hbm4b:s26+s18], $0x40, s11, s18, $0xb8;
	[tilespmem:$0x16700] =	vst v63  }
0x250: {  	_ =	swait.ge [sflag:s20], $0x2000  }
0x251: {  	[sflag:s20] =	ssyncset.done $0x0  }
0x252: {  	s11 =	sadd.s32 $0x2780, s11;
	[sflag:s20] =	ssyncadd.s32 $0xFFFFE000  }
0x253: {  	[spmem:s21] =	stream.indirect.scatter.add.f32 [tilespmem:s19], [sflag:$0x2], $0x40, s11, s18, $0xb8;
	[tilespmem:$0x16700] =	vst v63  }
0x254: {  	_ =	swait.ge [sflag:s16], $0x2000  }
0x255: {  	[sflag:s16] =	ssyncset.done $0x0  }
0x256: {  	[sflag:s16] =	ssyncadd.s32 $0xFFFFE000  }
0x257: {  	[bflag:$0x0] =	sbarrier.arrive $0xFFFF  }
0x258: {  	[tilespmem:s19], [sflag:$0x2] =	stream.linear.gather [spmem:s31], $0x2000, $0x38;
	[tilespmem:$0x16700] =	vst v63  }
0x259: {  	_ =	swait.ge [sflag:s16], $0x2000  }
0x25a: {  	[sflag:s16] =	ssyncset.done $0x0  }
0x25b: {  	s25 =	simm.s32 $0x0;
	s30 =	rddreg [dreg:$0x1f];
	[sflag:s16] =	ssyncadd.s32 $0xFFFFE000  }
0x25c: {  	[hbm4b:s30+s25] =	stream.linear.scatter [tilespmem:s19], [sflag:$0x2], $0x2000, $0x38;
	[tilespmem:$0x16700] =	vst v63  }
0x25d: {  	_ =	swait.ge [sflag:s16], $0x2000  }
0x25e: {  	[sflag:s16] =	ssyncset.done $0x0  }
0x25f: {  	[sflag:s16] =	ssyncadd.s32 $0xFFFFE000  }
0x260: {  	[tilespmem:s19], [sflag:$0x2] =	stream.linear.gather [spmem:s1], $0x2000, $0x38;
	[tilespmem:$0x16700] =	vst v63  }
0x261: {  	_ =	swait.ge [sflag:s16], $0x2000  }
0x262: {  	s13 =	sld [smem:$0x7DB]  }
0x263: {  	[sflag:s16] =	ssyncset.done $0x0  }
0x264: {  	[sflag:s16] =	ssyncadd.s32 $0xFFFFE000  }
0x265: {  	[hbm4b:s13+s25] =	stream.linear.scatter [tilespmem:s19], [sflag:$0x2], $0x2000, $0x38;
	[tilespmem:$0x16700] =	vst v63  }
0x266: {  	_ =	swait.ge [sflag:s16], $0x2000  }
0x267: {  	[sflag:s16] =	ssyncset.done $0x0  }
0x268: {  	[sflag:s16] =	ssyncadd.s32 $0xFFFFE000  }
0x269: {  	[tilespmem:s19], [sflag:$0x2] =	stream.linear.gather [spmem:s2], $0x2000, $0x38;
	[tilespmem:$0x16700] =	vst v63  }
0x26a: {  	_ =	swait.ge [sflag:s16], $0x2000  }
0x26b: {  	s14 =	sld [smem:$0x7DC]  }
0x26c: {  	[sflag:s16] =	ssyncset.done $0x0  }
0x26d: {  	[sflag:s16] =	ssyncadd.s32 $0xFFFFE000  }
0x26e: {  	[hbm4b:s14+s25] =	stream.linear.scatter [tilespmem:s19], [sflag:$0x2], $0x2000, $0x38;
	[tilespmem:$0x16700] =	vst v63  }
0x26f: {  	_ =	swait.ge [sflag:s16], $0x2000  }
0x270: {  	[sflag:s16] =	ssyncset.done $0x0  }
0x271: {  	[sflag:s16] =	ssyncadd.s32 $0xFFFFE000  }
0x272: {  	[tilespmem:s19], [sflag:$0x2] =	stream.linear.gather [spmem:s6], $0x2000, $0x38;
	[tilespmem:$0x16700] =	vst v63  }
0x273: {  	_ =	swait.ge [sflag:s16], $0x2000  }
0x274: {  	s28 =	sld [smem:$0x7DD]  }
0x275: {  	[sflag:s16] =	ssyncset.done $0x0  }
0x276: {  	[sflag:s16] =	ssyncadd.s32 $0xFFFFE000  }
0x277: {  	[hbm4b:s28+s25] =	stream.linear.scatter [tilespmem:s19], [sflag:$0x2], $0x2000, $0x38;
	[tilespmem:$0x16700] =	vst v63  }
0x278: {  	_ =	swait.ge [sflag:s16], $0x2000  }
0x279: {  	[sflag:s16] =	ssyncset.done $0x0  }
0x27a: {  	[sflag:s16] =	ssyncadd.s32 $0xFFFFE000  }
0x27b: {  	[tilespmem:s19], [sflag:$0x2] =	stream.linear.gather [spmem:s7], $0x2000, $0x38;
	[tilespmem:$0x16700] =	vst v63  }
0x27c: {  	_ =	swait.ge [sflag:s16], $0x2000  }
0x27d: {  	s30 =	sld [smem:$0x7DE]  }
0x27e: {  	[sflag:s16] =	ssyncset.done $0x0  }
0x27f: {  	[sflag:s16] =	ssyncadd.s32 $0xFFFFE000  }
0x280: {  	[hbm4b:s30+s25] =	stream.linear.scatter [tilespmem:s19], [sflag:$0x2], $0x2000, $0x38;
	[tilespmem:$0x16700] =	vst v63  }
0x281: {  	_ =	swait.ge [sflag:s16], $0x2000  }
0x282: {  	[sflag:s16] =	ssyncset.done $0x0  }
0x283: {  	[sflag:s16] =	ssyncadd.s32 $0xFFFFE000  }
0x284: {  	[bflag:$0x0] =	sbarrier.arrive $0xFFFF  }
0x285: {  	s13 =	sld [smem:$0x7FC];
	_ =	sdelay $0x2  }
0x286: {  	[tilespmem:s17], [sflag:$0x2] =	stream.linear.gather [hbm4b:s13+s25], $0x2780, $0x38;
	[tilespmem:$0x16700] =	vst v63  }
0x287: {  	_ =	swait.ge [sflag:s16], $0x2780  }
0x288: {  	[sflag:s16] =	ssyncset.done $0x0  }
0x289: {  	[sflag:s16] =	ssyncadd.s32 $0xFFFFD880  }
0x28a: {  	[spmem:s31] =	stream.linear.scatter [tilespmem:s15], [sflag:$0x2], $0x2000, $0x38;
	[tilespmem:$0x16700] =	vst v63  }
0x28b: {  	_ =	swait.ge [sflag:s16], $0x2000  }
0x28c: {  	[sflag:s16] =	ssyncset.done $0x0  }
0x28d: {  	[sflag:s16] =	ssyncadd.s32 $0xFFFFE000  }
0x28e: {  	[spmem:s1] =	stream.linear.scatter [tilespmem:s15], [sflag:$0x2], $0x2000, $0x38;
	[tilespmem:$0x16700] =	vst v63  }
0x28f: {  	_ =	swait.ge [sflag:s16], $0x2000  }
0x290: {  	[sflag:s16] =	ssyncset.done $0x0  }
0x291: {  	[sflag:s16] =	ssyncadd.s32 $0xFFFFE000  }
0x292: {  	[spmem:s2] =	stream.linear.scatter [tilespmem:s15], [sflag:$0x2], $0x2000, $0x38;
	[tilespmem:$0x16700] =	vst v63  }
0x293: {  	_ =	swait.ge [sflag:s16], $0x2000  }
0x294: {  	[sflag:s16] =	ssyncset.done $0x0  }
0x295: {  	[sflag:s16] =	ssyncadd.s32 $0xFFFFE000  }
0x296: {  	[spmem:s6] =	stream.linear.scatter [tilespmem:s15], [sflag:$0x2], $0x2000, $0x38;
	[tilespmem:$0x16700] =	vst v63  }
0x297: {  	_ =	swait.ge [sflag:s16], $0x2000  }
0x298: {  	[sflag:s16] =	ssyncset.done $0x0  }
0x299: {  	[sflag:s16] =	ssyncadd.s32 $0xFFFFE000  }
0x29a: {  	[spmem:s7] =	stream.linear.scatter [tilespmem:s15], [sflag:$0x2], $0x2000, $0x38;
	[tilespmem:$0x16700] =	vst v63  }
0x29b: {  	_ =	swait.ge [sflag:s16], $0x2000  }
0x29c: {  	[sflag:s16] =	ssyncset.done $0x0  }
0x29d: {  	[sflag:s16] =	ssyncadd.s32 $0xFFFFE000  }
0x29e: {  	[bflag:$0x0] =	sbarrier.arrive $0xFFFF  }
0x29f: {  	s14 =	rddreg [dreg:$0xe]  }
0x2a0: {  	[tilespmem:s25], [sflag:$0x2] =	stream.linear.gather [hbm4b:s14+s25], $0x2780, $0x38;
	[tilespmem:$0x16700] =	vst v63  }
0x2a1: {  	_ =	swait.ge [sflag:s16], $0x2780  }
0x2a2: {  	[sflag:s16] =	ssyncset.done $0x0  }
0x2a3: {  	s28 =	simm.s32 $0x0;
	[sflag:s16] =	ssyncadd.s32 $0xFFFFD880  }
0x2a4: {  	[tilespmem:s19], [sflag:$0x1] =	stream.indirect.gather [hbm4b:s12+s18], $0x40, s28, s18, $0xb8;
	[tilespmem:$0x16700] =	vst v63  }
0x2a5: {  	_ =	swait.ge [sflag:s20], $0x2000  }
0x2a6: {  	[sflag:s20] =	ssyncset.done $0x0  }
0x2a7: {  	s30 =	simm.s32 $0x2780;
	[sflag:s20] =	ssyncadd.s32 $0xFFFFE000  }
0x2a8: {  	[spmem:s21] =	stream.indirect.scatter.add.f32 [tilespmem:s19], [sflag:$0x2], $0x40, s30, s18, $0xb8;
	[tilespmem:$0x16700] =	vst v63  }
0x2a9: {  	_ =	swait.ge [sflag:s16], $0x2000  }
0x2aa: {  	s11 =	simm.s32 $0x200;
	s13 =	simm.s32 $0x400;
	[sflag:s16] =	ssyncset.done $0x0  }
.LBB2_10:
0x2ab: {  	s14 =	sshra.s32 s11, $0x2  }
0x2ac: {  	[sflag:s16] =	ssyncadd.s32 $0xFFFFE000;
	s11 =	smov.u32 s13;
	s25 =	sadd.s32 $0x200, s13  }
0x2ad: {  	[tilespmem:s19], [sflag:$0x1] =	stream.indirect.gather [hbm4b:s12+s18], $0x40, s14, s18, $0xb8;
	[tilespmem:$0x16700] =	vst v63  }
0x2ae: {  	p2 =	sne.s32 s13, $0x9C00;
	_ =	swait.ge [sflag:s20], $0x2000  }
.Ltmp4:
0x2af: {  	[sflag:s20] =	ssyncset.done $0x0;
	(pc) =	sbr.rel @p2 .LBB2_10-.Ltmp4, $4  }
0x2b0: {  	s13 =	sadd.s32 $0x2780, s14;
	[sflag:s20] =	ssyncadd.s32 $0xFFFFE000  }
0x2b1: {  	[spmem:s21] =	stream.indirect.scatter.add.f32 [tilespmem:s19], [sflag:$0x2], $0x40, s13, s18, $0xb8;
	[tilespmem:$0x16700] =	vst v63  }
0x2b2: {  	_ =	swait.ge [sflag:s16], $0x2000  }
0x2b3: {  	s13 =	smov.u32 s25;
	[sflag:s16] =	ssyncset.done $0x0  }
0x2b4: {  	s11 =	sshra.s32 s11, $0x2;
	[sflag:s16] =	ssyncadd.s32 $0xFFFFE000  }
0x2b5: {  	[tilespmem:s19], [sflag:$0x1] =	stream.indirect.gather [hbm4b:s12+s18], $0x40, s11, s18, $0xb8;
	[tilespmem:$0x16700] =	vst v63  }
0x2b6: {  	_ =	swait.ge [sflag:s20], $0x2000  }
0x2b7: {  	[sflag:s20] =	ssyncset.done $0x0  }
0x2b8: {  	s11 =	sadd.s32 $0x2780, s11;
	[sflag:s20] =	ssyncadd.s32 $0xFFFFE000  }
0x2b9: {  	[spmem:s21] =	stream.indirect.scatter.add.f32 [tilespmem:s19], [sflag:$0x2], $0x40, s11, s18, $0xb8;
	[tilespmem:$0x16700] =	vst v63  }
0x2ba: {  	_ =	swait.ge [sflag:s16], $0x2000  }
0x2bb: {  	[sflag:s16] =	ssyncset.done $0x0  }
0x2bc: {  	[sflag:s16] =	ssyncadd.s32 $0xFFFFE000  }
0x2bd: {  	[bflag:$0x0] =	sbarrier.arrive $0xFFFF  }
0x2be: {  	[tilespmem:s19], [sflag:$0x2] =	stream.linear.gather [spmem:s31], $0x2000, $0x38;
	[tilespmem:$0x16700] =	vst v63  }
0x2bf: {  	_ =	swait.ge [sflag:s16], $0x2000  }
0x2c0: {  	s14 =	sld [smem:$0x7DF]  }
0x2c1: {  	[sflag:s16] =	ssyncset.done $0x0  }
0x2c2: {  	[sflag:s16] =	ssyncadd.s32 $0xFFFFE000  }
0x2c3: {  	[hbm4b:s14+s5] =	stream.linear.scatter [tilespmem:s19], [sflag:$0x2], $0x2000, $0x38;
	[tilespmem:$0x16700] =	vst v63  }
0x2c4: {  	_ =	swait.ge [sflag:s16], $0x2000  }
0x2c5: {  	[sflag:s16] =	ssyncset.done $0x0  }
0x2c6: {  	[sflag:s16] =	ssyncadd.s32 $0xFFFFE000  }
0x2c7: {  	[tilespmem:s19], [sflag:$0x2] =	stream.linear.gather [spmem:s1], $0x2000, $0x38;
	[tilespmem:$0x16700] =	vst v63  }
0x2c8: {  	_ =	swait.ge [sflag:s16], $0x2000  }
0x2c9: {  	s25 =	sld [smem:$0x7E0]  }
0x2ca: {  	[sflag:s16] =	ssyncset.done $0x0  }
0x2cb: {  	[sflag:s16] =	ssyncadd.s32 $0xFFFFE000  }
0x2cc: {  	[hbm4b:s25+s5] =	stream.linear.scatter [tilespmem:s19], [sflag:$0x2], $0x2000, $0x38;
	[tilespmem:$0x16700] =	vst v63  }
0x2cd: {  	_ =	swait.ge [sflag:s16], $0x2000  }
0x2ce: {  	[sflag:s16] =	ssyncset.done $0x0  }
0x2cf: {  	[sflag:s16] =	ssyncadd.s32 $0xFFFFE000  }
0x2d0: {  	[tilespmem:s19], [sflag:$0x2] =	stream.linear.gather [spmem:s2], $0x2000, $0x38;
	[tilespmem:$0x16700] =	vst v63  }
0x2d1: {  	_ =	swait.ge [sflag:s16], $0x2000  }
0x2d2: {  	s13 =	sld [smem:$0x7E1]  }
0x2d3: {  	[sflag:s16] =	ssyncset.done $0x0  }
0x2d4: {  	[sflag:s16] =	ssyncadd.s32 $0xFFFFE000  }
0x2d5: {  	[hbm4b:s13+s5] =	stream.linear.scatter [tilespmem:s19], [sflag:$0x2], $0x2000, $0x38;
	[tilespmem:$0x16700] =	vst v63  }
0x2d6: {  	_ =	swait.ge [sflag:s16], $0x2000  }
0x2d7: {  	[sflag:s16] =	ssyncset.done $0x0  }
0x2d8: {  	[sflag:s16] =	ssyncadd.s32 $0xFFFFE000  }
0x2d9: {  	[tilespmem:s19], [sflag:$0x2] =	stream.linear.gather [spmem:s6], $0x2000, $0x38;
	[tilespmem:$0x16700] =	vst v63  }
0x2da: {  	_ =	swait.ge [sflag:s16], $0x2000  }
0x2db: {  	s14 =	sld [smem:$0x7E2]  }
0x2dc: {  	[sflag:s16] =	ssyncset.done $0x0  }
0x2dd: {  	[sflag:s16] =	ssyncadd.s32 $0xFFFFE000  }
0x2de: {  	[hbm4b:s14+s5] =	stream.linear.scatter [tilespmem:s19], [sflag:$0x2], $0x2000, $0x38;
	[tilespmem:$0x16700] =	vst v63  }
0x2df: {  	_ =	swait.ge [sflag:s16], $0x2000  }
0x2e0: {  	[sflag:s16] =	ssyncset.done $0x0  }
0x2e1: {  	[sflag:s16] =	ssyncadd.s32 $0xFFFFE000  }
0x2e2: {  	[tilespmem:s19], [sflag:$0x2] =	stream.linear.gather [spmem:s7], $0x2000, $0x38;
	[tilespmem:$0x16700] =	vst v63  }
0x2e3: {  	_ =	swait.ge [sflag:s16], $0x2000  }
0x2e4: {  	s25 =	sld [smem:$0x7E3]  }
0x2e5: {  	[sflag:s16] =	ssyncset.done $0x0  }
0x2e6: {  	[sflag:s16] =	ssyncadd.s32 $0xFFFFE000  }
0x2e7: {  	[hbm4b:s25+s5] =	stream.linear.scatter [tilespmem:s19], [sflag:$0x2], $0x2000, $0x38;
	[tilespmem:$0x16700] =	vst v63  }
0x2e8: {  	_ =	swait.ge [sflag:s16], $0x2000  }
0x2e9: {  	[sflag:s16] =	ssyncset.done $0x0  }
0x2ea: {  	[sflag:s16] =	ssyncadd.s32 $0xFFFFE000  }
0x2eb: {  	[bflag:$0x0] =	sbarrier.arrive $0xFFFF  }
0x2ec: {  	[spmem:s31] =	stream.linear.scatter [tilespmem:s15], [sflag:$0x2], $0x2000, $0x38;
	[tilespmem:$0x16700] =	vst v63  }
0x2ed: {  	_ =	swait.ge [sflag:s16], $0x2000  }
0x2ee: {  	[sflag:s16] =	ssyncset.done $0x0  }
0x2ef: {  	[sflag:s16] =	ssyncadd.s32 $0xFFFFE000  }
0x2f0: {  	[spmem:s1] =	stream.linear.scatter [tilespmem:s15], [sflag:$0x2], $0x2000, $0x38;
	[tilespmem:$0x16700] =	vst v63  }
0x2f1: {  	_ =	swait.ge [sflag:s16], $0x2000  }
0x2f2: {  	[sflag:s16] =	ssyncset.done $0x0  }
0x2f3: {  	[sflag:s16] =	ssyncadd.s32 $0xFFFFE000  }
0x2f4: {  	[spmem:s2] =	stream.linear.scatter [tilespmem:s15], [sflag:$0x2], $0x2000, $0x38;
	[tilespmem:$0x16700] =	vst v63  }
0x2f5: {  	_ =	swait.ge [sflag:s16], $0x2000  }
0x2f6: {  	[sflag:s16] =	ssyncset.done $0x0  }
0x2f7: {  	[sflag:s16] =	ssyncadd.s32 $0xFFFFE000  }
0x2f8: {  	[spmem:s6] =	stream.linear.scatter [tilespmem:s15], [sflag:$0x2], $0x2000, $0x38;
	[tilespmem:$0x16700] =	vst v63  }
0x2f9: {  	_ =	swait.ge [sflag:s16], $0x2000  }
0x2fa: {  	[sflag:s16] =	ssyncset.done $0x0  }
0x2fb: {  	[sflag:s16] =	ssyncadd.s32 $0xFFFFE000  }
0x2fc: {  	[spmem:s7] =	stream.linear.scatter [tilespmem:s15], [sflag:$0x2], $0x2000, $0x38;
	[tilespmem:$0x16700] =	vst v63  }
0x2fd: {  	_ =	swait.ge [sflag:s16], $0x2000  }
0x2fe: {  	s11 =	simm.s32 @!p1 $0x0;
	[sflag:s16] =	ssyncset.done $0x0  }
0x2ff: {  	s13 =	simm.s32 @!p1 $0x9700;
	s25 =	simm.s32 @!p1 $0x2;
	[sflag:s16] =	ssyncadd.s32 $0xFFFFE000  }
0x300: {  	[tilespmem:s13], [sflag:$0x2] =	stream.linear.gather @!p1 [hbm4b:s29+s11], $0x800, $0x38;
	[tilespmem:$0x16700] =	vst v63  }
0x301: {  	_ =	swait.ge @!p1 [sflag:s25], $0x800  }
0x302: {  	[sflag:s25] =	ssyncset.done @!p1 $0x0  }
0x303: {  	[sflag:s25] =	ssyncadd.s32 @!p1 $0xFFFFF800  }
0x304: {  	[spmem:s0] =	stream.linear.scatter @!p1 [tilespmem:s13], [sflag:$0x2], $0x800, $0x38;
	[tilespmem:$0x16700] =	vst v63  }
0x305: {  	_ =	swait.ge @!p1 [sflag:s25], $0x800  }
0x306: {  	[sflag:s25] =	ssyncset.done @!p1 $0x0  }
0x307: {  	[sflag:s25] =	ssyncadd.s32 @!p1 $0xFFFFF800  }
0x308: {  	[spmem:s3] =	stream.linear.scatter @!p1 [tilespmem:s13], [sflag:$0x2], $0x800, $0x38;
	[tilespmem:$0x16700] =	vst v63  }
0x309: {  	_ =	swait.ge @!p1 [sflag:s25], $0x800  }
0x30a: {  	[sflag:s25] =	ssyncset.done @!p1 $0x0  }
0x30b: {  	[sflag:s25] =	ssyncadd.s32 @!p1 $0xFFFFF800  }
0x30c: {  	[spmem:s4] =	stream.linear.scatter @!p1 [tilespmem:s13], [sflag:$0x2], $0x800, $0x38;
	[tilespmem:$0x16700] =	vst v63  }
0x30d: {  	_ =	swait.ge @!p1 [sflag:s25], $0x800  }
0x30e: {  	[sflag:s25] =	ssyncset.done @!p1 $0x0  }
0x30f: {  	[sflag:s25] =	ssyncadd.s32 @!p1 $0xFFFFF800  }
0x310: {  	[spmem:s8] =	stream.linear.scatter @!p1 [tilespmem:s13], [sflag:$0x2], $0x800, $0x38;
	[tilespmem:$0x16700] =	vst v63  }
0x311: {  	_ =	swait.ge @!p1 [sflag:s25], $0x800  }
0x312: {  	[sflag:s25] =	ssyncset.done @!p1 $0x0  }
0x313: {  	[sflag:s25] =	ssyncadd.s32 @!p1 $0xFFFFF800  }
0x314: {  	[spmem:s9] =	stream.linear.scatter @!p1 [tilespmem:s13], [sflag:$0x2], $0x800, $0x38;
	[tilespmem:$0x16700] =	vst v63  }
0x315: {  	_ =	swait.ge @!p1 [sflag:s25], $0x800  }
0x316: {  	[sflag:s25] =	ssyncset.done @!p1 $0x0  }
0x317: {  	[sflag:s25] =	ssyncadd.s32 @!p1 $0xFFFFF800  }
0x318: {  	[bflag:$0x0] =	sbarrier.arrive $0xFFFF  }
0x319: {  	s13 =	simm.s32 $0x0;
	s14 =	rddreg [dreg:$0xf]  }
0x31a: {  	[tilespmem:s13], [sflag:$0x2] =	stream.linear.gather [hbm4b:s14+s13], $0x2780, $0x38;
	[tilespmem:$0x16700] =	vst v63  }
0x31b: {  	_ =	swait.ge [sflag:s16], $0x2780  }
0x31c: {  	[sflag:s16] =	ssyncset.done $0x0  }
0x31d: {  	s14 =	simm.s32 $0x0;
	[sflag:s16] =	ssyncadd.s32 $0xFFFFD880  }
0x31e: {  	[tilespmem:s19], [sflag:$0x1] =	stream.indirect.gather [hbm4b:s12+s18], $0x40, s14, s18, $0xb8;
	[tilespmem:$0x16700] =	vst v63  }
0x31f: {  	_ =	swait.ge [sflag:s20], $0x2000  }
0x320: {  	[sflag:s20] =	ssyncset.done $0x0  }
0x321: {  	s11 =	simm.s32 $0x2780;
	[sflag:s20] =	ssyncadd.s32 $0xFFFFE000  }
0x322: {  	[spmem:s21] =	stream.indirect.scatter.add.f32 [tilespmem:s19], [sflag:$0x3], $0x40, s11, s18, $0xb8;
	[tilespmem:$0x16700] =	vst v63  }
0x323: {  	_ =	swait.ge [sflag:s22], $0x2000  }
0x324: {  	[sflag:s22] =	ssyncset.done $0x0  }
0x325: {  	s28 =	simm.s32 @!p1 $0x80;
	s30 =	simm.s32 @!p1 $0x6F00;
	[sflag:s22] =	ssyncadd.s32 $0xFFFFE000  }
0x326: {  	[spmem:s24] =	stream.indirect.scatter.add.f32 @!p1 [tilespmem:s30], [sflag:$0x2], $0x10, s11, s28, $0xb8;
	[tilespmem:$0x16700] =	vst v63  }
0x327: {  	_ =	swait.ge @!p1 [sflag:s25], $0x800  }
0x328: {  	s13 =	simm.s32 $0x400;
	s11 =	simm.s32 $0x200;
	[sflag:s25] =	ssyncset.done @!p1 $0x0  }
.LBB2_12:
0x329: {  	s14 =	sshra.s32 s11, $0x2  }
0x32a: {  	[sflag:s25] =	ssyncadd.s32 @!p1 $0xFFFFF800;
	s11 =	smov.u32 s13;
	s13 =	sadd.s32 $0x200, s13  }
0x32b: {  	[tilespmem:s19], [sflag:$0x1] =	stream.indirect.gather [hbm4b:s12+s18], $0x40, s14, s18, $0xb8;
	[tilespmem:$0x16700] =	vst v63  }
0x32c: {  	p2 =	sne.s32 s13, $0x9E00;
	_ =	swait.ge [sflag:s20], $0x2000  }
0x32d: {  	[sflag:s20] =	ssyncset.done $0x0  }
0x32e: {  	s14 =	sadd.s32 $0x2780, s14;
	[sflag:s20] =	ssyncadd.s32 $0xFFFFE000  }
0x32f: {  	[spmem:s21] =	stream.indirect.scatter.add.f32 [tilespmem:s19], [sflag:$0x3], $0x40, s14, s18, $0xb8;
	[tilespmem:$0x16700] =	vst v63  }
0x330: {  	_ =	swait.ge [sflag:s22], $0x2000  }
.Ltmp5:
0x331: {  	[sflag:s22] =	ssyncset.done $0x0;
	(pc) =	sbr.rel @p2 .LBB2_12-.Ltmp5, $4  }
0x332: {  	[sflag:s22] =	ssyncadd.s32 $0xFFFFE000  }
0x333: {  	[spmem:s24] =	stream.indirect.scatter.add.f32 @!p1 [tilespmem:s30], [sflag:$0x2], $0x10, s14, s28, $0xb8;
	[tilespmem:$0x16700] =	vst v63  }
0x334: {  	_ =	swait.ge @!p1 [sflag:s25], $0x800  }
0x335: {  	[sflag:s25] =	ssyncset.done @!p1 $0x0  }
0x336: {  	s11 =	sshra.s32 s11, $0x2;
	[sflag:s25] =	ssyncadd.s32 @!p1 $0xFFFFF800  }
0x337: {  	[tilespmem:s19], [sflag:$0x1] =	stream.indirect.gather [hbm4b:s12+s18], $0x40, s11, s18, $0xb8;
	[tilespmem:$0x16700] =	vst v63  }
0x338: {  	_ =	swait.ge [sflag:s20], $0x2000  }
0x339: {  	[sflag:s20] =	ssyncset.done $0x0  }
0x33a: {  	s11 =	sadd.s32 $0x2780, s11;
	[sflag:s20] =	ssyncadd.s32 $0xFFFFE000  }
0x33b: {  	[spmem:s21] =	stream.indirect.scatter.add.f32 [tilespmem:s19], [sflag:$0x3], $0x40, s11, s18, $0xb8;
	[tilespmem:$0x16700] =	vst v63  }
0x33c: {  	_ =	swait.ge [sflag:s22], $0x2000  }
0x33d: {  	[sflag:s22] =	ssyncset.done $0x0  }
0x33e: {  	s13 =	simm.s32 @!p1 $0x80;
	s14 =	simm.s32 @!p1 $0x6F00;
	[sflag:s22] =	ssyncadd.s32 $0xFFFFE000  }
0x33f: {  	[spmem:s24] =	stream.indirect.scatter.add.f32 @!p1 [tilespmem:s14], [sflag:$0x2], $0x10, s11, s13, $0xb8;
	[tilespmem:$0x16700] =	vst v63  }
0x340: {  	_ =	swait.ge @!p1 [sflag:s25], $0x800  }
0x341: {  	[sflag:s25] =	ssyncset.done @!p1 $0x0  }
0x342: {  	[sflag:s25] =	ssyncadd.s32 @!p1 $0xFFFFF800  }
0x343: {  	[bflag:$0x0] =	sbarrier.arrive $0xFFFF  }
0x344: {  	[tilespmem:s19], [sflag:$0x2] =	stream.linear.gather [spmem:s31], $0x2000, $0x38;
	[tilespmem:$0x16700] =	vst v63  }
0x345: {  	_ =	swait.ge [sflag:s16], $0x2000  }
0x346: {  	s30 =	sld [smem:$0x7E4]  }
0x347: {  	[sflag:s16] =	ssyncset.done $0x0  }
0x348: {  	[sflag:s16] =	ssyncadd.s32 $0xFFFFE000  }
0x349: {  	[hbm4b:s30+s5] =	stream.linear.scatter [tilespmem:s19], [sflag:$0x2], $0x2000, $0x38;
	[tilespmem:$0x16700] =	vst v63  }
0x34a: {  	_ =	swait.ge [sflag:s16], $0x2000  }
0x34b: {  	[sflag:s16] =	ssyncset.done $0x0  }
0x34c: {  	[sflag:s16] =	ssyncadd.s32 $0xFFFFE000  }
0x34d: {  	[tilespmem:s19], [sflag:$0x2] =	stream.linear.gather [spmem:s1], $0x2000, $0x38;
	[tilespmem:$0x16700] =	vst v63  }
0x34e: {  	_ =	swait.ge [sflag:s16], $0x2000  }
0x34f: {  	s13 =	sld [smem:$0x7E5]  }
0x350: {  	[sflag:s16] =	ssyncset.done $0x0  }
0x351: {  	[sflag:s16] =	ssyncadd.s32 $0xFFFFE000  }
0x352: {  	[hbm4b:s13+s5] =	stream.linear.scatter [tilespmem:s19], [sflag:$0x2], $0x2000, $0x38;
	[tilespmem:$0x16700] =	vst v63  }
0x353: {  	_ =	swait.ge [sflag:s16], $0x2000  }
0x354: {  	[sflag:s16] =	ssyncset.done $0x0  }
0x355: {  	[sflag:s16] =	ssyncadd.s32 $0xFFFFE000  }
0x356: {  	[tilespmem:s19], [sflag:$0x2] =	stream.linear.gather [spmem:s2], $0x2000, $0x38;
	[tilespmem:$0x16700] =	vst v63  }
0x357: {  	_ =	swait.ge [sflag:s16], $0x2000  }
0x358: {  	s14 =	sld [smem:$0x7E6]  }
0x359: {  	[sflag:s16] =	ssyncset.done $0x0  }
0x35a: {  	[sflag:s16] =	ssyncadd.s32 $0xFFFFE000  }
0x35b: {  	[hbm4b:s14+s5] =	stream.linear.scatter [tilespmem:s19], [sflag:$0x2], $0x2000, $0x38;
	[tilespmem:$0x16700] =	vst v63  }
0x35c: {  	_ =	swait.ge [sflag:s16], $0x2000  }
0x35d: {  	[sflag:s16] =	ssyncset.done $0x0  }
0x35e: {  	[sflag:s16] =	ssyncadd.s32 $0xFFFFE000  }
0x35f: {  	[tilespmem:s19], [sflag:$0x2] =	stream.linear.gather [spmem:s6], $0x2000, $0x38;
	[tilespmem:$0x16700] =	vst v63  }
0x360: {  	_ =	swait.ge [sflag:s16], $0x2000  }
0x361: {  	s25 =	sld [smem:$0x7E7]  }
0x362: {  	[sflag:s16] =	ssyncset.done $0x0  }
0x363: {  	[sflag:s16] =	ssyncadd.s32 $0xFFFFE000  }
0x364: {  	[hbm4b:s25+s5] =	stream.linear.scatter [tilespmem:s19], [sflag:$0x2], $0x2000, $0x38;
	[tilespmem:$0x16700] =	vst v63  }
0x365: {  	_ =	swait.ge [sflag:s16], $0x2000  }
0x366: {  	[sflag:s16] =	ssyncset.done $0x0  }
0x367: {  	[sflag:s16] =	ssyncadd.s32 $0xFFFFE000  }
0x368: {  	[tilespmem:s19], [sflag:$0x2] =	stream.linear.gather [spmem:s7], $0x2000, $0x38;
	[tilespmem:$0x16700] =	vst v63  }
0x369: {  	_ =	swait.ge [sflag:s16], $0x2000  }
0x36a: {  	s28 =	sld [smem:$0x7E8]  }
0x36b: {  	[sflag:s16] =	ssyncset.done $0x0  }
0x36c: {  	[sflag:s16] =	ssyncadd.s32 $0xFFFFE000  }
0x36d: {  	[hbm4b:s28+s5] =	stream.linear.scatter [tilespmem:s19], [sflag:$0x2], $0x2000, $0x38;
	[tilespmem:$0x16700] =	vst v63  }
0x36e: {  	_ =	swait.ge [sflag:s16], $0x2000  }
0x36f: {  	[sflag:s16] =	ssyncset.done $0x0  }
0x370: {  	s11 =	simm.s32 @!p1 $0x9700;
	s13 =	simm.s32 @!p1 $0x2;
	[sflag:s16] =	ssyncadd.s32 $0xFFFFE000  }
0x371: {  	[tilespmem:s11], [sflag:$0x2] =	stream.linear.gather @!p1 [spmem:s10], $0x800, $0x38;
	[tilespmem:$0x16700] =	vst v63  }
0x372: {  	_ =	swait.ge @!p1 [sflag:s13], $0x800  }
0x373: {  	s25 =	sld [smem:$0x7F3]  }
0x374: {  	[sflag:s13] =	ssyncset.done @!p1 $0x0  }
0x375: {  	s14 =	simm.s32 @!p1 $0x0;
	[sflag:s13] =	ssyncadd.s32 @!p1 $0xFFFFF800  }
0x376: {  	[hbm4b:s25+s14] =	stream.linear.scatter @!p1 [tilespmem:s11], [sflag:$0x2], $0x800, $0x38;
	[tilespmem:$0x16700] =	vst v63  }
0x377: {  	_ =	swait.ge @!p1 [sflag:s13], $0x800  }
0x378: {  	[sflag:s13] =	ssyncset.done @!p1 $0x0  }
0x379: {  	[sflag:s13] =	ssyncadd.s32 @!p1 $0xFFFFF800  }
0x37a: {  	[tilespmem:s11], [sflag:$0x2] =	stream.linear.gather @!p1 [spmem:s3], $0x800, $0x38;
	[tilespmem:$0x16700] =	vst v63  }
0x37b: {  	_ =	swait.ge @!p1 [sflag:s13], $0x800  }
0x37c: {  	s25 =	sld [smem:$0x7F4]  }
0x37d: {  	[sflag:s13] =	ssyncset.done @!p1 $0x0  }
0x37e: {  	[sflag:s13] =	ssyncadd.s32 @!p1 $0xFFFFF800  }
0x37f: {  	[hbm4b:s25+s14] =	stream.linear.scatter @!p1 [tilespmem:s11], [sflag:$0x2], $0x800, $0x38;
	[tilespmem:$0x16700] =	vst v63  }
0x380: {  	_ =	swait.ge @!p1 [sflag:s13], $0x800  }
0x381: {  	[sflag:s13] =	ssyncset.done @!p1 $0x0  }
0x382: {  	[sflag:s13] =	ssyncadd.s32 @!p1 $0xFFFFF800  }
0x383: {  	[tilespmem:s11], [sflag:$0x2] =	stream.linear.gather @!p1 [spmem:s4], $0x800, $0x38;
	[tilespmem:$0x16700] =	vst v63  }
0x384: {  	_ =	swait.ge @!p1 [sflag:s13], $0x800  }
0x385: {  	s25 =	sld [smem:$0x7F5]  }
0x386: {  	[sflag:s13] =	ssyncset.done @!p1 $0x0  }
0x387: {  	[sflag:s13] =	ssyncadd.s32 @!p1 $0xFFFFF800  }
0x388: {  	[hbm4b:s25+s14] =	stream.linear.scatter @!p1 [tilespmem:s11], [sflag:$0x2], $0x800, $0x38;
	[tilespmem:$0x16700] =	vst v63  }
0x389: {  	_ =	swait.ge @!p1 [sflag:s13], $0x800  }
0x38a: {  	[sflag:s13] =	ssyncset.done @!p1 $0x0  }
0x38b: {  	[sflag:s13] =	ssyncadd.s32 @!p1 $0xFFFFF800  }
0x38c: {  	[tilespmem:s11], [sflag:$0x2] =	stream.linear.gather @!p1 [spmem:s8], $0x800, $0x38;
	[tilespmem:$0x16700] =	vst v63  }
0x38d: {  	_ =	swait.ge @!p1 [sflag:s13], $0x800  }
0x38e: {  	s25 =	sld [smem:$0x7F6]  }
0x38f: {  	[sflag:s13] =	ssyncset.done @!p1 $0x0  }
0x390: {  	[sflag:s13] =	ssyncadd.s32 @!p1 $0xFFFFF800  }
0x391: {  	[hbm4b:s25+s14] =	stream.linear.scatter @!p1 [tilespmem:s11], [sflag:$0x2], $0x800, $0x38;
	[tilespmem:$0x16700] =	vst v63  }
0x392: {  	_ =	swait.ge @!p1 [sflag:s13], $0x800  }
0x393: {  	[sflag:s13] =	ssyncset.done @!p1 $0x0  }
0x394: {  	[sflag:s13] =	ssyncadd.s32 @!p1 $0xFFFFF800  }
0x395: {  	[tilespmem:s11], [sflag:$0x2] =	stream.linear.gather @!p1 [spmem:s9], $0x800, $0x38;
	[tilespmem:$0x16700] =	vst v63  }
0x396: {  	_ =	swait.ge @!p1 [sflag:s13], $0x800  }
0x397: {  	s25 =	sld [smem:$0x7F7]  }
0x398: {  	[sflag:s13] =	ssyncset.done @!p1 $0x0  }
0x399: {  	[sflag:s13] =	ssyncadd.s32 @!p1 $0xFFFFF800  }
0x39a: {  	[hbm4b:s25+s14] =	stream.linear.scatter @!p1 [tilespmem:s11], [sflag:$0x2], $0x800, $0x38;
	[tilespmem:$0x16700] =	vst v63  }
0x39b: {  	_ =	swait.ge @!p1 [sflag:s13], $0x800  }
0x39c: {  	s30 =	sld [smem:$0x7FD];
	_ =	sdelay $0x1  }
0x39d: {  	s23 =	sadd.s32 $0x1, s23  }
0x39e: {  	p2 =	sne.s32 s23, s30  }
.Ltmp6:
0x39f: {  	_ = 	snop;
	(pc) =	sbr.rel @p2 .LBB2_1-.Ltmp6, $3  }
0x3a0: {  	[sflag:s13] =	ssyncset.done @!p1 $0x0  }
0x3a1: {  	[sflag:s13] =	ssyncadd.s32 @!p1 $0xFFFFF800  }
0x3a2: {  	[bflag:$0x0] =	sbarrier.arrive $0xFFFF;
	_ =	sdelay $0x1  }
0x3a3: {  	_ =	sfence.sel $0x180000  }
0x3a4: {  	[bflag:$0x0] =	sbarrier.arrive $0xFFFF  }
0x3a5: {  	_ =	strace $0x90000047  }
0x3a6: {  	s0 =	stileid.u32;
	[bflag:$0x2] =	sbarrier.arrive $0xFFFF  }
0x3a7: {  	p0 =	sne.s32 s0, $0x0;
	s0 =	rddreg [dreg:$0x9]  }
0x3a8: {  	s0 =	sadd.s32 @!p0 $0x100000, s0  }
0x3a9: {  	[sflag:s0] =	ssyncadd.tile.s32 @!p0 $0x1;
	_ =	shalt  }
.Lfunc_end2:
_tile_overlayer_lowered:
.L_overlay_start_2:
0x3aa: {  	(tag) =	ssettag $0x2  }
0x3ab: {  	s0 =	rddreg [dreg:$0x0];
	s2 =	stileid.u32  }
0x3ac: {  	s1 =	rddreg [dreg:$0x1];
	p0 =	sne.s32 s2, $0x0  }
0x3ad: {  	s3 =	rddreg [dreg:$0x2];
	[bflag:$0x3] =	sbarrier.arrive $0xFFFF;
	s2 =	simm.s32 @!p0 $0x1C02  }
0x3ae: {  	[timem:s3], [sflag:s2] =	dma.local @!p0 [hbm:s0], s1  }
0x3af: {  	s0 =	simm.s32 @!p0 $0x2  }
0x3b0: {  	_ =	swait.ge @!p0 [sflag:s0], s1  }
0x3b1: {  	s1 =	ssub.s32 @!p0 $0x0, s1;
	[sflag:s0] =	ssyncset.done @!p0 $0x0  }
0x3b2: {  	[sflag:s0] =	ssyncadd.s32 @!p0 s1  }
0x3b3: {  	[bflag:$0x3] =	sbarrier.arrive $0xFFFF  }
0x3b4: {  	_ =	shalt  }

</sc_bundles>
